<compile_context>
chip_gen: v7x
topology: tpu7x:2x2x1
jax: 0.10.2.dev20260603
libtpu: 0.0.44.dev20260713+nightly
codegen_flags: <defaults>
</compile_context>

<pallas_src>
import functools

import jax
import jax.numpy as jnp
from jax import lax
from jax.experimental import pallas as pl
from jax.experimental.pallas import tpu as pltpu
from jax.experimental.pallas import tpu_sc as plsc

B = 20
NODES = 500
EPG = 16000
H = 128
NRBF = 50
NEMB = 119
N = B * NODES
E = B * EPG
LOG2 = 0.6931471805599453

NC = 2
NS = 16
NW = NC * NS
EPW = E // NW
C = 128
NFULL = EPW // C
TAIL = EPW - NFULL * C
NL = N // NC
RPT = (NL // NS) // 8 * 8
RREM = NL - RPT * NS


def _ssp(x):
    return jnp.maximum(x, 0.0) + jnp.log1p(jnp.exp(-jnp.abs(x))) - LOG2


def _sp(x):
    return jnp.maximum(x, 0.0) + jnp.log1p(jnp.exp(-jnp.abs(x)))


EBLK = 4000


def _gates_body(ef_ref, w1_ref, b1_ref, w2_ref, b2_ref, g0_ref, g1_ref, g2_ref):
    ef = ef_ref[:]
    mu = lax.broadcasted_iota(jnp.int32, (1, NRBF), 1).astype(jnp.float32) * 0.1
    rbf = jnp.exp(-50.0 * (ef - mu) ** 2)
    t = _ssp(jnp.dot(rbf, w1_ref[:], preferred_element_type=jnp.float32)
             + b1_ref[:])
    for i, out in enumerate((g0_ref, g1_ref, g2_ref)):
        out[:] = (jnp.dot(t[:, i * H:(i + 1) * H], w2_ref[i],
                          preferred_element_type=jnp.float32) + b2_ref[i])


def _gates_call(ef, w1c, b1c, w2s, b2s):
    return pl.pallas_call(
        _gates_body,
        grid=(E // EBLK,),
        in_specs=[
            pl.BlockSpec((EBLK, 1), lambda i: (i, 0)),
            pl.BlockSpec((NRBF, 3 * H), lambda i: (0, 0)),
            pl.BlockSpec((1, 3 * H), lambda i: (0, 0)),
            pl.BlockSpec((3, H, H), lambda i: (0, 0, 0)),
            pl.BlockSpec((3, 1, H), lambda i: (0, 0, 0)),
        ],
        out_specs=[pl.BlockSpec((EBLK, H), lambda i: (i, 0))] * 3,
        out_shape=[jax.ShapeDtypeStruct((E, H), jnp.float32)] * 3,
    )(ef, w1c, b1c, w2s, b2s)


def _emb_body(ids_ref, emb_ref, wn1, bn1, wn2, bn2, ns_ref, h_ref):
    ids = ids_ref[:]
    oh = (ids == lax.broadcasted_iota(jnp.int32, (N, NEMB), 1)
          ).astype(jnp.float32)
    ns = jnp.dot(oh, emb_ref[:], preferred_element_type=jnp.float32)
    ns_ref[:] = ns
    h_ref[:] = (jnp.dot(_ssp(jnp.dot(ns, wn1[:],
                                     preferred_element_type=jnp.float32)
                             + bn1[:]), wn2[:],
                        preferred_element_type=jnp.float32) + bn2[:])


def _emb_call(ids, emb, wn1, bn1, wn2, bn2):
    return pl.pallas_call(
        _emb_body,
        out_shape=[jax.ShapeDtypeStruct((N, H), jnp.float32)] * 2,
    )(ids, emb, wn1, bn1, wn2, bn2)


NBUF = 2


@functools.cache
def _build_msg_kernel():
  mesh = plsc.VectorSubcoreMesh(core_axis_name="c", subcore_axis_name="s",
                                num_cores=NC, num_subcores=NS)

  @functools.partial(
      pl.kernel,
      out_type=jax.ShapeDtypeStruct((N, H), jnp.float32),
      mesh=mesh,
      scratch_types=[
          pltpu.VMEM((NFULL, C), jnp.int32),
          pltpu.VMEM((NFULL, C), jnp.int32),
          pltpu.VMEM((TAIL,), jnp.int32),
          pltpu.VMEM((TAIL,), jnp.int32),
          pltpu.VMEM((NBUF, C, H), jnp.float32),
          pltpu.VMEM((NBUF, C, H), jnp.float32),
          pltpu.VMEM((TAIL, H), jnp.float32),
          pltpu.VMEM((TAIL, H), jnp.float32),
          pltpu.VMEM_SHARED((NL, H), jnp.float32),
          pltpu.SemaphoreType.DMA,
          pltpu.SemaphoreType.DMA,
          pltpu.SemaphoreType.DMA,
          pltpu.SemaphoreType.DMA,
          pltpu.SemaphoreType.DMA,
      ],
  )
  def _msg_kernel(h_hbm, g_hbm, src2_hbm, dst2_hbm, srct_hbm, dstt_hbm,
                  zero_hbm, out_hbm,
                  srcm, dstm, srct, dstt, gb, rb, gbt, rbt, acc,
                  semg0, semg1, semt0, semt1, semx):
    semg = (semg0, semg1)
    semt = (semt0, semt1)
    cid = lax.axis_index("c")
    sid = lax.axis_index("s")
    wid = cid * NS + sid
    base = wid * EPW
    rbase = cid * NL

    pltpu.sync_copy(src2_hbm.at[wid], srcm)
    pltpu.sync_copy(dst2_hbm.at[wid], dstm)
    pltpu.sync_copy(srct_hbm.at[wid], srct)
    pltpu.sync_copy(dstt_hbm.at[wid], dstt)

    pltpu.sync_copy(zero_hbm.at[pl.ds(sid * RPT, RPT), :],
                    acc.at[pl.ds(sid * RPT, RPT), :])

    @pl.when(sid == NS - 1)
    def _():
        pltpu.sync_copy(zero_hbm.at[pl.ds(NS * RPT, RREM), :],
                        acc.at[pl.ds(NS * RPT, RREM), :])

    plsc.subcore_barrier()

    def issue(k, b):
        off = pl.multiple_of(base + k * C, 8)
        pltpu.async_copy(g_hbm.at[pl.ds(off, C), :], gb.at[b], semt[b])
        pltpu.async_copy(h_hbm.at[srcm.at[k]], rb.at[b], semg[b])

    def wait(b):
        pltpu.make_async_copy(g_hbm.at[pl.ds(0, C), :], gb.at[b],
                              semt[b]).wait()
        pltpu.make_async_copy(h_hbm.at[srcm.at[0]], rb.at[b],
                              semg[b]).wait()

    def mul(rbuf, gbuf, rows):
        def mul_row(r, carry):
            for l in range(H // 16):
                s = pl.ds(l * 16, 16)
                rbuf[r, s] = rbuf[r, s] * gbuf[r, s]
            return carry

        lax.fori_loop(0, rows, mul_row, 0)

    for b in range(NBUF):
        issue(b, b)

    def body(j, carry):
        for b in range(NBUF):
            k = NBUF * j + b
            wait(b)
            mul(rb.at[b], gb.at[b], C)
            pltpu.sync_copy(rb.at[b], acc.at[dstm.at[k]], add=True)

            @pl.when(j < NFULL // NBUF - 1)
            def _():
                issue(k + NBUF, b)

        return carry

    lax.fori_loop(0, NFULL // NBUF, body, 0)

    offt = pl.multiple_of(base + NFULL * C, 8)
    pltpu.sync_copy(g_hbm.at[pl.ds(offt, TAIL), :], gbt)
    pltpu.async_copy(h_hbm.at[srct], rbt, semx).wait()
    mul(rbt, gbt, TAIL)
    pltpu.sync_copy(rbt, acc.at[dstt], add=True)

    plsc.subcore_barrier()
    pltpu.sync_copy(acc.at[pl.ds(sid * RPT, RPT), :],
                    out_hbm.at[pl.ds(rbase + sid * RPT, RPT), :])

    @pl.when(sid == NS - 1)
    def _():
        pltpu.sync_copy(acc.at[pl.ds(NS * RPT, RREM), :],
                        out_hbm.at[pl.ds(rbase + NS * RPT, RREM), :])

  return _msg_kernel


def _upd_body(ns_ref, m_ref, ws1, bs1, ws2, bs2, wn1, bn1, wn2, bn2,
              nso_ref, h_ref):
    msg = m_ref[:]
    t = _ssp(jnp.dot(msg, ws1[:], preferred_element_type=jnp.float32) + bs1[:])
    ns2 = ns_ref[:] + jnp.dot(t, ws2[:],
                              preferred_element_type=jnp.float32) + bs2[:]
    nso_ref[:] = ns2
    h_ref[:] = (jnp.dot(_ssp(jnp.dot(ns2, wn1[:],
                                     preferred_element_type=jnp.float32)
                             + bn1[:]), wn2[:],
                        preferred_element_type=jnp.float32) + bn2[:])


def _upd_call(ns, msg, ws1, bs1, ws2, bs2, wn1, bn1, wn2, bn2):
    return pl.pallas_call(
        _upd_body,
        out_shape=[jax.ShapeDtypeStruct((N, H), jnp.float32)] * 2,
    )(ns, msg, ws1, bs1, ws2, bs2, wn1, bn1, wn2, bn2)


def _final_body(ns_ref, m_ref, ws1, bs1, ws2, bs2, wr1, br1, wr2, br2,
                wev, bev, out_ref):
    msg = m_ref[:]
    t = _ssp(jnp.dot(msg, ws1[:], preferred_element_type=jnp.float32) + bs1[:])
    ns2 = ns_ref[:] + jnp.dot(t, ws2[:],
                              preferred_element_type=jnp.float32) + bs2[:]
    r = _ssp(jnp.dot(ns2, wr1[:], preferred_element_type=jnp.float32) + br1[:])
    on = jnp.dot(r, wr2[:], preferred_element_type=jnp.float32) + br2[:]
    seg = (lax.broadcasted_iota(jnp.int32, (B, N), 1) // NODES
           == lax.broadcasted_iota(jnp.int32, (B, N), 0)).astype(jnp.float32)
    g = jnp.dot(seg, on, preferred_element_type=jnp.float32)
    ev = jnp.dot(g, wev[:], preferred_element_type=jnp.float32) + bev[:]
    out_ref[:] = jnp.concatenate(
        [ev[:, 0:1], _sp(ev[:, 1:2]), _sp(ev[:, 2:3]) + 1.0, _sp(ev[:, 3:4])],
        axis=1)


def _final_call(ns, msg, ws1, bs1, ws2, bs2, wr1, br1, wr2, br2, wev, bev):
    return pl.pallas_call(
        _final_body,
        out_shape=jax.ShapeDtypeStruct((B, 4), jnp.float32),
    )(ns, msg, ws1, bs1, ws2, bs2, wr1, br1, wr2, br2, wev, bev)


def _wb(p):
    return p["W"], p["b"][None, :]


def kernel(params, edges_features, nodes, num_nodes, edges, num_edges):
    inter = params["interactions"]
    ef = edges_features.reshape(E, 1)
    ids = nodes.reshape(N, 1)
    offs = (jnp.arange(B, dtype=jnp.int32) * NODES)[:, None]
    loff = offs - jnp.where(jnp.arange(B)[:, None] >= B // NC, NL, 0)
    src = (edges[:, :, 0] + offs).reshape(NW, EPW)
    dst = (edges[:, :, 1] + loff).reshape(NW, EPW)
    src2 = src[:, :NFULL * C].reshape(NW, NFULL, C)
    srct = src[:, NFULL * C:]
    dst2 = dst[:, :NFULL * C].reshape(NW, NFULL, C)
    dstt = dst[:, NFULL * C:]
    zeros = jnp.zeros((NL, H), jnp.float32)

    w1c = jnp.concatenate([it["edge1"]["W"] for it in inter], axis=1)
    b1c = jnp.concatenate([it["edge1"]["b"] for it in inter])[None, :]
    w2s = jnp.stack([it["edge2"]["W"] for it in inter])
    b2s = jnp.stack([it["edge2"]["b"][None, :] for it in inter])
    gates = _gates_call(ef, w1c, b1c, w2s, b2s)

    wn1, bn1 = _wb(inter[0]["node1"])
    wn2, bn2 = _wb(inter[0]["node2"])
    ns, h = _emb_call(ids, params["atom_emb"], wn1, bn1, wn2, bn2)

    msg_kernel = _build_msg_kernel()
    for i in range(len(inter)):
        msg = msg_kernel(h, gates[i], src2, dst2, srct, dstt, zeros)
        ws1, bs1 = _wb(inter[i]["st1"])
        ws2, bs2 = _wb(inter[i]["st2"])
        if i + 1 < len(inter):
            wn1, bn1 = _wb(inter[i + 1]["node1"])
            wn2, bn2 = _wb(inter[i + 1]["node2"])
            ns, h = _upd_call(ns, msg, ws1, bs1, ws2, bs2, wn1, bn1, wn2, bn2)
        else:
            wr1, br1 = _wb(params["readout1"])
            wr2, br2 = _wb(params["readout2"])
            wev, bev = _wb(params["evidential"])
            out = _final_call(ns, msg, ws1, bs1, ws2, bs2,
                              wr1, br1, wr2, br2, wev, bev)
    return out

# --- scband reference (transcript-rebuilt; emitter-appended) ---
"""Pipeline reference for scband-schnet-model-4183298146312 (READ-ONLY COPY).

The authoritative reference and input builder live on the scoring server;
editing this copy changes nothing except your own understanding.
"""

import jax, jax.numpy as jnp
import numpy as np

B = 20
MAX_NODES = 500
MAX_EDGES = 16000
HIDDEN = 128
CUTOFF = 5.0
STEP = 0.1
NUM_INTERACTIONS = 3
NUM_EMB = 119


def _linear_init(key, fan_in, fan_out):
    k1, k2 = jax.random.split(key)
    bound = 1.0 / np.sqrt(fan_in)
    return {"W": jax.random.uniform(k1, (fan_in, fan_out), jnp.float32, -bound, bound),
            "b": jax.random.uniform(k2, (fan_out,), jnp.float32, -bound, bound)}


def setup_inputs(seed: int = 0):
    key = jax.random.key(seed)
    ks = jax.random.split(key, 8)
    nodes = jax.random.randint(ks[0], (B, MAX_NODES), 0, NUM_EMB, dtype=jnp.int32)
    num_nodes = jnp.full((B,), MAX_NODES, dtype=jnp.int32)
    edges = jax.random.randint(ks[1], (B, MAX_EDGES, 2), 0, MAX_NODES, dtype=jnp.int32)
    num_edges = jnp.full((B,), MAX_EDGES, dtype=jnp.int32)
    edges_features = jax.random.uniform(ks[2], (B, MAX_EDGES, 1), jnp.float32) * CUTOFF
    edge_size = int(np.ceil(CUTOFF / STEP))
    pk = jax.random.split(ks[3], 6 * NUM_INTERACTIONS + 4)
    interactions = []
    for i in range(NUM_INTERACTIONS):
        base = 6 * i
        interactions.append({
            "edge1": _linear_init(pk[base + 0], edge_size, HIDDEN),
            "edge2": _linear_init(pk[base + 1], HIDDEN, HIDDEN),
            "node1": _linear_init(pk[base + 2], HIDDEN, HIDDEN),
            "node2": _linear_init(pk[base + 3], HIDDEN, HIDDEN),
            "st1": _linear_init(pk[base + 4], HIDDEN, HIDDEN),
            "st2": _linear_init(pk[base + 5], HIDDEN, HIDDEN),
        })
    params = {
        "atom_emb": jax.random.normal(pk[-4], (NUM_EMB, HIDDEN), jnp.float32),
        "interactions": interactions,
        "readout1": _linear_init(pk[-3], HIDDEN, HIDDEN),
        "readout2": _linear_init(pk[-2], HIDDEN, 1),
        "evidential": _linear_init(pk[-1], 1, 4),
    }
    return {"params": params, "edges_features": edges_features, "nodes": nodes,
            "num_nodes": num_nodes, "edges": edges, "num_edges": num_edges}


def _ssp(x):
    return jax.nn.softplus(x) - jnp.log(2.0)


def _dense(p, x):
    return x @ p["W"] + p["b"]


def _unpad_and_cat(padded, lengths):
    mask = jnp.arange(padded.shape[1]) < lengths[:, None]
    mask = mask.reshape((-1,) + (1,) * (padded.ndim - 2)).astype(padded.dtype)
    flat = padded.reshape((padded.shape[0] * padded.shape[1],) + padded.shape[2:])
    return flat * mask


def _forward(params, edges_features, nodes, num_nodes, edges, num_edges):
    ef = _unpad_and_cat(edges_features, num_edges)
    edge_offset = jnp.concatenate(
        [jnp.zeros((1,), dtype=jnp.int32), jnp.cumsum(num_nodes)[:-1].astype(jnp.int32)])
    edges_g = edges + edge_offset[:, None, None]
    edges_cat = _unpad_and_cat(edges_g, num_edges)
    nodes_cat = _unpad_and_cat(nodes, num_nodes)
    node_state = params["atom_emb"][nodes_cat]
    mu = jnp.arange(0.0, CUTOFF, STEP, dtype=jnp.float32)
    edge_state = jnp.exp(-((ef - mu[None, :]) ** 2) / (2.0 * STEP ** 2))
    n_total = nodes.shape[0] * nodes.shape[1]
    for p in params["interactions"]:
        gates = _dense(p["edge2"], _ssp(_dense(p["edge1"], edge_state)))
        sender = node_state[edges_cat[:, 0]]
        msg = _dense(p["node2"], _ssp(_dense(p["node1"], sender))) * gates
        msg_sum = jax.ops.segment_sum(msg, edges_cat[:, 1], num_segments=n_total)
        node_state = node_state + _dense(p["st2"], _ssp(_dense(p["st1"], msg_sum)))
    out_nodes = _dense(params["readout2"], _ssp(_dense(params["readout1"], node_state)))
    graph_ids = jnp.repeat(jnp.arange(nodes.shape[0]), nodes.shape[1])
    graph_out = jax.ops.segment_sum(out_nodes, graph_ids, num_segments=nodes.shape[0])
    stddev = jnp.array([1.0], dtype=jnp.float32)
    mean = jnp.array([0.0], dtype=jnp.float32)
    graph_out = graph_out * stddev[None, :]
    mean_shift = mean[None, :] * num_nodes.astype(jnp.float32)[:, None]
    graph_out = graph_out + mean_shift
    ev = _dense(params["evidential"], graph_out)
    m, logv, logalpha, logbeta = jnp.split(ev, 4, axis=-1)
    return jnp.concatenate([m, jax.nn.softplus(logv), jax.nn.softplus(logalpha) + 1.0, jax.nn.softplus(logbeta)], axis=-1)


def reference(params, edges_features, nodes, num_nodes, edges, num_edges):
    return _forward(params, edges_features, nodes, num_nodes, edges, num_edges)

if __name__ == "__main__":
    import jax
    _d = setup_inputs()
    print(jax.jit(kernel)(*tuple(_d.values())))

</pallas_src>

<mosaic_0001>
#map = affine_map<(d0, d1) -> (0, 0)>
#map1 = affine_map<(d0, d1) -> (0, 0, 0)>
module attributes {stable_mosaic.version = 14 : i64} {
  func.func @_msg_kernel(%arg0: i32, %arg1: i32, %arg2: memref<10000x128xf32, #tpu.memory_space<hbm>>, %arg3: memref<320000x128xf32, #tpu.memory_space<hbm>>, %arg4: memref<32x78x128xi32, #tpu.memory_space<hbm>>, %arg5: memref<32x78x128xi32, #tpu.memory_space<hbm>>, %arg6: memref<32x16xi32, #tpu.memory_space<hbm>>, %arg7: memref<32x16xi32, #tpu.memory_space<hbm>>, %arg8: memref<5000x128xf32, #tpu.memory_space<hbm>>, %arg9: memref<10000x128xf32, #tpu.memory_space<hbm>>, %arg10: memref<78x128xi32, #tpu.memory_space<vmem>>, %arg11: memref<78x128xi32, #tpu.memory_space<vmem>>, %arg12: memref<16xi32, #tpu.memory_space<vmem>>, %arg13: memref<16xi32, #tpu.memory_space<vmem>>, %arg14: memref<2x128x128xf32, #tpu.memory_space<vmem>>, %arg15: memref<2x128x128xf32, #tpu.memory_space<vmem>>, %arg16: memref<16x128xf32, #tpu.memory_space<vmem>>, %arg17: memref<16x128xf32, #tpu.memory_space<vmem>>, %arg18: memref<5000x128xf32, #tpu.memory_space<vmem_shared>>, %arg19: memref<!tpu.dma_semaphore, #tpu.memory_space<semaphore_mem>>, %arg20: memref<!tpu.dma_semaphore, #tpu.memory_space<semaphore_mem>>, %arg21: memref<!tpu.dma_semaphore, #tpu.memory_space<semaphore_mem>>, %arg22: memref<!tpu.dma_semaphore, #tpu.memory_space<semaphore_mem>>, %arg23: memref<!tpu.dma_semaphore, #tpu.memory_space<semaphore_mem>>) attributes {dimension_semantics = [#tpu.dimension_semantics<core_parallel>, #tpu.dimension_semantics<subcore_parallel>], iteration_bounds = array<i64: 2, 16>, scalar_prefetch = 0 : i64, scratch_operands = 14 : i64, tpu.core_type = #tpu.core_type<sc_vector_subcore>, window_params = [{transform_indices = #map}, {transform_indices = #map}, {transform_indices = #map1}, {transform_indices = #map1}, {transform_indices = #map}, {transform_indices = #map}, {transform_indices = #map}, {transform_indices = #map}]} {
    %mul3A = arith.constant 16 : i32
    %mul3A_0 = arith.muli %arg0, %mul3A : i32
    %add3A = arith.addi %mul3A_0, %arg1 : i32
    %mul3A_1 = arith.constant 10000 : i32
    %mul3A_2 = arith.muli %add3A, %mul3A_1 : i32
    %mul3A_3 = arith.constant 5000 : i32
    %mul3A_4 = arith.muli %arg0, %mul3A_3 : i32
    "tpu.region"() ({
      %run_scoped3A = tpu.sem_alloc : memref<!tpu.dma_semaphore, #tpu.memory_space<semaphore_mem>>
      %dma_start3A_95 = arith.constant 0 : i32
      %dma_start3A_96 = arith.constant 0 : i32
      %dma_start3A_97 = tpu.memref_slice %arg4[%add3A, %dma_start3A_95, %dma_start3A_96] : memref<32x78x128xi32, #tpu.memory_space<hbm>> -> memref<1x78x128xi32, #tpu.memory_space<hbm>>
      %dma_start3A_98 = tpu.memref_squeeze %dma_start3A_97 : memref<1x78x128xi32, #tpu.memory_space<hbm>> -> memref<78x128xi32, #tpu.memory_space<hbm>>
      %dma_start3A_99 = arith.constant 0 : i32
      %dma_start3A_100 = arith.constant 0 : i32
      %dma_start3A_101 = tpu.memref_slice %arg4[%add3A, %dma_start3A_99, %dma_start3A_100] : memref<32x78x128xi32, #tpu.memory_space<hbm>> -> memref<1x78x128xi32, #tpu.memory_space<hbm>>
      %dma_start3A_102 = tpu.memref_squeeze %dma_start3A_101 : memref<1x78x128xi32, #tpu.memory_space<hbm>> -> memref<78x128xi32, #tpu.memory_space<hbm>>
      tpu.enqueue_dma source(%dma_start3A_102 : memref<78x128xi32, #tpu.memory_space<hbm>>) target(%arg10 : memref<78x128xi32, #tpu.memory_space<vmem>>) target_semaphore(%run_scoped3A : memref<!tpu.dma_semaphore, #tpu.memory_space<semaphore_mem>>)
      %dma_wait3A_103 = arith.constant 0 : i32
      %dma_wait3A_104 = arith.constant 0 : i32
      %dma_wait3A_105 = tpu.memref_slice %arg4[%add3A, %dma_wait3A_103, %dma_wait3A_104] : memref<32x78x128xi32, #tpu.memory_space<hbm>> -> memref<1x78x128xi32, #tpu.memory_space<hbm>>
      %dma_wait3A_106 = tpu.memref_squeeze %dma_wait3A_105 : memref<1x78x128xi32, #tpu.memory_space<hbm>> -> memref<78x128xi32, #tpu.memory_space<hbm>>
      %dma_wait3A_107 = arith.constant 0 : i32
      %dma_wait3A_108 = arith.constant 0 : i32
      %dma_wait3A_109 = tpu.memref_slice %arg4[%add3A, %dma_wait3A_107, %dma_wait3A_108] : memref<32x78x128xi32, #tpu.memory_space<hbm>> -> memref<1x78x128xi32, #tpu.memory_space<hbm>>
      %dma_wait3A_110 = tpu.memref_squeeze %dma_wait3A_109 : memref<1x78x128xi32, #tpu.memory_space<hbm>> -> memref<78x128xi32, #tpu.memory_space<hbm>>
      tpu.wait_dma2 semaphore(%run_scoped3A : memref<!tpu.dma_semaphore, #tpu.memory_space<semaphore_mem>>) src(%dma_wait3A_110 : memref<78x128xi32, #tpu.memory_space<hbm>>) dst(%arg10 : memref<78x128xi32, #tpu.memory_space<vmem>>)
      tpu.yield
    }) : () -> ()
    "tpu.region"() ({
      %run_scoped3A = tpu.sem_alloc : memref<!tpu.dma_semaphore, #tpu.memory_space<semaphore_mem>>
      %dma_start3A_95 = arith.constant 0 : i32
      %dma_start3A_96 = arith.constant 0 : i32
      %dma_start3A_97 = tpu.memref_slice %arg5[%add3A, %dma_start3A_95, %dma_start3A_96] : memref<32x78x128xi32, #tpu.memory_space<hbm>> -> memref<1x78x128xi32, #tpu.memory_space<hbm>>
      %dma_start3A_98 = tpu.memref_squeeze %dma_start3A_97 : memref<1x78x128xi32, #tpu.memory_space<hbm>> -> memref<78x128xi32, #tpu.memory_space<hbm>>
      %dma_start3A_99 = arith.constant 0 : i32
      %dma_start3A_100 = arith.constant 0 : i32
      %dma_start3A_101 = tpu.memref_slice %arg5[%add3A, %dma_start3A_99, %dma_start3A_100] : memref<32x78x128xi32, #tpu.memory_space<hbm>> -> memref<1x78x128xi32, #tpu.memory_space<hbm>>
      %dma_start3A_102 = tpu.memref_squeeze %dma_start3A_101 : memref<1x78x128xi32, #tpu.memory_space<hbm>> -> memref<78x128xi32, #tpu.memory_space<hbm>>
      tpu.enqueue_dma source(%dma_start3A_102 : memref<78x128xi32, #tpu.memory_space<hbm>>) target(%arg11 : memref<78x128xi32, #tpu.memory_space<vmem>>) target_semaphore(%run_scoped3A : memref<!tpu.dma_semaphore, #tpu.memory_space<semaphore_mem>>)
      %dma_wait3A_103 = arith.constant 0 : i32
      %dma_wait3A_104 = arith.constant 0 : i32
      %dma_wait3A_105 = tpu.memref_slice %arg5[%add3A, %dma_wait3A_103, %dma_wait3A_104] : memref<32x78x128xi32, #tpu.memory_space<hbm>> -> memref<1x78x128xi32, #tpu.memory_space<hbm>>
      %dma_wait3A_106 = tpu.memref_squeeze %dma_wait3A_105 : memref<1x78x128xi32, #tpu.memory_space<hbm>> -> memref<78x128xi32, #tpu.memory_space<hbm>>
      %dma_wait3A_107 = arith.constant 0 : i32
      %dma_wait3A_108 = arith.constant 0 : i32
      %dma_wait3A_109 = tpu.memref_slice %arg5[%add3A, %dma_wait3A_107, %dma_wait3A_108] : memref<32x78x128xi32, #tpu.memory_space<hbm>> -> memref<1x78x128xi32, #tpu.memory_space<hbm>>
      %dma_wait3A_110 = tpu.memref_squeeze %dma_wait3A_109 : memref<1x78x128xi32, #tpu.memory_space<hbm>> -> memref<78x128xi32, #tpu.memory_space<hbm>>
      tpu.wait_dma2 semaphore(%run_scoped3A : memref<!tpu.dma_semaphore, #tpu.memory_space<semaphore_mem>>) src(%dma_wait3A_110 : memref<78x128xi32, #tpu.memory_space<hbm>>) dst(%arg11 : memref<78x128xi32, #tpu.memory_space<vmem>>)
      tpu.yield
    }) : () -> ()
    "tpu.region"() ({
      %run_scoped3A = tpu.sem_alloc : memref<!tpu.dma_semaphore, #tpu.memory_space<semaphore_mem>>
      %dma_start3A_95 = arith.constant 0 : i32
      %dma_start3A_96 = tpu.memref_slice %arg6[%add3A, %dma_start3A_95] : memref<32x16xi32, #tpu.memory_space<hbm>> -> memref<1x16xi32, #tpu.memory_space<hbm>>
      %dma_start3A_97 = tpu.memref_squeeze %dma_start3A_96 : memref<1x16xi32, #tpu.memory_space<hbm>> -> memref<16xi32, #tpu.memory_space<hbm>>
      %dma_start3A_98 = arith.constant 0 : i32
      %dma_start3A_99 = tpu.memref_slice %arg6[%add3A, %dma_start3A_98] : memref<32x16xi32, #tpu.memory_space<hbm>> -> memref<1x16xi32, #tpu.memory_space<hbm>>
      %dma_start3A_100 = tpu.memref_squeeze %dma_start3A_99 : memref<1x16xi32, #tpu.memory_space<hbm>> -> memref<16xi32, #tpu.memory_space<hbm>>
      tpu.enqueue_dma source(%dma_start3A_100 : memref<16xi32, #tpu.memory_space<hbm>>) target(%arg12 : memref<16xi32, #tpu.memory_space<vmem>>) target_semaphore(%run_scoped3A : memref<!tpu.dma_semaphore, #tpu.memory_space<semaphore_mem>>)
      %dma_wait3A_101 = arith.constant 0 : i32
      %dma_wait3A_102 = tpu.memref_slice %arg6[%add3A, %dma_wait3A_101] : memref<32x16xi32, #tpu.memory_space<hbm>> -> memref<1x16xi32, #tpu.memory_space<hbm>>
      %dma_wait3A_103 = tpu.memref_squeeze %dma_wait3A_102 : memref<1x16xi32, #tpu.memory_space<hbm>> -> memref<16xi32, #tpu.memory_space<hbm>>
      %dma_wait3A_104 = arith.constant 0 : i32
      %dma_wait3A_105 = tpu.memref_slice %arg6[%add3A, %dma_wait3A_104] : memref<32x16xi32, #tpu.memory_space<hbm>> -> memref<1x16xi32, #tpu.memory_space<hbm>>
      %dma_wait3A_106 = tpu.memref_squeeze %dma_wait3A_105 : memref<1x16xi32, #tpu.memory_space<hbm>> -> memref<16xi32, #tpu.memory_space<hbm>>
      tpu.wait_dma2 semaphore(%run_scoped3A : memref<!tpu.dma_semaphore, #tpu.memory_space<semaphore_mem>>) src(%dma_wait3A_106 : memref<16xi32, #tpu.memory_space<hbm>>) dst(%arg12 : memref<16xi32, #tpu.memory_space<vmem>>)
      tpu.yield
    }) : () -> ()
    "tpu.region"() ({
      %run_scoped3A = tpu.sem_alloc : memref<!tpu.dma_semaphore, #tpu.memory_space<semaphore_mem>>
      %dma_start3A_95 = arith.constant 0 : i32
      %dma_start3A_96 = tpu.memref_slice %arg7[%add3A, %dma_start3A_95] : memref<32x16xi32, #tpu.memory_space<hbm>> -> memref<1x16xi32, #tpu.memory_space<hbm>>
      %dma_start3A_97 = tpu.memref_squeeze %dma_start3A_96 : memref<1x16xi32, #tpu.memory_space<hbm>> -> memref<16xi32, #tpu.memory_space<hbm>>
      %dma_start3A_98 = arith.constant 0 : i32
      %dma_start3A_99 = tpu.memref_slice %arg7[%add3A, %dma_start3A_98] : memref<32x16xi32, #tpu.memory_space<hbm>> -> memref<1x16xi32, #tpu.memory_space<hbm>>
      %dma_start3A_100 = tpu.memref_squeeze %dma_start3A_99 : memref<1x16xi32, #tpu.memory_space<hbm>> -> memref<16xi32, #tpu.memory_space<hbm>>
      tpu.enqueue_dma source(%dma_start3A_100 : memref<16xi32, #tpu.memory_space<hbm>>) target(%arg13 : memref<16xi32, #tpu.memory_space<vmem>>) target_semaphore(%run_scoped3A : memref<!tpu.dma_semaphore, #tpu.memory_space<semaphore_mem>>)
      %dma_wait3A_101 = arith.constant 0 : i32
      %dma_wait3A_102 = tpu.memref_slice %arg7[%add3A, %dma_wait3A_101] : memref<32x16xi32, #tpu.memory_space<hbm>> -> memref<1x16xi32, #tpu.memory_space<hbm>>
      %dma_wait3A_103 = tpu.memref_squeeze %dma_wait3A_102 : memref<1x16xi32, #tpu.memory_space<hbm>> -> memref<16xi32, #tpu.memory_space<hbm>>
      %dma_wait3A_104 = arith.constant 0 : i32
      %dma_wait3A_105 = tpu.memref_slice %arg7[%add3A, %dma_wait3A_104] : memref<32x16xi32, #tpu.memory_space<hbm>> -> memref<1x16xi32, #tpu.memory_space<hbm>>
      %dma_wait3A_106 = tpu.memref_squeeze %dma_wait3A_105 : memref<1x16xi32, #tpu.memory_space<hbm>> -> memref<16xi32, #tpu.memory_space<hbm>>
      tpu.wait_dma2 semaphore(%run_scoped3A : memref<!tpu.dma_semaphore, #tpu.memory_space<semaphore_mem>>) src(%dma_wait3A_106 : memref<16xi32, #tpu.memory_space<hbm>>) dst(%arg13 : memref<16xi32, #tpu.memory_space<vmem>>)
      tpu.yield
    }) : () -> ()
    %mul3A_5 = arith.constant 312 : i32
    %mul3A_6 = arith.muli %arg1, %mul3A_5 : i32
    %mul3A_7 = arith.constant 312 : i32
    %mul3A_8 = arith.muli %arg1, %mul3A_7 : i32
    "tpu.region"() ({
      %run_scoped3A = tpu.sem_alloc : memref<!tpu.dma_semaphore, #tpu.memory_space<semaphore_mem>>
      %dma_start3A_95 = arith.constant 0 : i32
      %dma_start3A_96 = tpu.memref_slice %arg18[%mul3A_8, %dma_start3A_95] : memref<5000x128xf32, #tpu.memory_space<vmem_shared>> -> memref<312x128xf32, #tpu.memory_space<vmem_shared>>
      %dma_start3A_97 = arith.constant 0 : i32
      %dma_start3A_98 = tpu.memref_slice %arg8[%mul3A_6, %dma_start3A_97] : memref<5000x128xf32, #tpu.memory_space<hbm>> -> memref<312x128xf32, #tpu.memory_space<hbm>>
      tpu.enqueue_dma source(%dma_start3A_98 : memref<312x128xf32, #tpu.memory_space<hbm>>) target(%dma_start3A_96 : memref<312x128xf32, #tpu.memory_space<vmem_shared>>) target_semaphore(%run_scoped3A : memref<!tpu.dma_semaphore, #tpu.memory_space<semaphore_mem>>)
      %dma_wait3A_99 = arith.constant 0 : i32
      %dma_wait3A_100 = tpu.memref_slice %arg18[%mul3A_8, %dma_wait3A_99] : memref<5000x128xf32, #tpu.memory_space<vmem_shared>> -> memref<312x128xf32, #tpu.memory_space<vmem_shared>>
      %dma_wait3A_101 = arith.constant 0 : i32
      %dma_wait3A_102 = tpu.memref_slice %arg8[%mul3A_6, %dma_wait3A_101] : memref<5000x128xf32, #tpu.memory_space<hbm>> -> memref<312x128xf32, #tpu.memory_space<hbm>>
      tpu.wait_dma2 semaphore(%run_scoped3A : memref<!tpu.dma_semaphore, #tpu.memory_space<semaphore_mem>>) src(%dma_wait3A_102 : memref<312x128xf32, #tpu.memory_space<hbm>>) dst(%dma_wait3A_100 : memref<312x128xf32, #tpu.memory_space<vmem_shared>>)
      tpu.yield
    }) : () -> ()
    %eq3A = arith.constant 15 : i32
    %eq3A_9 = arith.cmpi eq, %arg1, %eq3A : i32
    %convert_element_type3A = arith.extui %eq3A_9 : i1 to i32
    %cond3A = arith.constant 0 : i32
    %cond3A_10 = arith.cmpi ne, %convert_element_type3A, %cond3A : i32
    scf.if %cond3A_10 {
      "tpu.region"() ({
        %run_scoped3A = tpu.sem_alloc : memref<!tpu.dma_semaphore, #tpu.memory_space<semaphore_mem>>
        %dma_start3A_95 = arith.constant 4992 : i32
        %dma_start3A_96 = arith.constant 0 : i32
        %dma_start3A_97 = tpu.memref_slice %arg18[%dma_start3A_95, %dma_start3A_96] : memref<5000x128xf32, #tpu.memory_space<vmem_shared>> -> memref<8x128xf32, #tpu.memory_space<vmem_shared>>
        %dma_start3A_98 = arith.constant 4992 : i32
        %dma_start3A_99 = arith.constant 0 : i32
        %dma_start3A_100 = tpu.memref_slice %arg8[%dma_start3A_98, %dma_start3A_99] : memref<5000x128xf32, #tpu.memory_space<hbm>> -> memref<8x128xf32, #tpu.memory_space<hbm>>
        tpu.enqueue_dma source(%dma_start3A_100 : memref<8x128xf32, #tpu.memory_space<hbm>>) target(%dma_start3A_97 : memref<8x128xf32, #tpu.memory_space<vmem_shared>>) target_semaphore(%run_scoped3A : memref<!tpu.dma_semaphore, #tpu.memory_space<semaphore_mem>>)
        %dma_wait3A_101 = arith.constant 4992 : i32
        %dma_wait3A_102 = arith.constant 0 : i32
        %dma_wait3A_103 = tpu.memref_slice %arg18[%dma_wait3A_101, %dma_wait3A_102] : memref<5000x128xf32, #tpu.memory_space<vmem_shared>> -> memref<8x128xf32, #tpu.memory_space<vmem_shared>>
        %dma_wait3A_104 = arith.constant 4992 : i32
        %dma_wait3A_105 = arith.constant 0 : i32
        %dma_wait3A_106 = tpu.memref_slice %arg8[%dma_wait3A_104, %dma_wait3A_105] : memref<5000x128xf32, #tpu.memory_space<hbm>> -> memref<8x128xf32, #tpu.memory_space<hbm>>
        tpu.wait_dma2 semaphore(%run_scoped3A : memref<!tpu.dma_semaphore, #tpu.memory_space<semaphore_mem>>) src(%dma_wait3A_106 : memref<8x128xf32, #tpu.memory_space<hbm>>) dst(%dma_wait3A_103 : memref<8x128xf32, #tpu.memory_space<vmem_shared>>)
        tpu.yield
      }) : () -> ()
    } else {
    }
    %barrier3A = arith.constant 0 : index
    tpu.barrier barrier_id(%barrier3A)
    %add3A_11 = arith.constant 0 : i32
    %add3A_12 = arith.addi %mul3A_2, %add3A_11 : i32
    %multiple_of3A = tpu.assume_multiple %add3A_12, 8 : i32
    %dma_start3A = arith.constant 0 : i32
    %dma_start3A_13 = arith.constant 0 : i32
    %dma_start3A_14 = arith.constant 0 : i32
    %dma_start3A_15 = tpu.memref_slice %arg14[%dma_start3A, %dma_start3A_13, %dma_start3A_14] : memref<2x128x128xf32, #tpu.memory_space<vmem>> -> memref<1x128x128xf32, #tpu.memory_space<vmem>>
    %dma_start3A_16 = tpu.memref_squeeze %dma_start3A_15 : memref<1x128x128xf32, #tpu.memory_space<vmem>> -> memref<128x128xf32, #tpu.memory_space<vmem>>
    %dma_start3A_17 = arith.constant 0 : i32
    %dma_start3A_18 = tpu.memref_slice %arg3[%multiple_of3A, %dma_start3A_17] : memref<320000x128xf32, #tpu.memory_space<hbm>> -> memref<128x128xf32, #tpu.memory_space<hbm>>
    %dma_start3A_19 = arith.constant 0 : i32
    %dma_start3A_20 = arith.constant 0 : i32
    %dma_start3A_21 = tpu.memref_slice %arg14[%dma_start3A, %dma_start3A_19, %dma_start3A_20] : memref<2x128x128xf32, #tpu.memory_space<vmem>> -> memref<1x128x128xf32, #tpu.memory_space<vmem>>
    %dma_start3A_22 = tpu.memref_squeeze %dma_start3A_21 : memref<1x128x128xf32, #tpu.memory_space<vmem>> -> memref<128x128xf32, #tpu.memory_space<vmem>>
    %dma_start3A_23 = arith.constant 0 : i32
    %dma_start3A_24 = tpu.memref_slice %arg3[%multiple_of3A, %dma_start3A_23] : memref<320000x128xf32, #tpu.memory_space<hbm>> -> memref<128x128xf32, #tpu.memory_space<hbm>>
    tpu.enqueue_dma source(%dma_start3A_24 : memref<128x128xf32, #tpu.memory_space<hbm>>) target(%dma_start3A_22 : memref<128x128xf32, #tpu.memory_space<vmem>>) target_semaphore(%arg21 : memref<!tpu.dma_semaphore, #tpu.memory_space<semaphore_mem>>)
    %dma_start3A_25 = arith.constant 0 : i32
    %dma_start3A_26 = arith.constant 0 : i32
    %dma_start3A_27 = arith.constant 0 : i32
    %dma_start3A_28 = arith.constant 0 : i32
    %dma_start3A_29 = tpu.memref_slice %arg15[%dma_start3A_26, %dma_start3A_27, %dma_start3A_28] : memref<2x128x128xf32, #tpu.memory_space<vmem>> -> memref<1x128x128xf32, #tpu.memory_space<vmem>>
    %dma_start3A_30 = tpu.memref_squeeze %dma_start3A_29 : memref<1x128x128xf32, #tpu.memory_space<vmem>> -> memref<128x128xf32, #tpu.memory_space<vmem>>
    %dma_start3A_31 = arith.constant 0 : i32
    %dma_start3A_32 = tpu.memref_slice %arg10[%dma_start3A_25, %dma_start3A_31] : memref<78x128xi32, #tpu.memory_space<vmem>> -> memref<1x128xi32, #tpu.memory_space<vmem>>
    %dma_start3A_33 = tpu.memref_squeeze %dma_start3A_32 : memref<1x128xi32, #tpu.memory_space<vmem>> -> memref<128xi32, #tpu.memory_space<vmem>>
    %dma_start3A_34 = arith.constant 0 : i32
    %dma_start3A_35 = arith.constant 0 : i32
    %dma_start3A_36 = tpu.memref_slice %arg2[%dma_start3A_34, %dma_start3A_35] : memref<10000x128xf32, #tpu.memory_space<hbm>> -> memref<10000x128xf32, #tpu.memory_space<hbm>>
    tpu.enqueue_indirect_dma source(%dma_start3A_36 : memref<10000x128xf32, #tpu.memory_space<hbm>>) target(%dma_start3A_30 : memref<128x128xf32, #tpu.memory_space<vmem>>) offsets(%dma_start3A_33 : memref<128xi32, #tpu.memory_space<vmem>>) semaphore(%arg19 : memref<!tpu.dma_semaphore, #tpu.memory_space<semaphore_mem>>)
    %add3A_37 = arith.constant 128 : i32
    %add3A_38 = arith.addi %mul3A_2, %add3A_37 : i32
    %multiple_of3A_39 = tpu.assume_multiple %add3A_38, 8 : i32
    %dma_start3A_40 = arith.constant 1 : i32
    %dma_start3A_41 = arith.constant 0 : i32
    %dma_start3A_42 = arith.constant 0 : i32
    %dma_start3A_43 = tpu.memref_slice %arg14[%dma_start3A_40, %dma_start3A_41, %dma_start3A_42] : memref<2x128x128xf32, #tpu.memory_space<vmem>> -> memref<1x128x128xf32, #tpu.memory_space<vmem>>
    %dma_start3A_44 = tpu.memref_squeeze %dma_start3A_43 : memref<1x128x128xf32, #tpu.memory_space<vmem>> -> memref<128x128xf32, #tpu.memory_space<vmem>>
    %dma_start3A_45 = arith.constant 0 : i32
    %dma_start3A_46 = tpu.memref_slice %arg3[%multiple_of3A_39, %dma_start3A_45] : memref<320000x128xf32, #tpu.memory_space<hbm>> -> memref<128x128xf32, #tpu.memory_space<hbm>>
    %dma_start3A_47 = arith.constant 0 : i32
    %dma_start3A_48 = arith.constant 0 : i32
    %dma_start3A_49 = tpu.memref_slice %arg14[%dma_start3A_40, %dma_start3A_47, %dma_start3A_48] : memref<2x128x128xf32, #tpu.memory_space<vmem>> -> memref<1x128x128xf32, #tpu.memory_space<vmem>>
    %dma_start3A_50 = tpu.memref_squeeze %dma_start3A_49 : memref<1x128x128xf32, #tpu.memory_space<vmem>> -> memref<128x128xf32, #tpu.memory_space<vmem>>
    %dma_start3A_51 = arith.constant 0 : i32
    %dma_start3A_52 = tpu.memref_slice %arg3[%multiple_of3A_39, %dma_start3A_51] : memref<320000x128xf32, #tpu.memory_space<hbm>> -> memref<128x128xf32, #tpu.memory_space<hbm>>
    tpu.enqueue_dma source(%dma_start3A_52 : memref<128x128xf32, #tpu.memory_space<hbm>>) target(%dma_start3A_50 : memref<128x128xf32, #tpu.memory_space<vmem>>) target_semaphore(%arg22 : memref<!tpu.dma_semaphore, #tpu.memory_space<semaphore_mem>>)
    %dma_start3A_53 = arith.constant 1 : i32
    %dma_start3A_54 = arith.constant 1 : i32
    %dma_start3A_55 = arith.constant 0 : i32
    %dma_start3A_56 = arith.constant 0 : i32
    %dma_start3A_57 = tpu.memref_slice %arg15[%dma_start3A_54, %dma_start3A_55, %dma_start3A_56] : memref<2x128x128xf32, #tpu.memory_space<vmem>> -> memref<1x128x128xf32, #tpu.memory_space<vmem>>
    %dma_start3A_58 = tpu.memref_squeeze %dma_start3A_57 : memref<1x128x128xf32, #tpu.memory_space<vmem>> -> memref<128x128xf32, #tpu.memory_space<vmem>>
    %dma_start3A_59 = arith.constant 0 : i32
    %dma_start3A_60 = tpu.memref_slice %arg10[%dma_start3A_53, %dma_start3A_59] : memref<78x128xi32, #tpu.memory_space<vmem>> -> memref<1x128xi32, #tpu.memory_space<vmem>>
    %dma_start3A_61 = tpu.memref_squeeze %dma_start3A_60 : memref<1x128xi32, #tpu.memory_space<vmem>> -> memref<128xi32, #tpu.memory_space<vmem>>
    %dma_start3A_62 = arith.constant 0 : i32
    %dma_start3A_63 = arith.constant 0 : i32
    %dma_start3A_64 = tpu.memref_slice %arg2[%dma_start3A_62, %dma_start3A_63] : memref<10000x128xf32, #tpu.memory_space<hbm>> -> memref<10000x128xf32, #tpu.memory_space<hbm>>
    tpu.enqueue_indirect_dma source(%dma_start3A_64 : memref<10000x128xf32, #tpu.memory_space<hbm>>) target(%dma_start3A_58 : memref<128x128xf32, #tpu.memory_space<vmem>>) offsets(%dma_start3A_61 : memref<128xi32, #tpu.memory_space<vmem>>) semaphore(%arg20 : memref<!tpu.dma_semaphore, #tpu.memory_space<semaphore_mem>>)
    %scan3A = arith.constant 0 : i32
    %scan3A_65 = arith.constant 0 : i32
    %scan3A_66 = arith.constant 39 : i32
    %scan3A_67 = arith.addi %scan3A_65, %scan3A_66 : i32
    %scan3A_68 = arith.constant 1 : i32
    scf.for %scan3A_95 = %scan3A_65 to %scan3A_67 step %scan3A_68  : i32 {
      %mul3A_96 = arith.constant 2 : i32
      %mul3A_97 = arith.muli %mul3A_96, %scan3A_95 : i32
      %add3A_98 = arith.constant 0 : i32
      %add3A_99 = arith.addi %mul3A_97, %add3A_98 : i32
      %dma_wait3A_100 = arith.constant 0 : i32
      %dma_wait3A_101 = arith.constant 0 : i32
      %dma_wait3A_102 = arith.constant 0 : i32
      %dma_wait3A_103 = tpu.memref_slice %arg14[%dma_wait3A_100, %dma_wait3A_101, %dma_wait3A_102] : memref<2x128x128xf32, #tpu.memory_space<vmem>> -> memref<1x128x128xf32, #tpu.memory_space<vmem>>
      %dma_wait3A_104 = tpu.memref_squeeze %dma_wait3A_103 : memref<1x128x128xf32, #tpu.memory_space<vmem>> -> memref<128x128xf32, #tpu.memory_space<vmem>>
      %dma_wait3A_105 = arith.constant 0 : i32
      %dma_wait3A_106 = arith.constant 0 : i32
      %dma_wait3A_107 = tpu.memref_slice %arg3[%dma_wait3A_105, %dma_wait3A_106] : memref<320000x128xf32, #tpu.memory_space<hbm>> -> memref<128x128xf32, #tpu.memory_space<hbm>>
      %dma_wait3A_108 = arith.constant 0 : i32
      %dma_wait3A_109 = arith.constant 0 : i32
      %dma_wait3A_110 = tpu.memref_slice %arg14[%dma_wait3A_100, %dma_wait3A_108, %dma_wait3A_109] : memref<2x128x128xf32, #tpu.memory_space<vmem>> -> memref<1x128x128xf32, #tpu.memory_space<vmem>>
      %dma_wait3A_111 = tpu.memref_squeeze %dma_wait3A_110 : memref<1x128x128xf32, #tpu.memory_space<vmem>> -> memref<128x128xf32, #tpu.memory_space<vmem>>
      %dma_wait3A_112 = arith.constant 0 : i32
      %dma_wait3A_113 = arith.constant 0 : i32
      %dma_wait3A_114 = tpu.memref_slice %arg3[%dma_wait3A_112, %dma_wait3A_113] : memref<320000x128xf32, #tpu.memory_space<hbm>> -> memref<128x128xf32, #tpu.memory_space<hbm>>
      tpu.wait_dma2 semaphore(%arg21 : memref<!tpu.dma_semaphore, #tpu.memory_space<semaphore_mem>>) src(%dma_wait3A_114 : memref<128x128xf32, #tpu.memory_space<hbm>>) dst(%dma_wait3A_111 : memref<128x128xf32, #tpu.memory_space<vmem>>)
      %dma_wait3A_115 = arith.constant 0 : i32
      %dma_wait3A_116 = arith.constant 0 : i32
      %dma_wait3A_117 = arith.constant 0 : i32
      %dma_wait3A_118 = arith.constant 0 : i32
      %dma_wait3A_119 = tpu.memref_slice %arg15[%dma_wait3A_116, %dma_wait3A_117, %dma_wait3A_118] : memref<2x128x128xf32, #tpu.memory_space<vmem>> -> memref<1x128x128xf32, #tpu.memory_space<vmem>>
      %dma_wait3A_120 = tpu.memref_squeeze %dma_wait3A_119 : memref<1x128x128xf32, #tpu.memory_space<vmem>> -> memref<128x128xf32, #tpu.memory_space<vmem>>
      %dma_wait3A_121 = arith.constant 0 : i32
      %dma_wait3A_122 = tpu.memref_slice %arg10[%dma_wait3A_115, %dma_wait3A_121] : memref<78x128xi32, #tpu.memory_space<vmem>> -> memref<1x128xi32, #tpu.memory_space<vmem>>
      %dma_wait3A_123 = tpu.memref_squeeze %dma_wait3A_122 : memref<1x128xi32, #tpu.memory_space<vmem>> -> memref<128xi32, #tpu.memory_space<vmem>>
      %dma_wait3A_124 = arith.constant 0 : i32
      %dma_wait3A_125 = arith.constant 0 : i32
      %dma_wait3A_126 = tpu.memref_slice %arg2[%dma_wait3A_124, %dma_wait3A_125] : memref<10000x128xf32, #tpu.memory_space<hbm>> -> memref<10000x128xf32, #tpu.memory_space<hbm>>
      tpu.wait_indirect_dma semaphore(%arg19 : memref<!tpu.dma_semaphore, #tpu.memory_space<semaphore_mem>>) src(%dma_wait3A_126 : memref<10000x128xf32, #tpu.memory_space<hbm>>) dst(%dma_wait3A_120 : memref<128x128xf32, #tpu.memory_space<vmem>>)
      %scan3A_127 = arith.constant 0 : i32
      %scan3A_128 = arith.constant 0 : i32
      %scan3A_129 = arith.constant 0 : i32
      %scan3A_130 = arith.constant 0 : i32
      %scan3A_131 = arith.constant 128 : i32
      %scan3A_132 = arith.addi %scan3A_130, %scan3A_131 : i32
      %scan3A_133 = arith.constant 1 : i32
      scf.for %scan3A_184 = %scan3A_130 to %scan3A_132 step %scan3A_133  : i32 {
        %get3A = arith.constant 0 : i32
        %get3A_185 = arith.constant 0 : i32
        %get3A_186 = tpu.memref_slice %arg15[%scan3A_128, %get3A, %get3A_185] : memref<2x128x128xf32, #tpu.memory_space<vmem>> -> memref<1x128x128xf32, #tpu.memory_space<vmem>>
        %get3A_187 = tpu.memref_squeeze %get3A_186 : memref<1x128x128xf32, #tpu.memory_space<vmem>> -> memref<128x128xf32, #tpu.memory_space<vmem>>
        %get3A_188 = arith.index_cast %scan3A_184 : i32 to index
        %get3A_189 = arith.constant 0 : index
        %get3A_190 = tpu.vector_load %get3A_187[%get3A_188, %get3A_189] {strides = array<i32>} : memref<128x128xf32, #tpu.memory_space<vmem>>, vector<1x16xf32>,
        %get3A_191 = vector.shape_cast %get3A_190 : vector<1x16xf32> to vector<16xf32>
        %get3A_192 = arith.constant 0 : i32
        %get3A_193 = arith.constant 0 : i32
        %get3A_194 = tpu.memref_slice %arg14[%scan3A_129, %get3A_192, %get3A_193] : memref<2x128x128xf32, #tpu.memory_space<vmem>> -> memref<1x128x128xf32, #tpu.memory_space<vmem>>
        %get3A_195 = tpu.memref_squeeze %get3A_194 : memref<1x128x128xf32, #tpu.memory_space<vmem>> -> memref<128x128xf32, #tpu.memory_space<vmem>>
        %get3A_196 = arith.index_cast %scan3A_184 : i32 to index
        %get3A_197 = arith.constant 0 : index
        %get3A_198 = tpu.vector_load %get3A_195[%get3A_196, %get3A_197] {strides = array<i32>} : memref<128x128xf32, #tpu.memory_space<vmem>>, vector<1x16xf32>,
        %get3A_199 = vector.shape_cast %get3A_198 : vector<1x16xf32> to vector<16xf32>
        %mul3A_200 = arith.mulf %get3A_191, %get3A_199 : vector<16xf32>
        %swap3A = arith.constant 0 : i32
        %swap3A_201 = arith.constant 0 : i32
        %swap3A_202 = tpu.memref_slice %arg15[%scan3A_128, %swap3A, %swap3A_201] : memref<2x128x128xf32, #tpu.memory_space<vmem>> -> memref<1x128x128xf32, #tpu.memory_space<vmem>>
        %swap3A_203 = tpu.memref_squeeze %swap3A_202 : memref<1x128x128xf32, #tpu.memory_space<vmem>> -> memref<128x128xf32, #tpu.memory_space<vmem>>
        %swap3A_204 = arith.index_cast %scan3A_184 : i32 to index
        %swap3A_205 = arith.constant 0 : index
        %swap3A_206 = tpu.vector_load %swap3A_203[%swap3A_204, %swap3A_205] {strides = array<i32>} : memref<128x128xf32, #tpu.memory_space<vmem>>, vector<1x16xf32>,
        %swap3A_207 = vector.shape_cast %swap3A_206 : vector<1x16xf32> to vector<16xf32>
        %swap3A_208 = vector.shape_cast %mul3A_200 : vector<16xf32> to vector<1x16xf32>
        tpu.vector_store %swap3A_203[%swap3A_204, %swap3A_205], %swap3A_208 {strides = array<i32>} : memref<128x128xf32, #tpu.memory_space<vmem>>, vector<1x16xf32>,
        %get3A_209 = arith.constant 0 : i32
        %get3A_210 = arith.constant 0 : i32
        %get3A_211 = tpu.memref_slice %arg15[%scan3A_128, %get3A_209, %get3A_210] : memref<2x128x128xf32, #tpu.memory_space<vmem>> -> memref<1x128x128xf32, #tpu.memory_space<vmem>>
        %get3A_212 = tpu.memref_squeeze %get3A_211 : memref<1x128x128xf32, #tpu.memory_space<vmem>> -> memref<128x128xf32, #tpu.memory_space<vmem>>
        %get3A_213 = arith.index_cast %scan3A_184 : i32 to index
        %get3A_214 = arith.constant 16 : index
        %get3A_215 = tpu.vector_load %get3A_212[%get3A_213, %get3A_214] {strides = array<i32>} : memref<128x128xf32, #tpu.memory_space<vmem>>, vector<1x16xf32>,
        %get3A_216 = vector.shape_cast %get3A_215 : vector<1x16xf32> to vector<16xf32>
        %get3A_217 = arith.constant 0 : i32
        %get3A_218 = arith.constant 0 : i32
        %get3A_219 = tpu.memref_slice %arg14[%scan3A_129, %get3A_217, %get3A_218] : memref<2x128x128xf32, #tpu.memory_space<vmem>> -> memref<1x128x128xf32, #tpu.memory_space<vmem>>
        %get3A_220 = tpu.memref_squeeze %get3A_219 : memref<1x128x128xf32, #tpu.memory_space<vmem>> -> memref<128x128xf32, #tpu.memory_space<vmem>>
        %get3A_221 = arith.index_cast %scan3A_184 : i32 to index
        %get3A_222 = arith.constant 16 : index
        %get3A_223 = tpu.vector_load %get3A_220[%get3A_221, %get3A_222] {strides = array<i32>} : memref<128x128xf32, #tpu.memory_space<vmem>>, vector<1x16xf32>,
        %get3A_224 = vector.shape_cast %get3A_223 : vector<1x16xf32> to vector<16xf32>
        %mul3A_225 = arith.mulf %get3A_216, %get3A_224 : vector<16xf32>
        %swap3A_226 = arith.constant 0 : i32
        %swap3A_227 = arith.constant 0 : i32
        %swap3A_228 = tpu.memref_slice %arg15[%scan3A_128, %swap3A_226, %swap3A_227] : memref<2x128x128xf32, #tpu.memory_space<vmem>> -> memref<1x128x128xf32, #tpu.memory_space<vmem>>
        %swap3A_229 = tpu.memref_squeeze %swap3A_228 : memref<1x128x128xf32, #tpu.memory_space<vmem>> -> memref<128x128xf32, #tpu.memory_space<vmem>>
        %swap3A_230 = arith.index_cast %scan3A_184 : i32 to index
        %swap3A_231 = arith.constant 16 : index
        %swap3A_232 = tpu.vector_load %swap3A_229[%swap3A_230, %swap3A_231] {strides = array<i32>} : memref<128x128xf32, #tpu.memory_space<vmem>>, vector<1x16xf32>,
        %swap3A_233 = vector.shape_cast %swap3A_232 : vector<1x16xf32> to vector<16xf32>
        %swap3A_234 = vector.shape_cast %mul3A_225 : vector<16xf32> to vector<1x16xf32>
        tpu.vector_store %swap3A_229[%swap3A_230, %swap3A_231], %swap3A_234 {strides = array<i32>} : memref<128x128xf32, #tpu.memory_space<vmem>>, vector<1x16xf32>,
        %get3A_235 = arith.constant 0 : i32
        %get3A_236 = arith.constant 0 : i32
        %get3A_237 = tpu.memref_slice %arg15[%scan3A_128, %get3A_235, %get3A_236] : memref<2x128x128xf32, #tpu.memory_space<vmem>> -> memref<1x128x128xf32, #tpu.memory_space<vmem>>
        %get3A_238 = tpu.memref_squeeze %get3A_237 : memref<1x128x128xf32, #tpu.memory_space<vmem>> -> memref<128x128xf32, #tpu.memory_space<vmem>>
        %get3A_239 = arith.index_cast %scan3A_184 : i32 to index
        %get3A_240 = arith.constant 32 : index
        %get3A_241 = tpu.vector_load %get3A_238[%get3A_239, %get3A_240] {strides = array<i32>} : memref<128x128xf32, #tpu.memory_space<vmem>>, vector<1x16xf32>,
        %get3A_242 = vector.shape_cast %get3A_241 : vector<1x16xf32> to vector<16xf32>
        %get3A_243 = arith.constant 0 : i32
        %get3A_244 = arith.constant 0 : i32
        %get3A_245 = tpu.memref_slice %arg14[%scan3A_129, %get3A_243, %get3A_244] : memref<2x128x128xf32, #tpu.memory_space<vmem>> -> memref<1x128x128xf32, #tpu.memory_space<vmem>>
        %get3A_246 = tpu.memref_squeeze %get3A_245 : memref<1x128x128xf32, #tpu.memory_space<vmem>> -> memref<128x128xf32, #tpu.memory_space<vmem>>
        %get3A_247 = arith.index_cast %scan3A_184 : i32 to index
        %get3A_248 = arith.constant 32 : index
        %get3A_249 = tpu.vector_load %get3A_246[%get3A_247, %get3A_248] {strides = array<i32>} : memref<128x128xf32, #tpu.memory_space<vmem>>, vector<1x16xf32>,
        %get3A_250 = vector.shape_cast %get3A_249 : vector<1x16xf32> to vector<16xf32>
        %mul3A_251 = arith.mulf %get3A_242, %get3A_250 : vector<16xf32>
        %swap3A_252 = arith.constant 0 : i32
        %swap3A_253 = arith.constant 0 : i32
        %swap3A_254 = tpu.memref_slice %arg15[%scan3A_128, %swap3A_252, %swap3A_253] : memref<2x128x128xf32, #tpu.memory_space<vmem>> -> memref<1x128x128xf32, #tpu.memory_space<vmem>>
        %swap3A_255 = tpu.memref_squeeze %swap3A_254 : memref<1x128x128xf32, #tpu.memory_space<vmem>> -> memref<128x128xf32, #tpu.memory_space<vmem>>
        %swap3A_256 = arith.index_cast %scan3A_184 : i32 to index
        %swap3A_257 = arith.constant 32 : index
        %swap3A_258 = tpu.vector_load %swap3A_255[%swap3A_256, %swap3A_257] {strides = array<i32>} : memref<128x128xf32, #tpu.memory_space<vmem>>, vector<1x16xf32>,
        %swap3A_259 = vector.shape_cast %swap3A_258 : vector<1x16xf32> to vector<16xf32>
        %swap3A_260 = vector.shape_cast %mul3A_251 : vector<16xf32> to vector<1x16xf32>
        tpu.vector_store %swap3A_255[%swap3A_256, %swap3A_257], %swap3A_260 {strides = array<i32>} : memref<128x128xf32, #tpu.memory_space<vmem>>, vector<1x16xf32>,
        %get3A_261 = arith.constant 0 : i32
        %get3A_262 = arith.constant 0 : i32
        %get3A_263 = tpu.memref_slice %arg15[%scan3A_128, %get3A_261, %get3A_262] : memref<2x128x128xf32, #tpu.memory_space<vmem>> -> memref<1x128x128xf32, #tpu.memory_space<vmem>>
        %get3A_264 = tpu.memref_squeeze %get3A_263 : memref<1x128x128xf32, #tpu.memory_space<vmem>> -> memref<128x128xf32, #tpu.memory_space<vmem>>
        %get3A_265 = arith.index_cast %scan3A_184 : i32 to index
        %get3A_266 = arith.constant 48 : index
        %get3A_267 = tpu.vector_load %get3A_264[%get3A_265, %get3A_266] {strides = array<i32>} : memref<128x128xf32, #tpu.memory_space<vmem>>, vector<1x16xf32>,
        %get3A_268 = vector.shape_cast %get3A_267 : vector<1x16xf32> to vector<16xf32>
        %get3A_269 = arith.constant 0 : i32
        %get3A_270 = arith.constant 0 : i32
        %get3A_271 = tpu.memref_slice %arg14[%scan3A_129, %get3A_269, %get3A_270] : memref<2x128x128xf32, #tpu.memory_space<vmem>> -> memref<1x128x128xf32, #tpu.memory_space<vmem>>
        %get3A_272 = tpu.memref_squeeze %get3A_271 : memref<1x128x128xf32, #tpu.memory_space<vmem>> -> memref<128x128xf32, #tpu.memory_space<vmem>>
        %get3A_273 = arith.index_cast %scan3A_184 : i32 to index
        %get3A_274 = arith.constant 48 : index
        %get3A_275 = tpu.vector_load %get3A_272[%get3A_273, %get3A_274] {strides = array<i32>} : memref<128x128xf32, #tpu.memory_space<vmem>>, vector<1x16xf32>,
        %get3A_276 = vector.shape_cast %get3A_275 : vector<1x16xf32> to vector<16xf32>
        %mul3A_277 = arith.mulf %get3A_268, %get3A_276 : vector<16xf32>
        %swap3A_278 = arith.constant 0 : i32
        %swap3A_279 = arith.constant 0 : i32
        %swap3A_280 = tpu.memref_slice %arg15[%scan3A_128, %swap3A_278, %swap3A_279] : memref<2x128x128xf32, #tpu.memory_space<vmem>> -> memref<1x128x128xf32, #tpu.memory_space<vmem>>
        %swap3A_281 = tpu.memref_squeeze %swap3A_280 : memref<1x128x128xf32, #tpu.memory_space<vmem>> -> memref<128x128xf32, #tpu.memory_space<vmem>>
        %swap3A_282 = arith.index_cast %scan3A_184 : i32 to index
        %swap3A_283 = arith.constant 48 : index
        %swap3A_284 = tpu.vector_load %swap3A_281[%swap3A_282, %swap3A_283] {strides = array<i32>} : memref<128x128xf32, #tpu.memory_space<vmem>>, vector<1x16xf32>,
        %swap3A_285 = vector.shape_cast %swap3A_284 : vector<1x16xf32> to vector<16xf32>
        %swap3A_286 = vector.shape_cast %mul3A_277 : vector<16xf32> to vector<1x16xf32>
        tpu.vector_store %swap3A_281[%swap3A_282, %swap3A_283], %swap3A_286 {strides = array<i32>} : memref<128x128xf32, #tpu.memory_space<vmem>>, vector<1x16xf32>,
        %get3A_287 = arith.constant 0 : i32
        %get3A_288 = arith.constant 0 : i32
        %get3A_289 = tpu.memref_slice %arg15[%scan3A_128, %get3A_287, %get3A_288] : memref<2x128x128xf32, #tpu.memory_space<vmem>> -> memref<1x128x128xf32, #tpu.memory_space<vmem>>
        %get3A_290 = tpu.memref_squeeze %get3A_289 : memref<1x128x128xf32, #tpu.memory_space<vmem>> -> memref<128x128xf32, #tpu.memory_space<vmem>>
        %get3A_291 = arith.index_cast %scan3A_184 : i32 to index
        %get3A_292 = arith.constant 64 : index
        %get3A_293 = tpu.vector_load %get3A_290[%get3A_291, %get3A_292] {strides = array<i32>} : memref<128x128xf32, #tpu.memory_space<vmem>>, vector<1x16xf32>,
        %get3A_294 = vector.shape_cast %get3A_293 : vector<1x16xf32> to vector<16xf32>
        %get3A_295 = arith.constant 0 : i32
        %get3A_296 = arith.constant 0 : i32
        %get3A_297 = tpu.memref_slice %arg14[%scan3A_129, %get3A_295, %get3A_296] : memref<2x128x128xf32, #tpu.memory_space<vmem>> -> memref<1x128x128xf32, #tpu.memory_space<vmem>>
        %get3A_298 = tpu.memref_squeeze %get3A_297 : memref<1x128x128xf32, #tpu.memory_space<vmem>> -> memref<128x128xf32, #tpu.memory_space<vmem>>
        %get3A_299 = arith.index_cast %scan3A_184 : i32 to index
        %get3A_300 = arith.constant 64 : index
        %get3A_301 = tpu.vector_load %get3A_298[%get3A_299, %get3A_300] {strides = array<i32>} : memref<128x128xf32, #tpu.memory_space<vmem>>, vector<1x16xf32>,
        %get3A_302 = vector.shape_cast %get3A_301 : vector<1x16xf32> to vector<16xf32>
        %mul3A_303 = arith.mulf %get3A_294, %get3A_302 : vector<16xf32>
        %swap3A_304 = arith.constant 0 : i32
        %swap3A_305 = arith.constant 0 : i32
        %swap3A_306 = tpu.memref_slice %arg15[%scan3A_128, %swap3A_304, %swap3A_305] : memref<2x128x128xf32, #tpu.memory_space<vmem>> -> memref<1x128x128xf32, #tpu.memory_space<vmem>>
        %swap3A_307 = tpu.memref_squeeze %swap3A_306 : memref<1x128x128xf32, #tpu.memory_space<vmem>> -> memref<128x128xf32, #tpu.memory_space<vmem>>
        %swap3A_308 = arith.index_cast %scan3A_184 : i32 to index
        %swap3A_309 = arith.constant 64 : index
        %swap3A_310 = tpu.vector_load %swap3A_307[%swap3A_308, %swap3A_309] {strides = array<i32>} : memref<128x128xf32, #tpu.memory_space<vmem>>, vector<1x16xf32>,
        %swap3A_311 = vector.shape_cast %swap3A_310 : vector<1x16xf32> to vector<16xf32>
        %swap3A_312 = vector.shape_cast %mul3A_303 : vector<16xf32> to vector<1x16xf32>
        tpu.vector_store %swap3A_307[%swap3A_308, %swap3A_309], %swap3A_312 {strides = array<i32>} : memref<128x128xf32, #tpu.memory_space<vmem>>, vector<1x16xf32>,
        %get3A_313 = arith.constant 0 : i32
        %get3A_314 = arith.constant 0 : i32
        %get3A_315 = tpu.memref_slice %arg15[%scan3A_128, %get3A_313, %get3A_314] : memref<2x128x128xf32, #tpu.memory_space<vmem>> -> memref<1x128x128xf32, #tpu.memory_space<vmem>>
        %get3A_316 = tpu.memref_squeeze %get3A_315 : memref<1x128x128xf32, #tpu.memory_space<vmem>> -> memref<128x128xf32, #tpu.memory_space<vmem>>
        %get3A_317 = arith.index_cast %scan3A_184 : i32 to index
        %get3A_318 = arith.constant 80 : index
        %get3A_319 = tpu.vector_load %get3A_316[%get3A_317, %get3A_318] {strides = array<i32>} : memref<128x128xf32, #tpu.memory_space<vmem>>, vector<1x16xf32>,
        %get3A_320 = vector.shape_cast %get3A_319 : vector<1x16xf32> to vector<16xf32>
        %get3A_321 = arith.constant 0 : i32
        %get3A_322 = arith.constant 0 : i32
        %get3A_323 = tpu.memref_slice %arg14[%scan3A_129, %get3A_321, %get3A_322] : memref<2x128x128xf32, #tpu.memory_space<vmem>> -> memref<1x128x128xf32, #tpu.memory_space<vmem>>
        %get3A_324 = tpu.memref_squeeze %get3A_323 : memref<1x128x128xf32, #tpu.memory_space<vmem>> -> memref<128x128xf32, #tpu.memory_space<vmem>>
        %get3A_325 = arith.index_cast %scan3A_184 : i32 to index
        %get3A_326 = arith.constant 80 : index
        %get3A_327 = tpu.vector_load %get3A_324[%get3A_325, %get3A_326] {strides = array<i32>} : memref<128x128xf32, #tpu.memory_space<vmem>>, vector<1x16xf32>,
        %get3A_328 = vector.shape_cast %get3A_327 : vector<1x16xf32> to vector<16xf32>
        %mul3A_329 = arith.mulf %get3A_320, %get3A_328 : vector<16xf32>
        %swap3A_330 = arith.constant 0 : i32
        %swap3A_331 = arith.constant 0 : i32
        %swap3A_332 = tpu.memref_slice %arg15[%scan3A_128, %swap3A_330, %swap3A_331] : memref<2x128x128xf32, #tpu.memory_space<vmem>> -> memref<1x128x128xf32, #tpu.memory_space<vmem>>
        %swap3A_333 = tpu.memref_squeeze %swap3A_332 : memref<1x128x128xf32, #tpu.memory_space<vmem>> -> memref<128x128xf32, #tpu.memory_space<vmem>>
        %swap3A_334 = arith.index_cast %scan3A_184 : i32 to index
        %swap3A_335 = arith.constant 80 : index
        %swap3A_336 = tpu.vector_load %swap3A_333[%swap3A_334, %swap3A_335] {strides = array<i32>} : memref<128x128xf32, #tpu.memory_space<vmem>>, vector<1x16xf32>,
        %swap3A_337 = vector.shape_cast %swap3A_336 : vector<1x16xf32> to vector<16xf32>
        %swap3A_338 = vector.shape_cast %mul3A_329 : vector<16xf32> to vector<1x16xf32>
        tpu.vector_store %swap3A_333[%swap3A_334, %swap3A_335], %swap3A_338 {strides = array<i32>} : memref<128x128xf32, #tpu.memory_space<vmem>>, vector<1x16xf32>,
        %get3A_339 = arith.constant 0 : i32
        %get3A_340 = arith.constant 0 : i32
        %get3A_341 = tpu.memref_slice %arg15[%scan3A_128, %get3A_339, %get3A_340] : memref<2x128x128xf32, #tpu.memory_space<vmem>> -> memref<1x128x128xf32, #tpu.memory_space<vmem>>
        %get3A_342 = tpu.memref_squeeze %get3A_341 : memref<1x128x128xf32, #tpu.memory_space<vmem>> -> memref<128x128xf32, #tpu.memory_space<vmem>>
        %get3A_343 = arith.index_cast %scan3A_184 : i32 to index
        %get3A_344 = arith.constant 96 : index
        %get3A_345 = tpu.vector_load %get3A_342[%get3A_343, %get3A_344] {strides = array<i32>} : memref<128x128xf32, #tpu.memory_space<vmem>>, vector<1x16xf32>,
        %get3A_346 = vector.shape_cast %get3A_345 : vector<1x16xf32> to vector<16xf32>
        %get3A_347 = arith.constant 0 : i32
        %get3A_348 = arith.constant 0 : i32
        %get3A_349 = tpu.memref_slice %arg14[%scan3A_129, %get3A_347, %get3A_348] : memref<2x128x128xf32, #tpu.memory_space<vmem>> -> memref<1x128x128xf32, #tpu.memory_space<vmem>>
        %get3A_350 = tpu.memref_squeeze %get3A_349 : memref<1x128x128xf32, #tpu.memory_space<vmem>> -> memref<128x128xf32, #tpu.memory_space<vmem>>
        %get3A_351 = arith.index_cast %scan3A_184 : i32 to index
        %get3A_352 = arith.constant 96 : index
        %get3A_353 = tpu.vector_load %get3A_350[%get3A_351, %get3A_352] {strides = array<i32>} : memref<128x128xf32, #tpu.memory_space<vmem>>, vector<1x16xf32>,
        %get3A_354 = vector.shape_cast %get3A_353 : vector<1x16xf32> to vector<16xf32>
        %mul3A_355 = arith.mulf %get3A_346, %get3A_354 : vector<16xf32>
        %swap3A_356 = arith.constant 0 : i32
        %swap3A_357 = arith.constant 0 : i32
        %swap3A_358 = tpu.memref_slice %arg15[%scan3A_128, %swap3A_356, %swap3A_357] : memref<2x128x128xf32, #tpu.memory_space<vmem>> -> memref<1x128x128xf32, #tpu.memory_space<vmem>>
        %swap3A_359 = tpu.memref_squeeze %swap3A_358 : memref<1x128x128xf32, #tpu.memory_space<vmem>> -> memref<128x128xf32, #tpu.memory_space<vmem>>
        %swap3A_360 = arith.index_cast %scan3A_184 : i32 to index
        %swap3A_361 = arith.constant 96 : index
        %swap3A_362 = tpu.vector_load %swap3A_359[%swap3A_360, %swap3A_361] {strides = array<i32>} : memref<128x128xf32, #tpu.memory_space<vmem>>, vector<1x16xf32>,
        %swap3A_363 = vector.shape_cast %swap3A_362 : vector<1x16xf32> to vector<16xf32>
        %swap3A_364 = vector.shape_cast %mul3A_355 : vector<16xf32> to vector<1x16xf32>
        tpu.vector_store %swap3A_359[%swap3A_360, %swap3A_361], %swap3A_364 {strides = array<i32>} : memref<128x128xf32, #tpu.memory_space<vmem>>, vector<1x16xf32>,
        %get3A_365 = arith.constant 0 : i32
        %get3A_366 = arith.constant 0 : i32
        %get3A_367 = tpu.memref_slice %arg15[%scan3A_128, %get3A_365, %get3A_366] : memref<2x128x128xf32, #tpu.memory_space<vmem>> -> memref<1x128x128xf32, #tpu.memory_space<vmem>>
        %get3A_368 = tpu.memref_squeeze %get3A_367 : memref<1x128x128xf32, #tpu.memory_space<vmem>> -> memref<128x128xf32, #tpu.memory_space<vmem>>
        %get3A_369 = arith.index_cast %scan3A_184 : i32 to index
        %get3A_370 = arith.constant 112 : index
        %get3A_371 = tpu.vector_load %get3A_368[%get3A_369, %get3A_370] {strides = array<i32>} : memref<128x128xf32, #tpu.memory_space<vmem>>, vector<1x16xf32>,
        %get3A_372 = vector.shape_cast %get3A_371 : vector<1x16xf32> to vector<16xf32>
        %get3A_373 = arith.constant 0 : i32
        %get3A_374 = arith.constant 0 : i32
        %get3A_375 = tpu.memref_slice %arg14[%scan3A_129, %get3A_373, %get3A_374] : memref<2x128x128xf32, #tpu.memory_space<vmem>> -> memref<1x128x128xf32, #tpu.memory_space<vmem>>
        %get3A_376 = tpu.memref_squeeze %get3A_375 : memref<1x128x128xf32, #tpu.memory_space<vmem>> -> memref<128x128xf32, #tpu.memory_space<vmem>>
        %get3A_377 = arith.index_cast %scan3A_184 : i32 to index
        %get3A_378 = arith.constant 112 : index
        %get3A_379 = tpu.vector_load %get3A_376[%get3A_377, %get3A_378] {strides = array<i32>} : memref<128x128xf32, #tpu.memory_space<vmem>>, vector<1x16xf32>,
        %get3A_380 = vector.shape_cast %get3A_379 : vector<1x16xf32> to vector<16xf32>
        %mul3A_381 = arith.mulf %get3A_372, %get3A_380 : vector<16xf32>
        %swap3A_382 = arith.constant 0 : i32
        %swap3A_383 = arith.constant 0 : i32
        %swap3A_384 = tpu.memref_slice %arg15[%scan3A_128, %swap3A_382, %swap3A_383] : memref<2x128x128xf32, #tpu.memory_space<vmem>> -> memref<1x128x128xf32, #tpu.memory_space<vmem>>
        %swap3A_385 = tpu.memref_squeeze %swap3A_384 : memref<1x128x128xf32, #tpu.memory_space<vmem>> -> memref<128x128xf32, #tpu.memory_space<vmem>>
        %swap3A_386 = arith.index_cast %scan3A_184 : i32 to index
        %swap3A_387 = arith.constant 112 : index
        %swap3A_388 = tpu.vector_load %swap3A_385[%swap3A_386, %swap3A_387] {strides = array<i32>} : memref<128x128xf32, #tpu.memory_space<vmem>>, vector<1x16xf32>,
        %swap3A_389 = vector.shape_cast %swap3A_388 : vector<1x16xf32> to vector<16xf32>
        %swap3A_390 = vector.shape_cast %mul3A_381 : vector<16xf32> to vector<1x16xf32>
        tpu.vector_store %swap3A_385[%swap3A_386, %swap3A_387], %swap3A_390 {strides = array<i32>} : memref<128x128xf32, #tpu.memory_space<vmem>>, vector<1x16xf32>,
      }
      %scan3A_134 = arith.constant 128 : i32
      %run_scoped3A = arith.constant 0 : i32
      "tpu.region"() ({
        %run_scoped3A_184 = tpu.sem_alloc : memref<!tpu.dma_semaphore, #tpu.memory_space<semaphore_mem>>
        %dma_start3A_185 = arith.constant 0 : i32
        %dma_start3A_186 = arith.constant 0 : i32
        %dma_start3A_187 = tpu.memref_slice %arg15[%run_scoped3A, %dma_start3A_185, %dma_start3A_186] : memref<2x128x128xf32, #tpu.memory_space<vmem>> -> memref<1x128x128xf32, #tpu.memory_space<vmem>>
        %dma_start3A_188 = tpu.memref_squeeze %dma_start3A_187 : memref<1x128x128xf32, #tpu.memory_space<vmem>> -> memref<128x128xf32, #tpu.memory_space<vmem>>
        %dma_start3A_189 = arith.constant 0 : i32
        %dma_start3A_190 = tpu.memref_slice %arg11[%add3A_99, %dma_start3A_189] : memref<78x128xi32, #tpu.memory_space<vmem>> -> memref<1x128xi32, #tpu.memory_space<vmem>>
        %dma_start3A_191 = tpu.memref_squeeze %dma_start3A_190 : memref<1x128xi32, #tpu.memory_space<vmem>> -> memref<128xi32, #tpu.memory_space<vmem>>
        %dma_start3A_192 = arith.constant 0 : i32
        %dma_start3A_193 = arith.constant 0 : i32
        %dma_start3A_194 = tpu.memref_slice %arg18[%dma_start3A_192, %dma_start3A_193] : memref<5000x128xf32, #tpu.memory_space<vmem_shared>> -> memref<5000x128xf32, #tpu.memory_space<vmem_shared>>
        tpu.enqueue_indirect_dma source(%dma_start3A_188 : memref<128x128xf32, #tpu.memory_space<vmem>>) target(%dma_start3A_194 : memref<5000x128xf32, #tpu.memory_space<vmem_shared>>) offsets(%dma_start3A_191 : memref<128xi32, #tpu.memory_space<vmem>>) semaphore(%run_scoped3A_184 : memref<!tpu.dma_semaphore, #tpu.memory_space<semaphore_mem>>) {add = true}
        %dma_wait3A_195 = arith.constant 0 : i32
        %dma_wait3A_196 = arith.constant 0 : i32
        %dma_wait3A_197 = tpu.memref_slice %arg15[%run_scoped3A, %dma_wait3A_195, %dma_wait3A_196] : memref<2x128x128xf32, #tpu.memory_space<vmem>> -> memref<1x128x128xf32, #tpu.memory_space<vmem>>
        %dma_wait3A_198 = tpu.memref_squeeze %dma_wait3A_197 : memref<1x128x128xf32, #tpu.memory_space<vmem>> -> memref<128x128xf32, #tpu.memory_space<vmem>>
        %dma_wait3A_199 = arith.constant 0 : i32
        %dma_wait3A_200 = tpu.memref_slice %arg11[%add3A_99, %dma_wait3A_199] : memref<78x128xi32, #tpu.memory_space<vmem>> -> memref<1x128xi32, #tpu.memory_space<vmem>>
        %dma_wait3A_201 = tpu.memref_squeeze %dma_wait3A_200 : memref<1x128xi32, #tpu.memory_space<vmem>> -> memref<128xi32, #tpu.memory_space<vmem>>
        %dma_wait3A_202 = arith.constant 0 : i32
        %dma_wait3A_203 = arith.constant 0 : i32
        %dma_wait3A_204 = tpu.memref_slice %arg18[%dma_wait3A_202, %dma_wait3A_203] : memref<5000x128xf32, #tpu.memory_space<vmem_shared>> -> memref<5000x128xf32, #tpu.memory_space<vmem_shared>>
        tpu.wait_indirect_dma semaphore(%run_scoped3A_184 : memref<!tpu.dma_semaphore, #tpu.memory_space<semaphore_mem>>) src(%dma_wait3A_198 : memref<128x128xf32, #tpu.memory_space<vmem>>) dst(%dma_wait3A_204 : memref<5000x128xf32, #tpu.memory_space<vmem_shared>>)
        tpu.yield
      }) : () -> ()
      %lt3A = arith.constant 38 : i32
      %lt3A_135 = arith.cmpi slt, %scan3A_95, %lt3A : i32
      %convert_element_type3A_136 = arith.extui %lt3A_135 : i1 to i32
      %cond3A_137 = arith.constant 0 : i32
      %cond3A_138 = arith.cmpi ne, %convert_element_type3A_136, %cond3A_137 : i32
      scf.if %cond3A_138 {
        %add3A_184 = arith.constant 2 : i32
        %add3A_185 = arith.addi %add3A_99, %add3A_184 : i32
        %mul3A_186 = arith.constant 128 : i32
        %mul3A_187 = arith.muli %add3A_185, %mul3A_186 : i32
        %add3A_188 = arith.addi %mul3A_2, %mul3A_187 : i32
        %multiple_of3A_189 = tpu.assume_multiple %add3A_188, 8 : i32
        %dma_start3A_190 = arith.constant 0 : i32
        %dma_start3A_191 = arith.constant 0 : i32
        %dma_start3A_192 = arith.constant 0 : i32
        %dma_start3A_193 = tpu.memref_slice %arg14[%dma_start3A_190, %dma_start3A_191, %dma_start3A_192] : memref<2x128x128xf32, #tpu.memory_space<vmem>> -> memref<1x128x128xf32, #tpu.memory_space<vmem>>
        %dma_start3A_194 = tpu.memref_squeeze %dma_start3A_193 : memref<1x128x128xf32, #tpu.memory_space<vmem>> -> memref<128x128xf32, #tpu.memory_space<vmem>>
        %dma_start3A_195 = arith.constant 0 : i32
        %dma_start3A_196 = tpu.memref_slice %arg3[%multiple_of3A_189, %dma_start3A_195] : memref<320000x128xf32, #tpu.memory_space<hbm>> -> memref<128x128xf32, #tpu.memory_space<hbm>>
        %dma_start3A_197 = arith.constant 0 : i32
        %dma_start3A_198 = arith.constant 0 : i32
        %dma_start3A_199 = tpu.memref_slice %arg14[%dma_start3A_190, %dma_start3A_197, %dma_start3A_198] : memref<2x128x128xf32, #tpu.memory_space<vmem>> -> memref<1x128x128xf32, #tpu.memory_space<vmem>>
        %dma_start3A_200 = tpu.memref_squeeze %dma_start3A_199 : memref<1x128x128xf32, #tpu.memory_space<vmem>> -> memref<128x128xf32, #tpu.memory_space<vmem>>
        %dma_start3A_201 = arith.constant 0 : i32
        %dma_start3A_202 = tpu.memref_slice %arg3[%multiple_of3A_189, %dma_start3A_201] : memref<320000x128xf32, #tpu.memory_space<hbm>> -> memref<128x128xf32, #tpu.memory_space<hbm>>
        tpu.enqueue_dma source(%dma_start3A_202 : memref<128x128xf32, #tpu.memory_space<hbm>>) target(%dma_start3A_200 : memref<128x128xf32, #tpu.memory_space<vmem>>) target_semaphore(%arg21 : memref<!tpu.dma_semaphore, #tpu.memory_space<semaphore_mem>>)
        %dma_start3A_203 = arith.constant 0 : i32
        %dma_start3A_204 = arith.constant 0 : i32
        %dma_start3A_205 = arith.constant 0 : i32
        %dma_start3A_206 = tpu.memref_slice %arg15[%dma_start3A_203, %dma_start3A_204, %dma_start3A_205] : memref<2x128x128xf32, #tpu.memory_space<vmem>> -> memref<1x128x128xf32, #tpu.memory_space<vmem>>
        %dma_start3A_207 = tpu.memref_squeeze %dma_start3A_206 : memref<1x128x128xf32, #tpu.memory_space<vmem>> -> memref<128x128xf32, #tpu.memory_space<vmem>>
        %dma_start3A_208 = arith.constant 0 : i32
        %dma_start3A_209 = tpu.memref_slice %arg10[%add3A_185, %dma_start3A_208] : memref<78x128xi32, #tpu.memory_space<vmem>> -> memref<1x128xi32, #tpu.memory_space<vmem>>
        %dma_start3A_210 = tpu.memref_squeeze %dma_start3A_209 : memref<1x128xi32, #tpu.memory_space<vmem>> -> memref<128xi32, #tpu.memory_space<vmem>>
        %dma_start3A_211 = arith.constant 0 : i32
        %dma_start3A_212 = arith.constant 0 : i32
        %dma_start3A_213 = tpu.memref_slice %arg2[%dma_start3A_211, %dma_start3A_212] : memref<10000x128xf32, #tpu.memory_space<hbm>> -> memref<10000x128xf32, #tpu.memory_space<hbm>>
        tpu.enqueue_indirect_dma source(%dma_start3A_213 : memref<10000x128xf32, #tpu.memory_space<hbm>>) target(%dma_start3A_207 : memref<128x128xf32, #tpu.memory_space<vmem>>) offsets(%dma_start3A_210 : memref<128xi32, #tpu.memory_space<vmem>>) semaphore(%arg19 : memref<!tpu.dma_semaphore, #tpu.memory_space<semaphore_mem>>)
      } else {
      }
      %mul3A_139 = arith.constant 2 : i32
      %mul3A_140 = arith.muli %mul3A_139, %scan3A_95 : i32
      %add3A_141 = arith.constant 1 : i32
      %add3A_142 = arith.addi %mul3A_140, %add3A_141 : i32
      %dma_wait3A_143 = arith.constant 1 : i32
      %dma_wait3A_144 = arith.constant 0 : i32
      %dma_wait3A_145 = arith.constant 0 : i32
      %dma_wait3A_146 = tpu.memref_slice %arg14[%dma_wait3A_143, %dma_wait3A_144, %dma_wait3A_145] : memref<2x128x128xf32, #tpu.memory_space<vmem>> -> memref<1x128x128xf32, #tpu.memory_space<vmem>>
      %dma_wait3A_147 = tpu.memref_squeeze %dma_wait3A_146 : memref<1x128x128xf32, #tpu.memory_space<vmem>> -> memref<128x128xf32, #tpu.memory_space<vmem>>
      %dma_wait3A_148 = arith.constant 0 : i32
      %dma_wait3A_149 = arith.constant 0 : i32
      %dma_wait3A_150 = tpu.memref_slice %arg3[%dma_wait3A_148, %dma_wait3A_149] : memref<320000x128xf32, #tpu.memory_space<hbm>> -> memref<128x128xf32, #tpu.memory_space<hbm>>
      %dma_wait3A_151 = arith.constant 0 : i32
      %dma_wait3A_152 = arith.constant 0 : i32
      %dma_wait3A_153 = tpu.memref_slice %arg14[%dma_wait3A_143, %dma_wait3A_151, %dma_wait3A_152] : memref<2x128x128xf32, #tpu.memory_space<vmem>> -> memref<1x128x128xf32, #tpu.memory_space<vmem>>
      %dma_wait3A_154 = tpu.memref_squeeze %dma_wait3A_153 : memref<1x128x128xf32, #tpu.memory_space<vmem>> -> memref<128x128xf32, #tpu.memory_space<vmem>>
      %dma_wait3A_155 = arith.constant 0 : i32
      %dma_wait3A_156 = arith.constant 0 : i32
      %dma_wait3A_157 = tpu.memref_slice %arg3[%dma_wait3A_155, %dma_wait3A_156] : memref<320000x128xf32, #tpu.memory_space<hbm>> -> memref<128x128xf32, #tpu.memory_space<hbm>>
      tpu.wait_dma2 semaphore(%arg22 : memref<!tpu.dma_semaphore, #tpu.memory_space<semaphore_mem>>) src(%dma_wait3A_157 : memref<128x128xf32, #tpu.memory_space<hbm>>) dst(%dma_wait3A_154 : memref<128x128xf32, #tpu.memory_space<vmem>>)
      %dma_wait3A_158 = arith.constant 0 : i32
      %dma_wait3A_159 = arith.constant 1 : i32
      %dma_wait3A_160 = arith.constant 0 : i32
      %dma_wait3A_161 = arith.constant 0 : i32
      %dma_wait3A_162 = tpu.memref_slice %arg15[%dma_wait3A_159, %dma_wait3A_160, %dma_wait3A_161] : memref<2x128x128xf32, #tpu.memory_space<vmem>> -> memref<1x128x128xf32, #tpu.memory_space<vmem>>
      %dma_wait3A_163 = tpu.memref_squeeze %dma_wait3A_162 : memref<1x128x128xf32, #tpu.memory_space<vmem>> -> memref<128x128xf32, #tpu.memory_space<vmem>>
      %dma_wait3A_164 = arith.constant 0 : i32
      %dma_wait3A_165 = tpu.memref_slice %arg10[%dma_wait3A_158, %dma_wait3A_164] : memref<78x128xi32, #tpu.memory_space<vmem>> -> memref<1x128xi32, #tpu.memory_space<vmem>>
      %dma_wait3A_166 = tpu.memref_squeeze %dma_wait3A_165 : memref<1x128xi32, #tpu.memory_space<vmem>> -> memref<128xi32, #tpu.memory_space<vmem>>
      %dma_wait3A_167 = arith.constant 0 : i32
      %dma_wait3A_168 = arith.constant 0 : i32
      %dma_wait3A_169 = tpu.memref_slice %arg2[%dma_wait3A_167, %dma_wait3A_168] : memref<10000x128xf32, #tpu.memory_space<hbm>> -> memref<10000x128xf32, #tpu.memory_space<hbm>>
      tpu.wait_indirect_dma semaphore(%arg20 : memref<!tpu.dma_semaphore, #tpu.memory_space<semaphore_mem>>) src(%dma_wait3A_169 : memref<10000x128xf32, #tpu.memory_space<hbm>>) dst(%dma_wait3A_163 : memref<128x128xf32, #tpu.memory_space<vmem>>)
      %scan3A_170 = arith.constant 0 : i32
      %scan3A_171 = arith.constant 1 : i32
      %scan3A_172 = arith.constant 1 : i32
      %scan3A_173 = arith.constant 0 : i32
      %scan3A_174 = arith.constant 128 : i32
      %scan3A_175 = arith.addi %scan3A_173, %scan3A_174 : i32
      %scan3A_176 = arith.constant 1 : i32
      scf.for %scan3A_184 = %scan3A_173 to %scan3A_175 step %scan3A_176  : i32 {
        %get3A = arith.constant 0 : i32
        %get3A_185 = arith.constant 0 : i32
        %get3A_186 = tpu.memref_slice %arg15[%scan3A_171, %get3A, %get3A_185] : memref<2x128x128xf32, #tpu.memory_space<vmem>> -> memref<1x128x128xf32, #tpu.memory_space<vmem>>
        %get3A_187 = tpu.memref_squeeze %get3A_186 : memref<1x128x128xf32, #tpu.memory_space<vmem>> -> memref<128x128xf32, #tpu.memory_space<vmem>>
        %get3A_188 = arith.index_cast %scan3A_184 : i32 to index
        %get3A_189 = arith.constant 0 : index
        %get3A_190 = tpu.vector_load %get3A_187[%get3A_188, %get3A_189] {strides = array<i32>} : memref<128x128xf32, #tpu.memory_space<vmem>>, vector<1x16xf32>,
        %get3A_191 = vector.shape_cast %get3A_190 : vector<1x16xf32> to vector<16xf32>
        %get3A_192 = arith.constant 0 : i32
        %get3A_193 = arith.constant 0 : i32
        %get3A_194 = tpu.memref_slice %arg14[%scan3A_172, %get3A_192, %get3A_193] : memref<2x128x128xf32, #tpu.memory_space<vmem>> -> memref<1x128x128xf32, #tpu.memory_space<vmem>>
        %get3A_195 = tpu.memref_squeeze %get3A_194 : memref<1x128x128xf32, #tpu.memory_space<vmem>> -> memref<128x128xf32, #tpu.memory_space<vmem>>
        %get3A_196 = arith.index_cast %scan3A_184 : i32 to index
        %get3A_197 = arith.constant 0 : index
        %get3A_198 = tpu.vector_load %get3A_195[%get3A_196, %get3A_197] {strides = array<i32>} : memref<128x128xf32, #tpu.memory_space<vmem>>, vector<1x16xf32>,
        %get3A_199 = vector.shape_cast %get3A_198 : vector<1x16xf32> to vector<16xf32>
        %mul3A_200 = arith.mulf %get3A_191, %get3A_199 : vector<16xf32>
        %swap3A = arith.constant 0 : i32
        %swap3A_201 = arith.constant 0 : i32
        %swap3A_202 = tpu.memref_slice %arg15[%scan3A_171, %swap3A, %swap3A_201] : memref<2x128x128xf32, #tpu.memory_space<vmem>> -> memref<1x128x128xf32, #tpu.memory_space<vmem>>
        %swap3A_203 = tpu.memref_squeeze %swap3A_202 : memref<1x128x128xf32, #tpu.memory_space<vmem>> -> memref<128x128xf32, #tpu.memory_space<vmem>>
        %swap3A_204 = arith.index_cast %scan3A_184 : i32 to index
        %swap3A_205 = arith.constant 0 : index
        %swap3A_206 = tpu.vector_load %swap3A_203[%swap3A_204, %swap3A_205] {strides = array<i32>} : memref<128x128xf32, #tpu.memory_space<vmem>>, vector<1x16xf32>,
        %swap3A_207 = vector.shape_cast %swap3A_206 : vector<1x16xf32> to vector<16xf32>
        %swap3A_208 = vector.shape_cast %mul3A_200 : vector<16xf32> to vector<1x16xf32>
        tpu.vector_store %swap3A_203[%swap3A_204, %swap3A_205], %swap3A_208 {strides = array<i32>} : memref<128x128xf32, #tpu.memory_space<vmem>>, vector<1x16xf32>,
        %get3A_209 = arith.constant 0 : i32
        %get3A_210 = arith.constant 0 : i32
        %get3A_211 = tpu.memref_slice %arg15[%scan3A_171, %get3A_209, %get3A_210] : memref<2x128x128xf32, #tpu.memory_space<vmem>> -> memref<1x128x128xf32, #tpu.memory_space<vmem>>
        %get3A_212 = tpu.memref_squeeze %get3A_211 : memref<1x128x128xf32, #tpu.memory_space<vmem>> -> memref<128x128xf32, #tpu.memory_space<vmem>>
        %get3A_213 = arith.index_cast %scan3A_184 : i32 to index
        %get3A_214 = arith.constant 16 : index
        %get3A_215 = tpu.vector_load %get3A_212[%get3A_213, %get3A_214] {strides = array<i32>} : memref<128x128xf32, #tpu.memory_space<vmem>>, vector<1x16xf32>,
        %get3A_216 = vector.shape_cast %get3A_215 : vector<1x16xf32> to vector<16xf32>
        %get3A_217 = arith.constant 0 : i32
        %get3A_218 = arith.constant 0 : i32
        %get3A_219 = tpu.memref_slice %arg14[%scan3A_172, %get3A_217, %get3A_218] : memref<2x128x128xf32, #tpu.memory_space<vmem>> -> memref<1x128x128xf32, #tpu.memory_space<vmem>>
        %get3A_220 = tpu.memref_squeeze %get3A_219 : memref<1x128x128xf32, #tpu.memory_space<vmem>> -> memref<128x128xf32, #tpu.memory_space<vmem>>
        %get3A_221 = arith.index_cast %scan3A_184 : i32 to index
        %get3A_222 = arith.constant 16 : index
        %get3A_223 = tpu.vector_load %get3A_220[%get3A_221, %get3A_222] {strides = array<i32>} : memref<128x128xf32, #tpu.memory_space<vmem>>, vector<1x16xf32>,
        %get3A_224 = vector.shape_cast %get3A_223 : vector<1x16xf32> to vector<16xf32>
        %mul3A_225 = arith.mulf %get3A_216, %get3A_224 : vector<16xf32>
        %swap3A_226 = arith.constant 0 : i32
        %swap3A_227 = arith.constant 0 : i32
        %swap3A_228 = tpu.memref_slice %arg15[%scan3A_171, %swap3A_226, %swap3A_227] : memref<2x128x128xf32, #tpu.memory_space<vmem>> -> memref<1x128x128xf32, #tpu.memory_space<vmem>>
        %swap3A_229 = tpu.memref_squeeze %swap3A_228 : memref<1x128x128xf32, #tpu.memory_space<vmem>> -> memref<128x128xf32, #tpu.memory_space<vmem>>
        %swap3A_230 = arith.index_cast %scan3A_184 : i32 to index
        %swap3A_231 = arith.constant 16 : index
        %swap3A_232 = tpu.vector_load %swap3A_229[%swap3A_230, %swap3A_231] {strides = array<i32>} : memref<128x128xf32, #tpu.memory_space<vmem>>, vector<1x16xf32>,
        %swap3A_233 = vector.shape_cast %swap3A_232 : vector<1x16xf32> to vector<16xf32>
        %swap3A_234 = vector.shape_cast %mul3A_225 : vector<16xf32> to vector<1x16xf32>
        tpu.vector_store %swap3A_229[%swap3A_230, %swap3A_231], %swap3A_234 {strides = array<i32>} : memref<128x128xf32, #tpu.memory_space<vmem>>, vector<1x16xf32>,
        %get3A_235 = arith.constant 0 : i32
        %get3A_236 = arith.constant 0 : i32
        %get3A_237 = tpu.memref_slice %arg15[%scan3A_171, %get3A_235, %get3A_236] : memref<2x128x128xf32, #tpu.memory_space<vmem>> -> memref<1x128x128xf32, #tpu.memory_space<vmem>>
        %get3A_238 = tpu.memref_squeeze %get3A_237 : memref<1x128x128xf32, #tpu.memory_space<vmem>> -> memref<128x128xf32, #tpu.memory_space<vmem>>
        %get3A_239 = arith.index_cast %scan3A_184 : i32 to index
        %get3A_240 = arith.constant 32 : index
        %get3A_241 = tpu.vector_load %get3A_238[%get3A_239, %get3A_240] {strides = array<i32>} : memref<128x128xf32, #tpu.memory_space<vmem>>, vector<1x16xf32>,
        %get3A_242 = vector.shape_cast %get3A_241 : vector<1x16xf32> to vector<16xf32>
        %get3A_243 = arith.constant 0 : i32
        %get3A_244 = arith.constant 0 : i32
        %get3A_245 = tpu.memref_slice %arg14[%scan3A_172, %get3A_243, %get3A_244] : memref<2x128x128xf32, #tpu.memory_space<vmem>> -> memref<1x128x128xf32, #tpu.memory_space<vmem>>
        %get3A_246 = tpu.memref_squeeze %get3A_245 : memref<1x128x128xf32, #tpu.memory_space<vmem>> -> memref<128x128xf32, #tpu.memory_space<vmem>>
        %get3A_247 = arith.index_cast %scan3A_184 : i32 to index
        %get3A_248 = arith.constant 32 : index
        %get3A_249 = tpu.vector_load %get3A_246[%get3A_247, %get3A_248] {strides = array<i32>} : memref<128x128xf32, #tpu.memory_space<vmem>>, vector<1x16xf32>,
        %get3A_250 = vector.shape_cast %get3A_249 : vector<1x16xf32> to vector<16xf32>
        %mul3A_251 = arith.mulf %get3A_242, %get3A_250 : vector<16xf32>
        %swap3A_252 = arith.constant 0 : i32
        %swap3A_253 = arith.constant 0 : i32
        %swap3A_254 = tpu.memref_slice %arg15[%scan3A_171, %swap3A_252, %swap3A_253] : memref<2x128x128xf32, #tpu.memory_space<vmem>> -> memref<1x128x128xf32, #tpu.memory_space<vmem>>
        %swap3A_255 = tpu.memref_squeeze %swap3A_254 : memref<1x128x128xf32, #tpu.memory_space<vmem>> -> memref<128x128xf32, #tpu.memory_space<vmem>>
        %swap3A_256 = arith.index_cast %scan3A_184 : i32 to index
        %swap3A_257 = arith.constant 32 : index
        %swap3A_258 = tpu.vector_load %swap3A_255[%swap3A_256, %swap3A_257] {strides = array<i32>} : memref<128x128xf32, #tpu.memory_space<vmem>>, vector<1x16xf32>,
        %swap3A_259 = vector.shape_cast %swap3A_258 : vector<1x16xf32> to vector<16xf32>
        %swap3A_260 = vector.shape_cast %mul3A_251 : vector<16xf32> to vector<1x16xf32>
        tpu.vector_store %swap3A_255[%swap3A_256, %swap3A_257], %swap3A_260 {strides = array<i32>} : memref<128x128xf32, #tpu.memory_space<vmem>>, vector<1x16xf32>,
        %get3A_261 = arith.constant 0 : i32
        %get3A_262 = arith.constant 0 : i32
        %get3A_263 = tpu.memref_slice %arg15[%scan3A_171, %get3A_261, %get3A_262] : memref<2x128x128xf32, #tpu.memory_space<vmem>> -> memref<1x128x128xf32, #tpu.memory_space<vmem>>
        %get3A_264 = tpu.memref_squeeze %get3A_263 : memref<1x128x128xf32, #tpu.memory_space<vmem>> -> memref<128x128xf32, #tpu.memory_space<vmem>>
        %get3A_265 = arith.index_cast %scan3A_184 : i32 to index
        %get3A_266 = arith.constant 48 : index
        %get3A_267 = tpu.vector_load %get3A_264[%get3A_265, %get3A_266] {strides = array<i32>} : memref<128x128xf32, #tpu.memory_space<vmem>>, vector<1x16xf32>,
        %get3A_268 = vector.shape_cast %get3A_267 : vector<1x16xf32> to vector<16xf32>
        %get3A_269 = arith.constant 0 : i32
        %get3A_270 = arith.constant 0 : i32
        %get3A_271 = tpu.memref_slice %arg14[%scan3A_172, %get3A_269, %get3A_270] : memref<2x128x128xf32, #tpu.memory_space<vmem>> -> memref<1x128x128xf32, #tpu.memory_space<vmem>>
        %get3A_272 = tpu.memref_squeeze %get3A_271 : memref<1x128x128xf32, #tpu.memory_space<vmem>> -> memref<128x128xf32, #tpu.memory_space<vmem>>
        %get3A_273 = arith.index_cast %scan3A_184 : i32 to index
        %get3A_274 = arith.constant 48 : index
        %get3A_275 = tpu.vector_load %get3A_272[%get3A_273, %get3A_274] {strides = array<i32>} : memref<128x128xf32, #tpu.memory_space<vmem>>, vector<1x16xf32>,
        %get3A_276 = vector.shape_cast %get3A_275 : vector<1x16xf32> to vector<16xf32>
        %mul3A_277 = arith.mulf %get3A_268, %get3A_276 : vector<16xf32>
        %swap3A_278 = arith.constant 0 : i32
        %swap3A_279 = arith.constant 0 : i32
        %swap3A_280 = tpu.memref_slice %arg15[%scan3A_171, %swap3A_278, %swap3A_279] : memref<2x128x128xf32, #tpu.memory_space<vmem>> -> memref<1x128x128xf32, #tpu.memory_space<vmem>>
        %swap3A_281 = tpu.memref_squeeze %swap3A_280 : memref<1x128x128xf32, #tpu.memory_space<vmem>> -> memref<128x128xf32, #tpu.memory_space<vmem>>
        %swap3A_282 = arith.index_cast %scan3A_184 : i32 to index
        %swap3A_283 = arith.constant 48 : index
        %swap3A_284 = tpu.vector_load %swap3A_281[%swap3A_282, %swap3A_283] {strides = array<i32>} : memref<128x128xf32, #tpu.memory_space<vmem>>, vector<1x16xf32>,
        %swap3A_285 = vector.shape_cast %swap3A_284 : vector<1x16xf32> to vector<16xf32>
        %swap3A_286 = vector.shape_cast %mul3A_277 : vector<16xf32> to vector<1x16xf32>
        tpu.vector_store %swap3A_281[%swap3A_282, %swap3A_283], %swap3A_286 {strides = array<i32>} : memref<128x128xf32, #tpu.memory_space<vmem>>, vector<1x16xf32>,
        %get3A_287 = arith.constant 0 : i32
        %get3A_288 = arith.constant 0 : i32
        %get3A_289 = tpu.memref_slice %arg15[%scan3A_171, %get3A_287, %get3A_288] : memref<2x128x128xf32, #tpu.memory_space<vmem>> -> memref<1x128x128xf32, #tpu.memory_space<vmem>>
        %get3A_290 = tpu.memref_squeeze %get3A_289 : memref<1x128x128xf32, #tpu.memory_space<vmem>> -> memref<128x128xf32, #tpu.memory_space<vmem>>
        %get3A_291 = arith.index_cast %scan3A_184 : i32 to index
        %get3A_292 = arith.constant 64 : index
        %get3A_293 = tpu.vector_load %get3A_290[%get3A_291, %get3A_292] {strides = array<i32>} : memref<128x128xf32, #tpu.memory_space<vmem>>, vector<1x16xf32>,
        %get3A_294 = vector.shape_cast %get3A_293 : vector<1x16xf32> to vector<16xf32>
        %get3A_295 = arith.constant 0 : i32
        %get3A_296 = arith.constant 0 : i32
        %get3A_297 = tpu.memref_slice %arg14[%scan3A_172, %get3A_295, %get3A_296] : memref<2x128x128xf32, #tpu.memory_space<vmem>> -> memref<1x128x128xf32, #tpu.memory_space<vmem>>
        %get3A_298 = tpu.memref_squeeze %get3A_297 : memref<1x128x128xf32, #tpu.memory_space<vmem>> -> memref<128x128xf32, #tpu.memory_space<vmem>>
        %get3A_299 = arith.index_cast %scan3A_184 : i32 to index
        %get3A_300 = arith.constant 64 : index
        %get3A_301 = tpu.vector_load %get3A_298[%get3A_299, %get3A_300] {strides = array<i32>} : memref<128x128xf32, #tpu.memory_space<vmem>>, vector<1x16xf32>,
        %get3A_302 = vector.shape_cast %get3A_301 : vector<1x16xf32> to vector<16xf32>
        %mul3A_303 = arith.mulf %get3A_294, %get3A_302 : vector<16xf32>
        %swap3A_304 = arith.constant 0 : i32
        %swap3A_305 = arith.constant 0 : i32
        %swap3A_306 = tpu.memref_slice %arg15[%scan3A_171, %swap3A_304, %swap3A_305] : memref<2x128x128xf32, #tpu.memory_space<vmem>> -> memref<1x128x128xf32, #tpu.memory_space<vmem>>
        %swap3A_307 = tpu.memref_squeeze %swap3A_306 : memref<1x128x128xf32, #tpu.memory_space<vmem>> -> memref<128x128xf32, #tpu.memory_space<vmem>>
        %swap3A_308 = arith.index_cast %scan3A_184 : i32 to index
        %swap3A_309 = arith.constant 64 : index
        %swap3A_310 = tpu.vector_load %swap3A_307[%swap3A_308, %swap3A_309] {strides = array<i32>} : memref<128x128xf32, #tpu.memory_space<vmem>>, vector<1x16xf32>,
        %swap3A_311 = vector.shape_cast %swap3A_310 : vector<1x16xf32> to vector<16xf32>
        %swap3A_312 = vector.shape_cast %mul3A_303 : vector<16xf32> to vector<1x16xf32>
        tpu.vector_store %swap3A_307[%swap3A_308, %swap3A_309], %swap3A_312 {strides = array<i32>} : memref<128x128xf32, #tpu.memory_space<vmem>>, vector<1x16xf32>,
        %get3A_313 = arith.constant 0 : i32
        %get3A_314 = arith.constant 0 : i32
        %get3A_315 = tpu.memref_slice %arg15[%scan3A_171, %get3A_313, %get3A_314] : memref<2x128x128xf32, #tpu.memory_space<vmem>> -> memref<1x128x128xf32, #tpu.memory_space<vmem>>
        %get3A_316 = tpu.memref_squeeze %get3A_315 : memref<1x128x128xf32, #tpu.memory_space<vmem>> -> memref<128x128xf32, #tpu.memory_space<vmem>>
        %get3A_317 = arith.index_cast %scan3A_184 : i32 to index
        %get3A_318 = arith.constant 80 : index
        %get3A_319 = tpu.vector_load %get3A_316[%get3A_317, %get3A_318] {strides = array<i32>} : memref<128x128xf32, #tpu.memory_space<vmem>>, vector<1x16xf32>,
        %get3A_320 = vector.shape_cast %get3A_319 : vector<1x16xf32> to vector<16xf32>
        %get3A_321 = arith.constant 0 : i32
        %get3A_322 = arith.constant 0 : i32
        %get3A_323 = tpu.memref_slice %arg14[%scan3A_172, %get3A_321, %get3A_322] : memref<2x128x128xf32, #tpu.memory_space<vmem>> -> memref<1x128x128xf32, #tpu.memory_space<vmem>>
        %get3A_324 = tpu.memref_squeeze %get3A_323 : memref<1x128x128xf32, #tpu.memory_space<vmem>> -> memref<128x128xf32, #tpu.memory_space<vmem>>
        %get3A_325 = arith.index_cast %scan3A_184 : i32 to index
        %get3A_326 = arith.constant 80 : index
        %get3A_327 = tpu.vector_load %get3A_324[%get3A_325, %get3A_326] {strides = array<i32>} : memref<128x128xf32, #tpu.memory_space<vmem>>, vector<1x16xf32>,
        %get3A_328 = vector.shape_cast %get3A_327 : vector<1x16xf32> to vector<16xf32>
        %mul3A_329 = arith.mulf %get3A_320, %get3A_328 : vector<16xf32>
        %swap3A_330 = arith.constant 0 : i32
        %swap3A_331 = arith.constant 0 : i32
        %swap3A_332 = tpu.memref_slice %arg15[%scan3A_171, %swap3A_330, %swap3A_331] : memref<2x128x128xf32, #tpu.memory_space<vmem>> -> memref<1x128x128xf32, #tpu.memory_space<vmem>>
        %swap3A_333 = tpu.memref_squeeze %swap3A_332 : memref<1x128x128xf32, #tpu.memory_space<vmem>> -> memref<128x128xf32, #tpu.memory_space<vmem>>
        %swap3A_334 = arith.index_cast %scan3A_184 : i32 to index
        %swap3A_335 = arith.constant 80 : index
        %swap3A_336 = tpu.vector_load %swap3A_333[%swap3A_334, %swap3A_335] {strides = array<i32>} : memref<128x128xf32, #tpu.memory_space<vmem>>, vector<1x16xf32>,
        %swap3A_337 = vector.shape_cast %swap3A_336 : vector<1x16xf32> to vector<16xf32>
        %swap3A_338 = vector.shape_cast %mul3A_329 : vector<16xf32> to vector<1x16xf32>
        tpu.vector_store %swap3A_333[%swap3A_334, %swap3A_335], %swap3A_338 {strides = array<i32>} : memref<128x128xf32, #tpu.memory_space<vmem>>, vector<1x16xf32>,
        %get3A_339 = arith.constant 0 : i32
        %get3A_340 = arith.constant 0 : i32
        %get3A_341 = tpu.memref_slice %arg15[%scan3A_171, %get3A_339, %get3A_340] : memref<2x128x128xf32, #tpu.memory_space<vmem>> -> memref<1x128x128xf32, #tpu.memory_space<vmem>>
        %get3A_342 = tpu.memref_squeeze %get3A_341 : memref<1x128x128xf32, #tpu.memory_space<vmem>> -> memref<128x128xf32, #tpu.memory_space<vmem>>
        %get3A_343 = arith.index_cast %scan3A_184 : i32 to index
        %get3A_344 = arith.constant 96 : index
        %get3A_345 = tpu.vector_load %get3A_342[%get3A_343, %get3A_344] {strides = array<i32>} : memref<128x128xf32, #tpu.memory_space<vmem>>, vector<1x16xf32>,
        %get3A_346 = vector.shape_cast %get3A_345 : vector<1x16xf32> to vector<16xf32>
        %get3A_347 = arith.constant 0 : i32
        %get3A_348 = arith.constant 0 : i32
        %get3A_349 = tpu.memref_slice %arg14[%scan3A_172, %get3A_347, %get3A_348] : memref<2x128x128xf32, #tpu.memory_space<vmem>> -> memref<1x128x128xf32, #tpu.memory_space<vmem>>
        %get3A_350 = tpu.memref_squeeze %get3A_349 : memref<1x128x128xf32, #tpu.memory_space<vmem>> -> memref<128x128xf32, #tpu.memory_space<vmem>>
        %get3A_351 = arith.index_cast %scan3A_184 : i32 to index
        %get3A_352 = arith.constant 96 : index
        %get3A_353 = tpu.vector_load %get3A_350[%get3A_351, %get3A_352] {strides = array<i32>} : memref<128x128xf32, #tpu.memory_space<vmem>>, vector<1x16xf32>,
        %get3A_354 = vector.shape_cast %get3A_353 : vector<1x16xf32> to vector<16xf32>
        %mul3A_355 = arith.mulf %get3A_346, %get3A_354 : vector<16xf32>
        %swap3A_356 = arith.constant 0 : i32
        %swap3A_357 = arith.constant 0 : i32
        %swap3A_358 = tpu.memref_slice %arg15[%scan3A_171, %swap3A_356, %swap3A_357] : memref<2x128x128xf32, #tpu.memory_space<vmem>> -> memref<1x128x128xf32, #tpu.memory_space<vmem>>
        %swap3A_359 = tpu.memref_squeeze %swap3A_358 : memref<1x128x128xf32, #tpu.memory_space<vmem>> -> memref<128x128xf32, #tpu.memory_space<vmem>>
        %swap3A_360 = arith.index_cast %scan3A_184 : i32 to index
        %swap3A_361 = arith.constant 96 : index
        %swap3A_362 = tpu.vector_load %swap3A_359[%swap3A_360, %swap3A_361] {strides = array<i32>} : memref<128x128xf32, #tpu.memory_space<vmem>>, vector<1x16xf32>,
        %swap3A_363 = vector.shape_cast %swap3A_362 : vector<1x16xf32> to vector<16xf32>
        %swap3A_364 = vector.shape_cast %mul3A_355 : vector<16xf32> to vector<1x16xf32>
        tpu.vector_store %swap3A_359[%swap3A_360, %swap3A_361], %swap3A_364 {strides = array<i32>} : memref<128x128xf32, #tpu.memory_space<vmem>>, vector<1x16xf32>,
        %get3A_365 = arith.constant 0 : i32
        %get3A_366 = arith.constant 0 : i32
        %get3A_367 = tpu.memref_slice %arg15[%scan3A_171, %get3A_365, %get3A_366] : memref<2x128x128xf32, #tpu.memory_space<vmem>> -> memref<1x128x128xf32, #tpu.memory_space<vmem>>
        %get3A_368 = tpu.memref_squeeze %get3A_367 : memref<1x128x128xf32, #tpu.memory_space<vmem>> -> memref<128x128xf32, #tpu.memory_space<vmem>>
        %get3A_369 = arith.index_cast %scan3A_184 : i32 to index
        %get3A_370 = arith.constant 112 : index
        %get3A_371 = tpu.vector_load %get3A_368[%get3A_369, %get3A_370] {strides = array<i32>} : memref<128x128xf32, #tpu.memory_space<vmem>>, vector<1x16xf32>,
        %get3A_372 = vector.shape_cast %get3A_371 : vector<1x16xf32> to vector<16xf32>
        %get3A_373 = arith.constant 0 : i32
        %get3A_374 = arith.constant 0 : i32
        %get3A_375 = tpu.memref_slice %arg14[%scan3A_172, %get3A_373, %get3A_374] : memref<2x128x128xf32, #tpu.memory_space<vmem>> -> memref<1x128x128xf32, #tpu.memory_space<vmem>>
        %get3A_376 = tpu.memref_squeeze %get3A_375 : memref<1x128x128xf32, #tpu.memory_space<vmem>> -> memref<128x128xf32, #tpu.memory_space<vmem>>
        %get3A_377 = arith.index_cast %scan3A_184 : i32 to index
        %get3A_378 = arith.constant 112 : index
        %get3A_379 = tpu.vector_load %get3A_376[%get3A_377, %get3A_378] {strides = array<i32>} : memref<128x128xf32, #tpu.memory_space<vmem>>, vector<1x16xf32>,
        %get3A_380 = vector.shape_cast %get3A_379 : vector<1x16xf32> to vector<16xf32>
        %mul3A_381 = arith.mulf %get3A_372, %get3A_380 : vector<16xf32>
        %swap3A_382 = arith.constant 0 : i32
        %swap3A_383 = arith.constant 0 : i32
        %swap3A_384 = tpu.memref_slice %arg15[%scan3A_171, %swap3A_382, %swap3A_383] : memref<2x128x128xf32, #tpu.memory_space<vmem>> -> memref<1x128x128xf32, #tpu.memory_space<vmem>>
        %swap3A_385 = tpu.memref_squeeze %swap3A_384 : memref<1x128x128xf32, #tpu.memory_space<vmem>> -> memref<128x128xf32, #tpu.memory_space<vmem>>
        %swap3A_386 = arith.index_cast %scan3A_184 : i32 to index
        %swap3A_387 = arith.constant 112 : index
        %swap3A_388 = tpu.vector_load %swap3A_385[%swap3A_386, %swap3A_387] {strides = array<i32>} : memref<128x128xf32, #tpu.memory_space<vmem>>, vector<1x16xf32>,
        %swap3A_389 = vector.shape_cast %swap3A_388 : vector<1x16xf32> to vector<16xf32>
        %swap3A_390 = vector.shape_cast %mul3A_381 : vector<16xf32> to vector<1x16xf32>
        tpu.vector_store %swap3A_385[%swap3A_386, %swap3A_387], %swap3A_390 {strides = array<i32>} : memref<128x128xf32, #tpu.memory_space<vmem>>, vector<1x16xf32>,
      }
      %scan3A_177 = arith.constant 128 : i32
      %run_scoped3A_178 = arith.constant 1 : i32
      "tpu.region"() ({
        %run_scoped3A_184 = tpu.sem_alloc : memref<!tpu.dma_semaphore, #tpu.memory_space<semaphore_mem>>
        %dma_start3A_185 = arith.constant 0 : i32
        %dma_start3A_186 = arith.constant 0 : i32
        %dma_start3A_187 = tpu.memref_slice %arg15[%run_scoped3A_178, %dma_start3A_185, %dma_start3A_186] : memref<2x128x128xf32, #tpu.memory_space<vmem>> -> memref<1x128x128xf32, #tpu.memory_space<vmem>>
        %dma_start3A_188 = tpu.memref_squeeze %dma_start3A_187 : memref<1x128x128xf32, #tpu.memory_space<vmem>> -> memref<128x128xf32, #tpu.memory_space<vmem>>
        %dma_start3A_189 = arith.constant 0 : i32
        %dma_start3A_190 = tpu.memref_slice %arg11[%add3A_142, %dma_start3A_189] : memref<78x128xi32, #tpu.memory_space<vmem>> -> memref<1x128xi32, #tpu.memory_space<vmem>>
        %dma_start3A_191 = tpu.memref_squeeze %dma_start3A_190 : memref<1x128xi32, #tpu.memory_space<vmem>> -> memref<128xi32, #tpu.memory_space<vmem>>
        %dma_start3A_192 = arith.constant 0 : i32
        %dma_start3A_193 = arith.constant 0 : i32
        %dma_start3A_194 = tpu.memref_slice %arg18[%dma_start3A_192, %dma_start3A_193] : memref<5000x128xf32, #tpu.memory_space<vmem_shared>> -> memref<5000x128xf32, #tpu.memory_space<vmem_shared>>
        tpu.enqueue_indirect_dma source(%dma_start3A_188 : memref<128x128xf32, #tpu.memory_space<vmem>>) target(%dma_start3A_194 : memref<5000x128xf32, #tpu.memory_space<vmem_shared>>) offsets(%dma_start3A_191 : memref<128xi32, #tpu.memory_space<vmem>>) semaphore(%run_scoped3A_184 : memref<!tpu.dma_semaphore, #tpu.memory_space<semaphore_mem>>) {add = true}
        %dma_wait3A_195 = arith.constant 0 : i32
        %dma_wait3A_196 = arith.constant 0 : i32
        %dma_wait3A_197 = tpu.memref_slice %arg15[%run_scoped3A_178, %dma_wait3A_195, %dma_wait3A_196] : memref<2x128x128xf32, #tpu.memory_space<vmem>> -> memref<1x128x128xf32, #tpu.memory_space<vmem>>
        %dma_wait3A_198 = tpu.memref_squeeze %dma_wait3A_197 : memref<1x128x128xf32, #tpu.memory_space<vmem>> -> memref<128x128xf32, #tpu.memory_space<vmem>>
        %dma_wait3A_199 = arith.constant 0 : i32
        %dma_wait3A_200 = tpu.memref_slice %arg11[%add3A_142, %dma_wait3A_199] : memref<78x128xi32, #tpu.memory_space<vmem>> -> memref<1x128xi32, #tpu.memory_space<vmem>>
        %dma_wait3A_201 = tpu.memref_squeeze %dma_wait3A_200 : memref<1x128xi32, #tpu.memory_space<vmem>> -> memref<128xi32, #tpu.memory_space<vmem>>
        %dma_wait3A_202 = arith.constant 0 : i32
        %dma_wait3A_203 = arith.constant 0 : i32
        %dma_wait3A_204 = tpu.memref_slice %arg18[%dma_wait3A_202, %dma_wait3A_203] : memref<5000x128xf32, #tpu.memory_space<vmem_shared>> -> memref<5000x128xf32, #tpu.memory_space<vmem_shared>>
        tpu.wait_indirect_dma semaphore(%run_scoped3A_184 : memref<!tpu.dma_semaphore, #tpu.memory_space<semaphore_mem>>) src(%dma_wait3A_198 : memref<128x128xf32, #tpu.memory_space<vmem>>) dst(%dma_wait3A_204 : memref<5000x128xf32, #tpu.memory_space<vmem_shared>>)
        tpu.yield
      }) : () -> ()
      %lt3A_179 = arith.constant 38 : i32
      %lt3A_180 = arith.cmpi slt, %scan3A_95, %lt3A_179 : i32
      %convert_element_type3A_181 = arith.extui %lt3A_180 : i1 to i32
      %cond3A_182 = arith.constant 0 : i32
      %cond3A_183 = arith.cmpi ne, %convert_element_type3A_181, %cond3A_182 : i32
      scf.if %cond3A_183 {
        %add3A_184 = arith.constant 2 : i32
        %add3A_185 = arith.addi %add3A_142, %add3A_184 : i32
        %mul3A_186 = arith.constant 128 : i32
        %mul3A_187 = arith.muli %add3A_185, %mul3A_186 : i32
        %add3A_188 = arith.addi %mul3A_2, %mul3A_187 : i32
        %multiple_of3A_189 = tpu.assume_multiple %add3A_188, 8 : i32
        %dma_start3A_190 = arith.constant 1 : i32
        %dma_start3A_191 = arith.constant 0 : i32
        %dma_start3A_192 = arith.constant 0 : i32
        %dma_start3A_193 = tpu.memref_slice %arg14[%dma_start3A_190, %dma_start3A_191, %dma_start3A_192] : memref<2x128x128xf32, #tpu.memory_space<vmem>> -> memref<1x128x128xf32, #tpu.memory_space<vmem>>
        %dma_start3A_194 = tpu.memref_squeeze %dma_start3A_193 : memref<1x128x128xf32, #tpu.memory_space<vmem>> -> memref<128x128xf32, #tpu.memory_space<vmem>>
        %dma_start3A_195 = arith.constant 0 : i32
        %dma_start3A_196 = tpu.memref_slice %arg3[%multiple_of3A_189, %dma_start3A_195] : memref<320000x128xf32, #tpu.memory_space<hbm>> -> memref<128x128xf32, #tpu.memory_space<hbm>>
        %dma_start3A_197 = arith.constant 0 : i32
        %dma_start3A_198 = arith.constant 0 : i32
        %dma_start3A_199 = tpu.memref_slice %arg14[%dma_start3A_190, %dma_start3A_197, %dma_start3A_198] : memref<2x128x128xf32, #tpu.memory_space<vmem>> -> memref<1x128x128xf32, #tpu.memory_space<vmem>>
        %dma_start3A_200 = tpu.memref_squeeze %dma_start3A_199 : memref<1x128x128xf32, #tpu.memory_space<vmem>> -> memref<128x128xf32, #tpu.memory_space<vmem>>
        %dma_start3A_201 = arith.constant 0 : i32
        %dma_start3A_202 = tpu.memref_slice %arg3[%multiple_of3A_189, %dma_start3A_201] : memref<320000x128xf32, #tpu.memory_space<hbm>> -> memref<128x128xf32, #tpu.memory_space<hbm>>
        tpu.enqueue_dma source(%dma_start3A_202 : memref<128x128xf32, #tpu.memory_space<hbm>>) target(%dma_start3A_200 : memref<128x128xf32, #tpu.memory_space<vmem>>) target_semaphore(%arg22 : memref<!tpu.dma_semaphore, #tpu.memory_space<semaphore_mem>>)
        %dma_start3A_203 = arith.constant 1 : i32
        %dma_start3A_204 = arith.constant 0 : i32
        %dma_start3A_205 = arith.constant 0 : i32
        %dma_start3A_206 = tpu.memref_slice %arg15[%dma_start3A_203, %dma_start3A_204, %dma_start3A_205] : memref<2x128x128xf32, #tpu.memory_space<vmem>> -> memref<1x128x128xf32, #tpu.memory_space<vmem>>
        %dma_start3A_207 = tpu.memref_squeeze %dma_start3A_206 : memref<1x128x128xf32, #tpu.memory_space<vmem>> -> memref<128x128xf32, #tpu.memory_space<vmem>>
        %dma_start3A_208 = arith.constant 0 : i32
        %dma_start3A_209 = tpu.memref_slice %arg10[%add3A_185, %dma_start3A_208] : memref<78x128xi32, #tpu.memory_space<vmem>> -> memref<1x128xi32, #tpu.memory_space<vmem>>
        %dma_start3A_210 = tpu.memref_squeeze %dma_start3A_209 : memref<1x128xi32, #tpu.memory_space<vmem>> -> memref<128xi32, #tpu.memory_space<vmem>>
        %dma_start3A_211 = arith.constant 0 : i32
        %dma_start3A_212 = arith.constant 0 : i32
        %dma_start3A_213 = tpu.memref_slice %arg2[%dma_start3A_211, %dma_start3A_212] : memref<10000x128xf32, #tpu.memory_space<hbm>> -> memref<10000x128xf32, #tpu.memory_space<hbm>>
        tpu.enqueue_indirect_dma source(%dma_start3A_213 : memref<10000x128xf32, #tpu.memory_space<hbm>>) target(%dma_start3A_207 : memref<128x128xf32, #tpu.memory_space<vmem>>) offsets(%dma_start3A_210 : memref<128xi32, #tpu.memory_space<vmem>>) semaphore(%arg20 : memref<!tpu.dma_semaphore, #tpu.memory_space<semaphore_mem>>)
      } else {
      }
    }
    %scan3A_69 = arith.constant 39 : i32
    %add3A_70 = arith.constant 9984 : i32
    %add3A_71 = arith.addi %mul3A_2, %add3A_70 : i32
    %multiple_of3A_72 = tpu.assume_multiple %add3A_71, 8 : i32
    "tpu.region"() ({
      %run_scoped3A = tpu.sem_alloc : memref<!tpu.dma_semaphore, #tpu.memory_space<semaphore_mem>>
      %dma_start3A_95 = arith.constant 0 : i32
      %dma_start3A_96 = tpu.memref_slice %arg3[%multiple_of3A_72, %dma_start3A_95] : memref<320000x128xf32, #tpu.memory_space<hbm>> -> memref<16x128xf32, #tpu.memory_space<hbm>>
      %dma_start3A_97 = arith.constant 0 : i32
      %dma_start3A_98 = tpu.memref_slice %arg3[%multiple_of3A_72, %dma_start3A_97] : memref<320000x128xf32, #tpu.memory_space<hbm>> -> memref<16x128xf32, #tpu.memory_space<hbm>>
      tpu.enqueue_dma source(%dma_start3A_98 : memref<16x128xf32, #tpu.memory_space<hbm>>) target(%arg16 : memref<16x128xf32, #tpu.memory_space<vmem>>) target_semaphore(%run_scoped3A : memref<!tpu.dma_semaphore, #tpu.memory_space<semaphore_mem>>)
      %dma_wait3A_99 = arith.constant 0 : i32
      %dma_wait3A_100 = tpu.memref_slice %arg3[%multiple_of3A_72, %dma_wait3A_99] : memref<320000x128xf32, #tpu.memory_space<hbm>> -> memref<16x128xf32, #tpu.memory_space<hbm>>
      %dma_wait3A_101 = arith.constant 0 : i32
      %dma_wait3A_102 = tpu.memref_slice %arg3[%multiple_of3A_72, %dma_wait3A_101] : memref<320000x128xf32, #tpu.memory_space<hbm>> -> memref<16x128xf32, #tpu.memory_space<hbm>>
      tpu.wait_dma2 semaphore(%run_scoped3A : memref<!tpu.dma_semaphore, #tpu.memory_space<semaphore_mem>>) src(%dma_wait3A_102 : memref<16x128xf32, #tpu.memory_space<hbm>>) dst(%arg16 : memref<16x128xf32, #tpu.memory_space<vmem>>)
      tpu.yield
    }) : () -> ()
    %dma_start3A_73 = arith.constant 0 : i32
    %dma_start3A_74 = arith.constant 0 : i32
    %dma_start3A_75 = tpu.memref_slice %arg2[%dma_start3A_73, %dma_start3A_74] : memref<10000x128xf32, #tpu.memory_space<hbm>> -> memref<10000x128xf32, #tpu.memory_space<hbm>>
    tpu.enqueue_indirect_dma source(%dma_start3A_75 : memref<10000x128xf32, #tpu.memory_space<hbm>>) target(%arg17 : memref<16x128xf32, #tpu.memory_space<vmem>>) offsets(%arg12 : memref<16xi32, #tpu.memory_space<vmem>>) semaphore(%arg23 : memref<!tpu.dma_semaphore, #tpu.memory_space<semaphore_mem>>)
    %dma_wait3A = arith.constant 0 : i32
    %dma_wait3A_76 = arith.constant 0 : i32
    %dma_wait3A_77 = tpu.memref_slice %arg2[%dma_wait3A, %dma_wait3A_76] : memref<10000x128xf32, #tpu.memory_space<hbm>> -> memref<10000x128xf32, #tpu.memory_space<hbm>>
    tpu.wait_indirect_dma semaphore(%arg23 : memref<!tpu.dma_semaphore, #tpu.memory_space<semaphore_mem>>) src(%dma_wait3A_77 : memref<10000x128xf32, #tpu.memory_space<hbm>>) dst(%arg17 : memref<16x128xf32, #tpu.memory_space<vmem>>)
    %scan3A_78 = arith.constant 0 : i32
    %scan3A_79 = arith.constant 0 : i32
    %scan3A_80 = arith.constant 16 : i32
    %scan3A_81 = arith.addi %scan3A_79, %scan3A_80 : i32
    %scan3A_82 = arith.constant 1 : i32
    scf.for %scan3A_95 = %scan3A_79 to %scan3A_81 step %scan3A_82  : i32 {
      %get3A = arith.index_cast %scan3A_95 : i32 to index
      %get3A_96 = arith.constant 0 : index
      %get3A_97 = tpu.vector_load %arg17[%get3A, %get3A_96] {strides = array<i32>} : memref<16x128xf32, #tpu.memory_space<vmem>>, vector<1x16xf32>,
      %get3A_98 = vector.shape_cast %get3A_97 : vector<1x16xf32> to vector<16xf32>
      %get3A_99 = arith.index_cast %scan3A_95 : i32 to index
      %get3A_100 = arith.constant 0 : index
      %get3A_101 = tpu.vector_load %arg16[%get3A_99, %get3A_100] {strides = array<i32>} : memref<16x128xf32, #tpu.memory_space<vmem>>, vector<1x16xf32>,
      %get3A_102 = vector.shape_cast %get3A_101 : vector<1x16xf32> to vector<16xf32>
      %mul3A_103 = arith.mulf %get3A_98, %get3A_102 : vector<16xf32>
      %swap3A = arith.index_cast %scan3A_95 : i32 to index
      %swap3A_104 = arith.constant 0 : index
      %swap3A_105 = tpu.vector_load %arg17[%swap3A, %swap3A_104] {strides = array<i32>} : memref<16x128xf32, #tpu.memory_space<vmem>>, vector<1x16xf32>,
      %swap3A_106 = vector.shape_cast %swap3A_105 : vector<1x16xf32> to vector<16xf32>
      %swap3A_107 = vector.shape_cast %mul3A_103 : vector<16xf32> to vector<1x16xf32>
      tpu.vector_store %arg17[%swap3A, %swap3A_104], %swap3A_107 {strides = array<i32>} : memref<16x128xf32, #tpu.memory_space<vmem>>, vector<1x16xf32>,
      %get3A_108 = arith.index_cast %scan3A_95 : i32 to index
      %get3A_109 = arith.constant 16 : index
      %get3A_110 = tpu.vector_load %arg17[%get3A_108, %get3A_109] {strides = array<i32>} : memref<16x128xf32, #tpu.memory_space<vmem>>, vector<1x16xf32>,
      %get3A_111 = vector.shape_cast %get3A_110 : vector<1x16xf32> to vector<16xf32>
      %get3A_112 = arith.index_cast %scan3A_95 : i32 to index
      %get3A_113 = arith.constant 16 : index
      %get3A_114 = tpu.vector_load %arg16[%get3A_112, %get3A_113] {strides = array<i32>} : memref<16x128xf32, #tpu.memory_space<vmem>>, vector<1x16xf32>,
      %get3A_115 = vector.shape_cast %get3A_114 : vector<1x16xf32> to vector<16xf32>
      %mul3A_116 = arith.mulf %get3A_111, %get3A_115 : vector<16xf32>
      %swap3A_117 = arith.index_cast %scan3A_95 : i32 to index
      %swap3A_118 = arith.constant 16 : index
      %swap3A_119 = tpu.vector_load %arg17[%swap3A_117, %swap3A_118] {strides = array<i32>} : memref<16x128xf32, #tpu.memory_space<vmem>>, vector<1x16xf32>,
      %swap3A_120 = vector.shape_cast %swap3A_119 : vector<1x16xf32> to vector<16xf32>
      %swap3A_121 = vector.shape_cast %mul3A_116 : vector<16xf32> to vector<1x16xf32>
      tpu.vector_store %arg17[%swap3A_117, %swap3A_118], %swap3A_121 {strides = array<i32>} : memref<16x128xf32, #tpu.memory_space<vmem>>, vector<1x16xf32>,
      %get3A_122 = arith.index_cast %scan3A_95 : i32 to index
      %get3A_123 = arith.constant 32 : index
      %get3A_124 = tpu.vector_load %arg17[%get3A_122, %get3A_123] {strides = array<i32>} : memref<16x128xf32, #tpu.memory_space<vmem>>, vector<1x16xf32>,
      %get3A_125 = vector.shape_cast %get3A_124 : vector<1x16xf32> to vector<16xf32>
      %get3A_126 = arith.index_cast %scan3A_95 : i32 to index
      %get3A_127 = arith.constant 32 : index
      %get3A_128 = tpu.vector_load %arg16[%get3A_126, %get3A_127] {strides = array<i32>} : memref<16x128xf32, #tpu.memory_space<vmem>>, vector<1x16xf32>,
      %get3A_129 = vector.shape_cast %get3A_128 : vector<1x16xf32> to vector<16xf32>
      %mul3A_130 = arith.mulf %get3A_125, %get3A_129 : vector<16xf32>
      %swap3A_131 = arith.index_cast %scan3A_95 : i32 to index
      %swap3A_132 = arith.constant 32 : index
      %swap3A_133 = tpu.vector_load %arg17[%swap3A_131, %swap3A_132] {strides = array<i32>} : memref<16x128xf32, #tpu.memory_space<vmem>>, vector<1x16xf32>,
      %swap3A_134 = vector.shape_cast %swap3A_133 : vector<1x16xf32> to vector<16xf32>
      %swap3A_135 = vector.shape_cast %mul3A_130 : vector<16xf32> to vector<1x16xf32>
      tpu.vector_store %arg17[%swap3A_131, %swap3A_132], %swap3A_135 {strides = array<i32>} : memref<16x128xf32, #tpu.memory_space<vmem>>, vector<1x16xf32>,
      %get3A_136 = arith.index_cast %scan3A_95 : i32 to index
      %get3A_137 = arith.constant 48 : index
      %get3A_138 = tpu.vector_load %arg17[%get3A_136, %get3A_137] {strides = array<i32>} : memref<16x128xf32, #tpu.memory_space<vmem>>, vector<1x16xf32>,
      %get3A_139 = vector.shape_cast %get3A_138 : vector<1x16xf32> to vector<16xf32>
      %get3A_140 = arith.index_cast %scan3A_95 : i32 to index
      %get3A_141 = arith.constant 48 : index
      %get3A_142 = tpu.vector_load %arg16[%get3A_140, %get3A_141] {strides = array<i32>} : memref<16x128xf32, #tpu.memory_space<vmem>>, vector<1x16xf32>,
      %get3A_143 = vector.shape_cast %get3A_142 : vector<1x16xf32> to vector<16xf32>
      %mul3A_144 = arith.mulf %get3A_139, %get3A_143 : vector<16xf32>
      %swap3A_145 = arith.index_cast %scan3A_95 : i32 to index
      %swap3A_146 = arith.constant 48 : index
      %swap3A_147 = tpu.vector_load %arg17[%swap3A_145, %swap3A_146] {strides = array<i32>} : memref<16x128xf32, #tpu.memory_space<vmem>>, vector<1x16xf32>,
      %swap3A_148 = vector.shape_cast %swap3A_147 : vector<1x16xf32> to vector<16xf32>
      %swap3A_149 = vector.shape_cast %mul3A_144 : vector<16xf32> to vector<1x16xf32>
      tpu.vector_store %arg17[%swap3A_145, %swap3A_146], %swap3A_149 {strides = array<i32>} : memref<16x128xf32, #tpu.memory_space<vmem>>, vector<1x16xf32>,
      %get3A_150 = arith.index_cast %scan3A_95 : i32 to index
      %get3A_151 = arith.constant 64 : index
      %get3A_152 = tpu.vector_load %arg17[%get3A_150, %get3A_151] {strides = array<i32>} : memref<16x128xf32, #tpu.memory_space<vmem>>, vector<1x16xf32>,
      %get3A_153 = vector.shape_cast %get3A_152 : vector<1x16xf32> to vector<16xf32>
      %get3A_154 = arith.index_cast %scan3A_95 : i32 to index
      %get3A_155 = arith.constant 64 : index
      %get3A_156 = tpu.vector_load %arg16[%get3A_154, %get3A_155] {strides = array<i32>} : memref<16x128xf32, #tpu.memory_space<vmem>>, vector<1x16xf32>,
      %get3A_157 = vector.shape_cast %get3A_156 : vector<1x16xf32> to vector<16xf32>
      %mul3A_158 = arith.mulf %get3A_153, %get3A_157 : vector<16xf32>
      %swap3A_159 = arith.index_cast %scan3A_95 : i32 to index
      %swap3A_160 = arith.constant 64 : index
      %swap3A_161 = tpu.vector_load %arg17[%swap3A_159, %swap3A_160] {strides = array<i32>} : memref<16x128xf32, #tpu.memory_space<vmem>>, vector<1x16xf32>,
      %swap3A_162 = vector.shape_cast %swap3A_161 : vector<1x16xf32> to vector<16xf32>
      %swap3A_163 = vector.shape_cast %mul3A_158 : vector<16xf32> to vector<1x16xf32>
      tpu.vector_store %arg17[%swap3A_159, %swap3A_160], %swap3A_163 {strides = array<i32>} : memref<16x128xf32, #tpu.memory_space<vmem>>, vector<1x16xf32>,
      %get3A_164 = arith.index_cast %scan3A_95 : i32 to index
      %get3A_165 = arith.constant 80 : index
      %get3A_166 = tpu.vector_load %arg17[%get3A_164, %get3A_165] {strides = array<i32>} : memref<16x128xf32, #tpu.memory_space<vmem>>, vector<1x16xf32>,
      %get3A_167 = vector.shape_cast %get3A_166 : vector<1x16xf32> to vector<16xf32>
      %get3A_168 = arith.index_cast %scan3A_95 : i32 to index
      %get3A_169 = arith.constant 80 : index
      %get3A_170 = tpu.vector_load %arg16[%get3A_168, %get3A_169] {strides = array<i32>} : memref<16x128xf32, #tpu.memory_space<vmem>>, vector<1x16xf32>,
      %get3A_171 = vector.shape_cast %get3A_170 : vector<1x16xf32> to vector<16xf32>
      %mul3A_172 = arith.mulf %get3A_167, %get3A_171 : vector<16xf32>
      %swap3A_173 = arith.index_cast %scan3A_95 : i32 to index
      %swap3A_174 = arith.constant 80 : index
      %swap3A_175 = tpu.vector_load %arg17[%swap3A_173, %swap3A_174] {strides = array<i32>} : memref<16x128xf32, #tpu.memory_space<vmem>>, vector<1x16xf32>,
      %swap3A_176 = vector.shape_cast %swap3A_175 : vector<1x16xf32> to vector<16xf32>
      %swap3A_177 = vector.shape_cast %mul3A_172 : vector<16xf32> to vector<1x16xf32>
      tpu.vector_store %arg17[%swap3A_173, %swap3A_174], %swap3A_177 {strides = array<i32>} : memref<16x128xf32, #tpu.memory_space<vmem>>, vector<1x16xf32>,
      %get3A_178 = arith.index_cast %scan3A_95 : i32 to index
      %get3A_179 = arith.constant 96 : index
      %get3A_180 = tpu.vector_load %arg17[%get3A_178, %get3A_179] {strides = array<i32>} : memref<16x128xf32, #tpu.memory_space<vmem>>, vector<1x16xf32>,
      %get3A_181 = vector.shape_cast %get3A_180 : vector<1x16xf32> to vector<16xf32>
      %get3A_182 = arith.index_cast %scan3A_95 : i32 to index
      %get3A_183 = arith.constant 96 : index
      %get3A_184 = tpu.vector_load %arg16[%get3A_182, %get3A_183] {strides = array<i32>} : memref<16x128xf32, #tpu.memory_space<vmem>>, vector<1x16xf32>,
      %get3A_185 = vector.shape_cast %get3A_184 : vector<1x16xf32> to vector<16xf32>
      %mul3A_186 = arith.mulf %get3A_181, %get3A_185 : vector<16xf32>
      %swap3A_187 = arith.index_cast %scan3A_95 : i32 to index
      %swap3A_188 = arith.constant 96 : index
      %swap3A_189 = tpu.vector_load %arg17[%swap3A_187, %swap3A_188] {strides = array<i32>} : memref<16x128xf32, #tpu.memory_space<vmem>>, vector<1x16xf32>,
      %swap3A_190 = vector.shape_cast %swap3A_189 : vector<1x16xf32> to vector<16xf32>
      %swap3A_191 = vector.shape_cast %mul3A_186 : vector<16xf32> to vector<1x16xf32>
      tpu.vector_store %arg17[%swap3A_187, %swap3A_188], %swap3A_191 {strides = array<i32>} : memref<16x128xf32, #tpu.memory_space<vmem>>, vector<1x16xf32>,
      %get3A_192 = arith.index_cast %scan3A_95 : i32 to index
      %get3A_193 = arith.constant 112 : index
      %get3A_194 = tpu.vector_load %arg17[%get3A_192, %get3A_193] {strides = array<i32>} : memref<16x128xf32, #tpu.memory_space<vmem>>, vector<1x16xf32>,
      %get3A_195 = vector.shape_cast %get3A_194 : vector<1x16xf32> to vector<16xf32>
      %get3A_196 = arith.index_cast %scan3A_95 : i32 to index
      %get3A_197 = arith.constant 112 : index
      %get3A_198 = tpu.vector_load %arg16[%get3A_196, %get3A_197] {strides = array<i32>} : memref<16x128xf32, #tpu.memory_space<vmem>>, vector<1x16xf32>,
      %get3A_199 = vector.shape_cast %get3A_198 : vector<1x16xf32> to vector<16xf32>
      %mul3A_200 = arith.mulf %get3A_195, %get3A_199 : vector<16xf32>
      %swap3A_201 = arith.index_cast %scan3A_95 : i32 to index
      %swap3A_202 = arith.constant 112 : index
      %swap3A_203 = tpu.vector_load %arg17[%swap3A_201, %swap3A_202] {strides = array<i32>} : memref<16x128xf32, #tpu.memory_space<vmem>>, vector<1x16xf32>,
      %swap3A_204 = vector.shape_cast %swap3A_203 : vector<1x16xf32> to vector<16xf32>
      %swap3A_205 = vector.shape_cast %mul3A_200 : vector<16xf32> to vector<1x16xf32>
      tpu.vector_store %arg17[%swap3A_201, %swap3A_202], %swap3A_205 {strides = array<i32>} : memref<16x128xf32, #tpu.memory_space<vmem>>, vector<1x16xf32>,
    }
    %scan3A_83 = arith.constant 16 : i32
    "tpu.region"() ({
      %run_scoped3A = tpu.sem_alloc : memref<!tpu.dma_semaphore, #tpu.memory_space<semaphore_mem>>
      %dma_start3A_95 = arith.constant 0 : i32
      %dma_start3A_96 = arith.constant 0 : i32
      %dma_start3A_97 = tpu.memref_slice %arg18[%dma_start3A_95, %dma_start3A_96] : memref<5000x128xf32, #tpu.memory_space<vmem_shared>> -> memref<5000x128xf32, #tpu.memory_space<vmem_shared>>
      tpu.enqueue_indirect_dma source(%arg17 : memref<16x128xf32, #tpu.memory_space<vmem>>) target(%dma_start3A_97 : memref<5000x128xf32, #tpu.memory_space<vmem_shared>>) offsets(%arg13 : memref<16xi32, #tpu.memory_space<vmem>>) semaphore(%run_scoped3A : memref<!tpu.dma_semaphore, #tpu.memory_space<semaphore_mem>>) {add = true}
      %dma_wait3A_98 = arith.constant 0 : i32
      %dma_wait3A_99 = arith.constant 0 : i32
      %dma_wait3A_100 = tpu.memref_slice %arg18[%dma_wait3A_98, %dma_wait3A_99] : memref<5000x128xf32, #tpu.memory_space<vmem_shared>> -> memref<5000x128xf32, #tpu.memory_space<vmem_shared>>
      tpu.wait_indirect_dma semaphore(%run_scoped3A : memref<!tpu.dma_semaphore, #tpu.memory_space<semaphore_mem>>) src(%arg17 : memref<16x128xf32, #tpu.memory_space<vmem>>) dst(%dma_wait3A_100 : memref<5000x128xf32, #tpu.memory_space<vmem_shared>>)
      tpu.yield
    }) : () -> ()
    %barrier3A_84 = arith.constant 0 : index
    tpu.barrier barrier_id(%barrier3A_84)
    %mul3A_85 = arith.constant 312 : i32
    %mul3A_86 = arith.muli %arg1, %mul3A_85 : i32
    %mul3A_87 = arith.constant 312 : i32
    %mul3A_88 = arith.muli %arg1, %mul3A_87 : i32
    %add3A_89 = arith.addi %mul3A_4, %mul3A_88 : i32
    "tpu.region"() ({
      %run_scoped3A = tpu.sem_alloc : memref<!tpu.dma_semaphore, #tpu.memory_space<semaphore_mem>>
      %dma_start3A_95 = arith.constant 0 : i32
      %dma_start3A_96 = tpu.memref_slice %arg9[%add3A_89, %dma_start3A_95] : memref<10000x128xf32, #tpu.memory_space<hbm>> -> memref<312x128xf32, #tpu.memory_space<hbm>>
      %dma_start3A_97 = arith.constant 0 : i32
      %dma_start3A_98 = tpu.memref_slice %arg18[%mul3A_86, %dma_start3A_97] : memref<5000x128xf32, #tpu.memory_space<vmem_shared>> -> memref<312x128xf32, #tpu.memory_space<vmem_shared>>
      tpu.enqueue_dma source(%dma_start3A_98 : memref<312x128xf32, #tpu.memory_space<vmem_shared>>) target(%dma_start3A_96 : memref<312x128xf32, #tpu.memory_space<hbm>>) target_semaphore(%run_scoped3A : memref<!tpu.dma_semaphore, #tpu.memory_space<semaphore_mem>>)
      %dma_wait3A_99 = arith.constant 0 : i32
      %dma_wait3A_100 = tpu.memref_slice %arg9[%add3A_89, %dma_wait3A_99] : memref<10000x128xf32, #tpu.memory_space<hbm>> -> memref<312x128xf32, #tpu.memory_space<hbm>>
      %dma_wait3A_101 = arith.constant 0 : i32
      %dma_wait3A_102 = tpu.memref_slice %arg18[%mul3A_86, %dma_wait3A_101] : memref<5000x128xf32, #tpu.memory_space<vmem_shared>> -> memref<312x128xf32, #tpu.memory_space<vmem_shared>>
      tpu.wait_dma2 semaphore(%run_scoped3A : memref<!tpu.dma_semaphore, #tpu.memory_space<semaphore_mem>>) src(%dma_wait3A_102 : memref<312x128xf32, #tpu.memory_space<vmem_shared>>) dst(%dma_wait3A_100 : memref<312x128xf32, #tpu.memory_space<hbm>>)
      tpu.yield
    }) : () -> ()
    %eq3A_90 = arith.constant 15 : i32
    %eq3A_91 = arith.cmpi eq, %arg1, %eq3A_90 : i32
    %convert_element_type3A_92 = arith.extui %eq3A_91 : i1 to i32
    %cond3A_93 = arith.constant 0 : i32
    %cond3A_94 = arith.cmpi ne, %convert_element_type3A_92, %cond3A_93 : i32
    scf.if %cond3A_94 {
      %add3A_95 = arith.constant 4992 : i32
      %add3A_96 = arith.addi %mul3A_4, %add3A_95 : i32
      "tpu.region"() ({
        %run_scoped3A = tpu.sem_alloc : memref<!tpu.dma_semaphore, #tpu.memory_space<semaphore_mem>>
        %dma_start3A_97 = arith.constant 0 : i32
        %dma_start3A_98 = tpu.memref_slice %arg9[%add3A_96, %dma_start3A_97] : memref<10000x128xf32, #tpu.memory_space<hbm>> -> memref<8x128xf32, #tpu.memory_space<hbm>>
        %dma_start3A_99 = arith.constant 4992 : i32
        %dma_start3A_100 = arith.constant 0 : i32
        %dma_start3A_101 = tpu.memref_slice %arg18[%dma_start3A_99, %dma_start3A_100] : memref<5000x128xf32, #tpu.memory_space<vmem_shared>> -> memref<8x128xf32, #tpu.memory_space<vmem_shared>>
        tpu.enqueue_dma source(%dma_start3A_101 : memref<8x128xf32, #tpu.memory_space<vmem_shared>>) target(%dma_start3A_98 : memref<8x128xf32, #tpu.memory_space<hbm>>) target_semaphore(%run_scoped3A : memref<!tpu.dma_semaphore, #tpu.memory_space<semaphore_mem>>)
        %dma_wait3A_102 = arith.constant 0 : i32
        %dma_wait3A_103 = tpu.memref_slice %arg9[%add3A_96, %dma_wait3A_102] : memref<10000x128xf32, #tpu.memory_space<hbm>> -> memref<8x128xf32, #tpu.memory_space<hbm>>
        %dma_wait3A_104 = arith.constant 4992 : i32
        %dma_wait3A_105 = arith.constant 0 : i32
        %dma_wait3A_106 = tpu.memref_slice %arg18[%dma_wait3A_104, %dma_wait3A_105] : memref<5000x128xf32, #tpu.memory_space<vmem_shared>> -> memref<8x128xf32, #tpu.memory_space<vmem_shared>>
        tpu.wait_dma2 semaphore(%run_scoped3A : memref<!tpu.dma_semaphore, #tpu.memory_space<semaphore_mem>>) src(%dma_wait3A_106 : memref<8x128xf32, #tpu.memory_space<vmem_shared>>) dst(%dma_wait3A_103 : memref<8x128xf32, #tpu.memory_space<hbm>>)
        tpu.yield
      }) : () -> ()
    } else {
    }
    return
  }
}

#map = affine_map<(d0, d1) -> (0, 0)>
#map1 = affine_map<(d0, d1) -> (0, 0, 0)>
module attributes {stable_mosaic.version = 14 : i64} {
  func.func @_msg_kernel(%arg0: i32, %arg1: i32, %arg2: memref<10000x128xf32, #tpu.memory_space<hbm>>, %arg3: memref<320000x128xf32, #tpu.memory_space<hbm>>, %arg4: memref<32x78x128xi32, #tpu.memory_space<hbm>>, %arg5: memref<32x78x128xi32, #tpu.memory_space<hbm>>, %arg6: memref<32x16xi32, #tpu.memory_space<hbm>>, %arg7: memref<32x16xi32, #tpu.memory_space<hbm>>, %arg8: memref<5000x128xf32, #tpu.memory_space<hbm>>, %arg9: memref<10000x128xf32, #tpu.memory_space<hbm>>, %arg10: memref<78x128xi32, #tpu.memory_space<vmem>>, %arg11: memref<78x128xi32, #tpu.memory_space<vmem>>, %arg12: memref<16xi32, #tpu.memory_space<vmem>>, %arg13: memref<16xi32, #tpu.memory_space<vmem>>, %arg14: memref<2x128x128xf32, #tpu.memory_space<vmem>>, %arg15: memref<2x128x128xf32, #tpu.memory_space<vmem>>, %arg16: memref<16x128xf32, #tpu.memory_space<vmem>>, %arg17: memref<16x128xf32, #tpu.memory_space<vmem>>, %arg18: memref<5000x128xf32, #tpu.memory_space<vmem_shared>>, %arg19: memref<!tpu.dma_semaphore, #tpu.memory_space<semaphore_mem>>, %arg20: memref<!tpu.dma_semaphore, #tpu.memory_space<semaphore_mem>>, %arg21: memref<!tpu.dma_semaphore, #tpu.memory_space<semaphore_mem>>, %arg22: memref<!tpu.dma_semaphore, #tpu.memory_space<semaphore_mem>>, %arg23: memref<!tpu.dma_semaphore, #tpu.memory_space<semaphore_mem>>) attributes {dimension_semantics = [#tpu.dimension_semantics<core_parallel>, #tpu.dimension_semantics<subcore_parallel>], iteration_bounds = array<i64: 2, 16>, scalar_prefetch = 0 : i64, scratch_operands = 14 : i64, tpu.core_type = #tpu.core_type<sc_vector_subcore>, window_params = [{transform_indices = #map}, {transform_indices = #map}, {transform_indices = #map1}, {transform_indices = #map1}, {transform_indices = #map}, {transform_indices = #map}, {transform_indices = #map}, {transform_indices = #map}]} {
    %mul3A = arith.constant 16 : i32
    %mul3A_0 = arith.muli %arg0, %mul3A : i32
    %add3A = arith.addi %mul3A_0, %arg1 : i32
    %mul3A_1 = arith.constant 10000 : i32
    %mul3A_2 = arith.muli %add3A, %mul3A_1 : i32
    %mul3A_3 = arith.constant 5000 : i32
    %mul3A_4 = arith.muli %arg0, %mul3A_3 : i32
    "tpu.region"() ({
      %run_scoped3A = tpu.sem_alloc : memref<!tpu.dma_semaphore, #tpu.memory_space<semaphore_mem>>
      %dma_start3A_95 = arith.constant 0 : i32
      %dma_start3A_96 = arith.constant 0 : i32
      %dma_start3A_97 = tpu.memref_slice %arg4[%add3A, %dma_start3A_95, %dma_start3A_96] : memref<32x78x128xi32, #tpu.memory_space<hbm>> -> memref<1x78x128xi32, #tpu.memory_space<hbm>>
      %dma_start3A_98 = tpu.memref_squeeze %dma_start3A_97 : memref<1x78x128xi32, #tpu.memory_space<hbm>> -> memref<78x128xi32, #tpu.memory_space<hbm>>
      %dma_start3A_99 = arith.constant 0 : i32
      %dma_start3A_100 = arith.constant 0 : i32
      %dma_start3A_101 = tpu.memref_slice %arg4[%add3A, %dma_start3A_99, %dma_start3A_100] : memref<32x78x128xi32, #tpu.memory_space<hbm>> -> memref<1x78x128xi32, #tpu.memory_space<hbm>>
      %dma_start3A_102 = tpu.memref_squeeze %dma_start3A_101 : memref<1x78x128xi32, #tpu.memory_space<hbm>> -> memref<78x128xi32, #tpu.memory_space<hbm>>
      tpu.enqueue_dma source(%dma_start3A_102 : memref<78x128xi32, #tpu.memory_space<hbm>>) target(%arg10 : memref<78x128xi32, #tpu.memory_space<vmem>>) target_semaphore(%run_scoped3A : memref<!tpu.dma_semaphore, #tpu.memory_space<semaphore_mem>>)
      %dma_wait3A_103 = arith.constant 0 : i32
      %dma_wait3A_104 = arith.constant 0 : i32
      %dma_wait3A_105 = tpu.memref_slice %arg4[%add3A, %dma_wait3A_103, %dma_wait3A_104] : memref<32x78x128xi32, #tpu.memory_space<hbm>> -> memref<1x78x128xi32, #tpu.memory_space<hbm>>
      %dma_wait3A_106 = tpu.memref_squeeze %dma_wait3A_105 : memref<1x78x128xi32, #tpu.memory_space<hbm>> -> memref<78x128xi32, #tpu.memory_space<hbm>>
      %dma_wait3A_107 = arith.constant 0 : i32
      %dma_wait3A_108 = arith.constant 0 : i32
      %dma_wait3A_109 = tpu.memref_slice %arg4[%add3A, %dma_wait3A_107, %dma_wait3A_108] : memref<32x78x128xi32, #tpu.memory_space<hbm>> -> memref<1x78x128xi32, #tpu.memory_space<hbm>>
      %dma_wait3A_110 = tpu.memref_squeeze %dma_wait3A_109 : memref<1x78x128xi32, #tpu.memory_space<hbm>> -> memref<78x128xi32, #tpu.memory_space<hbm>>
      tpu.wait_dma2 semaphore(%run_scoped3A : memref<!tpu.dma_semaphore, #tpu.memory_space<semaphore_mem>>) src(%dma_wait3A_110 : memref<78x128xi32, #tpu.memory_space<hbm>>) dst(%arg10 : memref<78x128xi32, #tpu.memory_space<vmem>>)
      tpu.yield
    }) : () -> ()
    "tpu.region"() ({
      %run_scoped3A = tpu.sem_alloc : memref<!tpu.dma_semaphore, #tpu.memory_space<semaphore_mem>>
      %dma_start3A_95 = arith.constant 0 : i32
      %dma_start3A_96 = arith.constant 0 : i32
      %dma_start3A_97 = tpu.memref_slice %arg5[%add3A, %dma_start3A_95, %dma_start3A_96] : memref<32x78x128xi32, #tpu.memory_space<hbm>> -> memref<1x78x128xi32, #tpu.memory_space<hbm>>
      %dma_start3A_98 = tpu.memref_squeeze %dma_start3A_97 : memref<1x78x128xi32, #tpu.memory_space<hbm>> -> memref<78x128xi32, #tpu.memory_space<hbm>>
      %dma_start3A_99 = arith.constant 0 : i32
      %dma_start3A_100 = arith.constant 0 : i32
      %dma_start3A_101 = tpu.memref_slice %arg5[%add3A, %dma_start3A_99, %dma_start3A_100] : memref<32x78x128xi32, #tpu.memory_space<hbm>> -> memref<1x78x128xi32, #tpu.memory_space<hbm>>
      %dma_start3A_102 = tpu.memref_squeeze %dma_start3A_101 : memref<1x78x128xi32, #tpu.memory_space<hbm>> -> memref<78x128xi32, #tpu.memory_space<hbm>>
      tpu.enqueue_dma source(%dma_start3A_102 : memref<78x128xi32, #tpu.memory_space<hbm>>) target(%arg11 : memref<78x128xi32, #tpu.memory_space<vmem>>) target_semaphore(%run_scoped3A : memref<!tpu.dma_semaphore, #tpu.memory_space<semaphore_mem>>)
      %dma_wait3A_103 = arith.constant 0 : i32
      %dma_wait3A_104 = arith.constant 0 : i32
      %dma_wait3A_105 = tpu.memref_slice %arg5[%add3A, %dma_wait3A_103, %dma_wait3A_104] : memref<32x78x128xi32, #tpu.memory_space<hbm>> -> memref<1x78x128xi32, #tpu.memory_space<hbm>>
      %dma_wait3A_106 = tpu.memref_squeeze %dma_wait3A_105 : memref<1x78x128xi32, #tpu.memory_space<hbm>> -> memref<78x128xi32, #tpu.memory_space<hbm>>
      %dma_wait3A_107 = arith.constant 0 : i32
      %dma_wait3A_108 = arith.constant 0 : i32
      %dma_wait3A_109 = tpu.memref_slice %arg5[%add3A, %dma_wait3A_107, %dma_wait3A_108] : memref<32x78x128xi32, #tpu.memory_space<hbm>> -> memref<1x78x128xi32, #tpu.memory_space<hbm>>
      %dma_wait3A_110 = tpu.memref_squeeze %dma_wait3A_109 : memref<1x78x128xi32, #tpu.memory_space<hbm>> -> memref<78x128xi32, #tpu.memory_space<hbm>>
      tpu.wait_dma2 semaphore(%run_scoped3A : memref<!tpu.dma_semaphore, #tpu.memory_space<semaphore_mem>>) src(%dma_wait3A_110 : memref<78x128xi32, #tpu.memory_space<hbm>>) dst(%arg11 : memref<78x128xi32, #tpu.memory_space<vmem>>)
      tpu.yield
    }) : () -> ()
    "tpu.region"() ({
      %run_scoped3A = tpu.sem_alloc : memref<!tpu.dma_semaphore, #tpu.memory_space<semaphore_mem>>
      %dma_start3A_95 = arith.constant 0 : i32
      %dma_start3A_96 = tpu.memref_slice %arg6[%add3A, %dma_start3A_95] : memref<32x16xi32, #tpu.memory_space<hbm>> -> memref<1x16xi32, #tpu.memory_space<hbm>>
      %dma_start3A_97 = tpu.memref_squeeze %dma_start3A_96 : memref<1x16xi32, #tpu.memory_space<hbm>> -> memref<16xi32, #tpu.memory_space<hbm>>
      %dma_start3A_98 = arith.constant 0 : i32
      %dma_start3A_99 = tpu.memref_slice %arg6[%add3A, %dma_start3A_98] : memref<32x16xi32, #tpu.memory_space<hbm>> -> memref<1x16xi32, #tpu.memory_space<hbm>>
      %dma_start3A_100 = tpu.memref_squeeze %dma_start3A_99 : memref<1x16xi32, #tpu.memory_space<hbm>> -> memref<16xi32, #tpu.memory_space<hbm>>
      tpu.enqueue_dma source(%dma_start3A_100 : memref<16xi32, #tpu.memory_space<hbm>>) target(%arg12 : memref<16xi32, #tpu.memory_space<vmem>>) target_semaphore(%run_scoped3A : memref<!tpu.dma_semaphore, #tpu.memory_space<semaphore_mem>>)
      %dma_wait3A_101 = arith.constant 0 : i32
      %dma_wait3A_102 = tpu.memref_slice %arg6[%add3A, %dma_wait3A_101] : memref<32x16xi32, #tpu.memory_space<hbm>> -> memref<1x16xi32, #tpu.memory_space<hbm>>
      %dma_wait3A_103 = tpu.memref_squeeze %dma_wait3A_102 : memref<1x16xi32, #tpu.memory_space<hbm>> -> memref<16xi32, #tpu.memory_space<hbm>>
      %dma_wait3A_104 = arith.constant 0 : i32
      %dma_wait3A_105 = tpu.memref_slice %arg6[%add3A, %dma_wait3A_104] : memref<32x16xi32, #tpu.memory_space<hbm>> -> memref<1x16xi32, #tpu.memory_space<hbm>>
      %dma_wait3A_106 = tpu.memref_squeeze %dma_wait3A_105 : memref<1x16xi32, #tpu.memory_space<hbm>> -> memref<16xi32, #tpu.memory_space<hbm>>
      tpu.wait_dma2 semaphore(%run_scoped3A : memref<!tpu.dma_semaphore, #tpu.memory_space<semaphore_mem>>) src(%dma_wait3A_106 : memref<16xi32, #tpu.memory_space<hbm>>) dst(%arg12 : memref<16xi32, #tpu.memory_space<vmem>>)
      tpu.yield
    }) : () -> ()
    "tpu.region"() ({
      %run_scoped3A = tpu.sem_alloc : memref<!tpu.dma_semaphore, #tpu.memory_space<semaphore_mem>>
      %dma_start3A_95 = arith.constant 0 : i32
      %dma_start3A_96 = tpu.memref_slice %arg7[%add3A, %dma_start3A_95] : memref<32x16xi32, #tpu.memory_space<hbm>> -> memref<1x16xi32, #tpu.memory_space<hbm>>
      %dma_start3A_97 = tpu.memref_squeeze %dma_start3A_96 : memref<1x16xi32, #tpu.memory_space<hbm>> -> memref<16xi32, #tpu.memory_space<hbm>>
      %dma_start3A_98 = arith.constant 0 : i32
      %dma_start3A_99 = tpu.memref_slice %arg7[%add3A, %dma_start3A_98] : memref<32x16xi32, #tpu.memory_space<hbm>> -> memref<1x16xi32, #tpu.memory_space<hbm>>
      %dma_start3A_100 = tpu.memref_squeeze %dma_start3A_99 : memref<1x16xi32, #tpu.memory_space<hbm>> -> memref<16xi32, #tpu.memory_space<hbm>>
      tpu.enqueue_dma source(%dma_start3A_100 : memref<16xi32, #tpu.memory_space<hbm>>) target(%arg13 : memref<16xi32, #tpu.memory_space<vmem>>) target_semaphore(%run_scoped3A : memref<!tpu.dma_semaphore, #tpu.memory_space<semaphore_mem>>)
      %dma_wait3A_101 = arith.constant 0 : i32
      %dma_wait3A_102 = tpu.memref_slice %arg7[%add3A, %dma_wait3A_101] : memref<32x16xi32, #tpu.memory_space<hbm>> -> memref<1x16xi32, #tpu.memory_space<hbm>>
      %dma_wait3A_103 = tpu.memref_squeeze %dma_wait3A_102 : memref<1x16xi32, #tpu.memory_space<hbm>> -> memref<16xi32, #tpu.memory_space<hbm>>
      %dma_wait3A_104 = arith.constant 0 : i32
      %dma_wait3A_105 = tpu.memref_slice %arg7[%add3A, %dma_wait3A_104] : memref<32x16xi32, #tpu.memory_space<hbm>> -> memref<1x16xi32, #tpu.memory_space<hbm>>
      %dma_wait3A_106 = tpu.memref_squeeze %dma_wait3A_105 : memref<1x16xi32, #tpu.memory_space<hbm>> -> memref<16xi32, #tpu.memory_space<hbm>>
      tpu.wait_dma2 semaphore(%run_scoped3A : memref<!tpu.dma_semaphore, #tpu.memory_space<semaphore_mem>>) src(%dma_wait3A_106 : memref<16xi32, #tpu.memory_space<hbm>>) dst(%arg13 : memref<16xi32, #tpu.memory_space<vmem>>)
      tpu.yield
    }) : () -> ()
    %mul3A_5 = arith.constant 312 : i32
    %mul3A_6 = arith.muli %arg1, %mul3A_5 : i32
    %mul3A_7 = arith.constant 312 : i32
    %mul3A_8 = arith.muli %arg1, %mul3A_7 : i32
    "tpu.region"() ({
      %run_scoped3A = tpu.sem_alloc : memref<!tpu.dma_semaphore, #tpu.memory_space<semaphore_mem>>
      %dma_start3A_95 = arith.constant 0 : i32
      %dma_start3A_96 = tpu.memref_slice %arg18[%mul3A_8, %dma_start3A_95] : memref<5000x128xf32, #tpu.memory_space<vmem_shared>> -> memref<312x128xf32, #tpu.memory_space<vmem_shared>>
      %dma_start3A_97 = arith.constant 0 : i32
      %dma_start3A_98 = tpu.memref_slice %arg8[%mul3A_6, %dma_start3A_97] : memref<5000x128xf32, #tpu.memory_space<hbm>> -> memref<312x128xf32, #tpu.memory_space<hbm>>
      tpu.enqueue_dma source(%dma_start3A_98 : memref<312x128xf32, #tpu.memory_space<hbm>>) target(%dma_start3A_96 : memref<312x128xf32, #tpu.memory_space<vmem_shared>>) target_semaphore(%run_scoped3A : memref<!tpu.dma_semaphore, #tpu.memory_space<semaphore_mem>>)
      %dma_wait3A_99 = arith.constant 0 : i32
      %dma_wait3A_100 = tpu.memref_slice %arg18[%mul3A_8, %dma_wait3A_99] : memref<5000x128xf32, #tpu.memory_space<vmem_shared>> -> memref<312x128xf32, #tpu.memory_space<vmem_shared>>
      %dma_wait3A_101 = arith.constant 0 : i32
      %dma_wait3A_102 = tpu.memref_slice %arg8[%mul3A_6, %dma_wait3A_101] : memref<5000x128xf32, #tpu.memory_space<hbm>> -> memref<312x128xf32, #tpu.memory_space<hbm>>
      tpu.wait_dma2 semaphore(%run_scoped3A : memref<!tpu.dma_semaphore, #tpu.memory_space<semaphore_mem>>) src(%dma_wait3A_102 : memref<312x128xf32, #tpu.memory_space<hbm>>) dst(%dma_wait3A_100 : memref<312x128xf32, #tpu.memory_space<vmem_shared>>)
      tpu.yield
    }) : () -> ()
    %eq3A = arith.constant 15 : i32
    %eq3A_9 = arith.cmpi eq, %arg1, %eq3A : i32
    %convert_element_type3A = arith.extui %eq3A_9 : i1 to i32
    %cond3A = arith.constant 0 : i32
    %cond3A_10 = arith.cmpi ne, %convert_element_type3A, %cond3A : i32
    scf.if %cond3A_10 {
      "tpu.region"() ({
        %run_scoped3A = tpu.sem_alloc : memref<!tpu.dma_semaphore, #tpu.memory_space<semaphore_mem>>
        %dma_start3A_95 = arith.constant 4992 : i32
        %dma_start3A_96 = arith.constant 0 : i32
        %dma_start3A_97 = tpu.memref_slice %arg18[%dma_start3A_95, %dma_start3A_96] : memref<5000x128xf32, #tpu.memory_space<vmem_shared>> -> memref<8x128xf32, #tpu.memory_space<vmem_shared>>
        %dma_start3A_98 = arith.constant 4992 : i32
        %dma_start3A_99 = arith.constant 0 : i32
        %dma_start3A_100 = tpu.memref_slice %arg8[%dma_start3A_98, %dma_start3A_99] : memref<5000x128xf32, #tpu.memory_space<hbm>> -> memref<8x128xf32, #tpu.memory_space<hbm>>
        tpu.enqueue_dma source(%dma_start3A_100 : memref<8x128xf32, #tpu.memory_space<hbm>>) target(%dma_start3A_97 : memref<8x128xf32, #tpu.memory_space<vmem_shared>>) target_semaphore(%run_scoped3A : memref<!tpu.dma_semaphore, #tpu.memory_space<semaphore_mem>>)
        %dma_wait3A_101 = arith.constant 4992 : i32
        %dma_wait3A_102 = arith.constant 0 : i32
        %dma_wait3A_103 = tpu.memref_slice %arg18[%dma_wait3A_101, %dma_wait3A_102] : memref<5000x128xf32, #tpu.memory_space<vmem_shared>> -> memref<8x128xf32, #tpu.memory_space<vmem_shared>>
        %dma_wait3A_104 = arith.constant 4992 : i32
        %dma_wait3A_105 = arith.constant 0 : i32
        %dma_wait3A_106 = tpu.memref_slice %arg8[%dma_wait3A_104, %dma_wait3A_105] : memref<5000x128xf32, #tpu.memory_space<hbm>> -> memref<8x128xf32, #tpu.memory_space<hbm>>
        tpu.wait_dma2 semaphore(%run_scoped3A : memref<!tpu.dma_semaphore, #tpu.memory_space<semaphore_mem>>) src(%dma_wait3A_106 : memref<8x128xf32, #tpu.memory_space<hbm>>) dst(%dma_wait3A_103 : memref<8x128xf32, #tpu.memory_space<vmem_shared>>)
        tpu.yield
      }) : () -> ()
    } else {
    }
    %barrier3A = arith.constant 0 : index
    tpu.barrier barrier_id(%barrier3A)
    %add3A_11 = arith.constant 0 : i32
    %add3A_12 = arith.addi %mul3A_2, %add3A_11 : i32
    %multiple_of3A = tpu.assume_multiple %add3A_12, 8 : i32
    %dma_start3A = arith.constant 0 : i32
    %dma_start3A_13 = arith.constant 0 : i32
    %dma_start3A_14 = arith.constant 0 : i32
    %dma_start3A_15 = tpu.memref_slice %arg14[%dma_start3A, %dma_start3A_13, %dma_start3A_14] : memref<2x128x128xf32, #tpu.memory_space<vmem>> -> memref<1x128x128xf32, #tpu.memory_space<vmem>>
    %dma_start3A_16 = tpu.memref_squeeze %dma_start3A_15 : memref<1x128x128xf32, #tpu.memory_space<vmem>> -> memref<128x128xf32, #tpu.memory_space<vmem>>
    %dma_start3A_17 = arith.constant 0 : i32
    %dma_start3A_18 = tpu.memref_slice %arg3[%multiple_of3A, %dma_start3A_17] : memref<320000x128xf32, #tpu.memory_space<hbm>> -> memref<128x128xf32, #tpu.memory_space<hbm>>
    %dma_start3A_19 = arith.constant 0 : i32
    %dma_start3A_20 = arith.constant 0 : i32
    %dma_start3A_21 = tpu.memref_slice %arg14[%dma_start3A, %dma_start3A_19, %dma_start3A_20] : memref<2x128x128xf32, #tpu.memory_space<vmem>> -> memref<1x128x128xf32, #tpu.memory_space<vmem>>
    %dma_start3A_22 = tpu.memref_squeeze %dma_start3A_21 : memref<1x128x128xf32, #tpu.memory_space<vmem>> -> memref<128x128xf32, #tpu.memory_space<vmem>>
    %dma_start3A_23 = arith.constant 0 : i32
    %dma_start3A_24 = tpu.memref_slice %arg3[%multiple_of3A, %dma_start3A_23] : memref<320000x128xf32, #tpu.memory_space<hbm>> -> memref<128x128xf32, #tpu.memory_space<hbm>>
    tpu.enqueue_dma source(%dma_start3A_24 : memref<128x128xf32, #tpu.memory_space<hbm>>) target(%dma_start3A_22 : memref<128x128xf32, #tpu.memory_space<vmem>>) target_semaphore(%arg21 : memref<!tpu.dma_semaphore, #tpu.memory_space<semaphore_mem>>)
    %dma_start3A_25 = arith.constant 0 : i32
    %dma_start3A_26 = arith.constant 0 : i32
    %dma_start3A_27 = arith.constant 0 : i32
    %dma_start3A_28 = arith.constant 0 : i32
    %dma_start3A_29 = tpu.memref_slice %arg15[%dma_start3A_26, %dma_start3A_27, %dma_start3A_28] : memref<2x128x128xf32, #tpu.memory_space<vmem>> -> memref<1x128x128xf32, #tpu.memory_space<vmem>>
    %dma_start3A_30 = tpu.memref_squeeze %dma_start3A_29 : memref<1x128x128xf32, #tpu.memory_space<vmem>> -> memref<128x128xf32, #tpu.memory_space<vmem>>
    %dma_start3A_31 = arith.constant 0 : i32
    %dma_start3A_32 = tpu.memref_slice %arg10[%dma_start3A_25, %dma_start3A_31] : memref<78x128xi32, #tpu.memory_space<vmem>> -> memref<1x128xi32, #tpu.memory_space<vmem>>
    %dma_start3A_33 = tpu.memref_squeeze %dma_start3A_32 : memref<1x128xi32, #tpu.memory_space<vmem>> -> memref<128xi32, #tpu.memory_space<vmem>>
    %dma_start3A_34 = arith.constant 0 : i32
    %dma_start3A_35 = arith.constant 0 : i32
    %dma_start3A_36 = tpu.memref_slice %arg2[%dma_start3A_34, %dma_start3A_35] : memref<10000x128xf32, #tpu.memory_space<hbm>> -> memref<10000x128xf32, #tpu.memory_space<hbm>>
    tpu.enqueue_indirect_dma source(%dma_start3A_36 : memref<10000x128xf32, #tpu.memory_space<hbm>>) target(%dma_start3A_30 : memref<128x128xf32, #tpu.memory_space<vmem>>) offsets(%dma_start3A_33 : memref<128xi32, #tpu.memory_space<vmem>>) semaphore(%arg19 : memref<!tpu.dma_semaphore, #tpu.memory_space<semaphore_mem>>)
    %add3A_37 = arith.constant 128 : i32
    %add3A_38 = arith.addi %mul3A_2, %add3A_37 : i32
    %multiple_of3A_39 = tpu.assume_multiple %add3A_38, 8 : i32
    %dma_start3A_40 = arith.constant 1 : i32
    %dma_start3A_41 = arith.constant 0 : i32
    %dma_start3A_42 = arith.constant 0 : i32
    %dma_start3A_43 = tpu.memref_slice %arg14[%dma_start3A_40, %dma_start3A_41, %dma_start3A_42] : memref<2x128x128xf32, #tpu.memory_space<vmem>> -> memref<1x128x128xf32, #tpu.memory_space<vmem>>
    %dma_start3A_44 = tpu.memref_squeeze %dma_start3A_43 : memref<1x128x128xf32, #tpu.memory_space<vmem>> -> memref<128x128xf32, #tpu.memory_space<vmem>>
    %dma_start3A_45 = arith.constant 0 : i32
    %dma_start3A_46 = tpu.memref_slice %arg3[%multiple_of3A_39, %dma_start3A_45] : memref<320000x128xf32, #tpu.memory_space<hbm>> -> memref<128x128xf32, #tpu.memory_space<hbm>>
    %dma_start3A_47 = arith.constant 0 : i32
    %dma_start3A_48 = arith.constant 0 : i32
    %dma_start3A_49 = tpu.memref_slice %arg14[%dma_start3A_40, %dma_start3A_47, %dma_start3A_48] : memref<2x128x128xf32, #tpu.memory_space<vmem>> -> memref<1x128x128xf32, #tpu.memory_space<vmem>>
    %dma_start3A_50 = tpu.memref_squeeze %dma_start3A_49 : memref<1x128x128xf32, #tpu.memory_space<vmem>> -> memref<128x128xf32, #tpu.memory_space<vmem>>
    %dma_start3A_51 = arith.constant 0 : i32
    %dma_start3A_52 = tpu.memref_slice %arg3[%multiple_of3A_39, %dma_start3A_51] : memref<320000x128xf32, #tpu.memory_space<hbm>> -> memref<128x128xf32, #tpu.memory_space<hbm>>
    tpu.enqueue_dma source(%dma_start3A_52 : memref<128x128xf32, #tpu.memory_space<hbm>>) target(%dma_start3A_50 : memref<128x128xf32, #tpu.memory_space<vmem>>) target_semaphore(%arg22 : memref<!tpu.dma_semaphore, #tpu.memory_space<semaphore_mem>>)
    %dma_start3A_53 = arith.constant 1 : i32
    %dma_start3A_54 = arith.constant 1 : i32
    %dma_start3A_55 = arith.constant 0 : i32
    %dma_start3A_56 = arith.constant 0 : i32
    %dma_start3A_57 = tpu.memref_slice %arg15[%dma_start3A_54, %dma_start3A_55, %dma_start3A_56] : memref<2x128x128xf32, #tpu.memory_space<vmem>> -> memref<1x128x128xf32, #tpu.memory_space<vmem>>
    %dma_start3A_58 = tpu.memref_squeeze %dma_start3A_57 : memref<1x128x128xf32, #tpu.memory_space<vmem>> -> memref<128x128xf32, #tpu.memory_space<vmem>>
    %dma_start3A_59 = arith.constant 0 : i32
    %dma_start3A_60 = tpu.memref_slice %arg10[%dma_start3A_53, %dma_start3A_59] : memref<78x128xi32, #tpu.memory_space<vmem>> -> memref<1x128xi32, #tpu.memory_space<vmem>>
    %dma_start3A_61 = tpu.memref_squeeze %dma_start3A_60 : memref<1x128xi32, #tpu.memory_space<vmem>> -> memref<128xi32, #tpu.memory_space<vmem>>
    %dma_start3A_62 = arith.constant 0 : i32
    %dma_start3A_63 = arith.constant 0 : i32
    %dma_start3A_64 = tpu.memref_slice %arg2[%dma_start3A_62, %dma_start3A_63] : memref<10000x128xf32, #tpu.memory_space<hbm>> -> memref<10000x128xf32, #tpu.memory_space<hbm>>
    tpu.enqueue_indirect_dma source(%dma_start3A_64 : memref<10000x128xf32, #tpu.memory_space<hbm>>) target(%dma_start3A_58 : memref<128x128xf32, #tpu.memory_space<vmem>>) offsets(%dma_start3A_61 : memref<128xi32, #tpu.memory_space<vmem>>) semaphore(%arg20 : memref<!tpu.dma_semaphore, #tpu.memory_space<semaphore_mem>>)
    %scan3A = arith.constant 0 : i32
    %scan3A_65 = arith.constant 0 : i32
    %scan3A_66 = arith.constant 39 : i32
    %scan3A_67 = arith.addi %scan3A_65, %scan3A_66 : i32
    %scan3A_68 = arith.constant 1 : i32
    scf.for %scan3A_95 = %scan3A_65 to %scan3A_67 step %scan3A_68  : i32 {
      %mul3A_96 = arith.constant 2 : i32
      %mul3A_97 = arith.muli %mul3A_96, %scan3A_95 : i32
      %add3A_98 = arith.constant 0 : i32
      %add3A_99 = arith.addi %mul3A_97, %add3A_98 : i32
      %dma_wait3A_100 = arith.constant 0 : i32
      %dma_wait3A_101 = arith.constant 0 : i32
      %dma_wait3A_102 = arith.constant 0 : i32
      %dma_wait3A_103 = tpu.memref_slice %arg14[%dma_wait3A_100, %dma_wait3A_101, %dma_wait3A_102] : memref<2x128x128xf32, #tpu.memory_space<vmem>> -> memref<1x128x128xf32, #tpu.memory_space<vmem>>
      %dma_wait3A_104 = tpu.memref_squeeze %dma_wait3A_103 : memref<1x128x128xf32, #tpu.memory_space<vmem>> -> memref<128x128xf32, #tpu.memory_space<vmem>>
      %dma_wait3A_105 = arith.constant 0 : i32
      %dma_wait3A_106 = arith.constant 0 : i32
      %dma_wait3A_107 = tpu.memref_slice %arg3[%dma_wait3A_105, %dma_wait3A_106] : memref<320000x128xf32, #tpu.memory_space<hbm>> -> memref<128x128xf32, #tpu.memory_space<hbm>>
      %dma_wait3A_108 = arith.constant 0 : i32
      %dma_wait3A_109 = arith.constant 0 : i32
      %dma_wait3A_110 = tpu.memref_slice %arg14[%dma_wait3A_100, %dma_wait3A_108, %dma_wait3A_109] : memref<2x128x128xf32, #tpu.memory_space<vmem>> -> memref<1x128x128xf32, #tpu.memory_space<vmem>>
      %dma_wait3A_111 = tpu.memref_squeeze %dma_wait3A_110 : memref<1x128x128xf32, #tpu.memory_space<vmem>> -> memref<128x128xf32, #tpu.memory_space<vmem>>
      %dma_wait3A_112 = arith.constant 0 : i32
      %dma_wait3A_113 = arith.constant 0 : i32
      %dma_wait3A_114 = tpu.memref_slice %arg3[%dma_wait3A_112, %dma_wait3A_113] : memref<320000x128xf32, #tpu.memory_space<hbm>> -> memref<128x128xf32, #tpu.memory_space<hbm>>
      tpu.wait_dma2 semaphore(%arg21 : memref<!tpu.dma_semaphore, #tpu.memory_space<semaphore_mem>>) src(%dma_wait3A_114 : memref<128x128xf32, #tpu.memory_space<hbm>>) dst(%dma_wait3A_111 : memref<128x128xf32, #tpu.memory_space<vmem>>)
      %dma_wait3A_115 = arith.constant 0 : i32
      %dma_wait3A_116 = arith.constant 0 : i32
      %dma_wait3A_117 = arith.constant 0 : i32
      %dma_wait3A_118 = arith.constant 0 : i32
      %dma_wait3A_119 = tpu.memref_slice %arg15[%dma_wait3A_116, %dma_wait3A_117, %dma_wait3A_118] : memref<2x128x128xf32, #tpu.memory_space<vmem>> -> memref<1x128x128xf32, #tpu.memory_space<vmem>>
      %dma_wait3A_120 = tpu.memref_squeeze %dma_wait3A_119 : memref<1x128x128xf32, #tpu.memory_space<vmem>> -> memref<128x128xf32, #tpu.memory_space<vmem>>
      %dma_wait3A_121 = arith.constant 0 : i32
      %dma_wait3A_122 = tpu.memref_slice %arg10[%dma_wait3A_115, %dma_wait3A_121] : memref<78x128xi32, #tpu.memory_space<vmem>> -> memref<1x128xi32, #tpu.memory_space<vmem>>
      %dma_wait3A_123 = tpu.memref_squeeze %dma_wait3A_122 : memref<1x128xi32, #tpu.memory_space<vmem>> -> memref<128xi32, #tpu.memory_space<vmem>>
      %dma_wait3A_124 = arith.constant 0 : i32
      %dma_wait3A_125 = arith.constant 0 : i32
      %dma_wait3A_126 = tpu.memref_slice %arg2[%dma_wait3A_124, %dma_wait3A_125] : memref<10000x128xf32, #tpu.memory_space<hbm>> -> memref<10000x128xf32, #tpu.memory_space<hbm>>
      tpu.wait_indirect_dma semaphore(%arg19 : memref<!tpu.dma_semaphore, #tpu.memory_space<semaphore_mem>>) src(%dma_wait3A_126 : memref<10000x128xf32, #tpu.memory_space<hbm>>) dst(%dma_wait3A_120 : memref<128x128xf32, #tpu.memory_space<vmem>>)
      %scan3A_127 = arith.constant 0 : i32
      %scan3A_128 = arith.constant 0 : i32
      %scan3A_129 = arith.constant 0 : i32
      %scan3A_130 = arith.constant 0 : i32
      %scan3A_131 = arith.constant 128 : i32
      %scan3A_132 = arith.addi %scan3A_130, %scan3A_131 : i32
      %scan3A_133 = arith.constant 1 : i32
      scf.for %scan3A_184 = %scan3A_130 to %scan3A_132 step %scan3A_133  : i32 {
        %get3A = arith.constant 0 : i32
        %get3A_185 = arith.constant 0 : i32
        %get3A_186 = tpu.memref_slice %arg15[%scan3A_128, %get3A, %get3A_185] : memref<2x128x128xf32, #tpu.memory_space<vmem>> -> memref<1x128x128xf32, #tpu.memory_space<vmem>>
        %get3A_187 = tpu.memref_squeeze %get3A_186 : memref<1x128x128xf32, #tpu.memory_space<vmem>> -> memref<128x128xf32, #tpu.memory_space<vmem>>
        %get3A_188 = arith.index_cast %scan3A_184 : i32 to index
        %get3A_189 = arith.constant 0 : index
        %get3A_190 = tpu.vector_load %get3A_187[%get3A_188, %get3A_189] {strides = array<i32>} : memref<128x128xf32, #tpu.memory_space<vmem>>, vector<1x16xf32>,
        %get3A_191 = vector.shape_cast %get3A_190 : vector<1x16xf32> to vector<16xf32>
        %get3A_192 = arith.constant 0 : i32
        %get3A_193 = arith.constant 0 : i32
        %get3A_194 = tpu.memref_slice %arg14[%scan3A_129, %get3A_192, %get3A_193] : memref<2x128x128xf32, #tpu.memory_space<vmem>> -> memref<1x128x128xf32, #tpu.memory_space<vmem>>
        %get3A_195 = tpu.memref_squeeze %get3A_194 : memref<1x128x128xf32, #tpu.memory_space<vmem>> -> memref<128x128xf32, #tpu.memory_space<vmem>>
        %get3A_196 = arith.index_cast %scan3A_184 : i32 to index
        %get3A_197 = arith.constant 0 : index
        %get3A_198 = tpu.vector_load %get3A_195[%get3A_196, %get3A_197] {strides = array<i32>} : memref<128x128xf32, #tpu.memory_space<vmem>>, vector<1x16xf32>,
        %get3A_199 = vector.shape_cast %get3A_198 : vector<1x16xf32> to vector<16xf32>
        %mul3A_200 = arith.mulf %get3A_191, %get3A_199 : vector<16xf32>
        %swap3A = arith.constant 0 : i32
        %swap3A_201 = arith.constant 0 : i32
        %swap3A_202 = tpu.memref_slice %arg15[%scan3A_128, %swap3A, %swap3A_201] : memref<2x128x128xf32, #tpu.memory_space<vmem>> -> memref<1x128x128xf32, #tpu.memory_space<vmem>>
        %swap3A_203 = tpu.memref_squeeze %swap3A_202 : memref<1x128x128xf32, #tpu.memory_space<vmem>> -> memref<128x128xf32, #tpu.memory_space<vmem>>
        %swap3A_204 = arith.index_cast %scan3A_184 : i32 to index
        %swap3A_205 = arith.constant 0 : index
        %swap3A_206 = tpu.vector_load %swap3A_203[%swap3A_204, %swap3A_205] {strides = array<i32>} : memref<128x128xf32, #tpu.memory_space<vmem>>, vector<1x16xf32>,
        %swap3A_207 = vector.shape_cast %swap3A_206 : vector<1x16xf32> to vector<16xf32>
        %swap3A_208 = vector.shape_cast %mul3A_200 : vector<16xf32> to vector<1x16xf32>
        tpu.vector_store %swap3A_203[%swap3A_204, %swap3A_205], %swap3A_208 {strides = array<i32>} : memref<128x128xf32, #tpu.memory_space<vmem>>, vector<1x16xf32>,
        %get3A_209 = arith.constant 0 : i32
        %get3A_210 = arith.constant 0 : i32
        %get3A_211 = tpu.memref_slice %arg15[%scan3A_128, %get3A_209, %get3A_210] : memref<2x128x128xf32, #tpu.memory_space<vmem>> -> memref<1x128x128xf32, #tpu.memory_space<vmem>>
        %get3A_212 = tpu.memref_squeeze %get3A_211 : memref<1x128x128xf32, #tpu.memory_space<vmem>> -> memref<128x128xf32, #tpu.memory_space<vmem>>
        %get3A_213 = arith.index_cast %scan3A_184 : i32 to index
        %get3A_214 = arith.constant 16 : index
        %get3A_215 = tpu.vector_load %get3A_212[%get3A_213, %get3A_214] {strides = array<i32>} : memref<128x128xf32, #tpu.memory_space<vmem>>, vector<1x16xf32>,
        %get3A_216 = vector.shape_cast %get3A_215 : vector<1x16xf32> to vector<16xf32>
        %get3A_217 = arith.constant 0 : i32
        %get3A_218 = arith.constant 0 : i32
        %get3A_219 = tpu.memref_slice %arg14[%scan3A_129, %get3A_217, %get3A_218] : memref<2x128x128xf32, #tpu.memory_space<vmem>> -> memref<1x128x128xf32, #tpu.memory_space<vmem>>
        %get3A_220 = tpu.memref_squeeze %get3A_219 : memref<1x128x128xf32, #tpu.memory_space<vmem>> -> memref<128x128xf32, #tpu.memory_space<vmem>>
        %get3A_221 = arith.index_cast %scan3A_184 : i32 to index
        %get3A_222 = arith.constant 16 : index
        %get3A_223 = tpu.vector_load %get3A_220[%get3A_221, %get3A_222] {strides = array<i32>} : memref<128x128xf32, #tpu.memory_space<vmem>>, vector<1x16xf32>,
        %get3A_224 = vector.shape_cast %get3A_223 : vector<1x16xf32> to vector<16xf32>
        %mul3A_225 = arith.mulf %get3A_216, %get3A_224 : vector<16xf32>
        %swap3A_226 = arith.constant 0 : i32
        %swap3A_227 = arith.constant 0 : i32
        %swap3A_228 = tpu.memref_slice %arg15[%scan3A_128, %swap3A_226, %swap3A_227] : memref<2x128x128xf32, #tpu.memory_space<vmem>> -> memref<1x128x128xf32, #tpu.memory_space<vmem>>
        %swap3A_229 = tpu.memref_squeeze %swap3A_228 : memref<1x128x128xf32, #tpu.memory_space<vmem>> -> memref<128x128xf32, #tpu.memory_space<vmem>>
        %swap3A_230 = arith.index_cast %scan3A_184 : i32 to index
        %swap3A_231 = arith.constant 16 : index
        %swap3A_232 = tpu.vector_load %swap3A_229[%swap3A_230, %swap3A_231] {strides = array<i32>} : memref<128x128xf32, #tpu.memory_space<vmem>>, vector<1x16xf32>,
        %swap3A_233 = vector.shape_cast %swap3A_232 : vector<1x16xf32> to vector<16xf32>
        %swap3A_234 = vector.shape_cast %mul3A_225 : vector<16xf32> to vector<1x16xf32>
        tpu.vector_store %swap3A_229[%swap3A_230, %swap3A_231], %swap3A_234 {strides = array<i32>} : memref<128x128xf32, #tpu.memory_space<vmem>>, vector<1x16xf32>,
        %get3A_235 = arith.constant 0 : i32
        %get3A_236 = arith.constant 0 : i32
        %get3A_237 = tpu.memref_slice %arg15[%scan3A_128, %get3A_235, %get3A_236] : memref<2x128x128xf32, #tpu.memory_space<vmem>> -> memref<1x128x128xf32, #tpu.memory_space<vmem>>
        %get3A_238 = tpu.memref_squeeze %get3A_237 : memref<1x128x128xf32, #tpu.memory_space<vmem>> -> memref<128x128xf32, #tpu.memory_space<vmem>>
        %get3A_239 = arith.index_cast %scan3A_184 : i32 to index
        %get3A_240 = arith.constant 32 : index
        %get3A_241 = tpu.vector_load %get3A_238[%get3A_239, %get3A_240] {strides = array<i32>} : memref<128x128xf32, #tpu.memory_space<vmem>>, vector<1x16xf32>,
        %get3A_242 = vector.shape_cast %get3A_241 : vector<1x16xf32> to vector<16xf32>
        %get3A_243 = arith.constant 0 : i32
        %get3A_244 = arith.constant 0 : i32
        %get3A_245 = tpu.memref_slice %arg14[%scan3A_129, %get3A_243, %get3A_244] : memref<2x128x128xf32, #tpu.memory_space<vmem>> -> memref<1x128x128xf32, #tpu.memory_space<vmem>>
        %get3A_246 = tpu.memref_squeeze %get3A_245 : memref<1x128x128xf32, #tpu.memory_space<vmem>> -> memref<128x128xf32, #tpu.memory_space<vmem>>
        %get3A_247 = arith.index_cast %scan3A_184 : i32 to index
        %get3A_248 = arith.constant 32 : index
        %get3A_249 = tpu.vector_load %get3A_246[%get3A_247, %get3A_248] {strides = array<i32>} : memref<128x128xf32, #tpu.memory_space<vmem>>, vector<1x16xf32>,
        %get3A_250 = vector.shape_cast %get3A_249 : vector<1x16xf32> to vector<16xf32>
        %mul3A_251 = arith.mulf %get3A_242, %get3A_250 : vector<16xf32>
        %swap3A_252 = arith.constant 0 : i32
        %swap3A_253 = arith.constant 0 : i32
        %swap3A_254 = tpu.memref_slice %arg15[%scan3A_128, %swap3A_252, %swap3A_253] : memref<2x128x128xf32, #tpu.memory_space<vmem>> -> memref<1x128x128xf32, #tpu.memory_space<vmem>>
        %swap3A_255 = tpu.memref_squeeze %swap3A_254 : memref<1x128x128xf32, #tpu.memory_space<vmem>> -> memref<128x128xf32, #tpu.memory_space<vmem>>
        %swap3A_256 = arith.index_cast %scan3A_184 : i32 to index
        %swap3A_257 = arith.constant 32 : index
        %swap3A_258 = tpu.vector_load %swap3A_255[%swap3A_256, %swap3A_257] {strides = array<i32>} : memref<128x128xf32, #tpu.memory_space<vmem>>, vector<1x16xf32>,
        %swap3A_259 = vector.shape_cast %swap3A_258 : vector<1x16xf32> to vector<16xf32>
        %swap3A_260 = vector.shape_cast %mul3A_251 : vector<16xf32> to vector<1x16xf32>
        tpu.vector_store %swap3A_255[%swap3A_256, %swap3A_257], %swap3A_260 {strides = array<i32>} : memref<128x128xf32, #tpu.memory_space<vmem>>, vector<1x16xf32>,
        %get3A_261 = arith.constant 0 : i32
        %get3A_262 = arith.constant 0 : i32
        %get3A_263 = tpu.memref_slice %arg15[%scan3A_128, %get3A_261, %get3A_262] : memref<2x128x128xf32, #tpu.memory_space<vmem>> -> memref<1x128x128xf32, #tpu.memory_space<vmem>>
        %get3A_264 = tpu.memref_squeeze %get3A_263 : memref<1x128x128xf32, #tpu.memory_space<vmem>> -> memref<128x128xf32, #tpu.memory_space<vmem>>
        %get3A_265 = arith.index_cast %scan3A_184 : i32 to index
        %get3A_266 = arith.constant 48 : index
        %get3A_267 = tpu.vector_load %get3A_264[%get3A_265, %get3A_266] {strides = array<i32>} : memref<128x128xf32, #tpu.memory_space<vmem>>, vector<1x16xf32>,
        %get3A_268 = vector.shape_cast %get3A_267 : vector<1x16xf32> to vector<16xf32>
        %get3A_269 = arith.constant 0 : i32
        %get3A_270 = arith.constant 0 : i32
        %get3A_271 = tpu.memref_slice %arg14[%scan3A_129, %get3A_269, %get3A_270] : memref<2x128x128xf32, #tpu.memory_space<vmem>> -> memref<1x128x128xf32, #tpu.memory_space<vmem>>
        %get3A_272 = tpu.memref_squeeze %get3A_271 : memref<1x128x128xf32, #tpu.memory_space<vmem>> -> memref<128x128xf32, #tpu.memory_space<vmem>>
        %get3A_273 = arith.index_cast %scan3A_184 : i32 to index
        %get3A_274 = arith.constant 48 : index
        %get3A_275 = tpu.vector_load %get3A_272[%get3A_273, %get3A_274] {strides = array<i32>} : memref<128x128xf32, #tpu.memory_space<vmem>>, vector<1x16xf32>,
        %get3A_276 = vector.shape_cast %get3A_275 : vector<1x16xf32> to vector<16xf32>
        %mul3A_277 = arith.mulf %get3A_268, %get3A_276 : vector<16xf32>
        %swap3A_278 = arith.constant 0 : i32
        %swap3A_279 = arith.constant 0 : i32
        %swap3A_280 = tpu.memref_slice %arg15[%scan3A_128, %swap3A_278, %swap3A_279] : memref<2x128x128xf32, #tpu.memory_space<vmem>> -> memref<1x128x128xf32, #tpu.memory_space<vmem>>
        %swap3A_281 = tpu.memref_squeeze %swap3A_280 : memref<1x128x128xf32, #tpu.memory_space<vmem>> -> memref<128x128xf32, #tpu.memory_space<vmem>>
        %swap3A_282 = arith.index_cast %scan3A_184 : i32 to index
        %swap3A_283 = arith.constant 48 : index
        %swap3A_284 = tpu.vector_load %swap3A_281[%swap3A_282, %swap3A_283] {strides = array<i32>} : memref<128x128xf32, #tpu.memory_space<vmem>>, vector<1x16xf32>,
        %swap3A_285 = vector.shape_cast %swap3A_284 : vector<1x16xf32> to vector<16xf32>
        %swap3A_286 = vector.shape_cast %mul3A_277 : vector<16xf32> to vector<1x16xf32>
        tpu.vector_store %swap3A_281[%swap3A_282, %swap3A_283], %swap3A_286 {strides = array<i32>} : memref<128x128xf32, #tpu.memory_space<vmem>>, vector<1x16xf32>,
        %get3A_287 = arith.constant 0 : i32
        %get3A_288 = arith.constant 0 : i32
        %get3A_289 = tpu.memref_slice %arg15[%scan3A_128, %get3A_287, %get3A_288] : memref<2x128x128xf32, #tpu.memory_space<vmem>> -> memref<1x128x128xf32, #tpu.memory_space<vmem>>
        %get3A_290 = tpu.memref_squeeze %get3A_289 : memref<1x128x128xf32, #tpu.memory_space<vmem>> -> memref<128x128xf32, #tpu.memory_space<vmem>>
        %get3A_291 = arith.index_cast %scan3A_184 : i32 to index
        %get3A_292 = arith.constant 64 : index
        %get3A_293 = tpu.vector_load %get3A_290[%get3A_291, %get3A_292] {strides = array<i32>} : memref<128x128xf32, #tpu.memory_space<vmem>>, vector<1x16xf32>,
        %get3A_294 = vector.shape_cast %get3A_293 : vector<1x16xf32> to vector<16xf32>
        %get3A_295 = arith.constant 0 : i32
        %get3A_296 = arith.constant 0 : i32
        %get3A_297 = tpu.memref_slice %arg14[%scan3A_129, %get3A_295, %get3A_296] : memref<2x128x128xf32, #tpu.memory_space<vmem>> -> memref<1x128x128xf32, #tpu.memory_space<vmem>>
        %get3A_298 = tpu.memref_squeeze %get3A_297 : memref<1x128x128xf32, #tpu.memory_space<vmem>> -> memref<128x128xf32, #tpu.memory_space<vmem>>
        %get3A_299 = arith.index_cast %scan3A_184 : i32 to index
        %get3A_300 = arith.constant 64 : index
        %get3A_301 = tpu.vector_load %get3A_298[%get3A_299, %get3A_300] {strides = array<i32>} : memref<128x128xf32, #tpu.memory_space<vmem>>, vector<1x16xf32>,
        %get3A_302 = vector.shape_cast %get3A_301 : vector<1x16xf32> to vector<16xf32>
        %mul3A_303 = arith.mulf %get3A_294, %get3A_302 : vector<16xf32>
        %swap3A_304 = arith.constant 0 : i32
        %swap3A_305 = arith.constant 0 : i32
        %swap3A_306 = tpu.memref_slice %arg15[%scan3A_128, %swap3A_304, %swap3A_305] : memref<2x128x128xf32, #tpu.memory_space<vmem>> -> memref<1x128x128xf32, #tpu.memory_space<vmem>>
        %swap3A_307 = tpu.memref_squeeze %swap3A_306 : memref<1x128x128xf32, #tpu.memory_space<vmem>> -> memref<128x128xf32, #tpu.memory_space<vmem>>
        %swap3A_308 = arith.index_cast %scan3A_184 : i32 to index
        %swap3A_309 = arith.constant 64 : index
        %swap3A_310 = tpu.vector_load %swap3A_307[%swap3A_308, %swap3A_309] {strides = array<i32>} : memref<128x128xf32, #tpu.memory_space<vmem>>, vector<1x16xf32>,
        %swap3A_311 = vector.shape_cast %swap3A_310 : vector<1x16xf32> to vector<16xf32>
        %swap3A_312 = vector.shape_cast %mul3A_303 : vector<16xf32> to vector<1x16xf32>
        tpu.vector_store %swap3A_307[%swap3A_308, %swap3A_309], %swap3A_312 {strides = array<i32>} : memref<128x128xf32, #tpu.memory_space<vmem>>, vector<1x16xf32>,
        %get3A_313 = arith.constant 0 : i32
        %get3A_314 = arith.constant 0 : i32
        %get3A_315 = tpu.memref_slice %arg15[%scan3A_128, %get3A_313, %get3A_314] : memref<2x128x128xf32, #tpu.memory_space<vmem>> -> memref<1x128x128xf32, #tpu.memory_space<vmem>>
        %get3A_316 = tpu.memref_squeeze %get3A_315 : memref<1x128x128xf32, #tpu.memory_space<vmem>> -> memref<128x128xf32, #tpu.memory_space<vmem>>
        %get3A_317 = arith.index_cast %scan3A_184 : i32 to index
        %get3A_318 = arith.constant 80 : index
        %get3A_319 = tpu.vector_load %get3A_316[%get3A_317, %get3A_318] {strides = array<i32>} : memref<128x128xf32, #tpu.memory_space<vmem>>, vector<1x16xf32>,
        %get3A_320 = vector.shape_cast %get3A_319 : vector<1x16xf32> to vector<16xf32>
        %get3A_321 = arith.constant 0 : i32
        %get3A_322 = arith.constant 0 : i32
        %get3A_323 = tpu.memref_slice %arg14[%scan3A_129, %get3A_321, %get3A_322] : memref<2x128x128xf32, #tpu.memory_space<vmem>> -> memref<1x128x128xf32, #tpu.memory_space<vmem>>
        %get3A_324 = tpu.memref_squeeze %get3A_323 : memref<1x128x128xf32, #tpu.memory_space<vmem>> -> memref<128x128xf32, #tpu.memory_space<vmem>>
        %get3A_325 = arith.index_cast %scan3A_184 : i32 to index
        %get3A_326 = arith.constant 80 : index
        %get3A_327 = tpu.vector_load %get3A_324[%get3A_325, %get3A_326] {strides = array<i32>} : memref<128x128xf32, #tpu.memory_space<vmem>>, vector<1x16xf32>,
        %get3A_328 = vector.shape_cast %get3A_327 : vector<1x16xf32> to vector<16xf32>
        %mul3A_329 = arith.mulf %get3A_320, %get3A_328 : vector<16xf32>
        %swap3A_330 = arith.constant 0 : i32
        %swap3A_331 = arith.constant 0 : i32
        %swap3A_332 = tpu.memref_slice %arg15[%scan3A_128, %swap3A_330, %swap3A_331] : memref<2x128x128xf32, #tpu.memory_space<vmem>> -> memref<1x128x128xf32, #tpu.memory_space<vmem>>
        %swap3A_333 = tpu.memref_squeeze %swap3A_332 : memref<1x128x128xf32, #tpu.memory_space<vmem>> -> memref<128x128xf32, #tpu.memory_space<vmem>>
        %swap3A_334 = arith.index_cast %scan3A_184 : i32 to index
        %swap3A_335 = arith.constant 80 : index
        %swap3A_336 = tpu.vector_load %swap3A_333[%swap3A_334, %swap3A_335] {strides = array<i32>} : memref<128x128xf32, #tpu.memory_space<vmem>>, vector<1x16xf32>,
        %swap3A_337 = vector.shape_cast %swap3A_336 : vector<1x16xf32> to vector<16xf32>
        %swap3A_338 = vector.shape_cast %mul3A_329 : vector<16xf32> to vector<1x16xf32>
        tpu.vector_store %swap3A_333[%swap3A_334, %swap3A_335], %swap3A_338 {strides = array<i32>} : memref<128x128xf32, #tpu.memory_space<vmem>>, vector<1x16xf32>,
        %get3A_339 = arith.constant 0 : i32
        %get3A_340 = arith.constant 0 : i32
        %get3A_341 = tpu.memref_slice %arg15[%scan3A_128, %get3A_339, %get3A_340] : memref<2x128x128xf32, #tpu.memory_space<vmem>> -> memref<1x128x128xf32, #tpu.memory_space<vmem>>
        %get3A_342 = tpu.memref_squeeze %get3A_341 : memref<1x128x128xf32, #tpu.memory_space<vmem>> -> memref<128x128xf32, #tpu.memory_space<vmem>>
        %get3A_343 = arith.index_cast %scan3A_184 : i32 to index
        %get3A_344 = arith.constant 96 : index
        %get3A_345 = tpu.vector_load %get3A_342[%get3A_343, %get3A_344] {strides = array<i32>} : memref<128x128xf32, #tpu.memory_space<vmem>>, vector<1x16xf32>,
        %get3A_346 = vector.shape_cast %get3A_345 : vector<1x16xf32> to vector<16xf32>
        %get3A_347 = arith.constant 0 : i32
        %get3A_348 = arith.constant 0 : i32
        %get3A_349 = tpu.memref_slice %arg14[%scan3A_129, %get3A_347, %get3A_348] : memref<2x128x128xf32, #tpu.memory_space<vmem>> -> memref<1x128x128xf32, #tpu.memory_space<vmem>>
        %get3A_350 = tpu.memref_squeeze %get3A_349 : memref<1x128x128xf32, #tpu.memory_space<vmem>> -> memref<128x128xf32, #tpu.memory_space<vmem>>
        %get3A_351 = arith.index_cast %scan3A_184 : i32 to index
        %get3A_352 = arith.constant 96 : index
        %get3A_353 = tpu.vector_load %get3A_350[%get3A_351, %get3A_352] {strides = array<i32>} : memref<128x128xf32, #tpu.memory_space<vmem>>, vector<1x16xf32>,
        %get3A_354 = vector.shape_cast %get3A_353 : vector<1x16xf32> to vector<16xf32>
        %mul3A_355 = arith.mulf %get3A_346, %get3A_354 : vector<16xf32>
        %swap3A_356 = arith.constant 0 : i32
        %swap3A_357 = arith.constant 0 : i32
        %swap3A_358 = tpu.memref_slice %arg15[%scan3A_128, %swap3A_356, %swap3A_357] : memref<2x128x128xf32, #tpu.memory_space<vmem>> -> memref<1x128x128xf32, #tpu.memory_space<vmem>>
        %swap3A_359 = tpu.memref_squeeze %swap3A_358 : memref<1x128x128xf32, #tpu.memory_space<vmem>> -> memref<128x128xf32, #tpu.memory_space<vmem>>
        %swap3A_360 = arith.index_cast %scan3A_184 : i32 to index
        %swap3A_361 = arith.constant 96 : index
        %swap3A_362 = tpu.vector_load %swap3A_359[%swap3A_360, %swap3A_361] {strides = array<i32>} : memref<128x128xf32, #tpu.memory_space<vmem>>, vector<1x16xf32>,
        %swap3A_363 = vector.shape_cast %swap3A_362 : vector<1x16xf32> to vector<16xf32>
        %swap3A_364 = vector.shape_cast %mul3A_355 : vector<16xf32> to vector<1x16xf32>
        tpu.vector_store %swap3A_359[%swap3A_360, %swap3A_361], %swap3A_364 {strides = array<i32>} : memref<128x128xf32, #tpu.memory_space<vmem>>, vector<1x16xf32>,
        %get3A_365 = arith.constant 0 : i32
        %get3A_366 = arith.constant 0 : i32
        %get3A_367 = tpu.memref_slice %arg15[%scan3A_128, %get3A_365, %get3A_366] : memref<2x128x128xf32, #tpu.memory_space<vmem>> -> memref<1x128x128xf32, #tpu.memory_space<vmem>>
        %get3A_368 = tpu.memref_squeeze %get3A_367 : memref<1x128x128xf32, #tpu.memory_space<vmem>> -> memref<128x128xf32, #tpu.memory_space<vmem>>
        %get3A_369 = arith.index_cast %scan3A_184 : i32 to index
        %get3A_370 = arith.constant 112 : index
        %get3A_371 = tpu.vector_load %get3A_368[%get3A_369, %get3A_370] {strides = array<i32>} : memref<128x128xf32, #tpu.memory_space<vmem>>, vector<1x16xf32>,
        %get3A_372 = vector.shape_cast %get3A_371 : vector<1x16xf32> to vector<16xf32>
        %get3A_373 = arith.constant 0 : i32
        %get3A_374 = arith.constant 0 : i32
        %get3A_375 = tpu.memref_slice %arg14[%scan3A_129, %get3A_373, %get3A_374] : memref<2x128x128xf32, #tpu.memory_space<vmem>> -> memref<1x128x128xf32, #tpu.memory_space<vmem>>
        %get3A_376 = tpu.memref_squeeze %get3A_375 : memref<1x128x128xf32, #tpu.memory_space<vmem>> -> memref<128x128xf32, #tpu.memory_space<vmem>>
        %get3A_377 = arith.index_cast %scan3A_184 : i32 to index
        %get3A_378 = arith.constant 112 : index
        %get3A_379 = tpu.vector_load %get3A_376[%get3A_377, %get3A_378] {strides = array<i32>} : memref<128x128xf32, #tpu.memory_space<vmem>>, vector<1x16xf32>,
        %get3A_380 = vector.shape_cast %get3A_379 : vector<1x16xf32> to vector<16xf32>
        %mul3A_381 = arith.mulf %get3A_372, %get3A_380 : vector<16xf32>
        %swap3A_382 = arith.constant 0 : i32
        %swap3A_383 = arith.constant 0 : i32
        %swap3A_384 = tpu.memref_slice %arg15[%scan3A_128, %swap3A_382, %swap3A_383] : memref<2x128x128xf32, #tpu.memory_space<vmem>> -> memref<1x128x128xf32, #tpu.memory_space<vmem>>
        %swap3A_385 = tpu.memref_squeeze %swap3A_384 : memref<1x128x128xf32, #tpu.memory_space<vmem>> -> memref<128x128xf32, #tpu.memory_space<vmem>>
        %swap3A_386 = arith.index_cast %scan3A_184 : i32 to index
        %swap3A_387 = arith.constant 112 : index
        %swap3A_388 = tpu.vector_load %swap3A_385[%swap3A_386, %swap3A_387] {strides = array<i32>} : memref<128x128xf32, #tpu.memory_space<vmem>>, vector<1x16xf32>,
        %swap3A_389 = vector.shape_cast %swap3A_388 : vector<1x16xf32> to vector<16xf32>
        %swap3A_390 = vector.shape_cast %mul3A_381 : vector<16xf32> to vector<1x16xf32>
        tpu.vector_store %swap3A_385[%swap3A_386, %swap3A_387], %swap3A_390 {strides = array<i32>} : memref<128x128xf32, #tpu.memory_space<vmem>>, vector<1x16xf32>,
      }
      %scan3A_134 = arith.constant 128 : i32
      %run_scoped3A = arith.constant 0 : i32
      "tpu.region"() ({
        %run_scoped3A_184 = tpu.sem_alloc : memref<!tpu.dma_semaphore, #tpu.memory_space<semaphore_mem>>
        %dma_start3A_185 = arith.constant 0 : i32
        %dma_start3A_186 = arith.constant 0 : i32
        %dma_start3A_187 = tpu.memref_slice %arg15[%run_scoped3A, %dma_start3A_185, %dma_start3A_186] : memref<2x128x128xf32, #tpu.memory_space<vmem>> -> memref<1x128x128xf32, #tpu.memory_space<vmem>>
        %dma_start3A_188 = tpu.memref_squeeze %dma_start3A_187 : memref<1x128x128xf32, #tpu.memory_space<vmem>> -> memref<128x128xf32, #tpu.memory_space<vmem>>
        %dma_start3A_189 = arith.constant 0 : i32
        %dma_start3A_190 = tpu.memref_slice %arg11[%add3A_99, %dma_start3A_189] : memref<78x128xi32, #tpu.memory_space<vmem>> -> memref<1x128xi32, #tpu.memory_space<vmem>>
        %dma_start3A_191 = tpu.memref_squeeze %dma_start3A_190 : memref<1x128xi32, #tpu.memory_space<vmem>> -> memref<128xi32, #tpu.memory_space<vmem>>
        %dma_start3A_192 = arith.constant 0 : i32
        %dma_start3A_193 = arith.constant 0 : i32
        %dma_start3A_194 = tpu.memref_slice %arg18[%dma_start3A_192, %dma_start3A_193] : memref<5000x128xf32, #tpu.memory_space<vmem_shared>> -> memref<5000x128xf32, #tpu.memory_space<vmem_shared>>
        tpu.enqueue_indirect_dma source(%dma_start3A_188 : memref<128x128xf32, #tpu.memory_space<vmem>>) target(%dma_start3A_194 : memref<5000x128xf32, #tpu.memory_space<vmem_shared>>) offsets(%dma_start3A_191 : memref<128xi32, #tpu.memory_space<vmem>>) semaphore(%run_scoped3A_184 : memref<!tpu.dma_semaphore, #tpu.memory_space<semaphore_mem>>) {add = true}
        %dma_wait3A_195 = arith.constant 0 : i32
        %dma_wait3A_196 = arith.constant 0 : i32
        %dma_wait3A_197 = tpu.memref_slice %arg15[%run_scoped3A, %dma_wait3A_195, %dma_wait3A_196] : memref<2x128x128xf32, #tpu.memory_space<vmem>> -> memref<1x128x128xf32, #tpu.memory_space<vmem>>
        %dma_wait3A_198 = tpu.memref_squeeze %dma_wait3A_197 : memref<1x128x128xf32, #tpu.memory_space<vmem>> -> memref<128x128xf32, #tpu.memory_space<vmem>>
        %dma_wait3A_199 = arith.constant 0 : i32
        %dma_wait3A_200 = tpu.memref_slice %arg11[%add3A_99, %dma_wait3A_199] : memref<78x128xi32, #tpu.memory_space<vmem>> -> memref<1x128xi32, #tpu.memory_space<vmem>>
        %dma_wait3A_201 = tpu.memref_squeeze %dma_wait3A_200 : memref<1x128xi32, #tpu.memory_space<vmem>> -> memref<128xi32, #tpu.memory_space<vmem>>
        %dma_wait3A_202 = arith.constant 0 : i32
        %dma_wait3A_203 = arith.constant 0 : i32
        %dma_wait3A_204 = tpu.memref_slice %arg18[%dma_wait3A_202, %dma_wait3A_203] : memref<5000x128xf32, #tpu.memory_space<vmem_shared>> -> memref<5000x128xf32, #tpu.memory_space<vmem_shared>>
        tpu.wait_indirect_dma semaphore(%run_scoped3A_184 : memref<!tpu.dma_semaphore, #tpu.memory_space<semaphore_mem>>) src(%dma_wait3A_198 : memref<128x128xf32, #tpu.memory_space<vmem>>) dst(%dma_wait3A_204 : memref<5000x128xf32, #tpu.memory_space<vmem_shared>>)
        tpu.yield
      }) : () -> ()
      %lt3A = arith.constant 38 : i32
      %lt3A_135 = arith.cmpi slt, %scan3A_95, %lt3A : i32
      %convert_element_type3A_136 = arith.extui %lt3A_135 : i1 to i32
      %cond3A_137 = arith.constant 0 : i32
      %cond3A_138 = arith.cmpi ne, %convert_element_type3A_136, %cond3A_137 : i32
      scf.if %cond3A_138 {
        %add3A_184 = arith.constant 2 : i32
        %add3A_185 = arith.addi %add3A_99, %add3A_184 : i32
        %mul3A_186 = arith.constant 128 : i32
        %mul3A_187 = arith.muli %add3A_185, %mul3A_186 : i32
        %add3A_188 = arith.addi %mul3A_2, %mul3A_187 : i32
        %multiple_of3A_189 = tpu.assume_multiple %add3A_188, 8 : i32
        %dma_start3A_190 = arith.constant 0 : i32
        %dma_start3A_191 = arith.constant 0 : i32
        %dma_start3A_192 = arith.constant 0 : i32
        %dma_start3A_193 = tpu.memref_slice %arg14[%dma_start3A_190, %dma_start3A_191, %dma_start3A_192] : memref<2x128x128xf32, #tpu.memory_space<vmem>> -> memref<1x128x128xf32, #tpu.memory_space<vmem>>
        %dma_start3A_194 = tpu.memref_squeeze %dma_start3A_193 : memref<1x128x128xf32, #tpu.memory_space<vmem>> -> memref<128x128xf32, #tpu.memory_space<vmem>>
        %dma_start3A_195 = arith.constant 0 : i32
        %dma_start3A_196 = tpu.memref_slice %arg3[%multiple_of3A_189, %dma_start3A_195] : memref<320000x128xf32, #tpu.memory_space<hbm>> -> memref<128x128xf32, #tpu.memory_space<hbm>>
        %dma_start3A_197 = arith.constant 0 : i32
        %dma_start3A_198 = arith.constant 0 : i32
        %dma_start3A_199 = tpu.memref_slice %arg14[%dma_start3A_190, %dma_start3A_197, %dma_start3A_198] : memref<2x128x128xf32, #tpu.memory_space<vmem>> -> memref<1x128x128xf32, #tpu.memory_space<vmem>>
        %dma_start3A_200 = tpu.memref_squeeze %dma_start3A_199 : memref<1x128x128xf32, #tpu.memory_space<vmem>> -> memref<128x128xf32, #tpu.memory_space<vmem>>
        %dma_start3A_201 = arith.constant 0 : i32
        %dma_start3A_202 = tpu.memref_slice %arg3[%multiple_of3A_189, %dma_start3A_201] : memref<320000x128xf32, #tpu.memory_space<hbm>> -> memref<128x128xf32, #tpu.memory_space<hbm>>
        tpu.enqueue_dma source(%dma_start3A_202 : memref<128x128xf32, #tpu.memory_space<hbm>>) target(%dma_start3A_200 : memref<128x128xf32, #tpu.memory_space<vmem>>) target_semaphore(%arg21 : memref<!tpu.dma_semaphore, #tpu.memory_space<semaphore_mem>>)
        %dma_start3A_203 = arith.constant 0 : i32
        %dma_start3A_204 = arith.constant 0 : i32
        %dma_start3A_205 = arith.constant 0 : i32
        %dma_start3A_206 = tpu.memref_slice %arg15[%dma_start3A_203, %dma_start3A_204, %dma_start3A_205] : memref<2x128x128xf32, #tpu.memory_space<vmem>> -> memref<1x128x128xf32, #tpu.memory_space<vmem>>
        %dma_start3A_207 = tpu.memref_squeeze %dma_start3A_206 : memref<1x128x128xf32, #tpu.memory_space<vmem>> -> memref<128x128xf32, #tpu.memory_space<vmem>>
        %dma_start3A_208 = arith.constant 0 : i32
        %dma_start3A_209 = tpu.memref_slice %arg10[%add3A_185, %dma_start3A_208] : memref<78x128xi32, #tpu.memory_space<vmem>> -> memref<1x128xi32, #tpu.memory_space<vmem>>
        %dma_start3A_210 = tpu.memref_squeeze %dma_start3A_209 : memref<1x128xi32, #tpu.memory_space<vmem>> -> memref<128xi32, #tpu.memory_space<vmem>>
        %dma_start3A_211 = arith.constant 0 : i32
        %dma_start3A_212 = arith.constant 0 : i32
        %dma_start3A_213 = tpu.memref_slice %arg2[%dma_start3A_211, %dma_start3A_212] : memref<10000x128xf32, #tpu.memory_space<hbm>> -> memref<10000x128xf32, #tpu.memory_space<hbm>>
        tpu.enqueue_indirect_dma source(%dma_start3A_213 : memref<10000x128xf32, #tpu.memory_space<hbm>>) target(%dma_start3A_207 : memref<128x128xf32, #tpu.memory_space<vmem>>) offsets(%dma_start3A_210 : memref<128xi32, #tpu.memory_space<vmem>>) semaphore(%arg19 : memref<!tpu.dma_semaphore, #tpu.memory_space<semaphore_mem>>)
      } else {
      }
      %mul3A_139 = arith.constant 2 : i32
      %mul3A_140 = arith.muli %mul3A_139, %scan3A_95 : i32
      %add3A_141 = arith.constant 1 : i32
      %add3A_142 = arith.addi %mul3A_140, %add3A_141 : i32
      %dma_wait3A_143 = arith.constant 1 : i32
      %dma_wait3A_144 = arith.constant 0 : i32
      %dma_wait3A_145 = arith.constant 0 : i32
      %dma_wait3A_146 = tpu.memref_slice %arg14[%dma_wait3A_143, %dma_wait3A_144, %dma_wait3A_145] : memref<2x128x128xf32, #tpu.memory_space<vmem>> -> memref<1x128x128xf32, #tpu.memory_space<vmem>>
      %dma_wait3A_147 = tpu.memref_squeeze %dma_wait3A_146 : memref<1x128x128xf32, #tpu.memory_space<vmem>> -> memref<128x128xf32, #tpu.memory_space<vmem>>
      %dma_wait3A_148 = arith.constant 0 : i32
      %dma_wait3A_149 = arith.constant 0 : i32
      %dma_wait3A_150 = tpu.memref_slice %arg3[%dma_wait3A_148, %dma_wait3A_149] : memref<320000x128xf32, #tpu.memory_space<hbm>> -> memref<128x128xf32, #tpu.memory_space<hbm>>
      %dma_wait3A_151 = arith.constant 0 : i32
      %dma_wait3A_152 = arith.constant 0 : i32
      %dma_wait3A_153 = tpu.memref_slice %arg14[%dma_wait3A_143, %dma_wait3A_151, %dma_wait3A_152] : memref<2x128x128xf32, #tpu.memory_space<vmem>> -> memref<1x128x128xf32, #tpu.memory_space<vmem>>
      %dma_wait3A_154 = tpu.memref_squeeze %dma_wait3A_153 : memref<1x128x128xf32, #tpu.memory_space<vmem>> -> memref<128x128xf32, #tpu.memory_space<vmem>>
      %dma_wait3A_155 = arith.constant 0 : i32
      %dma_wait3A_156 = arith.constant 0 : i32
      %dma_wait3A_157 = tpu.memref_slice %arg3[%dma_wait3A_155, %dma_wait3A_156] : memref<320000x128xf32, #tpu.memory_space<hbm>> -> memref<128x128xf32, #tpu.memory_space<hbm>>
      tpu.wait_dma2 semaphore(%arg22 : memref<!tpu.dma_semaphore, #tpu.memory_space<semaphore_mem>>) src(%dma_wait3A_157 : memref<128x128xf32, #tpu.memory_space<hbm>>) dst(%dma_wait3A_154 : memref<128x128xf32, #tpu.memory_space<vmem>>)
      %dma_wait3A_158 = arith.constant 0 : i32
      %dma_wait3A_159 = arith.constant 1 : i32
      %dma_wait3A_160 = arith.constant 0 : i32
      %dma_wait3A_161 = arith.constant 0 : i32
      %dma_wait3A_162 = tpu.memref_slice %arg15[%dma_wait3A_159, %dma_wait3A_160, %dma_wait3A_161] : memref<2x128x128xf32, #tpu.memory_space<vmem>> -> memref<1x128x128xf32, #tpu.memory_space<vmem>>
      %dma_wait3A_163 = tpu.memref_squeeze %dma_wait3A_162 : memref<1x128x128xf32, #tpu.memory_space<vmem>> -> memref<128x128xf32, #tpu.memory_space<vmem>>
      %dma_wait3A_164 = arith.constant 0 : i32
      %dma_wait3A_165 = tpu.memref_slice %arg10[%dma_wait3A_158, %dma_wait3A_164] : memref<78x128xi32, #tpu.memory_space<vmem>> -> memref<1x128xi32, #tpu.memory_space<vmem>>
      %dma_wait3A_166 = tpu.memref_squeeze %dma_wait3A_165 : memref<1x128xi32, #tpu.memory_space<vmem>> -> memref<128xi32, #tpu.memory_space<vmem>>
      %dma_wait3A_167 = arith.constant 0 : i32
      %dma_wait3A_168 = arith.constant 0 : i32
      %dma_wait3A_169 = tpu.memref_slice %arg2[%dma_wait3A_167, %dma_wait3A_168] : memref<10000x128xf32, #tpu.memory_space<hbm>> -> memref<10000x128xf32, #tpu.memory_space<hbm>>
      tpu.wait_indirect_dma semaphore(%arg20 : memref<!tpu.dma_semaphore, #tpu.memory_space<semaphore_mem>>) src(%dma_wait3A_169 : memref<10000x128xf32, #tpu.memory_space<hbm>>) dst(%dma_wait3A_163 : memref<128x128xf32, #tpu.memory_space<vmem>>)
      %scan3A_170 = arith.constant 0 : i32
      %scan3A_171 = arith.constant 1 : i32
      %scan3A_172 = arith.constant 1 : i32
      %scan3A_173 = arith.constant 0 : i32
      %scan3A_174 = arith.constant 128 : i32
      %scan3A_175 = arith.addi %scan3A_173, %scan3A_174 : i32
      %scan3A_176 = arith.constant 1 : i32
      scf.for %scan3A_184 = %scan3A_173 to %scan3A_175 step %scan3A_176  : i32 {
        %get3A = arith.constant 0 : i32
        %get3A_185 = arith.constant 0 : i32
        %get3A_186 = tpu.memref_slice %arg15[%scan3A_171, %get3A, %get3A_185] : memref<2x128x128xf32, #tpu.memory_space<vmem>> -> memref<1x128x128xf32, #tpu.memory_space<vmem>>
        %get3A_187 = tpu.memref_squeeze %get3A_186 : memref<1x128x128xf32, #tpu.memory_space<vmem>> -> memref<128x128xf32, #tpu.memory_space<vmem>>
        %get3A_188 = arith.index_cast %scan3A_184 : i32 to index
        %get3A_189 = arith.constant 0 : index
        %get3A_190 = tpu.vector_load %get3A_187[%get3A_188, %get3A_189] {strides = array<i32>} : memref<128x128xf32, #tpu.memory_space<vmem>>, vector<1x16xf32>,
        %get3A_191 = vector.shape_cast %get3A_190 : vector<1x16xf32> to vector<16xf32>
        %get3A_192 = arith.constant 0 : i32
        %get3A_193 = arith.constant 0 : i32
        %get3A_194 = tpu.memref_slice %arg14[%scan3A_172, %get3A_192, %get3A_193] : memref<2x128x128xf32, #tpu.memory_space<vmem>> -> memref<1x128x128xf32, #tpu.memory_space<vmem>>
        %get3A_195 = tpu.memref_squeeze %get3A_194 : memref<1x128x128xf32, #tpu.memory_space<vmem>> -> memref<128x128xf32, #tpu.memory_space<vmem>>
        %get3A_196 = arith.index_cast %scan3A_184 : i32 to index
        %get3A_197 = arith.constant 0 : index
        %get3A_198 = tpu.vector_load %get3A_195[%get3A_196, %get3A_197] {strides = array<i32>} : memref<128x128xf32, #tpu.memory_space<vmem>>, vector<1x16xf32>,
        %get3A_199 = vector.shape_cast %get3A_198 : vector<1x16xf32> to vector<16xf32>
        %mul3A_200 = arith.mulf %get3A_191, %get3A_199 : vector<16xf32>
        %swap3A = arith.constant 0 : i32
        %swap3A_201 = arith.constant 0 : i32
        %swap3A_202 = tpu.memref_slice %arg15[%scan3A_171, %swap3A, %swap3A_201] : memref<2x128x128xf32, #tpu.memory_space<vmem>> -> memref<1x128x128xf32, #tpu.memory_space<vmem>>
        %swap3A_203 = tpu.memref_squeeze %swap3A_202 : memref<1x128x128xf32, #tpu.memory_space<vmem>> -> memref<128x128xf32, #tpu.memory_space<vmem>>
        %swap3A_204 = arith.index_cast %scan3A_184 : i32 to index
        %swap3A_205 = arith.constant 0 : index
        %swap3A_206 = tpu.vector_load %swap3A_203[%swap3A_204, %swap3A_205] {strides = array<i32>} : memref<128x128xf32, #tpu.memory_space<vmem>>, vector<1x16xf32>,
        %swap3A_207 = vector.shape_cast %swap3A_206 : vector<1x16xf32> to vector<16xf32>
        %swap3A_208 = vector.shape_cast %mul3A_200 : vector<16xf32> to vector<1x16xf32>
        tpu.vector_store %swap3A_203[%swap3A_204, %swap3A_205], %swap3A_208 {strides = array<i32>} : memref<128x128xf32, #tpu.memory_space<vmem>>, vector<1x16xf32>,
        %get3A_209 = arith.constant 0 : i32
        %get3A_210 = arith.constant 0 : i32
        %get3A_211 = tpu.memref_slice %arg15[%scan3A_171, %get3A_209, %get3A_210] : memref<2x128x128xf32, #tpu.memory_space<vmem>> -> memref<1x128x128xf32, #tpu.memory_space<vmem>>
        %get3A_212 = tpu.memref_squeeze %get3A_211 : memref<1x128x128xf32, #tpu.memory_space<vmem>> -> memref<128x128xf32, #tpu.memory_space<vmem>>
        %get3A_213 = arith.index_cast %scan3A_184 : i32 to index
        %get3A_214 = arith.constant 16 : index
        %get3A_215 = tpu.vector_load %get3A_212[%get3A_213, %get3A_214] {strides = array<i32>} : memref<128x128xf32, #tpu.memory_space<vmem>>, vector<1x16xf32>,
        %get3A_216 = vector.shape_cast %get3A_215 : vector<1x16xf32> to vector<16xf32>
        %get3A_217 = arith.constant 0 : i32
        %get3A_218 = arith.constant 0 : i32
        %get3A_219 = tpu.memref_slice %arg14[%scan3A_172, %get3A_217, %get3A_218] : memref<2x128x128xf32, #tpu.memory_space<vmem>> -> memref<1x128x128xf32, #tpu.memory_space<vmem>>
        %get3A_220 = tpu.memref_squeeze %get3A_219 : memref<1x128x128xf32, #tpu.memory_space<vmem>> -> memref<128x128xf32, #tpu.memory_space<vmem>>
        %get3A_221 = arith.index_cast %scan3A_184 : i32 to index
        %get3A_222 = arith.constant 16 : index
        %get3A_223 = tpu.vector_load %get3A_220[%get3A_221, %get3A_222] {strides = array<i32>} : memref<128x128xf32, #tpu.memory_space<vmem>>, vector<1x16xf32>,
        %get3A_224 = vector.shape_cast %get3A_223 : vector<1x16xf32> to vector<16xf32>
        %mul3A_225 = arith.mulf %get3A_216, %get3A_224 : vector<16xf32>
        %swap3A_226 = arith.constant 0 : i32
        %swap3A_227 = arith.constant 0 : i32
        %swap3A_228 = tpu.memref_slice %arg15[%scan3A_171, %swap3A_226, %swap3A_227] : memref<2x128x128xf32, #tpu.memory_space<vmem>> -> memref<1x128x128xf32, #tpu.memory_space<vmem>>
        %swap3A_229 = tpu.memref_squeeze %swap3A_228 : memref<1x128x128xf32, #tpu.memory_space<vmem>> -> memref<128x128xf32, #tpu.memory_space<vmem>>
        %swap3A_230 = arith.index_cast %scan3A_184 : i32 to index
        %swap3A_231 = arith.constant 16 : index
        %swap3A_232 = tpu.vector_load %swap3A_229[%swap3A_230, %swap3A_231] {strides = array<i32>} : memref<128x128xf32, #tpu.memory_space<vmem>>, vector<1x16xf32>,
        %swap3A_233 = vector.shape_cast %swap3A_232 : vector<1x16xf32> to vector<16xf32>
        %swap3A_234 = vector.shape_cast %mul3A_225 : vector<16xf32> to vector<1x16xf32>
        tpu.vector_store %swap3A_229[%swap3A_230, %swap3A_231], %swap3A_234 {strides = array<i32>} : memref<128x128xf32, #tpu.memory_space<vmem>>, vector<1x16xf32>,
        %get3A_235 = arith.constant 0 : i32
        %get3A_236 = arith.constant 0 : i32
        %get3A_237 = tpu.memref_slice %arg15[%scan3A_171, %get3A_235, %get3A_236] : memref<2x128x128xf32, #tpu.memory_space<vmem>> -> memref<1x128x128xf32, #tpu.memory_space<vmem>>
        %get3A_238 = tpu.memref_squeeze %get3A_237 : memref<1x128x128xf32, #tpu.memory_space<vmem>> -> memref<128x128xf32, #tpu.memory_space<vmem>>
        %get3A_239 = arith.index_cast %scan3A_184 : i32 to index
        %get3A_240 = arith.constant 32 : index
        %get3A_241 = tpu.vector_load %get3A_238[%get3A_239, %get3A_240] {strides = array<i32>} : memref<128x128xf32, #tpu.memory_space<vmem>>, vector<1x16xf32>,
        %get3A_242 = vector.shape_cast %get3A_241 : vector<1x16xf32> to vector<16xf32>
        %get3A_243 = arith.constant 0 : i32
        %get3A_244 = arith.constant 0 : i32
        %get3A_245 = tpu.memref_slice %arg14[%scan3A_172, %get3A_243, %get3A_244] : memref<2x128x128xf32, #tpu.memory_space<vmem>> -> memref<1x128x128xf32, #tpu.memory_space<vmem>>
        %get3A_246 = tpu.memref_squeeze %get3A_245 : memref<1x128x128xf32, #tpu.memory_space<vmem>> -> memref<128x128xf32, #tpu.memory_space<vmem>>
        %get3A_247 = arith.index_cast %scan3A_184 : i32 to index
        %get3A_248 = arith.constant 32 : index
        %get3A_249 = tpu.vector_load %get3A_246[%get3A_247, %get3A_248] {strides = array<i32>} : memref<128x128xf32, #tpu.memory_space<vmem>>, vector<1x16xf32>,
        %get3A_250 = vector.shape_cast %get3A_249 : vector<1x16xf32> to vector<16xf32>
        %mul3A_251 = arith.mulf %get3A_242, %get3A_250 : vector<16xf32>
        %swap3A_252 = arith.constant 0 : i32
        %swap3A_253 = arith.constant 0 : i32
        %swap3A_254 = tpu.memref_slice %arg15[%scan3A_171, %swap3A_252, %swap3A_253] : memref<2x128x128xf32, #tpu.memory_space<vmem>> -> memref<1x128x128xf32, #tpu.memory_space<vmem>>
        %swap3A_255 = tpu.memref_squeeze %swap3A_254 : memref<1x128x128xf32, #tpu.memory_space<vmem>> -> memref<128x128xf32, #tpu.memory_space<vmem>>
        %swap3A_256 = arith.index_cast %scan3A_184 : i32 to index
        %swap3A_257 = arith.constant 32 : index
        %swap3A_258 = tpu.vector_load %swap3A_255[%swap3A_256, %swap3A_257] {strides = array<i32>} : memref<128x128xf32, #tpu.memory_space<vmem>>, vector<1x16xf32>,
        %swap3A_259 = vector.shape_cast %swap3A_258 : vector<1x16xf32> to vector<16xf32>
        %swap3A_260 = vector.shape_cast %mul3A_251 : vector<16xf32> to vector<1x16xf32>
        tpu.vector_store %swap3A_255[%swap3A_256, %swap3A_257], %swap3A_260 {strides = array<i32>} : memref<128x128xf32, #tpu.memory_space<vmem>>, vector<1x16xf32>,
        %get3A_261 = arith.constant 0 : i32
        %get3A_262 = arith.constant 0 : i32
        %get3A_263 = tpu.memref_slice %arg15[%scan3A_171, %get3A_261, %get3A_262] : memref<2x128x128xf32, #tpu.memory_space<vmem>> -> memref<1x128x128xf32, #tpu.memory_space<vmem>>
        %get3A_264 = tpu.memref_squeeze %get3A_263 : memref<1x128x128xf32, #tpu.memory_space<vmem>> -> memref<128x128xf32, #tpu.memory_space<vmem>>
        %get3A_265 = arith.index_cast %scan3A_184 : i32 to index
        %get3A_266 = arith.constant 48 : index
        %get3A_267 = tpu.vector_load %get3A_264[%get3A_265, %get3A_266] {strides = array<i32>} : memref<128x128xf32, #tpu.memory_space<vmem>>, vector<1x16xf32>,
        %get3A_268 = vector.shape_cast %get3A_267 : vector<1x16xf32> to vector<16xf32>
        %get3A_269 = arith.constant 0 : i32
        %get3A_270 = arith.constant 0 : i32
        %get3A_271 = tpu.memref_slice %arg14[%scan3A_172, %get3A_269, %get3A_270] : memref<2x128x128xf32, #tpu.memory_space<vmem>> -> memref<1x128x128xf32, #tpu.memory_space<vmem>>
        %get3A_272 = tpu.memref_squeeze %get3A_271 : memref<1x128x128xf32, #tpu.memory_space<vmem>> -> memref<128x128xf32, #tpu.memory_space<vmem>>
        %get3A_273 = arith.index_cast %scan3A_184 : i32 to index
        %get3A_274 = arith.constant 48 : index
        %get3A_275 = tpu.vector_load %get3A_272[%get3A_273, %get3A_274] {strides = array<i32>} : memref<128x128xf32, #tpu.memory_space<vmem>>, vector<1x16xf32>,
        %get3A_276 = vector.shape_cast %get3A_275 : vector<1x16xf32> to vector<16xf32>
        %mul3A_277 = arith.mulf %get3A_268, %get3A_276 : vector<16xf32>
        %swap3A_278 = arith.constant 0 : i32
        %swap3A_279 = arith.constant 0 : i32
        %swap3A_280 = tpu.memref_slice %arg15[%scan3A_171, %swap3A_278, %swap3A_279] : memref<2x128x128xf32, #tpu.memory_space<vmem>> -> memref<1x128x128xf32, #tpu.memory_space<vmem>>
        %swap3A_281 = tpu.memref_squeeze %swap3A_280 : memref<1x128x128xf32, #tpu.memory_space<vmem>> -> memref<128x128xf32, #tpu.memory_space<vmem>>
        %swap3A_282 = arith.index_cast %scan3A_184 : i32 to index
        %swap3A_283 = arith.constant 48 : index
        %swap3A_284 = tpu.vector_load %swap3A_281[%swap3A_282, %swap3A_283] {strides = array<i32>} : memref<128x128xf32, #tpu.memory_space<vmem>>, vector<1x16xf32>,
        %swap3A_285 = vector.shape_cast %swap3A_284 : vector<1x16xf32> to vector<16xf32>
        %swap3A_286 = vector.shape_cast %mul3A_277 : vector<16xf32> to vector<1x16xf32>
        tpu.vector_store %swap3A_281[%swap3A_282, %swap3A_283], %swap3A_286 {strides = array<i32>} : memref<128x128xf32, #tpu.memory_space<vmem>>, vector<1x16xf32>,
        %get3A_287 = arith.constant 0 : i32
        %get3A_288 = arith.constant 0 : i32
        %get3A_289 = tpu.memref_slice %arg15[%scan3A_171, %get3A_287, %get3A_288] : memref<2x128x128xf32, #tpu.memory_space<vmem>> -> memref<1x128x128xf32, #tpu.memory_space<vmem>>
        %get3A_290 = tpu.memref_squeeze %get3A_289 : memref<1x128x128xf32, #tpu.memory_space<vmem>> -> memref<128x128xf32, #tpu.memory_space<vmem>>
        %get3A_291 = arith.index_cast %scan3A_184 : i32 to index
        %get3A_292 = arith.constant 64 : index
        %get3A_293 = tpu.vector_load %get3A_290[%get3A_291, %get3A_292] {strides = array<i32>} : memref<128x128xf32, #tpu.memory_space<vmem>>, vector<1x16xf32>,
        %get3A_294 = vector.shape_cast %get3A_293 : vector<1x16xf32> to vector<16xf32>
        %get3A_295 = arith.constant 0 : i32
        %get3A_296 = arith.constant 0 : i32
        %get3A_297 = tpu.memref_slice %arg14[%scan3A_172, %get3A_295, %get3A_296] : memref<2x128x128xf32, #tpu.memory_space<vmem>> -> memref<1x128x128xf32, #tpu.memory_space<vmem>>
        %get3A_298 = tpu.memref_squeeze %get3A_297 : memref<1x128x128xf32, #tpu.memory_space<vmem>> -> memref<128x128xf32, #tpu.memory_space<vmem>>
        %get3A_299 = arith.index_cast %scan3A_184 : i32 to index
        %get3A_300 = arith.constant 64 : index
        %get3A_301 = tpu.vector_load %get3A_298[%get3A_299, %get3A_300] {strides = array<i32>} : memref<128x128xf32, #tpu.memory_space<vmem>>, vector<1x16xf32>,
        %get3A_302 = vector.shape_cast %get3A_301 : vector<1x16xf32> to vector<16xf32>
        %mul3A_303 = arith.mulf %get3A_294, %get3A_302 : vector<16xf32>
        %swap3A_304 = arith.constant 0 : i32
        %swap3A_305 = arith.constant 0 : i32
        %swap3A_306 = tpu.memref_slice %arg15[%scan3A_171, %swap3A_304, %swap3A_305] : memref<2x128x128xf32, #tpu.memory_space<vmem>> -> memref<1x128x128xf32, #tpu.memory_space<vmem>>
        %swap3A_307 = tpu.memref_squeeze %swap3A_306 : memref<1x128x128xf32, #tpu.memory_space<vmem>> -> memref<128x128xf32, #tpu.memory_space<vmem>>
        %swap3A_308 = arith.index_cast %scan3A_184 : i32 to index
        %swap3A_309 = arith.constant 64 : index
        %swap3A_310 = tpu.vector_load %swap3A_307[%swap3A_308, %swap3A_309] {strides = array<i32>} : memref<128x128xf32, #tpu.memory_space<vmem>>, vector<1x16xf32>,
        %swap3A_311 = vector.shape_cast %swap3A_310 : vector<1x16xf32> to vector<16xf32>
        %swap3A_312 = vector.shape_cast %mul3A_303 : vector<16xf32> to vector<1x16xf32>
        tpu.vector_store %swap3A_307[%swap3A_308, %swap3A_309], %swap3A_312 {strides = array<i32>} : memref<128x128xf32, #tpu.memory_space<vmem>>, vector<1x16xf32>,
        %get3A_313 = arith.constant 0 : i32
        %get3A_314 = arith.constant 0 : i32
        %get3A_315 = tpu.memref_slice %arg15[%scan3A_171, %get3A_313, %get3A_314] : memref<2x128x128xf32, #tpu.memory_space<vmem>> -> memref<1x128x128xf32, #tpu.memory_space<vmem>>
        %get3A_316 = tpu.memref_squeeze %get3A_315 : memref<1x128x128xf32, #tpu.memory_space<vmem>> -> memref<128x128xf32, #tpu.memory_space<vmem>>
        %get3A_317 = arith.index_cast %scan3A_184 : i32 to index
        %get3A_318 = arith.constant 80 : index
        %get3A_319 = tpu.vector_load %get3A_316[%get3A_317, %get3A_318] {strides = array<i32>} : memref<128x128xf32, #tpu.memory_space<vmem>>, vector<1x16xf32>,
        %get3A_320 = vector.shape_cast %get3A_319 : vector<1x16xf32> to vector<16xf32>
        %get3A_321 = arith.constant 0 : i32
        %get3A_322 = arith.constant 0 : i32
        %get3A_323 = tpu.memref_slice %arg14[%scan3A_172, %get3A_321, %get3A_322] : memref<2x128x128xf32, #tpu.memory_space<vmem>> -> memref<1x128x128xf32, #tpu.memory_space<vmem>>
        %get3A_324 = tpu.memref_squeeze %get3A_323 : memref<1x128x128xf32, #tpu.memory_space<vmem>> -> memref<128x128xf32, #tpu.memory_space<vmem>>
        %get3A_325 = arith.index_cast %scan3A_184 : i32 to index
        %get3A_326 = arith.constant 80 : index
        %get3A_327 = tpu.vector_load %get3A_324[%get3A_325, %get3A_326] {strides = array<i32>} : memref<128x128xf32, #tpu.memory_space<vmem>>, vector<1x16xf32>,
        %get3A_328 = vector.shape_cast %get3A_327 : vector<1x16xf32> to vector<16xf32>
        %mul3A_329 = arith.mulf %get3A_320, %get3A_328 : vector<16xf32>
        %swap3A_330 = arith.constant 0 : i32
        %swap3A_331 = arith.constant 0 : i32
        %swap3A_332 = tpu.memref_slice %arg15[%scan3A_171, %swap3A_330, %swap3A_331] : memref<2x128x128xf32, #tpu.memory_space<vmem>> -> memref<1x128x128xf32, #tpu.memory_space<vmem>>
        %swap3A_333 = tpu.memref_squeeze %swap3A_332 : memref<1x128x128xf32, #tpu.memory_space<vmem>> -> memref<128x128xf32, #tpu.memory_space<vmem>>
        %swap3A_334 = arith.index_cast %scan3A_184 : i32 to index
        %swap3A_335 = arith.constant 80 : index
        %swap3A_336 = tpu.vector_load %swap3A_333[%swap3A_334, %swap3A_335] {strides = array<i32>} : memref<128x128xf32, #tpu.memory_space<vmem>>, vector<1x16xf32>,
        %swap3A_337 = vector.shape_cast %swap3A_336 : vector<1x16xf32> to vector<16xf32>
        %swap3A_338 = vector.shape_cast %mul3A_329 : vector<16xf32> to vector<1x16xf32>
        tpu.vector_store %swap3A_333[%swap3A_334, %swap3A_335], %swap3A_338 {strides = array<i32>} : memref<128x128xf32, #tpu.memory_space<vmem>>, vector<1x16xf32>,
        %get3A_339 = arith.constant 0 : i32
        %get3A_340 = arith.constant 0 : i32
        %get3A_341 = tpu.memref_slice %arg15[%scan3A_171, %get3A_339, %get3A_340] : memref<2x128x128xf32, #tpu.memory_space<vmem>> -> memref<1x128x128xf32, #tpu.memory_space<vmem>>
        %get3A_342 = tpu.memref_squeeze %get3A_341 : memref<1x128x128xf32, #tpu.memory_space<vmem>> -> memref<128x128xf32, #tpu.memory_space<vmem>>
        %get3A_343 = arith.index_cast %scan3A_184 : i32 to index
        %get3A_344 = arith.constant 96 : index
        %get3A_345 = tpu.vector_load %get3A_342[%get3A_343, %get3A_344] {strides = array<i32>} : memref<128x128xf32, #tpu.memory_space<vmem>>, vector<1x16xf32>,
        %get3A_346 = vector.shape_cast %get3A_345 : vector<1x16xf32> to vector<16xf32>
        %get3A_347 = arith.constant 0 : i32
        %get3A_348 = arith.constant 0 : i32
        %get3A_349 = tpu.memref_slice %arg14[%scan3A_172, %get3A_347, %get3A_348] : memref<2x128x128xf32, #tpu.memory_space<vmem>> -> memref<1x128x128xf32, #tpu.memory_space<vmem>>
        %get3A_350 = tpu.memref_squeeze %get3A_349 : memref<1x128x128xf32, #tpu.memory_space<vmem>> -> memref<128x128xf32, #tpu.memory_space<vmem>>
        %get3A_351 = arith.index_cast %scan3A_184 : i32 to index
        %get3A_352 = arith.constant 96 : index
        %get3A_353 = tpu.vector_load %get3A_350[%get3A_351, %get3A_352] {strides = array<i32>} : memref<128x128xf32, #tpu.memory_space<vmem>>, vector<1x16xf32>,
        %get3A_354 = vector.shape_cast %get3A_353 : vector<1x16xf32> to vector<16xf32>
        %mul3A_355 = arith.mulf %get3A_346, %get3A_354 : vector<16xf32>
        %swap3A_356 = arith.constant 0 : i32
        %swap3A_357 = arith.constant 0 : i32
        %swap3A_358 = tpu.memref_slice %arg15[%scan3A_171, %swap3A_356, %swap3A_357] : memref<2x128x128xf32, #tpu.memory_space<vmem>> -> memref<1x128x128xf32, #tpu.memory_space<vmem>>
        %swap3A_359 = tpu.memref_squeeze %swap3A_358 : memref<1x128x128xf32, #tpu.memory_space<vmem>> -> memref<128x128xf32, #tpu.memory_space<vmem>>
        %swap3A_360 = arith.index_cast %scan3A_184 : i32 to index
        %swap3A_361 = arith.constant 96 : index
        %swap3A_362 = tpu.vector_load %swap3A_359[%swap3A_360, %swap3A_361] {strides = array<i32>} : memref<128x128xf32, #tpu.memory_space<vmem>>, vector<1x16xf32>,
        %swap3A_363 = vector.shape_cast %swap3A_362 : vector<1x16xf32> to vector<16xf32>
        %swap3A_364 = vector.shape_cast %mul3A_355 : vector<16xf32> to vector<1x16xf32>
        tpu.vector_store %swap3A_359[%swap3A_360, %swap3A_361], %swap3A_364 {strides = array<i32>} : memref<128x128xf32, #tpu.memory_space<vmem>>, vector<1x16xf32>,
        %get3A_365 = arith.constant 0 : i32
        %get3A_366 = arith.constant 0 : i32
        %get3A_367 = tpu.memref_slice %arg15[%scan3A_171, %get3A_365, %get3A_366] : memref<2x128x128xf32, #tpu.memory_space<vmem>> -> memref<1x128x128xf32, #tpu.memory_space<vmem>>
        %get3A_368 = tpu.memref_squeeze %get3A_367 : memref<1x128x128xf32, #tpu.memory_space<vmem>> -> memref<128x128xf32, #tpu.memory_space<vmem>>
        %get3A_369 = arith.index_cast %scan3A_184 : i32 to index
        %get3A_370 = arith.constant 112 : index
        %get3A_371 = tpu.vector_load %get3A_368[%get3A_369, %get3A_370] {strides = array<i32>} : memref<128x128xf32, #tpu.memory_space<vmem>>, vector<1x16xf32>,
        %get3A_372 = vector.shape_cast %get3A_371 : vector<1x16xf32> to vector<16xf32>
        %get3A_373 = arith.constant 0 : i32
        %get3A_374 = arith.constant 0 : i32
        %get3A_375 = tpu.memref_slice %arg14[%scan3A_172, %get3A_373, %get3A_374] : memref<2x128x128xf32, #tpu.memory_space<vmem>> -> memref<1x128x128xf32, #tpu.memory_space<vmem>>
        %get3A_376 = tpu.memref_squeeze %get3A_375 : memref<1x128x128xf32, #tpu.memory_space<vmem>> -> memref<128x128xf32, #tpu.memory_space<vmem>>
        %get3A_377 = arith.index_cast %scan3A_184 : i32 to index
        %get3A_378 = arith.constant 112 : index
        %get3A_379 = tpu.vector_load %get3A_376[%get3A_377, %get3A_378] {strides = array<i32>} : memref<128x128xf32, #tpu.memory_space<vmem>>, vector<1x16xf32>,
        %get3A_380 = vector.shape_cast %get3A_379 : vector<1x16xf32> to vector<16xf32>
        %mul3A_381 = arith.mulf %get3A_372, %get3A_380 : vector<16xf32>
        %swap3A_382 = arith.constant 0 : i32
        %swap3A_383 = arith.constant 0 : i32
        %swap3A_384 = tpu.memref_slice %arg15[%scan3A_171, %swap3A_382, %swap3A_383] : memref<2x128x128xf32, #tpu.memory_space<vmem>> -> memref<1x128x128xf32, #tpu.memory_space<vmem>>
        %swap3A_385 = tpu.memref_squeeze %swap3A_384 : memref<1x128x128xf32, #tpu.memory_space<vmem>> -> memref<128x128xf32, #tpu.memory_space<vmem>>
        %swap3A_386 = arith.index_cast %scan3A_184 : i32 to index
        %swap3A_387 = arith.constant 112 : index
        %swap3A_388 = tpu.vector_load %swap3A_385[%swap3A_386, %swap3A_387] {strides = array<i32>} : memref<128x128xf32, #tpu.memory_space<vmem>>, vector<1x16xf32>,
        %swap3A_389 = vector.shape_cast %swap3A_388 : vector<1x16xf32> to vector<16xf32>
        %swap3A_390 = vector.shape_cast %mul3A_381 : vector<16xf32> to vector<1x16xf32>
        tpu.vector_store %swap3A_385[%swap3A_386, %swap3A_387], %swap3A_390 {strides = array<i32>} : memref<128x128xf32, #tpu.memory_space<vmem>>, vector<1x16xf32>,
      }
      %scan3A_177 = arith.constant 128 : i32
      %run_scoped3A_178 = arith.constant 1 : i32
      "tpu.region"() ({
        %run_scoped3A_184 = tpu.sem_alloc : memref<!tpu.dma_semaphore, #tpu.memory_space<semaphore_mem>>
        %dma_start3A_185 = arith.constant 0 : i32
        %dma_start3A_186 = arith.constant 0 : i32
        %dma_start3A_187 = tpu.memref_slice %arg15[%run_scoped3A_178, %dma_start3A_185, %dma_start3A_186] : memref<2x128x128xf32, #tpu.memory_space<vmem>> -> memref<1x128x128xf32, #tpu.memory_space<vmem>>
        %dma_start3A_188 = tpu.memref_squeeze %dma_start3A_187 : memref<1x128x128xf32, #tpu.memory_space<vmem>> -> memref<128x128xf32, #tpu.memory_space<vmem>>
        %dma_start3A_189 = arith.constant 0 : i32
        %dma_start3A_190 = tpu.memref_slice %arg11[%add3A_142, %dma_start3A_189] : memref<78x128xi32, #tpu.memory_space<vmem>> -> memref<1x128xi32, #tpu.memory_space<vmem>>
        %dma_start3A_191 = tpu.memref_squeeze %dma_start3A_190 : memref<1x128xi32, #tpu.memory_space<vmem>> -> memref<128xi32, #tpu.memory_space<vmem>>
        %dma_start3A_192 = arith.constant 0 : i32
        %dma_start3A_193 = arith.constant 0 : i32
        %dma_start3A_194 = tpu.memref_slice %arg18[%dma_start3A_192, %dma_start3A_193] : memref<5000x128xf32, #tpu.memory_space<vmem_shared>> -> memref<5000x128xf32, #tpu.memory_space<vmem_shared>>
        tpu.enqueue_indirect_dma source(%dma_start3A_188 : memref<128x128xf32, #tpu.memory_space<vmem>>) target(%dma_start3A_194 : memref<5000x128xf32, #tpu.memory_space<vmem_shared>>) offsets(%dma_start3A_191 : memref<128xi32, #tpu.memory_space<vmem>>) semaphore(%run_scoped3A_184 : memref<!tpu.dma_semaphore, #tpu.memory_space<semaphore_mem>>) {add = true}
        %dma_wait3A_195 = arith.constant 0 : i32
        %dma_wait3A_196 = arith.constant 0 : i32
        %dma_wait3A_197 = tpu.memref_slice %arg15[%run_scoped3A_178, %dma_wait3A_195, %dma_wait3A_196] : memref<2x128x128xf32, #tpu.memory_space<vmem>> -> memref<1x128x128xf32, #tpu.memory_space<vmem>>
        %dma_wait3A_198 = tpu.memref_squeeze %dma_wait3A_197 : memref<1x128x128xf32, #tpu.memory_space<vmem>> -> memref<128x128xf32, #tpu.memory_space<vmem>>
        %dma_wait3A_199 = arith.constant 0 : i32
        %dma_wait3A_200 = tpu.memref_slice %arg11[%add3A_142, %dma_wait3A_199] : memref<78x128xi32, #tpu.memory_space<vmem>> -> memref<1x128xi32, #tpu.memory_space<vmem>>
        %dma_wait3A_201 = tpu.memref_squeeze %dma_wait3A_200 : memref<1x128xi32, #tpu.memory_space<vmem>> -> memref<128xi32, #tpu.memory_space<vmem>>
        %dma_wait3A_202 = arith.constant 0 : i32
        %dma_wait3A_203 = arith.constant 0 : i32
        %dma_wait3A_204 = tpu.memref_slice %arg18[%dma_wait3A_202, %dma_wait3A_203] : memref<5000x128xf32, #tpu.memory_space<vmem_shared>> -> memref<5000x128xf32, #tpu.memory_space<vmem_shared>>
        tpu.wait_indirect_dma semaphore(%run_scoped3A_184 : memref<!tpu.dma_semaphore, #tpu.memory_space<semaphore_mem>>) src(%dma_wait3A_198 : memref<128x128xf32, #tpu.memory_space<vmem>>) dst(%dma_wait3A_204 : memref<5000x128xf32, #tpu.memory_space<vmem_shared>>)
        tpu.yield
      }) : () -> ()
      %lt3A_179 = arith.constant 38 : i32
      %lt3A_180 = arith.cmpi slt, %scan3A_95, %lt3A_179 : i32
      %convert_element_type3A_181 = arith.extui %lt3A_180 : i1 to i32
      %cond3A_182 = arith.constant 0 : i32
      %cond3A_183 = arith.cmpi ne, %convert_element_type3A_181, %cond3A_182 : i32
      scf.if %cond3A_183 {
        %add3A_184 = arith.constant 2 : i32
        %add3A_185 = arith.addi %add3A_142, %add3A_184 : i32
        %mul3A_186 = arith.constant 128 : i32
        %mul3A_187 = arith.muli %add3A_185, %mul3A_186 : i32
        %add3A_188 = arith.addi %mul3A_2, %mul3A_187 : i32
        %multiple_of3A_189 = tpu.assume_multiple %add3A_188, 8 : i32
        %dma_start3A_190 = arith.constant 1 : i32
        %dma_start3A_191 = arith.constant 0 : i32
        %dma_start3A_192 = arith.constant 0 : i32
        %dma_start3A_193 = tpu.memref_slice %arg14[%dma_start3A_190, %dma_start3A_191, %dma_start3A_192] : memref<2x128x128xf32, #tpu.memory_space<vmem>> -> memref<1x128x128xf32, #tpu.memory_space<vmem>>
        %dma_start3A_194 = tpu.memref_squeeze %dma_start3A_193 : memref<1x128x128xf32, #tpu.memory_space<vmem>> -> memref<128x128xf32, #tpu.memory_space<vmem>>
        %dma_start3A_195 = arith.constant 0 : i32
        %dma_start3A_196 = tpu.memref_slice %arg3[%multiple_of3A_189, %dma_start3A_195] : memref<320000x128xf32, #tpu.memory_space<hbm>> -> memref<128x128xf32, #tpu.memory_space<hbm>>
        %dma_start3A_197 = arith.constant 0 : i32
        %dma_start3A_198 = arith.constant 0 : i32
        %dma_start3A_199 = tpu.memref_slice %arg14[%dma_start3A_190, %dma_start3A_197, %dma_start3A_198] : memref<2x128x128xf32, #tpu.memory_space<vmem>> -> memref<1x128x128xf32, #tpu.memory_space<vmem>>
        %dma_start3A_200 = tpu.memref_squeeze %dma_start3A_199 : memref<1x128x128xf32, #tpu.memory_space<vmem>> -> memref<128x128xf32, #tpu.memory_space<vmem>>
        %dma_start3A_201 = arith.constant 0 : i32
        %dma_start3A_202 = tpu.memref_slice %arg3[%multiple_of3A_189, %dma_start3A_201] : memref<320000x128xf32, #tpu.memory_space<hbm>> -> memref<128x128xf32, #tpu.memory_space<hbm>>
        tpu.enqueue_dma source(%dma_start3A_202 : memref<128x128xf32, #tpu.memory_space<hbm>>) target(%dma_start3A_200 : memref<128x128xf32, #tpu.memory_space<vmem>>) target_semaphore(%arg22 : memref<!tpu.dma_semaphore, #tpu.memory_space<semaphore_mem>>)
        %dma_start3A_203 = arith.constant 1 : i32
        %dma_start3A_204 = arith.constant 0 : i32
        %dma_start3A_205 = arith.constant 0 : i32
        %dma_start3A_206 = tpu.memref_slice %arg15[%dma_start3A_203, %dma_start3A_204, %dma_start3A_205] : memref<2x128x128xf32, #tpu.memory_space<vmem>> -> memref<1x128x128xf32, #tpu.memory_space<vmem>>
        %dma_start3A_207 = tpu.memref_squeeze %dma_start3A_206 : memref<1x128x128xf32, #tpu.memory_space<vmem>> -> memref<128x128xf32, #tpu.memory_space<vmem>>
        %dma_start3A_208 = arith.constant 0 : i32
        %dma_start3A_209 = tpu.memref_slice %arg10[%add3A_185, %dma_start3A_208] : memref<78x128xi32, #tpu.memory_space<vmem>> -> memref<1x128xi32, #tpu.memory_space<vmem>>
        %dma_start3A_210 = tpu.memref_squeeze %dma_start3A_209 : memref<1x128xi32, #tpu.memory_space<vmem>> -> memref<128xi32, #tpu.memory_space<vmem>>
        %dma_start3A_211 = arith.constant 0 : i32
        %dma_start3A_212 = arith.constant 0 : i32
        %dma_start3A_213 = tpu.memref_slice %arg2[%dma_start3A_211, %dma_start3A_212] : memref<10000x128xf32, #tpu.memory_space<hbm>> -> memref<10000x128xf32, #tpu.memory_space<hbm>>
        tpu.enqueue_indirect_dma source(%dma_start3A_213 : memref<10000x128xf32, #tpu.memory_space<hbm>>) target(%dma_start3A_207 : memref<128x128xf32, #tpu.memory_space<vmem>>) offsets(%dma_start3A_210 : memref<128xi32, #tpu.memory_space<vmem>>) semaphore(%arg20 : memref<!tpu.dma_semaphore, #tpu.memory_space<semaphore_mem>>)
      } else {
      }
    }
    %scan3A_69 = arith.constant 39 : i32
    %add3A_70 = arith.constant 9984 : i32
    %add3A_71 = arith.addi %mul3A_2, %add3A_70 : i32
    %multiple_of3A_72 = tpu.assume_multiple %add3A_71, 8 : i32
    "tpu.region"() ({
      %run_scoped3A = tpu.sem_alloc : memref<!tpu.dma_semaphore, #tpu.memory_space<semaphore_mem>>
      %dma_start3A_95 = arith.constant 0 : i32
      %dma_start3A_96 = tpu.memref_slice %arg3[%multiple_of3A_72, %dma_start3A_95] : memref<320000x128xf32, #tpu.memory_space<hbm>> -> memref<16x128xf32, #tpu.memory_space<hbm>>
      %dma_start3A_97 = arith.constant 0 : i32
      %dma_start3A_98 = tpu.memref_slice %arg3[%multiple_of3A_72, %dma_start3A_97] : memref<320000x128xf32, #tpu.memory_space<hbm>> -> memref<16x128xf32, #tpu.memory_space<hbm>>
      tpu.enqueue_dma source(%dma_start3A_98 : memref<16x128xf32, #tpu.memory_space<hbm>>) target(%arg16 : memref<16x128xf32, #tpu.memory_space<vmem>>) target_semaphore(%run_scoped3A : memref<!tpu.dma_semaphore, #tpu.memory_space<semaphore_mem>>)
      %dma_wait3A_99 = arith.constant 0 : i32
      %dma_wait3A_100 = tpu.memref_slice %arg3[%multiple_of3A_72, %dma_wait3A_99] : memref<320000x128xf32, #tpu.memory_space<hbm>> -> memref<16x128xf32, #tpu.memory_space<hbm>>
      %dma_wait3A_101 = arith.constant 0 : i32
      %dma_wait3A_102 = tpu.memref_slice %arg3[%multiple_of3A_72, %dma_wait3A_101] : memref<320000x128xf32, #tpu.memory_space<hbm>> -> memref<16x128xf32, #tpu.memory_space<hbm>>
      tpu.wait_dma2 semaphore(%run_scoped3A : memref<!tpu.dma_semaphore, #tpu.memory_space<semaphore_mem>>) src(%dma_wait3A_102 : memref<16x128xf32, #tpu.memory_space<hbm>>) dst(%arg16 : memref<16x128xf32, #tpu.memory_space<vmem>>)
      tpu.yield
    }) : () -> ()
    %dma_start3A_73 = arith.constant 0 : i32
    %dma_start3A_74 = arith.constant 0 : i32
    %dma_start3A_75 = tpu.memref_slice %arg2[%dma_start3A_73, %dma_start3A_74] : memref<10000x128xf32, #tpu.memory_space<hbm>> -> memref<10000x128xf32, #tpu.memory_space<hbm>>
    tpu.enqueue_indirect_dma source(%dma_start3A_75 : memref<10000x128xf32, #tpu.memory_space<hbm>>) target(%arg17 : memref<16x128xf32, #tpu.memory_space<vmem>>) offsets(%arg12 : memref<16xi32, #tpu.memory_space<vmem>>) semaphore(%arg23 : memref<!tpu.dma_semaphore, #tpu.memory_space<semaphore_mem>>)
    %dma_wait3A = arith.constant 0 : i32
    %dma_wait3A_76 = arith.constant 0 : i32
    %dma_wait3A_77 = tpu.memref_slice %arg2[%dma_wait3A, %dma_wait3A_76] : memref<10000x128xf32, #tpu.memory_space<hbm>> -> memref<10000x128xf32, #tpu.memory_space<hbm>>
    tpu.wait_indirect_dma semaphore(%arg23 : memref<!tpu.dma_semaphore, #tpu.memory_space<semaphore_mem>>) src(%dma_wait3A_77 : memref<10000x128xf32, #tpu.memory_space<hbm>>) dst(%arg17 : memref<16x128xf32, #tpu.memory_space<vmem>>)
    %scan3A_78 = arith.constant 0 : i32
    %scan3A_79 = arith.constant 0 : i32
    %scan3A_80 = arith.constant 16 : i32
    %scan3A_81 = arith.addi %scan3A_79, %scan3A_80 : i32
    %scan3A_82 = arith.constant 1 : i32
    scf.for %scan3A_95 = %scan3A_79 to %scan3A_81 step %scan3A_82  : i32 {
      %get3A = arith.index_cast %scan3A_95 : i32 to index
      %get3A_96 = arith.constant 0 : index
      %get3A_97 = tpu.vector_load %arg17[%get3A, %get3A_96] {strides = array<i32>} : memref<16x128xf32, #tpu.memory_space<vmem>>, vector<1x16xf32>,
      %get3A_98 = vector.shape_cast %get3A_97 : vector<1x16xf32> to vector<16xf32>
      %get3A_99 = arith.index_cast %scan3A_95 : i32 to index
      %get3A_100 = arith.constant 0 : index
      %get3A_101 = tpu.vector_load %arg16[%get3A_99, %get3A_100] {strides = array<i32>} : memref<16x128xf32, #tpu.memory_space<vmem>>, vector<1x16xf32>,
      %get3A_102 = vector.shape_cast %get3A_101 : vector<1x16xf32> to vector<16xf32>
      %mul3A_103 = arith.mulf %get3A_98, %get3A_102 : vector<16xf32>
      %swap3A = arith.index_cast %scan3A_95 : i32 to index
      %swap3A_104 = arith.constant 0 : index
      %swap3A_105 = tpu.vector_load %arg17[%swap3A, %swap3A_104] {strides = array<i32>} : memref<16x128xf32, #tpu.memory_space<vmem>>, vector<1x16xf32>,
      %swap3A_106 = vector.shape_cast %swap3A_105 : vector<1x16xf32> to vector<16xf32>
      %swap3A_107 = vector.shape_cast %mul3A_103 : vector<16xf32> to vector<1x16xf32>
      tpu.vector_store %arg17[%swap3A, %swap3A_104], %swap3A_107 {strides = array<i32>} : memref<16x128xf32, #tpu.memory_space<vmem>>, vector<1x16xf32>,
      %get3A_108 = arith.index_cast %scan3A_95 : i32 to index
      %get3A_109 = arith.constant 16 : index
      %get3A_110 = tpu.vector_load %arg17[%get3A_108, %get3A_109] {strides = array<i32>} : memref<16x128xf32, #tpu.memory_space<vmem>>, vector<1x16xf32>,
      %get3A_111 = vector.shape_cast %get3A_110 : vector<1x16xf32> to vector<16xf32>
      %get3A_112 = arith.index_cast %scan3A_95 : i32 to index
      %get3A_113 = arith.constant 16 : index
      %get3A_114 = tpu.vector_load %arg16[%get3A_112, %get3A_113] {strides = array<i32>} : memref<16x128xf32, #tpu.memory_space<vmem>>, vector<1x16xf32>,
      %get3A_115 = vector.shape_cast %get3A_114 : vector<1x16xf32> to vector<16xf32>
      %mul3A_116 = arith.mulf %get3A_111, %get3A_115 : vector<16xf32>
      %swap3A_117 = arith.index_cast %scan3A_95 : i32 to index
      %swap3A_118 = arith.constant 16 : index
      %swap3A_119 = tpu.vector_load %arg17[%swap3A_117, %swap3A_118] {strides = array<i32>} : memref<16x128xf32, #tpu.memory_space<vmem>>, vector<1x16xf32>,
      %swap3A_120 = vector.shape_cast %swap3A_119 : vector<1x16xf32> to vector<16xf32>
      %swap3A_121 = vector.shape_cast %mul3A_116 : vector<16xf32> to vector<1x16xf32>
      tpu.vector_store %arg17[%swap3A_117, %swap3A_118], %swap3A_121 {strides = array<i32>} : memref<16x128xf32, #tpu.memory_space<vmem>>, vector<1x16xf32>,
      %get3A_122 = arith.index_cast %scan3A_95 : i32 to index
      %get3A_123 = arith.constant 32 : index
      %get3A_124 = tpu.vector_load %arg17[%get3A_122, %get3A_123] {strides = array<i32>} : memref<16x128xf32, #tpu.memory_space<vmem>>, vector<1x16xf32>,
      %get3A_125 = vector.shape_cast %get3A_124 : vector<1x16xf32> to vector<16xf32>
      %get3A_126 = arith.index_cast %scan3A_95 : i32 to index
      %get3A_127 = arith.constant 32 : index
      %get3A_128 = tpu.vector_load %arg16[%get3A_126, %get3A_127] {strides = array<i32>} : memref<16x128xf32, #tpu.memory_space<vmem>>, vector<1x16xf32>,
      %get3A_129 = vector.shape_cast %get3A_128 : vector<1x16xf32> to vector<16xf32>
      %mul3A_130 = arith.mulf %get3A_125, %get3A_129 : vector<16xf32>
      %swap3A_131 = arith.index_cast %scan3A_95 : i32 to index
      %swap3A_132 = arith.constant 32 : index
      %swap3A_133 = tpu.vector_load %arg17[%swap3A_131, %swap3A_132] {strides = array<i32>} : memref<16x128xf32, #tpu.memory_space<vmem>>, vector<1x16xf32>,
      %swap3A_134 = vector.shape_cast %swap3A_133 : vector<1x16xf32> to vector<16xf32>
      %swap3A_135 = vector.shape_cast %mul3A_130 : vector<16xf32> to vector<1x16xf32>
      tpu.vector_store %arg17[%swap3A_131, %swap3A_132], %swap3A_135 {strides = array<i32>} : memref<16x128xf32, #tpu.memory_space<vmem>>, vector<1x16xf32>,
      %get3A_136 = arith.index_cast %scan3A_95 : i32 to index
      %get3A_137 = arith.constant 48 : index
      %get3A_138 = tpu.vector_load %arg17[%get3A_136, %get3A_137] {strides = array<i32>} : memref<16x128xf32, #tpu.memory_space<vmem>>, vector<1x16xf32>,
      %get3A_139 = vector.shape_cast %get3A_138 : vector<1x16xf32> to vector<16xf32>
      %get3A_140 = arith.index_cast %scan3A_95 : i32 to index
      %get3A_141 = arith.constant 48 : index
      %get3A_142 = tpu.vector_load %arg16[%get3A_140, %get3A_141] {strides = array<i32>} : memref<16x128xf32, #tpu.memory_space<vmem>>, vector<1x16xf32>,
      %get3A_143 = vector.shape_cast %get3A_142 : vector<1x16xf32> to vector<16xf32>
      %mul3A_144 = arith.mulf %get3A_139, %get3A_143 : vector<16xf32>
      %swap3A_145 = arith.index_cast %scan3A_95 : i32 to index
      %swap3A_146 = arith.constant 48 : index
      %swap3A_147 = tpu.vector_load %arg17[%swap3A_145, %swap3A_146] {strides = array<i32>} : memref<16x128xf32, #tpu.memory_space<vmem>>, vector<1x16xf32>,
      %swap3A_148 = vector.shape_cast %swap3A_147 : vector<1x16xf32> to vector<16xf32>
      %swap3A_149 = vector.shape_cast %mul3A_144 : vector<16xf32> to vector<1x16xf32>
      tpu.vector_store %arg17[%swap3A_145, %swap3A_146], %swap3A_149 {strides = array<i32>} : memref<16x128xf32, #tpu.memory_space<vmem>>, vector<1x16xf32>,
      %get3A_150 = arith.index_cast %scan3A_95 : i32 to index
      %get3A_151 = arith.constant 64 : index
      %get3A_152 = tpu.vector_load %arg17[%get3A_150, %get3A_151] {strides = array<i32>} : memref<16x128xf32, #tpu.memory_space<vmem>>, vector<1x16xf32>,
      %get3A_153 = vector.shape_cast %get3A_152 : vector<1x16xf32> to vector<16xf32>
      %get3A_154 = arith.index_cast %scan3A_95 : i32 to index
      %get3A_155 = arith.constant 64 : index
      %get3A_156 = tpu.vector_load %arg16[%get3A_154, %get3A_155] {strides = array<i32>} : memref<16x128xf32, #tpu.memory_space<vmem>>, vector<1x16xf32>,
      %get3A_157 = vector.shape_cast %get3A_156 : vector<1x16xf32> to vector<16xf32>
      %mul3A_158 = arith.mulf %get3A_153, %get3A_157 : vector<16xf32>
      %swap3A_159 = arith.index_cast %scan3A_95 : i32 to index
      %swap3A_160 = arith.constant 64 : index
      %swap3A_161 = tpu.vector_load %arg17[%swap3A_159, %swap3A_160] {strides = array<i32>} : memref<16x128xf32, #tpu.memory_space<vmem>>, vector<1x16xf32>,
      %swap3A_162 = vector.shape_cast %swap3A_161 : vector<1x16xf32> to vector<16xf32>
      %swap3A_163 = vector.shape_cast %mul3A_158 : vector<16xf32> to vector<1x16xf32>
      tpu.vector_store %arg17[%swap3A_159, %swap3A_160], %swap3A_163 {strides = array<i32>} : memref<16x128xf32, #tpu.memory_space<vmem>>, vector<1x16xf32>,
      %get3A_164 = arith.index_cast %scan3A_95 : i32 to index
      %get3A_165 = arith.constant 80 : index
      %get3A_166 = tpu.vector_load %arg17[%get3A_164, %get3A_165] {strides = array<i32>} : memref<16x128xf32, #tpu.memory_space<vmem>>, vector<1x16xf32>,
      %get3A_167 = vector.shape_cast %get3A_166 : vector<1x16xf32> to vector<16xf32>
      %get3A_168 = arith.index_cast %scan3A_95 : i32 to index
      %get3A_169 = arith.constant 80 : index
      %get3A_170 = tpu.vector_load %arg16[%get3A_168, %get3A_169] {strides = array<i32>} : memref<16x128xf32, #tpu.memory_space<vmem>>, vector<1x16xf32>,
      %get3A_171 = vector.shape_cast %get3A_170 : vector<1x16xf32> to vector<16xf32>
      %mul3A_172 = arith.mulf %get3A_167, %get3A_171 : vector<16xf32>
      %swap3A_173 = arith.index_cast %scan3A_95 : i32 to index
      %swap3A_174 = arith.constant 80 : index
      %swap3A_175 = tpu.vector_load %arg17[%swap3A_173, %swap3A_174] {strides = array<i32>} : memref<16x128xf32, #tpu.memory_space<vmem>>, vector<1x16xf32>,
      %swap3A_176 = vector.shape_cast %swap3A_175 : vector<1x16xf32> to vector<16xf32>
      %swap3A_177 = vector.shape_cast %mul3A_172 : vector<16xf32> to vector<1x16xf32>
      tpu.vector_store %arg17[%swap3A_173, %swap3A_174], %swap3A_177 {strides = array<i32>} : memref<16x128xf32, #tpu.memory_space<vmem>>, vector<1x16xf32>,
      %get3A_178 = arith.index_cast %scan3A_95 : i32 to index
      %get3A_179 = arith.constant 96 : index
      %get3A_180 = tpu.vector_load %arg17[%get3A_178, %get3A_179] {strides = array<i32>} : memref<16x128xf32, #tpu.memory_space<vmem>>, vector<1x16xf32>,
      %get3A_181 = vector.shape_cast %get3A_180 : vector<1x16xf32> to vector<16xf32>
      %get3A_182 = arith.index_cast %scan3A_95 : i32 to index
      %get3A_183 = arith.constant 96 : index
      %get3A_184 = tpu.vector_load %arg16[%get3A_182, %get3A_183] {strides = array<i32>} : memref<16x128xf32, #tpu.memory_space<vmem>>, vector<1x16xf32>,
      %get3A_185 = vector.shape_cast %get3A_184 : vector<1x16xf32> to vector<16xf32>
      %mul3A_186 = arith.mulf %get3A_181, %get3A_185 : vector<16xf32>
      %swap3A_187 = arith.index_cast %scan3A_95 : i32 to index
      %swap3A_188 = arith.constant 96 : index
      %swap3A_189 = tpu.vector_load %arg17[%swap3A_187, %swap3A_188] {strides = array<i32>} : memref<16x128xf32, #tpu.memory_space<vmem>>, vector<1x16xf32>,
      %swap3A_190 = vector.shape_cast %swap3A_189 : vector<1x16xf32> to vector<16xf32>
      %swap3A_191 = vector.shape_cast %mul3A_186 : vector<16xf32> to vector<1x16xf32>
      tpu.vector_store %arg17[%swap3A_187, %swap3A_188], %swap3A_191 {strides = array<i32>} : memref<16x128xf32, #tpu.memory_space<vmem>>, vector<1x16xf32>,
      %get3A_192 = arith.index_cast %scan3A_95 : i32 to index
      %get3A_193 = arith.constant 112 : index
      %get3A_194 = tpu.vector_load %arg17[%get3A_192, %get3A_193] {strides = array<i32>} : memref<16x128xf32, #tpu.memory_space<vmem>>, vector<1x16xf32>,
      %get3A_195 = vector.shape_cast %get3A_194 : vector<1x16xf32> to vector<16xf32>
      %get3A_196 = arith.index_cast %scan3A_95 : i32 to index
      %get3A_197 = arith.constant 112 : index
      %get3A_198 = tpu.vector_load %arg16[%get3A_196, %get3A_197] {strides = array<i32>} : memref<16x128xf32, #tpu.memory_space<vmem>>, vector<1x16xf32>,
      %get3A_199 = vector.shape_cast %get3A_198 : vector<1x16xf32> to vector<16xf32>
      %mul3A_200 = arith.mulf %get3A_195, %get3A_199 : vector<16xf32>
      %swap3A_201 = arith.index_cast %scan3A_95 : i32 to index
      %swap3A_202 = arith.constant 112 : index
      %swap3A_203 = tpu.vector_load %arg17[%swap3A_201, %swap3A_202] {strides = array<i32>} : memref<16x128xf32, #tpu.memory_space<vmem>>, vector<1x16xf32>,
      %swap3A_204 = vector.shape_cast %swap3A_203 : vector<1x16xf32> to vector<16xf32>
      %swap3A_205 = vector.shape_cast %mul3A_200 : vector<16xf32> to vector<1x16xf32>
      tpu.vector_store %arg17[%swap3A_201, %swap3A_202], %swap3A_205 {strides = array<i32>} : memref<16x128xf32, #tpu.memory_space<vmem>>, vector<1x16xf32>,
    }
    %scan3A_83 = arith.constant 16 : i32
    "tpu.region"() ({
      %run_scoped3A = tpu.sem_alloc : memref<!tpu.dma_semaphore, #tpu.memory_space<semaphore_mem>>
      %dma_start3A_95 = arith.constant 0 : i32
      %dma_start3A_96 = arith.constant 0 : i32
      %dma_start3A_97 = tpu.memref_slice %arg18[%dma_start3A_95, %dma_start3A_96] : memref<5000x128xf32, #tpu.memory_space<vmem_shared>> -> memref<5000x128xf32, #tpu.memory_space<vmem_shared>>
      tpu.enqueue_indirect_dma source(%arg17 : memref<16x128xf32, #tpu.memory_space<vmem>>) target(%dma_start3A_97 : memref<5000x128xf32, #tpu.memory_space<vmem_shared>>) offsets(%arg13 : memref<16xi32, #tpu.memory_space<vmem>>) semaphore(%run_scoped3A : memref<!tpu.dma_semaphore, #tpu.memory_space<semaphore_mem>>) {add = true}
      %dma_wait3A_98 = arith.constant 0 : i32
      %dma_wait3A_99 = arith.constant 0 : i32
      %dma_wait3A_100 = tpu.memref_slice %arg18[%dma_wait3A_98, %dma_wait3A_99] : memref<5000x128xf32, #tpu.memory_space<vmem_shared>> -> memref<5000x128xf32, #tpu.memory_space<vmem_shared>>
      tpu.wait_indirect_dma semaphore(%run_scoped3A : memref<!tpu.dma_semaphore, #tpu.memory_space<semaphore_mem>>) src(%arg17 : memref<16x128xf32, #tpu.memory_space<vmem>>) dst(%dma_wait3A_100 : memref<5000x128xf32, #tpu.memory_space<vmem_shared>>)
      tpu.yield
    }) : () -> ()
    %barrier3A_84 = arith.constant 0 : index
    tpu.barrier barrier_id(%barrier3A_84)
    %mul3A_85 = arith.constant 312 : i32
    %mul3A_86 = arith.muli %arg1, %mul3A_85 : i32
    %mul3A_87 = arith.constant 312 : i32
    %mul3A_88 = arith.muli %arg1, %mul3A_87 : i32
    %add3A_89 = arith.addi %mul3A_4, %mul3A_88 : i32
    "tpu.region"() ({
      %run_scoped3A = tpu.sem_alloc : memref<!tpu.dma_semaphore, #tpu.memory_space<semaphore_mem>>
      %dma_start3A_95 = arith.constant 0 : i32
      %dma_start3A_96 = tpu.memref_slice %arg9[%add3A_89, %dma_start3A_95] : memref<10000x128xf32, #tpu.memory_space<hbm>> -> memref<312x128xf32, #tpu.memory_space<hbm>>
      %dma_start3A_97 = arith.constant 0 : i32
      %dma_start3A_98 = tpu.memref_slice %arg18[%mul3A_86, %dma_start3A_97] : memref<5000x128xf32, #tpu.memory_space<vmem_shared>> -> memref<312x128xf32, #tpu.memory_space<vmem_shared>>
      tpu.enqueue_dma source(%dma_start3A_98 : memref<312x128xf32, #tpu.memory_space<vmem_shared>>) target(%dma_start3A_96 : memref<312x128xf32, #tpu.memory_space<hbm>>) target_semaphore(%run_scoped3A : memref<!tpu.dma_semaphore, #tpu.memory_space<semaphore_mem>>)
      %dma_wait3A_99 = arith.constant 0 : i32
      %dma_wait3A_100 = tpu.memref_slice %arg9[%add3A_89, %dma_wait3A_99] : memref<10000x128xf32, #tpu.memory_space<hbm>> -> memref<312x128xf32, #tpu.memory_space<hbm>>
      %dma_wait3A_101 = arith.constant 0 : i32
      %dma_wait3A_102 = tpu.memref_slice %arg18[%mul3A_86, %dma_wait3A_101] : memref<5000x128xf32, #tpu.memory_space<vmem_shared>> -> memref<312x128xf32, #tpu.memory_space<vmem_shared>>
      tpu.wait_dma2 semaphore(%run_scoped3A : memref<!tpu.dma_semaphore, #tpu.memory_space<semaphore_mem>>) src(%dma_wait3A_102 : memref<312x128xf32, #tpu.memory_space<vmem_shared>>) dst(%dma_wait3A_100 : memref<312x128xf32, #tpu.memory_space<hbm>>)
      tpu.yield
    }) : () -> ()
    %eq3A_90 = arith.constant 15 : i32
    %eq3A_91 = arith.cmpi eq, %arg1, %eq3A_90 : i32
    %convert_element_type3A_92 = arith.extui %eq3A_91 : i1 to i32
    %cond3A_93 = arith.constant 0 : i32
    %cond3A_94 = arith.cmpi ne, %convert_element_type3A_92, %cond3A_93 : i32
    scf.if %cond3A_94 {
      %add3A_95 = arith.constant 4992 : i32
      %add3A_96 = arith.addi %mul3A_4, %add3A_95 : i32
      "tpu.region"() ({
        %run_scoped3A = tpu.sem_alloc : memref<!tpu.dma_semaphore, #tpu.memory_space<semaphore_mem>>
        %dma_start3A_97 = arith.constant 0 : i32
        %dma_start3A_98 = tpu.memref_slice %arg9[%add3A_96, %dma_start3A_97] : memref<10000x128xf32, #tpu.memory_space<hbm>> -> memref<8x128xf32, #tpu.memory_space<hbm>>
        %dma_start3A_99 = arith.constant 4992 : i32
        %dma_start3A_100 = arith.constant 0 : i32
        %dma_start3A_101 = tpu.memref_slice %arg18[%dma_start3A_99, %dma_start3A_100] : memref<5000x128xf32, #tpu.memory_space<vmem_shared>> -> memref<8x128xf32, #tpu.memory_space<vmem_shared>>
        tpu.enqueue_dma source(%dma_start3A_101 : memref<8x128xf32, #tpu.memory_space<vmem_shared>>) target(%dma_start3A_98 : memref<8x128xf32, #tpu.memory_space<hbm>>) target_semaphore(%run_scoped3A : memref<!tpu.dma_semaphore, #tpu.memory_space<semaphore_mem>>)
        %dma_wait3A_102 = arith.constant 0 : i32
        %dma_wait3A_103 = tpu.memref_slice %arg9[%add3A_96, %dma_wait3A_102] : memref<10000x128xf32, #tpu.memory_space<hbm>> -> memref<8x128xf32, #tpu.memory_space<hbm>>
        %dma_wait3A_104 = arith.constant 4992 : i32
        %dma_wait3A_105 = arith.constant 0 : i32
        %dma_wait3A_106 = tpu.memref_slice %arg18[%dma_wait3A_104, %dma_wait3A_105] : memref<5000x128xf32, #tpu.memory_space<vmem_shared>> -> memref<8x128xf32, #tpu.memory_space<vmem_shared>>
        tpu.wait_dma2 semaphore(%run_scoped3A : memref<!tpu.dma_semaphore, #tpu.memory_space<semaphore_mem>>) src(%dma_wait3A_106 : memref<8x128xf32, #tpu.memory_space<vmem_shared>>) dst(%dma_wait3A_103 : memref<8x128xf32, #tpu.memory_space<hbm>>)
        tpu.yield
      }) : () -> ()
    } else {
    }
    return
  }
}

#map = affine_map<(d0, d1) -> (0, 0)>
#map1 = affine_map<(d0, d1) -> (0, 0, 0)>
module attributes {stable_mosaic.version = 14 : i64} {
  func.func @_msg_kernel(%arg0: i32, %arg1: i32, %arg2: memref<10000x128xf32, #tpu.memory_space<hbm>>, %arg3: memref<320000x128xf32, #tpu.memory_space<hbm>>, %arg4: memref<32x78x128xi32, #tpu.memory_space<hbm>>, %arg5: memref<32x78x128xi32, #tpu.memory_space<hbm>>, %arg6: memref<32x16xi32, #tpu.memory_space<hbm>>, %arg7: memref<32x16xi32, #tpu.memory_space<hbm>>, %arg8: memref<5000x128xf32, #tpu.memory_space<hbm>>, %arg9: memref<10000x128xf32, #tpu.memory_space<hbm>>, %arg10: memref<78x128xi32, #tpu.memory_space<vmem>>, %arg11: memref<78x128xi32, #tpu.memory_space<vmem>>, %arg12: memref<16xi32, #tpu.memory_space<vmem>>, %arg13: memref<16xi32, #tpu.memory_space<vmem>>, %arg14: memref<2x128x128xf32, #tpu.memory_space<vmem>>, %arg15: memref<2x128x128xf32, #tpu.memory_space<vmem>>, %arg16: memref<16x128xf32, #tpu.memory_space<vmem>>, %arg17: memref<16x128xf32, #tpu.memory_space<vmem>>, %arg18: memref<5000x128xf32, #tpu.memory_space<vmem_shared>>, %arg19: memref<!tpu.dma_semaphore, #tpu.memory_space<semaphore_mem>>, %arg20: memref<!tpu.dma_semaphore, #tpu.memory_space<semaphore_mem>>, %arg21: memref<!tpu.dma_semaphore, #tpu.memory_space<semaphore_mem>>, %arg22: memref<!tpu.dma_semaphore, #tpu.memory_space<semaphore_mem>>, %arg23: memref<!tpu.dma_semaphore, #tpu.memory_space<semaphore_mem>>) attributes {dimension_semantics = [#tpu.dimension_semantics<core_parallel>, #tpu.dimension_semantics<subcore_parallel>], iteration_bounds = array<i64: 2, 16>, scalar_prefetch = 0 : i64, scratch_operands = 14 : i64, tpu.core_type = #tpu.core_type<sc_vector_subcore>, window_params = [{transform_indices = #map}, {transform_indices = #map}, {transform_indices = #map1}, {transform_indices = #map1}, {transform_indices = #map}, {transform_indices = #map}, {transform_indices = #map}, {transform_indices = #map}]} {
    %mul3A = arith.constant 16 : i32
    %mul3A_0 = arith.muli %arg0, %mul3A : i32
    %add3A = arith.addi %mul3A_0, %arg1 : i32
    %mul3A_1 = arith.constant 10000 : i32
    %mul3A_2 = arith.muli %add3A, %mul3A_1 : i32
    %mul3A_3 = arith.constant 5000 : i32
    %mul3A_4 = arith.muli %arg0, %mul3A_3 : i32
    "tpu.region"() ({
      %run_scoped3A = tpu.sem_alloc : memref<!tpu.dma_semaphore, #tpu.memory_space<semaphore_mem>>
      %dma_start3A_95 = arith.constant 0 : i32
      %dma_start3A_96 = arith.constant 0 : i32
      %dma_start3A_97 = tpu.memref_slice %arg4[%add3A, %dma_start3A_95, %dma_start3A_96] : memref<32x78x128xi32, #tpu.memory_space<hbm>> -> memref<1x78x128xi32, #tpu.memory_space<hbm>>
      %dma_start3A_98 = tpu.memref_squeeze %dma_start3A_97 : memref<1x78x128xi32, #tpu.memory_space<hbm>> -> memref<78x128xi32, #tpu.memory_space<hbm>>
      %dma_start3A_99 = arith.constant 0 : i32
      %dma_start3A_100 = arith.constant 0 : i32
      %dma_start3A_101 = tpu.memref_slice %arg4[%add3A, %dma_start3A_99, %dma_start3A_100] : memref<32x78x128xi32, #tpu.memory_space<hbm>> -> memref<1x78x128xi32, #tpu.memory_space<hbm>>
      %dma_start3A_102 = tpu.memref_squeeze %dma_start3A_101 : memref<1x78x128xi32, #tpu.memory_space<hbm>> -> memref<78x128xi32, #tpu.memory_space<hbm>>
      tpu.enqueue_dma source(%dma_start3A_102 : memref<78x128xi32, #tpu.memory_space<hbm>>) target(%arg10 : memref<78x128xi32, #tpu.memory_space<vmem>>) target_semaphore(%run_scoped3A : memref<!tpu.dma_semaphore, #tpu.memory_space<semaphore_mem>>)
      %dma_wait3A_103 = arith.constant 0 : i32
      %dma_wait3A_104 = arith.constant 0 : i32
      %dma_wait3A_105 = tpu.memref_slice %arg4[%add3A, %dma_wait3A_103, %dma_wait3A_104] : memref<32x78x128xi32, #tpu.memory_space<hbm>> -> memref<1x78x128xi32, #tpu.memory_space<hbm>>
      %dma_wait3A_106 = tpu.memref_squeeze %dma_wait3A_105 : memref<1x78x128xi32, #tpu.memory_space<hbm>> -> memref<78x128xi32, #tpu.memory_space<hbm>>
      %dma_wait3A_107 = arith.constant 0 : i32
      %dma_wait3A_108 = arith.constant 0 : i32
      %dma_wait3A_109 = tpu.memref_slice %arg4[%add3A, %dma_wait3A_107, %dma_wait3A_108] : memref<32x78x128xi32, #tpu.memory_space<hbm>> -> memref<1x78x128xi32, #tpu.memory_space<hbm>>
      %dma_wait3A_110 = tpu.memref_squeeze %dma_wait3A_109 : memref<1x78x128xi32, #tpu.memory_space<hbm>> -> memref<78x128xi32, #tpu.memory_space<hbm>>
      tpu.wait_dma2 semaphore(%run_scoped3A : memref<!tpu.dma_semaphore, #tpu.memory_space<semaphore_mem>>) src(%dma_wait3A_110 : memref<78x128xi32, #tpu.memory_space<hbm>>) dst(%arg10 : memref<78x128xi32, #tpu.memory_space<vmem>>)
      tpu.yield
    }) : () -> ()
    "tpu.region"() ({
      %run_scoped3A = tpu.sem_alloc : memref<!tpu.dma_semaphore, #tpu.memory_space<semaphore_mem>>
      %dma_start3A_95 = arith.constant 0 : i32
      %dma_start3A_96 = arith.constant 0 : i32
      %dma_start3A_97 = tpu.memref_slice %arg5[%add3A, %dma_start3A_95, %dma_start3A_96] : memref<32x78x128xi32, #tpu.memory_space<hbm>> -> memref<1x78x128xi32, #tpu.memory_space<hbm>>
      %dma_start3A_98 = tpu.memref_squeeze %dma_start3A_97 : memref<1x78x128xi32, #tpu.memory_space<hbm>> -> memref<78x128xi32, #tpu.memory_space<hbm>>
      %dma_start3A_99 = arith.constant 0 : i32
      %dma_start3A_100 = arith.constant 0 : i32
      %dma_start3A_101 = tpu.memref_slice %arg5[%add3A, %dma_start3A_99, %dma_start3A_100] : memref<32x78x128xi32, #tpu.memory_space<hbm>> -> memref<1x78x128xi32, #tpu.memory_space<hbm>>
      %dma_start3A_102 = tpu.memref_squeeze %dma_start3A_101 : memref<1x78x128xi32, #tpu.memory_space<hbm>> -> memref<78x128xi32, #tpu.memory_space<hbm>>
      tpu.enqueue_dma source(%dma_start3A_102 : memref<78x128xi32, #tpu.memory_space<hbm>>) target(%arg11 : memref<78x128xi32, #tpu.memory_space<vmem>>) target_semaphore(%run_scoped3A : memref<!tpu.dma_semaphore, #tpu.memory_space<semaphore_mem>>)
      %dma_wait3A_103 = arith.constant 0 : i32
      %dma_wait3A_104 = arith.constant 0 : i32
      %dma_wait3A_105 = tpu.memref_slice %arg5[%add3A, %dma_wait3A_103, %dma_wait3A_104] : memref<32x78x128xi32, #tpu.memory_space<hbm>> -> memref<1x78x128xi32, #tpu.memory_space<hbm>>
      %dma_wait3A_106 = tpu.memref_squeeze %dma_wait3A_105 : memref<1x78x128xi32, #tpu.memory_space<hbm>> -> memref<78x128xi32, #tpu.memory_space<hbm>>
      %dma_wait3A_107 = arith.constant 0 : i32
      %dma_wait3A_108 = arith.constant 0 : i32
      %dma_wait3A_109 = tpu.memref_slice %arg5[%add3A, %dma_wait3A_107, %dma_wait3A_108] : memref<32x78x128xi32, #tpu.memory_space<hbm>> -> memref<1x78x128xi32, #tpu.memory_space<hbm>>
      %dma_wait3A_110 = tpu.memref_squeeze %dma_wait3A_109 : memref<1x78x128xi32, #tpu.memory_space<hbm>> -> memref<78x128xi32, #tpu.memory_space<hbm>>
      tpu.wait_dma2 semaphore(%run_scoped3A : memref<!tpu.dma_semaphore, #tpu.memory_space<semaphore_mem>>) src(%dma_wait3A_110 : memref<78x128xi32, #tpu.memory_space<hbm>>) dst(%arg11 : memref<78x128xi32, #tpu.memory_space<vmem>>)
      tpu.yield
    }) : () -> ()
    "tpu.region"() ({
      %run_scoped3A = tpu.sem_alloc : memref<!tpu.dma_semaphore, #tpu.memory_space<semaphore_mem>>
      %dma_start3A_95 = arith.constant 0 : i32
      %dma_start3A_96 = tpu.memref_slice %arg6[%add3A, %dma_start3A_95] : memref<32x16xi32, #tpu.memory_space<hbm>> -> memref<1x16xi32, #tpu.memory_space<hbm>>
      %dma_start3A_97 = tpu.memref_squeeze %dma_start3A_96 : memref<1x16xi32, #tpu.memory_space<hbm>> -> memref<16xi32, #tpu.memory_space<hbm>>
      %dma_start3A_98 = arith.constant 0 : i32
      %dma_start3A_99 = tpu.memref_slice %arg6[%add3A, %dma_start3A_98] : memref<32x16xi32, #tpu.memory_space<hbm>> -> memref<1x16xi32, #tpu.memory_space<hbm>>
      %dma_start3A_100 = tpu.memref_squeeze %dma_start3A_99 : memref<1x16xi32, #tpu.memory_space<hbm>> -> memref<16xi32, #tpu.memory_space<hbm>>
      tpu.enqueue_dma source(%dma_start3A_100 : memref<16xi32, #tpu.memory_space<hbm>>) target(%arg12 : memref<16xi32, #tpu.memory_space<vmem>>) target_semaphore(%run_scoped3A : memref<!tpu.dma_semaphore, #tpu.memory_space<semaphore_mem>>)
      %dma_wait3A_101 = arith.constant 0 : i32
      %dma_wait3A_102 = tpu.memref_slice %arg6[%add3A, %dma_wait3A_101] : memref<32x16xi32, #tpu.memory_space<hbm>> -> memref<1x16xi32, #tpu.memory_space<hbm>>
      %dma_wait3A_103 = tpu.memref_squeeze %dma_wait3A_102 : memref<1x16xi32, #tpu.memory_space<hbm>> -> memref<16xi32, #tpu.memory_space<hbm>>
      %dma_wait3A_104 = arith.constant 0 : i32
      %dma_wait3A_105 = tpu.memref_slice %arg6[%add3A, %dma_wait3A_104] : memref<32x16xi32, #tpu.memory_space<hbm>> -> memref<1x16xi32, #tpu.memory_space<hbm>>
      %dma_wait3A_106 = tpu.memref_squeeze %dma_wait3A_105 : memref<1x16xi32, #tpu.memory_space<hbm>> -> memref<16xi32, #tpu.memory_space<hbm>>
      tpu.wait_dma2 semaphore(%run_scoped3A : memref<!tpu.dma_semaphore, #tpu.memory_space<semaphore_mem>>) src(%dma_wait3A_106 : memref<16xi32, #tpu.memory_space<hbm>>) dst(%arg12 : memref<16xi32, #tpu.memory_space<vmem>>)
      tpu.yield
    }) : () -> ()
    "tpu.region"() ({
      %run_scoped3A = tpu.sem_alloc : memref<!tpu.dma_semaphore, #tpu.memory_space<semaphore_mem>>
      %dma_start3A_95 = arith.constant 0 : i32
      %dma_start3A_96 = tpu.memref_slice %arg7[%add3A, %dma_start3A_95] : memref<32x16xi32, #tpu.memory_space<hbm>> -> memref<1x16xi32, #tpu.memory_space<hbm>>
      %dma_start3A_97 = tpu.memref_squeeze %dma_start3A_96 : memref<1x16xi32, #tpu.memory_space<hbm>> -> memref<16xi32, #tpu.memory_space<hbm>>
      %dma_start3A_98 = arith.constant 0 : i32
      %dma_start3A_99 = tpu.memref_slice %arg7[%add3A, %dma_start3A_98] : memref<32x16xi32, #tpu.memory_space<hbm>> -> memref<1x16xi32, #tpu.memory_space<hbm>>
      %dma_start3A_100 = tpu.memref_squeeze %dma_start3A_99 : memref<1x16xi32, #tpu.memory_space<hbm>> -> memref<16xi32, #tpu.memory_space<hbm>>
      tpu.enqueue_dma source(%dma_start3A_100 : memref<16xi32, #tpu.memory_space<hbm>>) target(%arg13 : memref<16xi32, #tpu.memory_space<vmem>>) target_semaphore(%run_scoped3A : memref<!tpu.dma_semaphore, #tpu.memory_space<semaphore_mem>>)
      %dma_wait3A_101 = arith.constant 0 : i32
      %dma_wait3A_102 = tpu.memref_slice %arg7[%add3A, %dma_wait3A_101] : memref<32x16xi32, #tpu.memory_space<hbm>> -> memref<1x16xi32, #tpu.memory_space<hbm>>
      %dma_wait3A_103 = tpu.memref_squeeze %dma_wait3A_102 : memref<1x16xi32, #tpu.memory_space<hbm>> -> memref<16xi32, #tpu.memory_space<hbm>>
      %dma_wait3A_104 = arith.constant 0 : i32
      %dma_wait3A_105 = tpu.memref_slice %arg7[%add3A, %dma_wait3A_104] : memref<32x16xi32, #tpu.memory_space<hbm>> -> memref<1x16xi32, #tpu.memory_space<hbm>>
      %dma_wait3A_106 = tpu.memref_squeeze %dma_wait3A_105 : memref<1x16xi32, #tpu.memory_space<hbm>> -> memref<16xi32, #tpu.memory_space<hbm>>
      tpu.wait_dma2 semaphore(%run_scoped3A : memref<!tpu.dma_semaphore, #tpu.memory_space<semaphore_mem>>) src(%dma_wait3A_106 : memref<16xi32, #tpu.memory_space<hbm>>) dst(%arg13 : memref<16xi32, #tpu.memory_space<vmem>>)
      tpu.yield
    }) : () -> ()
    %mul3A_5 = arith.constant 312 : i32
    %mul3A_6 = arith.muli %arg1, %mul3A_5 : i32
    %mul3A_7 = arith.constant 312 : i32
    %mul3A_8 = arith.muli %arg1, %mul3A_7 : i32
    "tpu.region"() ({
      %run_scoped3A = tpu.sem_alloc : memref<!tpu.dma_semaphore, #tpu.memory_space<semaphore_mem>>
      %dma_start3A_95 = arith.constant 0 : i32
      %dma_start3A_96 = tpu.memref_slice %arg18[%mul3A_8, %dma_start3A_95] : memref<5000x128xf32, #tpu.memory_space<vmem_shared>> -> memref<312x128xf32, #tpu.memory_space<vmem_shared>>
      %dma_start3A_97 = arith.constant 0 : i32
      %dma_start3A_98 = tpu.memref_slice %arg8[%mul3A_6, %dma_start3A_97] : memref<5000x128xf32, #tpu.memory_space<hbm>> -> memref<312x128xf32, #tpu.memory_space<hbm>>
      tpu.enqueue_dma source(%dma_start3A_98 : memref<312x128xf32, #tpu.memory_space<hbm>>) target(%dma_start3A_96 : memref<312x128xf32, #tpu.memory_space<vmem_shared>>) target_semaphore(%run_scoped3A : memref<!tpu.dma_semaphore, #tpu.memory_space<semaphore_mem>>)
      %dma_wait3A_99 = arith.constant 0 : i32
      %dma_wait3A_100 = tpu.memref_slice %arg18[%mul3A_8, %dma_wait3A_99] : memref<5000x128xf32, #tpu.memory_space<vmem_shared>> -> memref<312x128xf32, #tpu.memory_space<vmem_shared>>
      %dma_wait3A_101 = arith.constant 0 : i32
      %dma_wait3A_102 = tpu.memref_slice %arg8[%mul3A_6, %dma_wait3A_101] : memref<5000x128xf32, #tpu.memory_space<hbm>> -> memref<312x128xf32, #tpu.memory_space<hbm>>
      tpu.wait_dma2 semaphore(%run_scoped3A : memref<!tpu.dma_semaphore, #tpu.memory_space<semaphore_mem>>) src(%dma_wait3A_102 : memref<312x128xf32, #tpu.memory_space<hbm>>) dst(%dma_wait3A_100 : memref<312x128xf32, #tpu.memory_space<vmem_shared>>)
      tpu.yield
    }) : () -> ()
    %eq3A = arith.constant 15 : i32
    %eq3A_9 = arith.cmpi eq, %arg1, %eq3A : i32
    %convert_element_type3A = arith.extui %eq3A_9 : i1 to i32
    %cond3A = arith.constant 0 : i32
    %cond3A_10 = arith.cmpi ne, %convert_element_type3A, %cond3A : i32
    scf.if %cond3A_10 {
      "tpu.region"() ({
        %run_scoped3A = tpu.sem_alloc : memref<!tpu.dma_semaphore, #tpu.memory_space<semaphore_mem>>
        %dma_start3A_95 = arith.constant 4992 : i32
        %dma_start3A_96 = arith.constant 0 : i32
        %dma_start3A_97 = tpu.memref_slice %arg18[%dma_start3A_95, %dma_start3A_96] : memref<5000x128xf32, #tpu.memory_space<vmem_shared>> -> memref<8x128xf32, #tpu.memory_space<vmem_shared>>
        %dma_start3A_98 = arith.constant 4992 : i32
        %dma_start3A_99 = arith.constant 0 : i32
        %dma_start3A_100 = tpu.memref_slice %arg8[%dma_start3A_98, %dma_start3A_99] : memref<5000x128xf32, #tpu.memory_space<hbm>> -> memref<8x128xf32, #tpu.memory_space<hbm>>
        tpu.enqueue_dma source(%dma_start3A_100 : memref<8x128xf32, #tpu.memory_space<hbm>>) target(%dma_start3A_97 : memref<8x128xf32, #tpu.memory_space<vmem_shared>>) target_semaphore(%run_scoped3A : memref<!tpu.dma_semaphore, #tpu.memory_space<semaphore_mem>>)
        %dma_wait3A_101 = arith.constant 4992 : i32
        %dma_wait3A_102 = arith.constant 0 : i32
        %dma_wait3A_103 = tpu.memref_slice %arg18[%dma_wait3A_101, %dma_wait3A_102] : memref<5000x128xf32, #tpu.memory_space<vmem_shared>> -> memref<8x128xf32, #tpu.memory_space<vmem_shared>>
        %dma_wait3A_104 = arith.constant 4992 : i32
        %dma_wait3A_105 = arith.constant 0 : i32
        %dma_wait3A_106 = tpu.memref_slice %arg8[%dma_wait3A_104, %dma_wait3A_105] : memref<5000x128xf32, #tpu.memory_space<hbm>> -> memref<8x128xf32, #tpu.memory_space<hbm>>
        tpu.wait_dma2 semaphore(%run_scoped3A : memref<!tpu.dma_semaphore, #tpu.memory_space<semaphore_mem>>) src(%dma_wait3A_106 : memref<8x128xf32, #tpu.memory_space<hbm>>) dst(%dma_wait3A_103 : memref<8x128xf32, #tpu.memory_space<vmem_shared>>)
        tpu.yield
      }) : () -> ()
    } else {
    }
    %barrier3A = arith.constant 0 : index
    tpu.barrier barrier_id(%barrier3A)
    %add3A_11 = arith.constant 0 : i32
    %add3A_12 = arith.addi %mul3A_2, %add3A_11 : i32
    %multiple_of3A = tpu.assume_multiple %add3A_12, 8 : i32
    %dma_start3A = arith.constant 0 : i32
    %dma_start3A_13 = arith.constant 0 : i32
    %dma_start3A_14 = arith.constant 0 : i32
    %dma_start3A_15 = tpu.memref_slice %arg14[%dma_start3A, %dma_start3A_13, %dma_start3A_14] : memref<2x128x128xf32, #tpu.memory_space<vmem>> -> memref<1x128x128xf32, #tpu.memory_space<vmem>>
    %dma_start3A_16 = tpu.memref_squeeze %dma_start3A_15 : memref<1x128x128xf32, #tpu.memory_space<vmem>> -> memref<128x128xf32, #tpu.memory_space<vmem>>
    %dma_start3A_17 = arith.constant 0 : i32
    %dma_start3A_18 = tpu.memref_slice %arg3[%multiple_of3A, %dma_start3A_17] : memref<320000x128xf32, #tpu.memory_space<hbm>> -> memref<128x128xf32, #tpu.memory_space<hbm>>
    %dma_start3A_19 = arith.constant 0 : i32
    %dma_start3A_20 = arith.constant 0 : i32
    %dma_start3A_21 = tpu.memref_slice %arg14[%dma_start3A, %dma_start3A_19, %dma_start3A_20] : memref<2x128x128xf32, #tpu.memory_space<vmem>> -> memref<1x128x128xf32, #tpu.memory_space<vmem>>
    %dma_start3A_22 = tpu.memref_squeeze %dma_start3A_21 : memref<1x128x128xf32, #tpu.memory_space<vmem>> -> memref<128x128xf32, #tpu.memory_space<vmem>>
    %dma_start3A_23 = arith.constant 0 : i32
    %dma_start3A_24 = tpu.memref_slice %arg3[%multiple_of3A, %dma_start3A_23] : memref<320000x128xf32, #tpu.memory_space<hbm>> -> memref<128x128xf32, #tpu.memory_space<hbm>>
    tpu.enqueue_dma source(%dma_start3A_24 : memref<128x128xf32, #tpu.memory_space<hbm>>) target(%dma_start3A_22 : memref<128x128xf32, #tpu.memory_space<vmem>>) target_semaphore(%arg21 : memref<!tpu.dma_semaphore, #tpu.memory_space<semaphore_mem>>)
    %dma_start3A_25 = arith.constant 0 : i32
    %dma_start3A_26 = arith.constant 0 : i32
    %dma_start3A_27 = arith.constant 0 : i32
    %dma_start3A_28 = arith.constant 0 : i32
    %dma_start3A_29 = tpu.memref_slice %arg15[%dma_start3A_26, %dma_start3A_27, %dma_start3A_28] : memref<2x128x128xf32, #tpu.memory_space<vmem>> -> memref<1x128x128xf32, #tpu.memory_space<vmem>>
    %dma_start3A_30 = tpu.memref_squeeze %dma_start3A_29 : memref<1x128x128xf32, #tpu.memory_space<vmem>> -> memref<128x128xf32, #tpu.memory_space<vmem>>
    %dma_start3A_31 = arith.constant 0 : i32
    %dma_start3A_32 = tpu.memref_slice %arg10[%dma_start3A_25, %dma_start3A_31] : memref<78x128xi32, #tpu.memory_space<vmem>> -> memref<1x128xi32, #tpu.memory_space<vmem>>
    %dma_start3A_33 = tpu.memref_squeeze %dma_start3A_32 : memref<1x128xi32, #tpu.memory_space<vmem>> -> memref<128xi32, #tpu.memory_space<vmem>>
    %dma_start3A_34 = arith.constant 0 : i32
    %dma_start3A_35 = arith.constant 0 : i32
    %dma_start3A_36 = tpu.memref_slice %arg2[%dma_start3A_34, %dma_start3A_35] : memref<10000x128xf32, #tpu.memory_space<hbm>> -> memref<10000x128xf32, #tpu.memory_space<hbm>>
    tpu.enqueue_indirect_dma source(%dma_start3A_36 : memref<10000x128xf32, #tpu.memory_space<hbm>>) target(%dma_start3A_30 : memref<128x128xf32, #tpu.memory_space<vmem>>) offsets(%dma_start3A_33 : memref<128xi32, #tpu.memory_space<vmem>>) semaphore(%arg19 : memref<!tpu.dma_semaphore, #tpu.memory_space<semaphore_mem>>)
    %add3A_37 = arith.constant 128 : i32
    %add3A_38 = arith.addi %mul3A_2, %add3A_37 : i32
    %multiple_of3A_39 = tpu.assume_multiple %add3A_38, 8 : i32
    %dma_start3A_40 = arith.constant 1 : i32
    %dma_start3A_41 = arith.constant 0 : i32
    %dma_start3A_42 = arith.constant 0 : i32
    %dma_start3A_43 = tpu.memref_slice %arg14[%dma_start3A_40, %dma_start3A_41, %dma_start3A_42] : memref<2x128x128xf32, #tpu.memory_space<vmem>> -> memref<1x128x128xf32, #tpu.memory_space<vmem>>
    %dma_start3A_44 = tpu.memref_squeeze %dma_start3A_43 : memref<1x128x128xf32, #tpu.memory_space<vmem>> -> memref<128x128xf32, #tpu.memory_space<vmem>>
    %dma_start3A_45 = arith.constant 0 : i32
    %dma_start3A_46 = tpu.memref_slice %arg3[%multiple_of3A_39, %dma_start3A_45] : memref<320000x128xf32, #tpu.memory_space<hbm>> -> memref<128x128xf32, #tpu.memory_space<hbm>>
    %dma_start3A_47 = arith.constant 0 : i32
    %dma_start3A_48 = arith.constant 0 : i32
    %dma_start3A_49 = tpu.memref_slice %arg14[%dma_start3A_40, %dma_start3A_47, %dma_start3A_48] : memref<2x128x128xf32, #tpu.memory_space<vmem>> -> memref<1x128x128xf32, #tpu.memory_space<vmem>>
    %dma_start3A_50 = tpu.memref_squeeze %dma_start3A_49 : memref<1x128x128xf32, #tpu.memory_space<vmem>> -> memref<128x128xf32, #tpu.memory_space<vmem>>
    %dma_start3A_51 = arith.constant 0 : i32
    %dma_start3A_52 = tpu.memref_slice %arg3[%multiple_of3A_39, %dma_start3A_51] : memref<320000x128xf32, #tpu.memory_space<hbm>> -> memref<128x128xf32, #tpu.memory_space<hbm>>
    tpu.enqueue_dma source(%dma_start3A_52 : memref<128x128xf32, #tpu.memory_space<hbm>>) target(%dma_start3A_50 : memref<128x128xf32, #tpu.memory_space<vmem>>) target_semaphore(%arg22 : memref<!tpu.dma_semaphore, #tpu.memory_space<semaphore_mem>>)
    %dma_start3A_53 = arith.constant 1 : i32
    %dma_start3A_54 = arith.constant 1 : i32
    %dma_start3A_55 = arith.constant 0 : i32
    %dma_start3A_56 = arith.constant 0 : i32
    %dma_start3A_57 = tpu.memref_slice %arg15[%dma_start3A_54, %dma_start3A_55, %dma_start3A_56] : memref<2x128x128xf32, #tpu.memory_space<vmem>> -> memref<1x128x128xf32, #tpu.memory_space<vmem>>
    %dma_start3A_58 = tpu.memref_squeeze %dma_start3A_57 : memref<1x128x128xf32, #tpu.memory_space<vmem>> -> memref<128x128xf32, #tpu.memory_space<vmem>>
    %dma_start3A_59 = arith.constant 0 : i32
    %dma_start3A_60 = tpu.memref_slice %arg10[%dma_start3A_53, %dma_start3A_59] : memref<78x128xi32, #tpu.memory_space<vmem>> -> memref<1x128xi32, #tpu.memory_space<vmem>>
    %dma_start3A_61 = tpu.memref_squeeze %dma_start3A_60 : memref<1x128xi32, #tpu.memory_space<vmem>> -> memref<128xi32, #tpu.memory_space<vmem>>
    %dma_start3A_62 = arith.constant 0 : i32
    %dma_start3A_63 = arith.constant 0 : i32
    %dma_start3A_64 = tpu.memref_slice %arg2[%dma_start3A_62, %dma_start3A_63] : memref<10000x128xf32, #tpu.memory_space<hbm>> -> memref<10000x128xf32, #tpu.memory_space<hbm>>
    tpu.enqueue_indirect_dma source(%dma_start3A_64 : memref<10000x128xf32, #tpu.memory_space<hbm>>) target(%dma_start3A_58 : memref<128x128xf32, #tpu.memory_space<vmem>>) offsets(%dma_start3A_61 : memref<128xi32, #tpu.memory_space<vmem>>) semaphore(%arg20 : memref<!tpu.dma_semaphore, #tpu.memory_space<semaphore_mem>>)
    %scan3A = arith.constant 0 : i32
    %scan3A_65 = arith.constant 0 : i32
    %scan3A_66 = arith.constant 39 : i32
    %scan3A_67 = arith.addi %scan3A_65, %scan3A_66 : i32
    %scan3A_68 = arith.constant 1 : i32
    scf.for %scan3A_95 = %scan3A_65 to %scan3A_67 step %scan3A_68  : i32 {
      %mul3A_96 = arith.constant 2 : i32
      %mul3A_97 = arith.muli %mul3A_96, %scan3A_95 : i32
      %add3A_98 = arith.constant 0 : i32
      %add3A_99 = arith.addi %mul3A_97, %add3A_98 : i32
      %dma_wait3A_100 = arith.constant 0 : i32
      %dma_wait3A_101 = arith.constant 0 : i32
      %dma_wait3A_102 = arith.constant 0 : i32
      %dma_wait3A_103 = tpu.memref_slice %arg14[%dma_wait3A_100, %dma_wait3A_101, %dma_wait3A_102] : memref<2x128x128xf32, #tpu.memory_space<vmem>> -> memref<1x128x128xf32, #tpu.memory_space<vmem>>
      %dma_wait3A_104 = tpu.memref_squeeze %dma_wait3A_103 : memref<1x128x128xf32, #tpu.memory_space<vmem>> -> memref<128x128xf32, #tpu.memory_space<vmem>>
      %dma_wait3A_105 = arith.constant 0 : i32
      %dma_wait3A_106 = arith.constant 0 : i32
      %dma_wait3A_107 = tpu.memref_slice %arg3[%dma_wait3A_105, %dma_wait3A_106] : memref<320000x128xf32, #tpu.memory_space<hbm>> -> memref<128x128xf32, #tpu.memory_space<hbm>>
      %dma_wait3A_108 = arith.constant 0 : i32
      %dma_wait3A_109 = arith.constant 0 : i32
      %dma_wait3A_110 = tpu.memref_slice %arg14[%dma_wait3A_100, %dma_wait3A_108, %dma_wait3A_109] : memref<2x128x128xf32, #tpu.memory_space<vmem>> -> memref<1x128x128xf32, #tpu.memory_space<vmem>>
      %dma_wait3A_111 = tpu.memref_squeeze %dma_wait3A_110 : memref<1x128x128xf32, #tpu.memory_space<vmem>> -> memref<128x128xf32, #tpu.memory_space<vmem>>
      %dma_wait3A_112 = arith.constant 0 : i32
      %dma_wait3A_113 = arith.constant 0 : i32
      %dma_wait3A_114 = tpu.memref_slice %arg3[%dma_wait3A_112, %dma_wait3A_113] : memref<320000x128xf32, #tpu.memory_space<hbm>> -> memref<128x128xf32, #tpu.memory_space<hbm>>
      tpu.wait_dma2 semaphore(%arg21 : memref<!tpu.dma_semaphore, #tpu.memory_space<semaphore_mem>>) src(%dma_wait3A_114 : memref<128x128xf32, #tpu.memory_space<hbm>>) dst(%dma_wait3A_111 : memref<128x128xf32, #tpu.memory_space<vmem>>)
      %dma_wait3A_115 = arith.constant 0 : i32
      %dma_wait3A_116 = arith.constant 0 : i32
      %dma_wait3A_117 = arith.constant 0 : i32
      %dma_wait3A_118 = arith.constant 0 : i32
      %dma_wait3A_119 = tpu.memref_slice %arg15[%dma_wait3A_116, %dma_wait3A_117, %dma_wait3A_118] : memref<2x128x128xf32, #tpu.memory_space<vmem>> -> memref<1x128x128xf32, #tpu.memory_space<vmem>>
      %dma_wait3A_120 = tpu.memref_squeeze %dma_wait3A_119 : memref<1x128x128xf32, #tpu.memory_space<vmem>> -> memref<128x128xf32, #tpu.memory_space<vmem>>
      %dma_wait3A_121 = arith.constant 0 : i32
      %dma_wait3A_122 = tpu.memref_slice %arg10[%dma_wait3A_115, %dma_wait3A_121] : memref<78x128xi32, #tpu.memory_space<vmem>> -> memref<1x128xi32, #tpu.memory_space<vmem>>
      %dma_wait3A_123 = tpu.memref_squeeze %dma_wait3A_122 : memref<1x128xi32, #tpu.memory_space<vmem>> -> memref<128xi32, #tpu.memory_space<vmem>>
      %dma_wait3A_124 = arith.constant 0 : i32
      %dma_wait3A_125 = arith.constant 0 : i32
      %dma_wait3A_126 = tpu.memref_slice %arg2[%dma_wait3A_124, %dma_wait3A_125] : memref<10000x128xf32, #tpu.memory_space<hbm>> -> memref<10000x128xf32, #tpu.memory_space<hbm>>
      tpu.wait_indirect_dma semaphore(%arg19 : memref<!tpu.dma_semaphore, #tpu.memory_space<semaphore_mem>>) src(%dma_wait3A_126 : memref<10000x128xf32, #tpu.memory_space<hbm>>) dst(%dma_wait3A_120 : memref<128x128xf32, #tpu.memory_space<vmem>>)
      %scan3A_127 = arith.constant 0 : i32
      %scan3A_128 = arith.constant 0 : i32
      %scan3A_129 = arith.constant 0 : i32
      %scan3A_130 = arith.constant 0 : i32
      %scan3A_131 = arith.constant 128 : i32
      %scan3A_132 = arith.addi %scan3A_130, %scan3A_131 : i32
      %scan3A_133 = arith.constant 1 : i32
      scf.for %scan3A_184 = %scan3A_130 to %scan3A_132 step %scan3A_133  : i32 {
        %get3A = arith.constant 0 : i32
        %get3A_185 = arith.constant 0 : i32
        %get3A_186 = tpu.memref_slice %arg15[%scan3A_128, %get3A, %get3A_185] : memref<2x128x128xf32, #tpu.memory_space<vmem>> -> memref<1x128x128xf32, #tpu.memory_space<vmem>>
        %get3A_187 = tpu.memref_squeeze %get3A_186 : memref<1x128x128xf32, #tpu.memory_space<vmem>> -> memref<128x128xf32, #tpu.memory_space<vmem>>
        %get3A_188 = arith.index_cast %scan3A_184 : i32 to index
        %get3A_189 = arith.constant 0 : index
        %get3A_190 = tpu.vector_load %get3A_187[%get3A_188, %get3A_189] {strides = array<i32>} : memref<128x128xf32, #tpu.memory_space<vmem>>, vector<1x16xf32>,
        %get3A_191 = vector.shape_cast %get3A_190 : vector<1x16xf32> to vector<16xf32>
        %get3A_192 = arith.constant 0 : i32
        %get3A_193 = arith.constant 0 : i32
        %get3A_194 = tpu.memref_slice %arg14[%scan3A_129, %get3A_192, %get3A_193] : memref<2x128x128xf32, #tpu.memory_space<vmem>> -> memref<1x128x128xf32, #tpu.memory_space<vmem>>
        %get3A_195 = tpu.memref_squeeze %get3A_194 : memref<1x128x128xf32, #tpu.memory_space<vmem>> -> memref<128x128xf32, #tpu.memory_space<vmem>>
        %get3A_196 = arith.index_cast %scan3A_184 : i32 to index
        %get3A_197 = arith.constant 0 : index
        %get3A_198 = tpu.vector_load %get3A_195[%get3A_196, %get3A_197] {strides = array<i32>} : memref<128x128xf32, #tpu.memory_space<vmem>>, vector<1x16xf32>,
        %get3A_199 = vector.shape_cast %get3A_198 : vector<1x16xf32> to vector<16xf32>
        %mul3A_200 = arith.mulf %get3A_191, %get3A_199 : vector<16xf32>
        %swap3A = arith.constant 0 : i32
        %swap3A_201 = arith.constant 0 : i32
        %swap3A_202 = tpu.memref_slice %arg15[%scan3A_128, %swap3A, %swap3A_201] : memref<2x128x128xf32, #tpu.memory_space<vmem>> -> memref<1x128x128xf32, #tpu.memory_space<vmem>>
        %swap3A_203 = tpu.memref_squeeze %swap3A_202 : memref<1x128x128xf32, #tpu.memory_space<vmem>> -> memref<128x128xf32, #tpu.memory_space<vmem>>
        %swap3A_204 = arith.index_cast %scan3A_184 : i32 to index
        %swap3A_205 = arith.constant 0 : index
        %swap3A_206 = tpu.vector_load %swap3A_203[%swap3A_204, %swap3A_205] {strides = array<i32>} : memref<128x128xf32, #tpu.memory_space<vmem>>, vector<1x16xf32>,
        %swap3A_207 = vector.shape_cast %swap3A_206 : vector<1x16xf32> to vector<16xf32>
        %swap3A_208 = vector.shape_cast %mul3A_200 : vector<16xf32> to vector<1x16xf32>
        tpu.vector_store %swap3A_203[%swap3A_204, %swap3A_205], %swap3A_208 {strides = array<i32>} : memref<128x128xf32, #tpu.memory_space<vmem>>, vector<1x16xf32>,
        %get3A_209 = arith.constant 0 : i32
        %get3A_210 = arith.constant 0 : i32
        %get3A_211 = tpu.memref_slice %arg15[%scan3A_128, %get3A_209, %get3A_210] : memref<2x128x128xf32, #tpu.memory_space<vmem>> -> memref<1x128x128xf32, #tpu.memory_space<vmem>>
        %get3A_212 = tpu.memref_squeeze %get3A_211 : memref<1x128x128xf32, #tpu.memory_space<vmem>> -> memref<128x128xf32, #tpu.memory_space<vmem>>
        %get3A_213 = arith.index_cast %scan3A_184 : i32 to index
        %get3A_214 = arith.constant 16 : index
        %get3A_215 = tpu.vector_load %get3A_212[%get3A_213, %get3A_214] {strides = array<i32>} : memref<128x128xf32, #tpu.memory_space<vmem>>, vector<1x16xf32>,
        %get3A_216 = vector.shape_cast %get3A_215 : vector<1x16xf32> to vector<16xf32>
        %get3A_217 = arith.constant 0 : i32
        %get3A_218 = arith.constant 0 : i32
        %get3A_219 = tpu.memref_slice %arg14[%scan3A_129, %get3A_217, %get3A_218] : memref<2x128x128xf32, #tpu.memory_space<vmem>> -> memref<1x128x128xf32, #tpu.memory_space<vmem>>
        %get3A_220 = tpu.memref_squeeze %get3A_219 : memref<1x128x128xf32, #tpu.memory_space<vmem>> -> memref<128x128xf32, #tpu.memory_space<vmem>>
        %get3A_221 = arith.index_cast %scan3A_184 : i32 to index
        %get3A_222 = arith.constant 16 : index
        %get3A_223 = tpu.vector_load %get3A_220[%get3A_221, %get3A_222] {strides = array<i32>} : memref<128x128xf32, #tpu.memory_space<vmem>>, vector<1x16xf32>,
        %get3A_224 = vector.shape_cast %get3A_223 : vector<1x16xf32> to vector<16xf32>
        %mul3A_225 = arith.mulf %get3A_216, %get3A_224 : vector<16xf32>
        %swap3A_226 = arith.constant 0 : i32
        %swap3A_227 = arith.constant 0 : i32
        %swap3A_228 = tpu.memref_slice %arg15[%scan3A_128, %swap3A_226, %swap3A_227] : memref<2x128x128xf32, #tpu.memory_space<vmem>> -> memref<1x128x128xf32, #tpu.memory_space<vmem>>
        %swap3A_229 = tpu.memref_squeeze %swap3A_228 : memref<1x128x128xf32, #tpu.memory_space<vmem>> -> memref<128x128xf32, #tpu.memory_space<vmem>>
        %swap3A_230 = arith.index_cast %scan3A_184 : i32 to index
        %swap3A_231 = arith.constant 16 : index
        %swap3A_232 = tpu.vector_load %swap3A_229[%swap3A_230, %swap3A_231] {strides = array<i32>} : memref<128x128xf32, #tpu.memory_space<vmem>>, vector<1x16xf32>,
        %swap3A_233 = vector.shape_cast %swap3A_232 : vector<1x16xf32> to vector<16xf32>
        %swap3A_234 = vector.shape_cast %mul3A_225 : vector<16xf32> to vector<1x16xf32>
        tpu.vector_store %swap3A_229[%swap3A_230, %swap3A_231], %swap3A_234 {strides = array<i32>} : memref<128x128xf32, #tpu.memory_space<vmem>>, vector<1x16xf32>,
        %get3A_235 = arith.constant 0 : i32
        %get3A_236 = arith.constant 0 : i32
        %get3A_237 = tpu.memref_slice %arg15[%scan3A_128, %get3A_235, %get3A_236] : memref<2x128x128xf32, #tpu.memory_space<vmem>> -> memref<1x128x128xf32, #tpu.memory_space<vmem>>
        %get3A_238 = tpu.memref_squeeze %get3A_237 : memref<1x128x128xf32, #tpu.memory_space<vmem>> -> memref<128x128xf32, #tpu.memory_space<vmem>>
        %get3A_239 = arith.index_cast %scan3A_184 : i32 to index
        %get3A_240 = arith.constant 32 : index
        %get3A_241 = tpu.vector_load %get3A_238[%get3A_239, %get3A_240] {strides = array<i32>} : memref<128x128xf32, #tpu.memory_space<vmem>>, vector<1x16xf32>,
        %get3A_242 = vector.shape_cast %get3A_241 : vector<1x16xf32> to vector<16xf32>
        %get3A_243 = arith.constant 0 : i32
        %get3A_244 = arith.constant 0 : i32
        %get3A_245 = tpu.memref_slice %arg14[%scan3A_129, %get3A_243, %get3A_244] : memref<2x128x128xf32, #tpu.memory_space<vmem>> -> memref<1x128x128xf32, #tpu.memory_space<vmem>>
        %get3A_246 = tpu.memref_squeeze %get3A_245 : memref<1x128x128xf32, #tpu.memory_space<vmem>> -> memref<128x128xf32, #tpu.memory_space<vmem>>
        %get3A_247 = arith.index_cast %scan3A_184 : i32 to index
        %get3A_248 = arith.constant 32 : index
        %get3A_249 = tpu.vector_load %get3A_246[%get3A_247, %get3A_248] {strides = array<i32>} : memref<128x128xf32, #tpu.memory_space<vmem>>, vector<1x16xf32>,
        %get3A_250 = vector.shape_cast %get3A_249 : vector<1x16xf32> to vector<16xf32>
        %mul3A_251 = arith.mulf %get3A_242, %get3A_250 : vector<16xf32>
        %swap3A_252 = arith.constant 0 : i32
        %swap3A_253 = arith.constant 0 : i32
        %swap3A_254 = tpu.memref_slice %arg15[%scan3A_128, %swap3A_252, %swap3A_253] : memref<2x128x128xf32, #tpu.memory_space<vmem>> -> memref<1x128x128xf32, #tpu.memory_space<vmem>>
        %swap3A_255 = tpu.memref_squeeze %swap3A_254 : memref<1x128x128xf32, #tpu.memory_space<vmem>> -> memref<128x128xf32, #tpu.memory_space<vmem>>
        %swap3A_256 = arith.index_cast %scan3A_184 : i32 to index
        %swap3A_257 = arith.constant 32 : index
        %swap3A_258 = tpu.vector_load %swap3A_255[%swap3A_256, %swap3A_257] {strides = array<i32>} : memref<128x128xf32, #tpu.memory_space<vmem>>, vector<1x16xf32>,
        %swap3A_259 = vector.shape_cast %swap3A_258 : vector<1x16xf32> to vector<16xf32>
        %swap3A_260 = vector.shape_cast %mul3A_251 : vector<16xf32> to vector<1x16xf32>
        tpu.vector_store %swap3A_255[%swap3A_256, %swap3A_257], %swap3A_260 {strides = array<i32>} : memref<128x128xf32, #tpu.memory_space<vmem>>, vector<1x16xf32>,
        %get3A_261 = arith.constant 0 : i32
        %get3A_262 = arith.constant 0 : i32
        %get3A_263 = tpu.memref_slice %arg15[%scan3A_128, %get3A_261, %get3A_262] : memref<2x128x128xf32, #tpu.memory_space<vmem>> -> memref<1x128x128xf32, #tpu.memory_space<vmem>>
        %get3A_264 = tpu.memref_squeeze %get3A_263 : memref<1x128x128xf32, #tpu.memory_space<vmem>> -> memref<128x128xf32, #tpu.memory_space<vmem>>
        %get3A_265 = arith.index_cast %scan3A_184 : i32 to index
        %get3A_266 = arith.constant 48 : index
        %get3A_267 = tpu.vector_load %get3A_264[%get3A_265, %get3A_266] {strides = array<i32>} : memref<128x128xf32, #tpu.memory_space<vmem>>, vector<1x16xf32>,
        %get3A_268 = vector.shape_cast %get3A_267 : vector<1x16xf32> to vector<16xf32>
        %get3A_269 = arith.constant 0 : i32
        %get3A_270 = arith.constant 0 : i32
        %get3A_271 = tpu.memref_slice %arg14[%scan3A_129, %get3A_269, %get3A_270] : memref<2x128x128xf32, #tpu.memory_space<vmem>> -> memref<1x128x128xf32, #tpu.memory_space<vmem>>
        %get3A_272 = tpu.memref_squeeze %get3A_271 : memref<1x128x128xf32, #tpu.memory_space<vmem>> -> memref<128x128xf32, #tpu.memory_space<vmem>>
        %get3A_273 = arith.index_cast %scan3A_184 : i32 to index
        %get3A_274 = arith.constant 48 : index
        %get3A_275 = tpu.vector_load %get3A_272[%get3A_273, %get3A_274] {strides = array<i32>} : memref<128x128xf32, #tpu.memory_space<vmem>>, vector<1x16xf32>,
        %get3A_276 = vector.shape_cast %get3A_275 : vector<1x16xf32> to vector<16xf32>
        %mul3A_277 = arith.mulf %get3A_268, %get3A_276 : vector<16xf32>
        %swap3A_278 = arith.constant 0 : i32
        %swap3A_279 = arith.constant 0 : i32
        %swap3A_280 = tpu.memref_slice %arg15[%scan3A_128, %swap3A_278, %swap3A_279] : memref<2x128x128xf32, #tpu.memory_space<vmem>> -> memref<1x128x128xf32, #tpu.memory_space<vmem>>
        %swap3A_281 = tpu.memref_squeeze %swap3A_280 : memref<1x128x128xf32, #tpu.memory_space<vmem>> -> memref<128x128xf32, #tpu.memory_space<vmem>>
        %swap3A_282 = arith.index_cast %scan3A_184 : i32 to index
        %swap3A_283 = arith.constant 48 : index
        %swap3A_284 = tpu.vector_load %swap3A_281[%swap3A_282, %swap3A_283] {strides = array<i32>} : memref<128x128xf32, #tpu.memory_space<vmem>>, vector<1x16xf32>,
        %swap3A_285 = vector.shape_cast %swap3A_284 : vector<1x16xf32> to vector<16xf32>
        %swap3A_286 = vector.shape_cast %mul3A_277 : vector<16xf32> to vector<1x16xf32>
        tpu.vector_store %swap3A_281[%swap3A_282, %swap3A_283], %swap3A_286 {strides = array<i32>} : memref<128x128xf32, #tpu.memory_space<vmem>>, vector<1x16xf32>,
        %get3A_287 = arith.constant 0 : i32
        %get3A_288 = arith.constant 0 : i32
        %get3A_289 = tpu.memref_slice %arg15[%scan3A_128, %get3A_287, %get3A_288] : memref<2x128x128xf32, #tpu.memory_space<vmem>> -> memref<1x128x128xf32, #tpu.memory_space<vmem>>
        %get3A_290 = tpu.memref_squeeze %get3A_289 : memref<1x128x128xf32, #tpu.memory_space<vmem>> -> memref<128x128xf32, #tpu.memory_space<vmem>>
        %get3A_291 = arith.index_cast %scan3A_184 : i32 to index
        %get3A_292 = arith.constant 64 : index
        %get3A_293 = tpu.vector_load %get3A_290[%get3A_291, %get3A_292] {strides = array<i32>} : memref<128x128xf32, #tpu.memory_space<vmem>>, vector<1x16xf32>,
        %get3A_294 = vector.shape_cast %get3A_293 : vector<1x16xf32> to vector<16xf32>
        %get3A_295 = arith.constant 0 : i32
        %get3A_296 = arith.constant 0 : i32
        %get3A_297 = tpu.memref_slice %arg14[%scan3A_129, %get3A_295, %get3A_296] : memref<2x128x128xf32, #tpu.memory_space<vmem>> -> memref<1x128x128xf32, #tpu.memory_space<vmem>>
        %get3A_298 = tpu.memref_squeeze %get3A_297 : memref<1x128x128xf32, #tpu.memory_space<vmem>> -> memref<128x128xf32, #tpu.memory_space<vmem>>
        %get3A_299 = arith.index_cast %scan3A_184 : i32 to index
        %get3A_300 = arith.constant 64 : index
        %get3A_301 = tpu.vector_load %get3A_298[%get3A_299, %get3A_300] {strides = array<i32>} : memref<128x128xf32, #tpu.memory_space<vmem>>, vector<1x16xf32>,
        %get3A_302 = vector.shape_cast %get3A_301 : vector<1x16xf32> to vector<16xf32>
        %mul3A_303 = arith.mulf %get3A_294, %get3A_302 : vector<16xf32>
        %swap3A_304 = arith.constant 0 : i32
        %swap3A_305 = arith.constant 0 : i32
        %swap3A_306 = tpu.memref_slice %arg15[%scan3A_128, %swap3A_304, %swap3A_305] : memref<2x128x128xf32, #tpu.memory_space<vmem>> -> memref<1x128x128xf32, #tpu.memory_space<vmem>>
        %swap3A_307 = tpu.memref_squeeze %swap3A_306 : memref<1x128x128xf32, #tpu.memory_space<vmem>> -> memref<128x128xf32, #tpu.memory_space<vmem>>
        %swap3A_308 = arith.index_cast %scan3A_184 : i32 to index
        %swap3A_309 = arith.constant 64 : index
        %swap3A_310 = tpu.vector_load %swap3A_307[%swap3A_308, %swap3A_309] {strides = array<i32>} : memref<128x128xf32, #tpu.memory_space<vmem>>, vector<1x16xf32>,
        %swap3A_311 = vector.shape_cast %swap3A_310 : vector<1x16xf32> to vector<16xf32>
        %swap3A_312 = vector.shape_cast %mul3A_303 : vector<16xf32> to vector<1x16xf32>
        tpu.vector_store %swap3A_307[%swap3A_308, %swap3A_309], %swap3A_312 {strides = array<i32>} : memref<128x128xf32, #tpu.memory_space<vmem>>, vector<1x16xf32>,
        %get3A_313 = arith.constant 0 : i32
        %get3A_314 = arith.constant 0 : i32
        %get3A_315 = tpu.memref_slice %arg15[%scan3A_128, %get3A_313, %get3A_314] : memref<2x128x128xf32, #tpu.memory_space<vmem>> -> memref<1x128x128xf32, #tpu.memory_space<vmem>>
        %get3A_316 = tpu.memref_squeeze %get3A_315 : memref<1x128x128xf32, #tpu.memory_space<vmem>> -> memref<128x128xf32, #tpu.memory_space<vmem>>
        %get3A_317 = arith.index_cast %scan3A_184 : i32 to index
        %get3A_318 = arith.constant 80 : index
        %get3A_319 = tpu.vector_load %get3A_316[%get3A_317, %get3A_318] {strides = array<i32>} : memref<128x128xf32, #tpu.memory_space<vmem>>, vector<1x16xf32>,
        %get3A_320 = vector.shape_cast %get3A_319 : vector<1x16xf32> to vector<16xf32>
        %get3A_321 = arith.constant 0 : i32
        %get3A_322 = arith.constant 0 : i32
        %get3A_323 = tpu.memref_slice %arg14[%scan3A_129, %get3A_321, %get3A_322] : memref<2x128x128xf32, #tpu.memory_space<vmem>> -> memref<1x128x128xf32, #tpu.memory_space<vmem>>
        %get3A_324 = tpu.memref_squeeze %get3A_323 : memref<1x128x128xf32, #tpu.memory_space<vmem>> -> memref<128x128xf32, #tpu.memory_space<vmem>>
        %get3A_325 = arith.index_cast %scan3A_184 : i32 to index
        %get3A_326 = arith.constant 80 : index
        %get3A_327 = tpu.vector_load %get3A_324[%get3A_325, %get3A_326] {strides = array<i32>} : memref<128x128xf32, #tpu.memory_space<vmem>>, vector<1x16xf32>,
        %get3A_328 = vector.shape_cast %get3A_327 : vector<1x16xf32> to vector<16xf32>
        %mul3A_329 = arith.mulf %get3A_320, %get3A_328 : vector<16xf32>
        %swap3A_330 = arith.constant 0 : i32
        %swap3A_331 = arith.constant 0 : i32
        %swap3A_332 = tpu.memref_slice %arg15[%scan3A_128, %swap3A_330, %swap3A_331] : memref<2x128x128xf32, #tpu.memory_space<vmem>> -> memref<1x128x128xf32, #tpu.memory_space<vmem>>
        %swap3A_333 = tpu.memref_squeeze %swap3A_332 : memref<1x128x128xf32, #tpu.memory_space<vmem>> -> memref<128x128xf32, #tpu.memory_space<vmem>>
        %swap3A_334 = arith.index_cast %scan3A_184 : i32 to index
        %swap3A_335 = arith.constant 80 : index
        %swap3A_336 = tpu.vector_load %swap3A_333[%swap3A_334, %swap3A_335] {strides = array<i32>} : memref<128x128xf32, #tpu.memory_space<vmem>>, vector<1x16xf32>,
        %swap3A_337 = vector.shape_cast %swap3A_336 : vector<1x16xf32> to vector<16xf32>
        %swap3A_338 = vector.shape_cast %mul3A_329 : vector<16xf32> to vector<1x16xf32>
        tpu.vector_store %swap3A_333[%swap3A_334, %swap3A_335], %swap3A_338 {strides = array<i32>} : memref<128x128xf32, #tpu.memory_space<vmem>>, vector<1x16xf32>,
        %get3A_339 = arith.constant 0 : i32
        %get3A_340 = arith.constant 0 : i32
        %get3A_341 = tpu.memref_slice %arg15[%scan3A_128, %get3A_339, %get3A_340] : memref<2x128x128xf32, #tpu.memory_space<vmem>> -> memref<1x128x128xf32, #tpu.memory_space<vmem>>
        %get3A_342 = tpu.memref_squeeze %get3A_341 : memref<1x128x128xf32, #tpu.memory_space<vmem>> -> memref<128x128xf32, #tpu.memory_space<vmem>>
        %get3A_343 = arith.index_cast %scan3A_184 : i32 to index
        %get3A_344 = arith.constant 96 : index
        %get3A_345 = tpu.vector_load %get3A_342[%get3A_343, %get3A_344] {strides = array<i32>} : memref<128x128xf32, #tpu.memory_space<vmem>>, vector<1x16xf32>,
        %get3A_346 = vector.shape_cast %get3A_345 : vector<1x16xf32> to vector<16xf32>
        %get3A_347 = arith.constant 0 : i32
        %get3A_348 = arith.constant 0 : i32
        %get3A_349 = tpu.memref_slice %arg14[%scan3A_129, %get3A_347, %get3A_348] : memref<2x128x128xf32, #tpu.memory_space<vmem>> -> memref<1x128x128xf32, #tpu.memory_space<vmem>>
        %get3A_350 = tpu.memref_squeeze %get3A_349 : memref<1x128x128xf32, #tpu.memory_space<vmem>> -> memref<128x128xf32, #tpu.memory_space<vmem>>
        %get3A_351 = arith.index_cast %scan3A_184 : i32 to index
        %get3A_352 = arith.constant 96 : index
        %get3A_353 = tpu.vector_load %get3A_350[%get3A_351, %get3A_352] {strides = array<i32>} : memref<128x128xf32, #tpu.memory_space<vmem>>, vector<1x16xf32>,
        %get3A_354 = vector.shape_cast %get3A_353 : vector<1x16xf32> to vector<16xf32>
        %mul3A_355 = arith.mulf %get3A_346, %get3A_354 : vector<16xf32>
        %swap3A_356 = arith.constant 0 : i32
        %swap3A_357 = arith.constant 0 : i32
        %swap3A_358 = tpu.memref_slice %arg15[%scan3A_128, %swap3A_356, %swap3A_357] : memref<2x128x128xf32, #tpu.memory_space<vmem>> -> memref<1x128x128xf32, #tpu.memory_space<vmem>>
        %swap3A_359 = tpu.memref_squeeze %swap3A_358 : memref<1x128x128xf32, #tpu.memory_space<vmem>> -> memref<128x128xf32, #tpu.memory_space<vmem>>
        %swap3A_360 = arith.index_cast %scan3A_184 : i32 to index
        %swap3A_361 = arith.constant 96 : index
        %swap3A_362 = tpu.vector_load %swap3A_359[%swap3A_360, %swap3A_361] {strides = array<i32>} : memref<128x128xf32, #tpu.memory_space<vmem>>, vector<1x16xf32>,
        %swap3A_363 = vector.shape_cast %swap3A_362 : vector<1x16xf32> to vector<16xf32>
        %swap3A_364 = vector.shape_cast %mul3A_355 : vector<16xf32> to vector<1x16xf32>
        tpu.vector_store %swap3A_359[%swap3A_360, %swap3A_361], %swap3A_364 {strides = array<i32>} : memref<128x128xf32, #tpu.memory_space<vmem>>, vector<1x16xf32>,
        %get3A_365 = arith.constant 0 : i32
        %get3A_366 = arith.constant 0 : i32
        %get3A_367 = tpu.memref_slice %arg15[%scan3A_128, %get3A_365, %get3A_366] : memref<2x128x128xf32, #tpu.memory_space<vmem>> -> memref<1x128x128xf32, #tpu.memory_space<vmem>>
        %get3A_368 = tpu.memref_squeeze %get3A_367 : memref<1x128x128xf32, #tpu.memory_space<vmem>> -> memref<128x128xf32, #tpu.memory_space<vmem>>
        %get3A_369 = arith.index_cast %scan3A_184 : i32 to index
        %get3A_370 = arith.constant 112 : index
        %get3A_371 = tpu.vector_load %get3A_368[%get3A_369, %get3A_370] {strides = array<i32>} : memref<128x128xf32, #tpu.memory_space<vmem>>, vector<1x16xf32>,
        %get3A_372 = vector.shape_cast %get3A_371 : vector<1x16xf32> to vector<16xf32>
        %get3A_373 = arith.constant 0 : i32
        %get3A_374 = arith.constant 0 : i32
        %get3A_375 = tpu.memref_slice %arg14[%scan3A_129, %get3A_373, %get3A_374] : memref<2x128x128xf32, #tpu.memory_space<vmem>> -> memref<1x128x128xf32, #tpu.memory_space<vmem>>
        %get3A_376 = tpu.memref_squeeze %get3A_375 : memref<1x128x128xf32, #tpu.memory_space<vmem>> -> memref<128x128xf32, #tpu.memory_space<vmem>>
        %get3A_377 = arith.index_cast %scan3A_184 : i32 to index
        %get3A_378 = arith.constant 112 : index
        %get3A_379 = tpu.vector_load %get3A_376[%get3A_377, %get3A_378] {strides = array<i32>} : memref<128x128xf32, #tpu.memory_space<vmem>>, vector<1x16xf32>,
        %get3A_380 = vector.shape_cast %get3A_379 : vector<1x16xf32> to vector<16xf32>
        %mul3A_381 = arith.mulf %get3A_372, %get3A_380 : vector<16xf32>
        %swap3A_382 = arith.constant 0 : i32
        %swap3A_383 = arith.constant 0 : i32
        %swap3A_384 = tpu.memref_slice %arg15[%scan3A_128, %swap3A_382, %swap3A_383] : memref<2x128x128xf32, #tpu.memory_space<vmem>> -> memref<1x128x128xf32, #tpu.memory_space<vmem>>
        %swap3A_385 = tpu.memref_squeeze %swap3A_384 : memref<1x128x128xf32, #tpu.memory_space<vmem>> -> memref<128x128xf32, #tpu.memory_space<vmem>>
        %swap3A_386 = arith.index_cast %scan3A_184 : i32 to index
        %swap3A_387 = arith.constant 112 : index
        %swap3A_388 = tpu.vector_load %swap3A_385[%swap3A_386, %swap3A_387] {strides = array<i32>} : memref<128x128xf32, #tpu.memory_space<vmem>>, vector<1x16xf32>,
        %swap3A_389 = vector.shape_cast %swap3A_388 : vector<1x16xf32> to vector<16xf32>
        %swap3A_390 = vector.shape_cast %mul3A_381 : vector<16xf32> to vector<1x16xf32>
        tpu.vector_store %swap3A_385[%swap3A_386, %swap3A_387], %swap3A_390 {strides = array<i32>} : memref<128x128xf32, #tpu.memory_space<vmem>>, vector<1x16xf32>,
      }
      %scan3A_134 = arith.constant 128 : i32
      %run_scoped3A = arith.constant 0 : i32
      "tpu.region"() ({
        %run_scoped3A_184 = tpu.sem_alloc : memref<!tpu.dma_semaphore, #tpu.memory_space<semaphore_mem>>
        %dma_start3A_185 = arith.constant 0 : i32
        %dma_start3A_186 = arith.constant 0 : i32
        %dma_start3A_187 = tpu.memref_slice %arg15[%run_scoped3A, %dma_start3A_185, %dma_start3A_186] : memref<2x128x128xf32, #tpu.memory_space<vmem>> -> memref<1x128x128xf32, #tpu.memory_space<vmem>>
        %dma_start3A_188 = tpu.memref_squeeze %dma_start3A_187 : memref<1x128x128xf32, #tpu.memory_space<vmem>> -> memref<128x128xf32, #tpu.memory_space<vmem>>
        %dma_start3A_189 = arith.constant 0 : i32
        %dma_start3A_190 = tpu.memref_slice %arg11[%add3A_99, %dma_start3A_189] : memref<78x128xi32, #tpu.memory_space<vmem>> -> memref<1x128xi32, #tpu.memory_space<vmem>>
        %dma_start3A_191 = tpu.memref_squeeze %dma_start3A_190 : memref<1x128xi32, #tpu.memory_space<vmem>> -> memref<128xi32, #tpu.memory_space<vmem>>
        %dma_start3A_192 = arith.constant 0 : i32
        %dma_start3A_193 = arith.constant 0 : i32
        %dma_start3A_194 = tpu.memref_slice %arg18[%dma_start3A_192, %dma_start3A_193] : memref<5000x128xf32, #tpu.memory_space<vmem_shared>> -> memref<5000x128xf32, #tpu.memory_space<vmem_shared>>
        tpu.enqueue_indirect_dma source(%dma_start3A_188 : memref<128x128xf32, #tpu.memory_space<vmem>>) target(%dma_start3A_194 : memref<5000x128xf32, #tpu.memory_space<vmem_shared>>) offsets(%dma_start3A_191 : memref<128xi32, #tpu.memory_space<vmem>>) semaphore(%run_scoped3A_184 : memref<!tpu.dma_semaphore, #tpu.memory_space<semaphore_mem>>) {add = true}
        %dma_wait3A_195 = arith.constant 0 : i32
        %dma_wait3A_196 = arith.constant 0 : i32
        %dma_wait3A_197 = tpu.memref_slice %arg15[%run_scoped3A, %dma_wait3A_195, %dma_wait3A_196] : memref<2x128x128xf32, #tpu.memory_space<vmem>> -> memref<1x128x128xf32, #tpu.memory_space<vmem>>
        %dma_wait3A_198 = tpu.memref_squeeze %dma_wait3A_197 : memref<1x128x128xf32, #tpu.memory_space<vmem>> -> memref<128x128xf32, #tpu.memory_space<vmem>>
        %dma_wait3A_199 = arith.constant 0 : i32
        %dma_wait3A_200 = tpu.memref_slice %arg11[%add3A_99, %dma_wait3A_199] : memref<78x128xi32, #tpu.memory_space<vmem>> -> memref<1x128xi32, #tpu.memory_space<vmem>>
        %dma_wait3A_201 = tpu.memref_squeeze %dma_wait3A_200 : memref<1x128xi32, #tpu.memory_space<vmem>> -> memref<128xi32, #tpu.memory_space<vmem>>
        %dma_wait3A_202 = arith.constant 0 : i32
        %dma_wait3A_203 = arith.constant 0 : i32
        %dma_wait3A_204 = tpu.memref_slice %arg18[%dma_wait3A_202, %dma_wait3A_203] : memref<5000x128xf32, #tpu.memory_space<vmem_shared>> -> memref<5000x128xf32, #tpu.memory_space<vmem_shared>>
        tpu.wait_indirect_dma semaphore(%run_scoped3A_184 : memref<!tpu.dma_semaphore, #tpu.memory_space<semaphore_mem>>) src(%dma_wait3A_198 : memref<128x128xf32, #tpu.memory_space<vmem>>) dst(%dma_wait3A_204 : memref<5000x128xf32, #tpu.memory_space<vmem_shared>>)
        tpu.yield
      }) : () -> ()
      %lt3A = arith.constant 38 : i32
      %lt3A_135 = arith.cmpi slt, %scan3A_95, %lt3A : i32
      %convert_element_type3A_136 = arith.extui %lt3A_135 : i1 to i32
      %cond3A_137 = arith.constant 0 : i32
      %cond3A_138 = arith.cmpi ne, %convert_element_type3A_136, %cond3A_137 : i32
      scf.if %cond3A_138 {
        %add3A_184 = arith.constant 2 : i32
        %add3A_185 = arith.addi %add3A_99, %add3A_184 : i32
        %mul3A_186 = arith.constant 128 : i32
        %mul3A_187 = arith.muli %add3A_185, %mul3A_186 : i32
        %add3A_188 = arith.addi %mul3A_2, %mul3A_187 : i32
        %multiple_of3A_189 = tpu.assume_multiple %add3A_188, 8 : i32
        %dma_start3A_190 = arith.constant 0 : i32
        %dma_start3A_191 = arith.constant 0 : i32
        %dma_start3A_192 = arith.constant 0 : i32
        %dma_start3A_193 = tpu.memref_slice %arg14[%dma_start3A_190, %dma_start3A_191, %dma_start3A_192] : memref<2x128x128xf32, #tpu.memory_space<vmem>> -> memref<1x128x128xf32, #tpu.memory_space<vmem>>
        %dma_start3A_194 = tpu.memref_squeeze %dma_start3A_193 : memref<1x128x128xf32, #tpu.memory_space<vmem>> -> memref<128x128xf32, #tpu.memory_space<vmem>>
        %dma_start3A_195 = arith.constant 0 : i32
        %dma_start3A_196 = tpu.memref_slice %arg3[%multiple_of3A_189, %dma_start3A_195] : memref<320000x128xf32, #tpu.memory_space<hbm>> -> memref<128x128xf32, #tpu.memory_space<hbm>>
        %dma_start3A_197 = arith.constant 0 : i32
        %dma_start3A_198 = arith.constant 0 : i32
        %dma_start3A_199 = tpu.memref_slice %arg14[%dma_start3A_190, %dma_start3A_197, %dma_start3A_198] : memref<2x128x128xf32, #tpu.memory_space<vmem>> -> memref<1x128x128xf32, #tpu.memory_space<vmem>>
        %dma_start3A_200 = tpu.memref_squeeze %dma_start3A_199 : memref<1x128x128xf32, #tpu.memory_space<vmem>> -> memref<128x128xf32, #tpu.memory_space<vmem>>
        %dma_start3A_201 = arith.constant 0 : i32
        %dma_start3A_202 = tpu.memref_slice %arg3[%multiple_of3A_189, %dma_start3A_201] : memref<320000x128xf32, #tpu.memory_space<hbm>> -> memref<128x128xf32, #tpu.memory_space<hbm>>
        tpu.enqueue_dma source(%dma_start3A_202 : memref<128x128xf32, #tpu.memory_space<hbm>>) target(%dma_start3A_200 : memref<128x128xf32, #tpu.memory_space<vmem>>) target_semaphore(%arg21 : memref<!tpu.dma_semaphore, #tpu.memory_space<semaphore_mem>>)
        %dma_start3A_203 = arith.constant 0 : i32
        %dma_start3A_204 = arith.constant 0 : i32
        %dma_start3A_205 = arith.constant 0 : i32
        %dma_start3A_206 = tpu.memref_slice %arg15[%dma_start3A_203, %dma_start3A_204, %dma_start3A_205] : memref<2x128x128xf32, #tpu.memory_space<vmem>> -> memref<1x128x128xf32, #tpu.memory_space<vmem>>
        %dma_start3A_207 = tpu.memref_squeeze %dma_start3A_206 : memref<1x128x128xf32, #tpu.memory_space<vmem>> -> memref<128x128xf32, #tpu.memory_space<vmem>>
        %dma_start3A_208 = arith.constant 0 : i32
        %dma_start3A_209 = tpu.memref_slice %arg10[%add3A_185, %dma_start3A_208] : memref<78x128xi32, #tpu.memory_space<vmem>> -> memref<1x128xi32, #tpu.memory_space<vmem>>
        %dma_start3A_210 = tpu.memref_squeeze %dma_start3A_209 : memref<1x128xi32, #tpu.memory_space<vmem>> -> memref<128xi32, #tpu.memory_space<vmem>>
        %dma_start3A_211 = arith.constant 0 : i32
        %dma_start3A_212 = arith.constant 0 : i32
        %dma_start3A_213 = tpu.memref_slice %arg2[%dma_start3A_211, %dma_start3A_212] : memref<10000x128xf32, #tpu.memory_space<hbm>> -> memref<10000x128xf32, #tpu.memory_space<hbm>>
        tpu.enqueue_indirect_dma source(%dma_start3A_213 : memref<10000x128xf32, #tpu.memory_space<hbm>>) target(%dma_start3A_207 : memref<128x128xf32, #tpu.memory_space<vmem>>) offsets(%dma_start3A_210 : memref<128xi32, #tpu.memory_space<vmem>>) semaphore(%arg19 : memref<!tpu.dma_semaphore, #tpu.memory_space<semaphore_mem>>)
      } else {
      }
      %mul3A_139 = arith.constant 2 : i32
      %mul3A_140 = arith.muli %mul3A_139, %scan3A_95 : i32
      %add3A_141 = arith.constant 1 : i32
      %add3A_142 = arith.addi %mul3A_140, %add3A_141 : i32
      %dma_wait3A_143 = arith.constant 1 : i32
      %dma_wait3A_144 = arith.constant 0 : i32
      %dma_wait3A_145 = arith.constant 0 : i32
      %dma_wait3A_146 = tpu.memref_slice %arg14[%dma_wait3A_143, %dma_wait3A_144, %dma_wait3A_145] : memref<2x128x128xf32, #tpu.memory_space<vmem>> -> memref<1x128x128xf32, #tpu.memory_space<vmem>>
      %dma_wait3A_147 = tpu.memref_squeeze %dma_wait3A_146 : memref<1x128x128xf32, #tpu.memory_space<vmem>> -> memref<128x128xf32, #tpu.memory_space<vmem>>
      %dma_wait3A_148 = arith.constant 0 : i32
      %dma_wait3A_149 = arith.constant 0 : i32
      %dma_wait3A_150 = tpu.memref_slice %arg3[%dma_wait3A_148, %dma_wait3A_149] : memref<320000x128xf32, #tpu.memory_space<hbm>> -> memref<128x128xf32, #tpu.memory_space<hbm>>
      %dma_wait3A_151 = arith.constant 0 : i32
      %dma_wait3A_152 = arith.constant 0 : i32
      %dma_wait3A_153 = tpu.memref_slice %arg14[%dma_wait3A_143, %dma_wait3A_151, %dma_wait3A_152] : memref<2x128x128xf32, #tpu.memory_space<vmem>> -> memref<1x128x128xf32, #tpu.memory_space<vmem>>
      %dma_wait3A_154 = tpu.memref_squeeze %dma_wait3A_153 : memref<1x128x128xf32, #tpu.memory_space<vmem>> -> memref<128x128xf32, #tpu.memory_space<vmem>>
      %dma_wait3A_155 = arith.constant 0 : i32
      %dma_wait3A_156 = arith.constant 0 : i32
      %dma_wait3A_157 = tpu.memref_slice %arg3[%dma_wait3A_155, %dma_wait3A_156] : memref<320000x128xf32, #tpu.memory_space<hbm>> -> memref<128x128xf32, #tpu.memory_space<hbm>>
      tpu.wait_dma2 semaphore(%arg22 : memref<!tpu.dma_semaphore, #tpu.memory_space<semaphore_mem>>) src(%dma_wait3A_157 : memref<128x128xf32, #tpu.memory_space<hbm>>) dst(%dma_wait3A_154 : memref<128x128xf32, #tpu.memory_space<vmem>>)
      %dma_wait3A_158 = arith.constant 0 : i32
      %dma_wait3A_159 = arith.constant 1 : i32
      %dma_wait3A_160 = arith.constant 0 : i32
      %dma_wait3A_161 = arith.constant 0 : i32
      %dma_wait3A_162 = tpu.memref_slice %arg15[%dma_wait3A_159, %dma_wait3A_160, %dma_wait3A_161] : memref<2x128x128xf32, #tpu.memory_space<vmem>> -> memref<1x128x128xf32, #tpu.memory_space<vmem>>
      %dma_wait3A_163 = tpu.memref_squeeze %dma_wait3A_162 : memref<1x128x128xf32, #tpu.memory_space<vmem>> -> memref<128x128xf32, #tpu.memory_space<vmem>>
      %dma_wait3A_164 = arith.constant 0 : i32
      %dma_wait3A_165 = tpu.memref_slice %arg10[%dma_wait3A_158, %dma_wait3A_164] : memref<78x128xi32, #tpu.memory_space<vmem>> -> memref<1x128xi32, #tpu.memory_space<vmem>>
      %dma_wait3A_166 = tpu.memref_squeeze %dma_wait3A_165 : memref<1x128xi32, #tpu.memory_space<vmem>> -> memref<128xi32, #tpu.memory_space<vmem>>
      %dma_wait3A_167 = arith.constant 0 : i32
      %dma_wait3A_168 = arith.constant 0 : i32
      %dma_wait3A_169 = tpu.memref_slice %arg2[%dma_wait3A_167, %dma_wait3A_168] : memref<10000x128xf32, #tpu.memory_space<hbm>> -> memref<10000x128xf32, #tpu.memory_space<hbm>>
      tpu.wait_indirect_dma semaphore(%arg20 : memref<!tpu.dma_semaphore, #tpu.memory_space<semaphore_mem>>) src(%dma_wait3A_169 : memref<10000x128xf32, #tpu.memory_space<hbm>>) dst(%dma_wait3A_163 : memref<128x128xf32, #tpu.memory_space<vmem>>)
      %scan3A_170 = arith.constant 0 : i32
      %scan3A_171 = arith.constant 1 : i32
      %scan3A_172 = arith.constant 1 : i32
      %scan3A_173 = arith.constant 0 : i32
      %scan3A_174 = arith.constant 128 : i32
      %scan3A_175 = arith.addi %scan3A_173, %scan3A_174 : i32
      %scan3A_176 = arith.constant 1 : i32
      scf.for %scan3A_184 = %scan3A_173 to %scan3A_175 step %scan3A_176  : i32 {
        %get3A = arith.constant 0 : i32
        %get3A_185 = arith.constant 0 : i32
        %get3A_186 = tpu.memref_slice %arg15[%scan3A_171, %get3A, %get3A_185] : memref<2x128x128xf32, #tpu.memory_space<vmem>> -> memref<1x128x128xf32, #tpu.memory_space<vmem>>
        %get3A_187 = tpu.memref_squeeze %get3A_186 : memref<1x128x128xf32, #tpu.memory_space<vmem>> -> memref<128x128xf32, #tpu.memory_space<vmem>>
        %get3A_188 = arith.index_cast %scan3A_184 : i32 to index
        %get3A_189 = arith.constant 0 : index
        %get3A_190 = tpu.vector_load %get3A_187[%get3A_188, %get3A_189] {strides = array<i32>} : memref<128x128xf32, #tpu.memory_space<vmem>>, vector<1x16xf32>,
        %get3A_191 = vector.shape_cast %get3A_190 : vector<1x16xf32> to vector<16xf32>
        %get3A_192 = arith.constant 0 : i32
        %get3A_193 = arith.constant 0 : i32
        %get3A_194 = tpu.memref_slice %arg14[%scan3A_172, %get3A_192, %get3A_193] : memref<2x128x128xf32, #tpu.memory_space<vmem>> -> memref<1x128x128xf32, #tpu.memory_space<vmem>>
        %get3A_195 = tpu.memref_squeeze %get3A_194 : memref<1x128x128xf32, #tpu.memory_space<vmem>> -> memref<128x128xf32, #tpu.memory_space<vmem>>
        %get3A_196 = arith.index_cast %scan3A_184 : i32 to index
        %get3A_197 = arith.constant 0 : index
        %get3A_198 = tpu.vector_load %get3A_195[%get3A_196, %get3A_197] {strides = array<i32>} : memref<128x128xf32, #tpu.memory_space<vmem>>, vector<1x16xf32>,
        %get3A_199 = vector.shape_cast %get3A_198 : vector<1x16xf32> to vector<16xf32>
        %mul3A_200 = arith.mulf %get3A_191, %get3A_199 : vector<16xf32>
        %swap3A = arith.constant 0 : i32
        %swap3A_201 = arith.constant 0 : i32
        %swap3A_202 = tpu.memref_slice %arg15[%scan3A_171, %swap3A, %swap3A_201] : memref<2x128x128xf32, #tpu.memory_space<vmem>> -> memref<1x128x128xf32, #tpu.memory_space<vmem>>
        %swap3A_203 = tpu.memref_squeeze %swap3A_202 : memref<1x128x128xf32, #tpu.memory_space<vmem>> -> memref<128x128xf32, #tpu.memory_space<vmem>>
        %swap3A_204 = arith.index_cast %scan3A_184 : i32 to index
        %swap3A_205 = arith.constant 0 : index
        %swap3A_206 = tpu.vector_load %swap3A_203[%swap3A_204, %swap3A_205] {strides = array<i32>} : memref<128x128xf32, #tpu.memory_space<vmem>>, vector<1x16xf32>,
        %swap3A_207 = vector.shape_cast %swap3A_206 : vector<1x16xf32> to vector<16xf32>
        %swap3A_208 = vector.shape_cast %mul3A_200 : vector<16xf32> to vector<1x16xf32>
        tpu.vector_store %swap3A_203[%swap3A_204, %swap3A_205], %swap3A_208 {strides = array<i32>} : memref<128x128xf32, #tpu.memory_space<vmem>>, vector<1x16xf32>,
        %get3A_209 = arith.constant 0 : i32
        %get3A_210 = arith.constant 0 : i32
        %get3A_211 = tpu.memref_slice %arg15[%scan3A_171, %get3A_209, %get3A_210] : memref<2x128x128xf32, #tpu.memory_space<vmem>> -> memref<1x128x128xf32, #tpu.memory_space<vmem>>
        %get3A_212 = tpu.memref_squeeze %get3A_211 : memref<1x128x128xf32, #tpu.memory_space<vmem>> -> memref<128x128xf32, #tpu.memory_space<vmem>>
        %get3A_213 = arith.index_cast %scan3A_184 : i32 to index
        %get3A_214 = arith.constant 16 : index
        %get3A_215 = tpu.vector_load %get3A_212[%get3A_213, %get3A_214] {strides = array<i32>} : memref<128x128xf32, #tpu.memory_space<vmem>>, vector<1x16xf32>,
        %get3A_216 = vector.shape_cast %get3A_215 : vector<1x16xf32> to vector<16xf32>
        %get3A_217 = arith.constant 0 : i32
        %get3A_218 = arith.constant 0 : i32
        %get3A_219 = tpu.memref_slice %arg14[%scan3A_172, %get3A_217, %get3A_218] : memref<2x128x128xf32, #tpu.memory_space<vmem>> -> memref<1x128x128xf32, #tpu.memory_space<vmem>>
        %get3A_220 = tpu.memref_squeeze %get3A_219 : memref<1x128x128xf32, #tpu.memory_space<vmem>> -> memref<128x128xf32, #tpu.memory_space<vmem>>
        %get3A_221 = arith.index_cast %scan3A_184 : i32 to index
        %get3A_222 = arith.constant 16 : index
        %get3A_223 = tpu.vector_load %get3A_220[%get3A_221, %get3A_222] {strides = array<i32>} : memref<128x128xf32, #tpu.memory_space<vmem>>, vector<1x16xf32>,
        %get3A_224 = vector.shape_cast %get3A_223 : vector<1x16xf32> to vector<16xf32>
        %mul3A_225 = arith.mulf %get3A_216, %get3A_224 : vector<16xf32>
        %swap3A_226 = arith.constant 0 : i32
        %swap3A_227 = arith.constant 0 : i32
        %swap3A_228 = tpu.memref_slice %arg15[%scan3A_171, %swap3A_226, %swap3A_227] : memref<2x128x128xf32, #tpu.memory_space<vmem>> -> memref<1x128x128xf32, #tpu.memory_space<vmem>>
        %swap3A_229 = tpu.memref_squeeze %swap3A_228 : memref<1x128x128xf32, #tpu.memory_space<vmem>> -> memref<128x128xf32, #tpu.memory_space<vmem>>
        %swap3A_230 = arith.index_cast %scan3A_184 : i32 to index
        %swap3A_231 = arith.constant 16 : index
        %swap3A_232 = tpu.vector_load %swap3A_229[%swap3A_230, %swap3A_231] {strides = array<i32>} : memref<128x128xf32, #tpu.memory_space<vmem>>, vector<1x16xf32>,
        %swap3A_233 = vector.shape_cast %swap3A_232 : vector<1x16xf32> to vector<16xf32>
        %swap3A_234 = vector.shape_cast %mul3A_225 : vector<16xf32> to vector<1x16xf32>
        tpu.vector_store %swap3A_229[%swap3A_230, %swap3A_231], %swap3A_234 {strides = array<i32>} : memref<128x128xf32, #tpu.memory_space<vmem>>, vector<1x16xf32>,
        %get3A_235 = arith.constant 0 : i32
        %get3A_236 = arith.constant 0 : i32
        %get3A_237 = tpu.memref_slice %arg15[%scan3A_171, %get3A_235, %get3A_236] : memref<2x128x128xf32, #tpu.memory_space<vmem>> -> memref<1x128x128xf32, #tpu.memory_space<vmem>>
        %get3A_238 = tpu.memref_squeeze %get3A_237 : memref<1x128x128xf32, #tpu.memory_space<vmem>> -> memref<128x128xf32, #tpu.memory_space<vmem>>
        %get3A_239 = arith.index_cast %scan3A_184 : i32 to index
        %get3A_240 = arith.constant 32 : index
        %get3A_241 = tpu.vector_load %get3A_238[%get3A_239, %get3A_240] {strides = array<i32>} : memref<128x128xf32, #tpu.memory_space<vmem>>, vector<1x16xf32>,
        %get3A_242 = vector.shape_cast %get3A_241 : vector<1x16xf32> to vector<16xf32>
        %get3A_243 = arith.constant 0 : i32
        %get3A_244 = arith.constant 0 : i32
        %get3A_245 = tpu.memref_slice %arg14[%scan3A_172, %get3A_243, %get3A_244] : memref<2x128x128xf32, #tpu.memory_space<vmem>> -> memref<1x128x128xf32, #tpu.memory_space<vmem>>
        %get3A_246 = tpu.memref_squeeze %get3A_245 : memref<1x128x128xf32, #tpu.memory_space<vmem>> -> memref<128x128xf32, #tpu.memory_space<vmem>>
        %get3A_247 = arith.index_cast %scan3A_184 : i32 to index
        %get3A_248 = arith.constant 32 : index
        %get3A_249 = tpu.vector_load %get3A_246[%get3A_247, %get3A_248] {strides = array<i32>} : memref<128x128xf32, #tpu.memory_space<vmem>>, vector<1x16xf32>,
        %get3A_250 = vector.shape_cast %get3A_249 : vector<1x16xf32> to vector<16xf32>
        %mul3A_251 = arith.mulf %get3A_242, %get3A_250 : vector<16xf32>
        %swap3A_252 = arith.constant 0 : i32
        %swap3A_253 = arith.constant 0 : i32
        %swap3A_254 = tpu.memref_slice %arg15[%scan3A_171, %swap3A_252, %swap3A_253] : memref<2x128x128xf32, #tpu.memory_space<vmem>> -> memref<1x128x128xf32, #tpu.memory_space<vmem>>
        %swap3A_255 = tpu.memref_squeeze %swap3A_254 : memref<1x128x128xf32, #tpu.memory_space<vmem>> -> memref<128x128xf32, #tpu.memory_space<vmem>>
        %swap3A_256 = arith.index_cast %scan3A_184 : i32 to index
        %swap3A_257 = arith.constant 32 : index
        %swap3A_258 = tpu.vector_load %swap3A_255[%swap3A_256, %swap3A_257] {strides = array<i32>} : memref<128x128xf32, #tpu.memory_space<vmem>>, vector<1x16xf32>,
        %swap3A_259 = vector.shape_cast %swap3A_258 : vector<1x16xf32> to vector<16xf32>
        %swap3A_260 = vector.shape_cast %mul3A_251 : vector<16xf32> to vector<1x16xf32>
        tpu.vector_store %swap3A_255[%swap3A_256, %swap3A_257], %swap3A_260 {strides = array<i32>} : memref<128x128xf32, #tpu.memory_space<vmem>>, vector<1x16xf32>,
        %get3A_261 = arith.constant 0 : i32
        %get3A_262 = arith.constant 0 : i32
        %get3A_263 = tpu.memref_slice %arg15[%scan3A_171, %get3A_261, %get3A_262] : memref<2x128x128xf32, #tpu.memory_space<vmem>> -> memref<1x128x128xf32, #tpu.memory_space<vmem>>
        %get3A_264 = tpu.memref_squeeze %get3A_263 : memref<1x128x128xf32, #tpu.memory_space<vmem>> -> memref<128x128xf32, #tpu.memory_space<vmem>>
        %get3A_265 = arith.index_cast %scan3A_184 : i32 to index
        %get3A_266 = arith.constant 48 : index
        %get3A_267 = tpu.vector_load %get3A_264[%get3A_265, %get3A_266] {strides = array<i32>} : memref<128x128xf32, #tpu.memory_space<vmem>>, vector<1x16xf32>,
        %get3A_268 = vector.shape_cast %get3A_267 : vector<1x16xf32> to vector<16xf32>
        %get3A_269 = arith.constant 0 : i32
        %get3A_270 = arith.constant 0 : i32
        %get3A_271 = tpu.memref_slice %arg14[%scan3A_172, %get3A_269, %get3A_270] : memref<2x128x128xf32, #tpu.memory_space<vmem>> -> memref<1x128x128xf32, #tpu.memory_space<vmem>>
        %get3A_272 = tpu.memref_squeeze %get3A_271 : memref<1x128x128xf32, #tpu.memory_space<vmem>> -> memref<128x128xf32, #tpu.memory_space<vmem>>
        %get3A_273 = arith.index_cast %scan3A_184 : i32 to index
        %get3A_274 = arith.constant 48 : index
        %get3A_275 = tpu.vector_load %get3A_272[%get3A_273, %get3A_274] {strides = array<i32>} : memref<128x128xf32, #tpu.memory_space<vmem>>, vector<1x16xf32>,
        %get3A_276 = vector.shape_cast %get3A_275 : vector<1x16xf32> to vector<16xf32>
        %mul3A_277 = arith.mulf %get3A_268, %get3A_276 : vector<16xf32>
        %swap3A_278 = arith.constant 0 : i32
        %swap3A_279 = arith.constant 0 : i32
        %swap3A_280 = tpu.memref_slice %arg15[%scan3A_171, %swap3A_278, %swap3A_279] : memref<2x128x128xf32, #tpu.memory_space<vmem>> -> memref<1x128x128xf32, #tpu.memory_space<vmem>>
        %swap3A_281 = tpu.memref_squeeze %swap3A_280 : memref<1x128x128xf32, #tpu.memory_space<vmem>> -> memref<128x128xf32, #tpu.memory_space<vmem>>
        %swap3A_282 = arith.index_cast %scan3A_184 : i32 to index
        %swap3A_283 = arith.constant 48 : index
        %swap3A_284 = tpu.vector_load %swap3A_281[%swap3A_282, %swap3A_283] {strides = array<i32>} : memref<128x128xf32, #tpu.memory_space<vmem>>, vector<1x16xf32>,
        %swap3A_285 = vector.shape_cast %swap3A_284 : vector<1x16xf32> to vector<16xf32>
        %swap3A_286 = vector.shape_cast %mul3A_277 : vector<16xf32> to vector<1x16xf32>
        tpu.vector_store %swap3A_281[%swap3A_282, %swap3A_283], %swap3A_286 {strides = array<i32>} : memref<128x128xf32, #tpu.memory_space<vmem>>, vector<1x16xf32>,
        %get3A_287 = arith.constant 0 : i32
        %get3A_288 = arith.constant 0 : i32
        %get3A_289 = tpu.memref_slice %arg15[%scan3A_171, %get3A_287, %get3A_288] : memref<2x128x128xf32, #tpu.memory_space<vmem>> -> memref<1x128x128xf32, #tpu.memory_space<vmem>>
        %get3A_290 = tpu.memref_squeeze %get3A_289 : memref<1x128x128xf32, #tpu.memory_space<vmem>> -> memref<128x128xf32, #tpu.memory_space<vmem>>
        %get3A_291 = arith.index_cast %scan3A_184 : i32 to index
        %get3A_292 = arith.constant 64 : index
        %get3A_293 = tpu.vector_load %get3A_290[%get3A_291, %get3A_292] {strides = array<i32>} : memref<128x128xf32, #tpu.memory_space<vmem>>, vector<1x16xf32>,
        %get3A_294 = vector.shape_cast %get3A_293 : vector<1x16xf32> to vector<16xf32>
        %get3A_295 = arith.constant 0 : i32
        %get3A_296 = arith.constant 0 : i32
        %get3A_297 = tpu.memref_slice %arg14[%scan3A_172, %get3A_295, %get3A_296] : memref<2x128x128xf32, #tpu.memory_space<vmem>> -> memref<1x128x128xf32, #tpu.memory_space<vmem>>
        %get3A_298 = tpu.memref_squeeze %get3A_297 : memref<1x128x128xf32, #tpu.memory_space<vmem>> -> memref<128x128xf32, #tpu.memory_space<vmem>>
        %get3A_299 = arith.index_cast %scan3A_184 : i32 to index
        %get3A_300 = arith.constant 64 : index
        %get3A_301 = tpu.vector_load %get3A_298[%get3A_299, %get3A_300] {strides = array<i32>} : memref<128x128xf32, #tpu.memory_space<vmem>>, vector<1x16xf32>,
        %get3A_302 = vector.shape_cast %get3A_301 : vector<1x16xf32> to vector<16xf32>
        %mul3A_303 = arith.mulf %get3A_294, %get3A_302 : vector<16xf32>
        %swap3A_304 = arith.constant 0 : i32
        %swap3A_305 = arith.constant 0 : i32
        %swap3A_306 = tpu.memref_slice %arg15[%scan3A_171, %swap3A_304, %swap3A_305] : memref<2x128x128xf32, #tpu.memory_space<vmem>> -> memref<1x128x128xf32, #tpu.memory_space<vmem>>
        %swap3A_307 = tpu.memref_squeeze %swap3A_306 : memref<1x128x128xf32, #tpu.memory_space<vmem>> -> memref<128x128xf32, #tpu.memory_space<vmem>>
        %swap3A_308 = arith.index_cast %scan3A_184 : i32 to index
        %swap3A_309 = arith.constant 64 : index
        %swap3A_310 = tpu.vector_load %swap3A_307[%swap3A_308, %swap3A_309] {strides = array<i32>} : memref<128x128xf32, #tpu.memory_space<vmem>>, vector<1x16xf32>,
        %swap3A_311 = vector.shape_cast %swap3A_310 : vector<1x16xf32> to vector<16xf32>
        %swap3A_312 = vector.shape_cast %mul3A_303 : vector<16xf32> to vector<1x16xf32>
        tpu.vector_store %swap3A_307[%swap3A_308, %swap3A_309], %swap3A_312 {strides = array<i32>} : memref<128x128xf32, #tpu.memory_space<vmem>>, vector<1x16xf32>,
        %get3A_313 = arith.constant 0 : i32
        %get3A_314 = arith.constant 0 : i32
        %get3A_315 = tpu.memref_slice %arg15[%scan3A_171, %get3A_313, %get3A_314] : memref<2x128x128xf32, #tpu.memory_space<vmem>> -> memref<1x128x128xf32, #tpu.memory_space<vmem>>
        %get3A_316 = tpu.memref_squeeze %get3A_315 : memref<1x128x128xf32, #tpu.memory_space<vmem>> -> memref<128x128xf32, #tpu.memory_space<vmem>>
        %get3A_317 = arith.index_cast %scan3A_184 : i32 to index
        %get3A_318 = arith.constant 80 : index
        %get3A_319 = tpu.vector_load %get3A_316[%get3A_317, %get3A_318] {strides = array<i32>} : memref<128x128xf32, #tpu.memory_space<vmem>>, vector<1x16xf32>,
        %get3A_320 = vector.shape_cast %get3A_319 : vector<1x16xf32> to vector<16xf32>
        %get3A_321 = arith.constant 0 : i32
        %get3A_322 = arith.constant 0 : i32
        %get3A_323 = tpu.memref_slice %arg14[%scan3A_172, %get3A_321, %get3A_322] : memref<2x128x128xf32, #tpu.memory_space<vmem>> -> memref<1x128x128xf32, #tpu.memory_space<vmem>>
        %get3A_324 = tpu.memref_squeeze %get3A_323 : memref<1x128x128xf32, #tpu.memory_space<vmem>> -> memref<128x128xf32, #tpu.memory_space<vmem>>
        %get3A_325 = arith.index_cast %scan3A_184 : i32 to index
        %get3A_326 = arith.constant 80 : index
        %get3A_327 = tpu.vector_load %get3A_324[%get3A_325, %get3A_326] {strides = array<i32>} : memref<128x128xf32, #tpu.memory_space<vmem>>, vector<1x16xf32>,
        %get3A_328 = vector.shape_cast %get3A_327 : vector<1x16xf32> to vector<16xf32>
        %mul3A_329 = arith.mulf %get3A_320, %get3A_328 : vector<16xf32>
        %swap3A_330 = arith.constant 0 : i32
        %swap3A_331 = arith.constant 0 : i32
        %swap3A_332 = tpu.memref_slice %arg15[%scan3A_171, %swap3A_330, %swap3A_331] : memref<2x128x128xf32, #tpu.memory_space<vmem>> -> memref<1x128x128xf32, #tpu.memory_space<vmem>>
        %swap3A_333 = tpu.memref_squeeze %swap3A_332 : memref<1x128x128xf32, #tpu.memory_space<vmem>> -> memref<128x128xf32, #tpu.memory_space<vmem>>
        %swap3A_334 = arith.index_cast %scan3A_184 : i32 to index
        %swap3A_335 = arith.constant 80 : index
        %swap3A_336 = tpu.vector_load %swap3A_333[%swap3A_334, %swap3A_335] {strides = array<i32>} : memref<128x128xf32, #tpu.memory_space<vmem>>, vector<1x16xf32>,
        %swap3A_337 = vector.shape_cast %swap3A_336 : vector<1x16xf32> to vector<16xf32>
        %swap3A_338 = vector.shape_cast %mul3A_329 : vector<16xf32> to vector<1x16xf32>
        tpu.vector_store %swap3A_333[%swap3A_334, %swap3A_335], %swap3A_338 {strides = array<i32>} : memref<128x128xf32, #tpu.memory_space<vmem>>, vector<1x16xf32>,
        %get3A_339 = arith.constant 0 : i32
        %get3A_340 = arith.constant 0 : i32
        %get3A_341 = tpu.memref_slice %arg15[%scan3A_171, %get3A_339, %get3A_340] : memref<2x128x128xf32, #tpu.memory_space<vmem>> -> memref<1x128x128xf32, #tpu.memory_space<vmem>>
        %get3A_342 = tpu.memref_squeeze %get3A_341 : memref<1x128x128xf32, #tpu.memory_space<vmem>> -> memref<128x128xf32, #tpu.memory_space<vmem>>
        %get3A_343 = arith.index_cast %scan3A_184 : i32 to index
        %get3A_344 = arith.constant 96 : index
        %get3A_345 = tpu.vector_load %get3A_342[%get3A_343, %get3A_344] {strides = array<i32>} : memref<128x128xf32, #tpu.memory_space<vmem>>, vector<1x16xf32>,
        %get3A_346 = vector.shape_cast %get3A_345 : vector<1x16xf32> to vector<16xf32>
        %get3A_347 = arith.constant 0 : i32
        %get3A_348 = arith.constant 0 : i32
        %get3A_349 = tpu.memref_slice %arg14[%scan3A_172, %get3A_347, %get3A_348] : memref<2x128x128xf32, #tpu.memory_space<vmem>> -> memref<1x128x128xf32, #tpu.memory_space<vmem>>
        %get3A_350 = tpu.memref_squeeze %get3A_349 : memref<1x128x128xf32, #tpu.memory_space<vmem>> -> memref<128x128xf32, #tpu.memory_space<vmem>>
        %get3A_351 = arith.index_cast %scan3A_184 : i32 to index
        %get3A_352 = arith.constant 96 : index
        %get3A_353 = tpu.vector_load %get3A_350[%get3A_351, %get3A_352] {strides = array<i32>} : memref<128x128xf32, #tpu.memory_space<vmem>>, vector<1x16xf32>,
        %get3A_354 = vector.shape_cast %get3A_353 : vector<1x16xf32> to vector<16xf32>
        %mul3A_355 = arith.mulf %get3A_346, %get3A_354 : vector<16xf32>
        %swap3A_356 = arith.constant 0 : i32
        %swap3A_357 = arith.constant 0 : i32
        %swap3A_358 = tpu.memref_slice %arg15[%scan3A_171, %swap3A_356, %swap3A_357] : memref<2x128x128xf32, #tpu.memory_space<vmem>> -> memref<1x128x128xf32, #tpu.memory_space<vmem>>
        %swap3A_359 = tpu.memref_squeeze %swap3A_358 : memref<1x128x128xf32, #tpu.memory_space<vmem>> -> memref<128x128xf32, #tpu.memory_space<vmem>>
        %swap3A_360 = arith.index_cast %scan3A_184 : i32 to index
        %swap3A_361 = arith.constant 96 : index
        %swap3A_362 = tpu.vector_load %swap3A_359[%swap3A_360, %swap3A_361] {strides = array<i32>} : memref<128x128xf32, #tpu.memory_space<vmem>>, vector<1x16xf32>,
        %swap3A_363 = vector.shape_cast %swap3A_362 : vector<1x16xf32> to vector<16xf32>
        %swap3A_364 = vector.shape_cast %mul3A_355 : vector<16xf32> to vector<1x16xf32>
        tpu.vector_store %swap3A_359[%swap3A_360, %swap3A_361], %swap3A_364 {strides = array<i32>} : memref<128x128xf32, #tpu.memory_space<vmem>>, vector<1x16xf32>,
        %get3A_365 = arith.constant 0 : i32
        %get3A_366 = arith.constant 0 : i32
        %get3A_367 = tpu.memref_slice %arg15[%scan3A_171, %get3A_365, %get3A_366] : memref<2x128x128xf32, #tpu.memory_space<vmem>> -> memref<1x128x128xf32, #tpu.memory_space<vmem>>
        %get3A_368 = tpu.memref_squeeze %get3A_367 : memref<1x128x128xf32, #tpu.memory_space<vmem>> -> memref<128x128xf32, #tpu.memory_space<vmem>>
        %get3A_369 = arith.index_cast %scan3A_184 : i32 to index
        %get3A_370 = arith.constant 112 : index
        %get3A_371 = tpu.vector_load %get3A_368[%get3A_369, %get3A_370] {strides = array<i32>} : memref<128x128xf32, #tpu.memory_space<vmem>>, vector<1x16xf32>,
        %get3A_372 = vector.shape_cast %get3A_371 : vector<1x16xf32> to vector<16xf32>
        %get3A_373 = arith.constant 0 : i32
        %get3A_374 = arith.constant 0 : i32
        %get3A_375 = tpu.memref_slice %arg14[%scan3A_172, %get3A_373, %get3A_374] : memref<2x128x128xf32, #tpu.memory_space<vmem>> -> memref<1x128x128xf32, #tpu.memory_space<vmem>>
        %get3A_376 = tpu.memref_squeeze %get3A_375 : memref<1x128x128xf32, #tpu.memory_space<vmem>> -> memref<128x128xf32, #tpu.memory_space<vmem>>
        %get3A_377 = arith.index_cast %scan3A_184 : i32 to index
        %get3A_378 = arith.constant 112 : index
        %get3A_379 = tpu.vector_load %get3A_376[%get3A_377, %get3A_378] {strides = array<i32>} : memref<128x128xf32, #tpu.memory_space<vmem>>, vector<1x16xf32>,
        %get3A_380 = vector.shape_cast %get3A_379 : vector<1x16xf32> to vector<16xf32>
        %mul3A_381 = arith.mulf %get3A_372, %get3A_380 : vector<16xf32>
        %swap3A_382 = arith.constant 0 : i32
        %swap3A_383 = arith.constant 0 : i32
        %swap3A_384 = tpu.memref_slice %arg15[%scan3A_171, %swap3A_382, %swap3A_383] : memref<2x128x128xf32, #tpu.memory_space<vmem>> -> memref<1x128x128xf32, #tpu.memory_space<vmem>>
        %swap3A_385 = tpu.memref_squeeze %swap3A_384 : memref<1x128x128xf32, #tpu.memory_space<vmem>> -> memref<128x128xf32, #tpu.memory_space<vmem>>
        %swap3A_386 = arith.index_cast %scan3A_184 : i32 to index
        %swap3A_387 = arith.constant 112 : index
        %swap3A_388 = tpu.vector_load %swap3A_385[%swap3A_386, %swap3A_387] {strides = array<i32>} : memref<128x128xf32, #tpu.memory_space<vmem>>, vector<1x16xf32>,
        %swap3A_389 = vector.shape_cast %swap3A_388 : vector<1x16xf32> to vector<16xf32>
        %swap3A_390 = vector.shape_cast %mul3A_381 : vector<16xf32> to vector<1x16xf32>
        tpu.vector_store %swap3A_385[%swap3A_386, %swap3A_387], %swap3A_390 {strides = array<i32>} : memref<128x128xf32, #tpu.memory_space<vmem>>, vector<1x16xf32>,
      }
      %scan3A_177 = arith.constant 128 : i32
      %run_scoped3A_178 = arith.constant 1 : i32
      "tpu.region"() ({
        %run_scoped3A_184 = tpu.sem_alloc : memref<!tpu.dma_semaphore, #tpu.memory_space<semaphore_mem>>
        %dma_start3A_185 = arith.constant 0 : i32
        %dma_start3A_186 = arith.constant 0 : i32
        %dma_start3A_187 = tpu.memref_slice %arg15[%run_scoped3A_178, %dma_start3A_185, %dma_start3A_186] : memref<2x128x128xf32, #tpu.memory_space<vmem>> -> memref<1x128x128xf32, #tpu.memory_space<vmem>>
        %dma_start3A_188 = tpu.memref_squeeze %dma_start3A_187 : memref<1x128x128xf32, #tpu.memory_space<vmem>> -> memref<128x128xf32, #tpu.memory_space<vmem>>
        %dma_start3A_189 = arith.constant 0 : i32
        %dma_start3A_190 = tpu.memref_slice %arg11[%add3A_142, %dma_start3A_189] : memref<78x128xi32, #tpu.memory_space<vmem>> -> memref<1x128xi32, #tpu.memory_space<vmem>>
        %dma_start3A_191 = tpu.memref_squeeze %dma_start3A_190 : memref<1x128xi32, #tpu.memory_space<vmem>> -> memref<128xi32, #tpu.memory_space<vmem>>
        %dma_start3A_192 = arith.constant 0 : i32
        %dma_start3A_193 = arith.constant 0 : i32
        %dma_start3A_194 = tpu.memref_slice %arg18[%dma_start3A_192, %dma_start3A_193] : memref<5000x128xf32, #tpu.memory_space<vmem_shared>> -> memref<5000x128xf32, #tpu.memory_space<vmem_shared>>
        tpu.enqueue_indirect_dma source(%dma_start3A_188 : memref<128x128xf32, #tpu.memory_space<vmem>>) target(%dma_start3A_194 : memref<5000x128xf32, #tpu.memory_space<vmem_shared>>) offsets(%dma_start3A_191 : memref<128xi32, #tpu.memory_space<vmem>>) semaphore(%run_scoped3A_184 : memref<!tpu.dma_semaphore, #tpu.memory_space<semaphore_mem>>) {add = true}
        %dma_wait3A_195 = arith.constant 0 : i32
        %dma_wait3A_196 = arith.constant 0 : i32
        %dma_wait3A_197 = tpu.memref_slice %arg15[%run_scoped3A_178, %dma_wait3A_195, %dma_wait3A_196] : memref<2x128x128xf32, #tpu.memory_space<vmem>> -> memref<1x128x128xf32, #tpu.memory_space<vmem>>
        %dma_wait3A_198 = tpu.memref_squeeze %dma_wait3A_197 : memref<1x128x128xf32, #tpu.memory_space<vmem>> -> memref<128x128xf32, #tpu.memory_space<vmem>>
        %dma_wait3A_199 = arith.constant 0 : i32
        %dma_wait3A_200 = tpu.memref_slice %arg11[%add3A_142, %dma_wait3A_199] : memref<78x128xi32, #tpu.memory_space<vmem>> -> memref<1x128xi32, #tpu.memory_space<vmem>>
        %dma_wait3A_201 = tpu.memref_squeeze %dma_wait3A_200 : memref<1x128xi32, #tpu.memory_space<vmem>> -> memref<128xi32, #tpu.memory_space<vmem>>
        %dma_wait3A_202 = arith.constant 0 : i32
        %dma_wait3A_203 = arith.constant 0 : i32
        %dma_wait3A_204 = tpu.memref_slice %arg18[%dma_wait3A_202, %dma_wait3A_203] : memref<5000x128xf32, #tpu.memory_space<vmem_shared>> -> memref<5000x128xf32, #tpu.memory_space<vmem_shared>>
        tpu.wait_indirect_dma semaphore(%run_scoped3A_184 : memref<!tpu.dma_semaphore, #tpu.memory_space<semaphore_mem>>) src(%dma_wait3A_198 : memref<128x128xf32, #tpu.memory_space<vmem>>) dst(%dma_wait3A_204 : memref<5000x128xf32, #tpu.memory_space<vmem_shared>>)
        tpu.yield
      }) : () -> ()
      %lt3A_179 = arith.constant 38 : i32
      %lt3A_180 = arith.cmpi slt, %scan3A_95, %lt3A_179 : i32
      %convert_element_type3A_181 = arith.extui %lt3A_180 : i1 to i32
      %cond3A_182 = arith.constant 0 : i32
      %cond3A_183 = arith.cmpi ne, %convert_element_type3A_181, %cond3A_182 : i32
      scf.if %cond3A_183 {
        %add3A_184 = arith.constant 2 : i32
        %add3A_185 = arith.addi %add3A_142, %add3A_184 : i32
        %mul3A_186 = arith.constant 128 : i32
        %mul3A_187 = arith.muli %add3A_185, %mul3A_186 : i32
        %add3A_188 = arith.addi %mul3A_2, %mul3A_187 : i32
        %multiple_of3A_189 = tpu.assume_multiple %add3A_188, 8 : i32
        %dma_start3A_190 = arith.constant 1 : i32
        %dma_start3A_191 = arith.constant 0 : i32
        %dma_start3A_192 = arith.constant 0 : i32
        %dma_start3A_193 = tpu.memref_slice %arg14[%dma_start3A_190, %dma_start3A_191, %dma_start3A_192] : memref<2x128x128xf32, #tpu.memory_space<vmem>> -> memref<1x128x128xf32, #tpu.memory_space<vmem>>
        %dma_start3A_194 = tpu.memref_squeeze %dma_start3A_193 : memref<1x128x128xf32, #tpu.memory_space<vmem>> -> memref<128x128xf32, #tpu.memory_space<vmem>>
        %dma_start3A_195 = arith.constant 0 : i32
        %dma_start3A_196 = tpu.memref_slice %arg3[%multiple_of3A_189, %dma_start3A_195] : memref<320000x128xf32, #tpu.memory_space<hbm>> -> memref<128x128xf32, #tpu.memory_space<hbm>>
        %dma_start3A_197 = arith.constant 0 : i32
        %dma_start3A_198 = arith.constant 0 : i32
        %dma_start3A_199 = tpu.memref_slice %arg14[%dma_start3A_190, %dma_start3A_197, %dma_start3A_198] : memref<2x128x128xf32, #tpu.memory_space<vmem>> -> memref<1x128x128xf32, #tpu.memory_space<vmem>>
        %dma_start3A_200 = tpu.memref_squeeze %dma_start3A_199 : memref<1x128x128xf32, #tpu.memory_space<vmem>> -> memref<128x128xf32, #tpu.memory_space<vmem>>
        %dma_start3A_201 = arith.constant 0 : i32
        %dma_start3A_202 = tpu.memref_slice %arg3[%multiple_of3A_189, %dma_start3A_201] : memref<320000x128xf32, #tpu.memory_space<hbm>> -> memref<128x128xf32, #tpu.memory_space<hbm>>
        tpu.enqueue_dma source(%dma_start3A_202 : memref<128x128xf32, #tpu.memory_space<hbm>>) target(%dma_start3A_200 : memref<128x128xf32, #tpu.memory_space<vmem>>) target_semaphore(%arg22 : memref<!tpu.dma_semaphore, #tpu.memory_space<semaphore_mem>>)
        %dma_start3A_203 = arith.constant 1 : i32
        %dma_start3A_204 = arith.constant 0 : i32
        %dma_start3A_205 = arith.constant 0 : i32
        %dma_start3A_206 = tpu.memref_slice %arg15[%dma_start3A_203, %dma_start3A_204, %dma_start3A_205] : memref<2x128x128xf32, #tpu.memory_space<vmem>> -> memref<1x128x128xf32, #tpu.memory_space<vmem>>
        %dma_start3A_207 = tpu.memref_squeeze %dma_start3A_206 : memref<1x128x128xf32, #tpu.memory_space<vmem>> -> memref<128x128xf32, #tpu.memory_space<vmem>>
        %dma_start3A_208 = arith.constant 0 : i32
        %dma_start3A_209 = tpu.memref_slice %arg10[%add3A_185, %dma_start3A_208] : memref<78x128xi32, #tpu.memory_space<vmem>> -> memref<1x128xi32, #tpu.memory_space<vmem>>
        %dma_start3A_210 = tpu.memref_squeeze %dma_start3A_209 : memref<1x128xi32, #tpu.memory_space<vmem>> -> memref<128xi32, #tpu.memory_space<vmem>>
        %dma_start3A_211 = arith.constant 0 : i32
        %dma_start3A_212 = arith.constant 0 : i32
        %dma_start3A_213 = tpu.memref_slice %arg2[%dma_start3A_211, %dma_start3A_212] : memref<10000x128xf32, #tpu.memory_space<hbm>> -> memref<10000x128xf32, #tpu.memory_space<hbm>>
        tpu.enqueue_indirect_dma source(%dma_start3A_213 : memref<10000x128xf32, #tpu.memory_space<hbm>>) target(%dma_start3A_207 : memref<128x128xf32, #tpu.memory_space<vmem>>) offsets(%dma_start3A_210 : memref<128xi32, #tpu.memory_space<vmem>>) semaphore(%arg20 : memref<!tpu.dma_semaphore, #tpu.memory_space<semaphore_mem>>)
      } else {
      }
    }
    %scan3A_69 = arith.constant 39 : i32
    %add3A_70 = arith.constant 9984 : i32
    %add3A_71 = arith.addi %mul3A_2, %add3A_70 : i32
    %multiple_of3A_72 = tpu.assume_multiple %add3A_71, 8 : i32
    "tpu.region"() ({
      %run_scoped3A = tpu.sem_alloc : memref<!tpu.dma_semaphore, #tpu.memory_space<semaphore_mem>>
      %dma_start3A_95 = arith.constant 0 : i32
      %dma_start3A_96 = tpu.memref_slice %arg3[%multiple_of3A_72, %dma_start3A_95] : memref<320000x128xf32, #tpu.memory_space<hbm>> -> memref<16x128xf32, #tpu.memory_space<hbm>>
      %dma_start3A_97 = arith.constant 0 : i32
      %dma_start3A_98 = tpu.memref_slice %arg3[%multiple_of3A_72, %dma_start3A_97] : memref<320000x128xf32, #tpu.memory_space<hbm>> -> memref<16x128xf32, #tpu.memory_space<hbm>>
      tpu.enqueue_dma source(%dma_start3A_98 : memref<16x128xf32, #tpu.memory_space<hbm>>) target(%arg16 : memref<16x128xf32, #tpu.memory_space<vmem>>) target_semaphore(%run_scoped3A : memref<!tpu.dma_semaphore, #tpu.memory_space<semaphore_mem>>)
      %dma_wait3A_99 = arith.constant 0 : i32
      %dma_wait3A_100 = tpu.memref_slice %arg3[%multiple_of3A_72, %dma_wait3A_99] : memref<320000x128xf32, #tpu.memory_space<hbm>> -> memref<16x128xf32, #tpu.memory_space<hbm>>
      %dma_wait3A_101 = arith.constant 0 : i32
      %dma_wait3A_102 = tpu.memref_slice %arg3[%multiple_of3A_72, %dma_wait3A_101] : memref<320000x128xf32, #tpu.memory_space<hbm>> -> memref<16x128xf32, #tpu.memory_space<hbm>>
      tpu.wait_dma2 semaphore(%run_scoped3A : memref<!tpu.dma_semaphore, #tpu.memory_space<semaphore_mem>>) src(%dma_wait3A_102 : memref<16x128xf32, #tpu.memory_space<hbm>>) dst(%arg16 : memref<16x128xf32, #tpu.memory_space<vmem>>)
      tpu.yield
    }) : () -> ()
    %dma_start3A_73 = arith.constant 0 : i32
    %dma_start3A_74 = arith.constant 0 : i32
    %dma_start3A_75 = tpu.memref_slice %arg2[%dma_start3A_73, %dma_start3A_74] : memref<10000x128xf32, #tpu.memory_space<hbm>> -> memref<10000x128xf32, #tpu.memory_space<hbm>>
    tpu.enqueue_indirect_dma source(%dma_start3A_75 : memref<10000x128xf32, #tpu.memory_space<hbm>>) target(%arg17 : memref<16x128xf32, #tpu.memory_space<vmem>>) offsets(%arg12 : memref<16xi32, #tpu.memory_space<vmem>>) semaphore(%arg23 : memref<!tpu.dma_semaphore, #tpu.memory_space<semaphore_mem>>)
    %dma_wait3A = arith.constant 0 : i32
    %dma_wait3A_76 = arith.constant 0 : i32
    %dma_wait3A_77 = tpu.memref_slice %arg2[%dma_wait3A, %dma_wait3A_76] : memref<10000x128xf32, #tpu.memory_space<hbm>> -> memref<10000x128xf32, #tpu.memory_space<hbm>>
    tpu.wait_indirect_dma semaphore(%arg23 : memref<!tpu.dma_semaphore, #tpu.memory_space<semaphore_mem>>) src(%dma_wait3A_77 : memref<10000x128xf32, #tpu.memory_space<hbm>>) dst(%arg17 : memref<16x128xf32, #tpu.memory_space<vmem>>)
    %scan3A_78 = arith.constant 0 : i32
    %scan3A_79 = arith.constant 0 : i32
    %scan3A_80 = arith.constant 16 : i32
    %scan3A_81 = arith.addi %scan3A_79, %scan3A_80 : i32
    %scan3A_82 = arith.constant 1 : i32
    scf.for %scan3A_95 = %scan3A_79 to %scan3A_81 step %scan3A_82  : i32 {
      %get3A = arith.index_cast %scan3A_95 : i32 to index
      %get3A_96 = arith.constant 0 : index
      %get3A_97 = tpu.vector_load %arg17[%get3A, %get3A_96] {strides = array<i32>} : memref<16x128xf32, #tpu.memory_space<vmem>>, vector<1x16xf32>,
      %get3A_98 = vector.shape_cast %get3A_97 : vector<1x16xf32> to vector<16xf32>
      %get3A_99 = arith.index_cast %scan3A_95 : i32 to index
      %get3A_100 = arith.constant 0 : index
      %get3A_101 = tpu.vector_load %arg16[%get3A_99, %get3A_100] {strides = array<i32>} : memref<16x128xf32, #tpu.memory_space<vmem>>, vector<1x16xf32>,
      %get3A_102 = vector.shape_cast %get3A_101 : vector<1x16xf32> to vector<16xf32>
      %mul3A_103 = arith.mulf %get3A_98, %get3A_102 : vector<16xf32>
      %swap3A = arith.index_cast %scan3A_95 : i32 to index
      %swap3A_104 = arith.constant 0 : index
      %swap3A_105 = tpu.vector_load %arg17[%swap3A, %swap3A_104] {strides = array<i32>} : memref<16x128xf32, #tpu.memory_space<vmem>>, vector<1x16xf32>,
      %swap3A_106 = vector.shape_cast %swap3A_105 : vector<1x16xf32> to vector<16xf32>
      %swap3A_107 = vector.shape_cast %mul3A_103 : vector<16xf32> to vector<1x16xf32>
      tpu.vector_store %arg17[%swap3A, %swap3A_104], %swap3A_107 {strides = array<i32>} : memref<16x128xf32, #tpu.memory_space<vmem>>, vector<1x16xf32>,
      %get3A_108 = arith.index_cast %scan3A_95 : i32 to index
      %get3A_109 = arith.constant 16 : index
      %get3A_110 = tpu.vector_load %arg17[%get3A_108, %get3A_109] {strides = array<i32>} : memref<16x128xf32, #tpu.memory_space<vmem>>, vector<1x16xf32>,
      %get3A_111 = vector.shape_cast %get3A_110 : vector<1x16xf32> to vector<16xf32>
      %get3A_112 = arith.index_cast %scan3A_95 : i32 to index
      %get3A_113 = arith.constant 16 : index
      %get3A_114 = tpu.vector_load %arg16[%get3A_112, %get3A_113] {strides = array<i32>} : memref<16x128xf32, #tpu.memory_space<vmem>>, vector<1x16xf32>,
      %get3A_115 = vector.shape_cast %get3A_114 : vector<1x16xf32> to vector<16xf32>
      %mul3A_116 = arith.mulf %get3A_111, %get3A_115 : vector<16xf32>
      %swap3A_117 = arith.index_cast %scan3A_95 : i32 to index
      %swap3A_118 = arith.constant 16 : index
      %swap3A_119 = tpu.vector_load %arg17[%swap3A_117, %swap3A_118] {strides = array<i32>} : memref<16x128xf32, #tpu.memory_space<vmem>>, vector<1x16xf32>,
      %swap3A_120 = vector.shape_cast %swap3A_119 : vector<1x16xf32> to vector<16xf32>
      %swap3A_121 = vector.shape_cast %mul3A_116 : vector<16xf32> to vector<1x16xf32>
      tpu.vector_store %arg17[%swap3A_117, %swap3A_118], %swap3A_121 {strides = array<i32>} : memref<16x128xf32, #tpu.memory_space<vmem>>, vector<1x16xf32>,
      %get3A_122 = arith.index_cast %scan3A_95 : i32 to index
      %get3A_123 = arith.constant 32 : index
      %get3A_124 = tpu.vector_load %arg17[%get3A_122, %get3A_123] {strides = array<i32>} : memref<16x128xf32, #tpu.memory_space<vmem>>, vector<1x16xf32>,
      %get3A_125 = vector.shape_cast %get3A_124 : vector<1x16xf32> to vector<16xf32>
      %get3A_126 = arith.index_cast %scan3A_95 : i32 to index
      %get3A_127 = arith.constant 32 : index
      %get3A_128 = tpu.vector_load %arg16[%get3A_126, %get3A_127] {strides = array<i32>} : memref<16x128xf32, #tpu.memory_space<vmem>>, vector<1x16xf32>,
      %get3A_129 = vector.shape_cast %get3A_128 : vector<1x16xf32> to vector<16xf32>
      %mul3A_130 = arith.mulf %get3A_125, %get3A_129 : vector<16xf32>
      %swap3A_131 = arith.index_cast %scan3A_95 : i32 to index
      %swap3A_132 = arith.constant 32 : index
      %swap3A_133 = tpu.vector_load %arg17[%swap3A_131, %swap3A_132] {strides = array<i32>} : memref<16x128xf32, #tpu.memory_space<vmem>>, vector<1x16xf32>,
      %swap3A_134 = vector.shape_cast %swap3A_133 : vector<1x16xf32> to vector<16xf32>
      %swap3A_135 = vector.shape_cast %mul3A_130 : vector<16xf32> to vector<1x16xf32>
      tpu.vector_store %arg17[%swap3A_131, %swap3A_132], %swap3A_135 {strides = array<i32>} : memref<16x128xf32, #tpu.memory_space<vmem>>, vector<1x16xf32>,
      %get3A_136 = arith.index_cast %scan3A_95 : i32 to index
      %get3A_137 = arith.constant 48 : index
      %get3A_138 = tpu.vector_load %arg17[%get3A_136, %get3A_137] {strides = array<i32>} : memref<16x128xf32, #tpu.memory_space<vmem>>, vector<1x16xf32>,
      %get3A_139 = vector.shape_cast %get3A_138 : vector<1x16xf32> to vector<16xf32>
      %get3A_140 = arith.index_cast %scan3A_95 : i32 to index
      %get3A_141 = arith.constant 48 : index
      %get3A_142 = tpu.vector_load %arg16[%get3A_140, %get3A_141] {strides = array<i32>} : memref<16x128xf32, #tpu.memory_space<vmem>>, vector<1x16xf32>,
      %get3A_143 = vector.shape_cast %get3A_142 : vector<1x16xf32> to vector<16xf32>
      %mul3A_144 = arith.mulf %get3A_139, %get3A_143 : vector<16xf32>
      %swap3A_145 = arith.index_cast %scan3A_95 : i32 to index
      %swap3A_146 = arith.constant 48 : index
      %swap3A_147 = tpu.vector_load %arg17[%swap3A_145, %swap3A_146] {strides = array<i32>} : memref<16x128xf32, #tpu.memory_space<vmem>>, vector<1x16xf32>,
      %swap3A_148 = vector.shape_cast %swap3A_147 : vector<1x16xf32> to vector<16xf32>
      %swap3A_149 = vector.shape_cast %mul3A_144 : vector<16xf32> to vector<1x16xf32>
      tpu.vector_store %arg17[%swap3A_145, %swap3A_146], %swap3A_149 {strides = array<i32>} : memref<16x128xf32, #tpu.memory_space<vmem>>, vector<1x16xf32>,
      %get3A_150 = arith.index_cast %scan3A_95 : i32 to index
      %get3A_151 = arith.constant 64 : index
      %get3A_152 = tpu.vector_load %arg17[%get3A_150, %get3A_151] {strides = array<i32>} : memref<16x128xf32, #tpu.memory_space<vmem>>, vector<1x16xf32>,
      %get3A_153 = vector.shape_cast %get3A_152 : vector<1x16xf32> to vector<16xf32>
      %get3A_154 = arith.index_cast %scan3A_95 : i32 to index
      %get3A_155 = arith.constant 64 : index
      %get3A_156 = tpu.vector_load %arg16[%get3A_154, %get3A_155] {strides = array<i32>} : memref<16x128xf32, #tpu.memory_space<vmem>>, vector<1x16xf32>,
      %get3A_157 = vector.shape_cast %get3A_156 : vector<1x16xf32> to vector<16xf32>
      %mul3A_158 = arith.mulf %get3A_153, %get3A_157 : vector<16xf32>
      %swap3A_159 = arith.index_cast %scan3A_95 : i32 to index
      %swap3A_160 = arith.constant 64 : index
      %swap3A_161 = tpu.vector_load %arg17[%swap3A_159, %swap3A_160] {strides = array<i32>} : memref<16x128xf32, #tpu.memory_space<vmem>>, vector<1x16xf32>,
      %swap3A_162 = vector.shape_cast %swap3A_161 : vector<1x16xf32> to vector<16xf32>
      %swap3A_163 = vector.shape_cast %mul3A_158 : vector<16xf32> to vector<1x16xf32>
      tpu.vector_store %arg17[%swap3A_159, %swap3A_160], %swap3A_163 {strides = array<i32>} : memref<16x128xf32, #tpu.memory_space<vmem>>, vector<1x16xf32>,
      %get3A_164 = arith.index_cast %scan3A_95 : i32 to index
      %get3A_165 = arith.constant 80 : index
      %get3A_166 = tpu.vector_load %arg17[%get3A_164, %get3A_165] {strides = array<i32>} : memref<16x128xf32, #tpu.memory_space<vmem>>, vector<1x16xf32>,
      %get3A_167 = vector.shape_cast %get3A_166 : vector<1x16xf32> to vector<16xf32>
      %get3A_168 = arith.index_cast %scan3A_95 : i32 to index
      %get3A_169 = arith.constant 80 : index
      %get3A_170 = tpu.vector_load %arg16[%get3A_168, %get3A_169] {strides = array<i32>} : memref<16x128xf32, #tpu.memory_space<vmem>>, vector<1x16xf32>,
      %get3A_171 = vector.shape_cast %get3A_170 : vector<1x16xf32> to vector<16xf32>
      %mul3A_172 = arith.mulf %get3A_167, %get3A_171 : vector<16xf32>
      %swap3A_173 = arith.index_cast %scan3A_95 : i32 to index
      %swap3A_174 = arith.constant 80 : index
      %swap3A_175 = tpu.vector_load %arg17[%swap3A_173, %swap3A_174] {strides = array<i32>} : memref<16x128xf32, #tpu.memory_space<vmem>>, vector<1x16xf32>,
      %swap3A_176 = vector.shape_cast %swap3A_175 : vector<1x16xf32> to vector<16xf32>
      %swap3A_177 = vector.shape_cast %mul3A_172 : vector<16xf32> to vector<1x16xf32>
      tpu.vector_store %arg17[%swap3A_173, %swap3A_174], %swap3A_177 {strides = array<i32>} : memref<16x128xf32, #tpu.memory_space<vmem>>, vector<1x16xf32>,
      %get3A_178 = arith.index_cast %scan3A_95 : i32 to index
      %get3A_179 = arith.constant 96 : index
      %get3A_180 = tpu.vector_load %arg17[%get3A_178, %get3A_179] {strides = array<i32>} : memref<16x128xf32, #tpu.memory_space<vmem>>, vector<1x16xf32>,
      %get3A_181 = vector.shape_cast %get3A_180 : vector<1x16xf32> to vector<16xf32>
      %get3A_182 = arith.index_cast %scan3A_95 : i32 to index
      %get3A_183 = arith.constant 96 : index
      %get3A_184 = tpu.vector_load %arg16[%get3A_182, %get3A_183] {strides = array<i32>} : memref<16x128xf32, #tpu.memory_space<vmem>>, vector<1x16xf32>,
      %get3A_185 = vector.shape_cast %get3A_184 : vector<1x16xf32> to vector<16xf32>
      %mul3A_186 = arith.mulf %get3A_181, %get3A_185 : vector<16xf32>
      %swap3A_187 = arith.index_cast %scan3A_95 : i32 to index
      %swap3A_188 = arith.constant 96 : index
      %swap3A_189 = tpu.vector_load %arg17[%swap3A_187, %swap3A_188] {strides = array<i32>} : memref<16x128xf32, #tpu.memory_space<vmem>>, vector<1x16xf32>,
      %swap3A_190 = vector.shape_cast %swap3A_189 : vector<1x16xf32> to vector<16xf32>
      %swap3A_191 = vector.shape_cast %mul3A_186 : vector<16xf32> to vector<1x16xf32>
      tpu.vector_store %arg17[%swap3A_187, %swap3A_188], %swap3A_191 {strides = array<i32>} : memref<16x128xf32, #tpu.memory_space<vmem>>, vector<1x16xf32>,
      %get3A_192 = arith.index_cast %scan3A_95 : i32 to index
      %get3A_193 = arith.constant 112 : index
      %get3A_194 = tpu.vector_load %arg17[%get3A_192, %get3A_193] {strides = array<i32>} : memref<16x128xf32, #tpu.memory_space<vmem>>, vector<1x16xf32>,
      %get3A_195 = vector.shape_cast %get3A_194 : vector<1x16xf32> to vector<16xf32>
      %get3A_196 = arith.index_cast %scan3A_95 : i32 to index
      %get3A_197 = arith.constant 112 : index
      %get3A_198 = tpu.vector_load %arg16[%get3A_196, %get3A_197] {strides = array<i32>} : memref<16x128xf32, #tpu.memory_space<vmem>>, vector<1x16xf32>,
      %get3A_199 = vector.shape_cast %get3A_198 : vector<1x16xf32> to vector<16xf32>
      %mul3A_200 = arith.mulf %get3A_195, %get3A_199 : vector<16xf32>
      %swap3A_201 = arith.index_cast %scan3A_95 : i32 to index
      %swap3A_202 = arith.constant 112 : index
      %swap3A_203 = tpu.vector_load %arg17[%swap3A_201, %swap3A_202] {strides = array<i32>} : memref<16x128xf32, #tpu.memory_space<vmem>>, vector<1x16xf32>,
      %swap3A_204 = vector.shape_cast %swap3A_203 : vector<1x16xf32> to vector<16xf32>
      %swap3A_205 = vector.shape_cast %mul3A_200 : vector<16xf32> to vector<1x16xf32>
      tpu.vector_store %arg17[%swap3A_201, %swap3A_202], %swap3A_205 {strides = array<i32>} : memref<16x128xf32, #tpu.memory_space<vmem>>, vector<1x16xf32>,
    }
    %scan3A_83 = arith.constant 16 : i32
    "tpu.region"() ({
      %run_scoped3A = tpu.sem_alloc : memref<!tpu.dma_semaphore, #tpu.memory_space<semaphore_mem>>
      %dma_start3A_95 = arith.constant 0 : i32
      %dma_start3A_96 = arith.constant 0 : i32
      %dma_start3A_97 = tpu.memref_slice %arg18[%dma_start3A_95, %dma_start3A_96] : memref<5000x128xf32, #tpu.memory_space<vmem_shared>> -> memref<5000x128xf32, #tpu.memory_space<vmem_shared>>
      tpu.enqueue_indirect_dma source(%arg17 : memref<16x128xf32, #tpu.memory_space<vmem>>) target(%dma_start3A_97 : memref<5000x128xf32, #tpu.memory_space<vmem_shared>>) offsets(%arg13 : memref<16xi32, #tpu.memory_space<vmem>>) semaphore(%run_scoped3A : memref<!tpu.dma_semaphore, #tpu.memory_space<semaphore_mem>>) {add = true}
      %dma_wait3A_98 = arith.constant 0 : i32
      %dma_wait3A_99 = arith.constant 0 : i32
      %dma_wait3A_100 = tpu.memref_slice %arg18[%dma_wait3A_98, %dma_wait3A_99] : memref<5000x128xf32, #tpu.memory_space<vmem_shared>> -> memref<5000x128xf32, #tpu.memory_space<vmem_shared>>
      tpu.wait_indirect_dma semaphore(%run_scoped3A : memref<!tpu.dma_semaphore, #tpu.memory_space<semaphore_mem>>) src(%arg17 : memref<16x128xf32, #tpu.memory_space<vmem>>) dst(%dma_wait3A_100 : memref<5000x128xf32, #tpu.memory_space<vmem_shared>>)
      tpu.yield
    }) : () -> ()
    %barrier3A_84 = arith.constant 0 : index
    tpu.barrier barrier_id(%barrier3A_84)
    %mul3A_85 = arith.constant 312 : i32
    %mul3A_86 = arith.muli %arg1, %mul3A_85 : i32
    %mul3A_87 = arith.constant 312 : i32
    %mul3A_88 = arith.muli %arg1, %mul3A_87 : i32
    %add3A_89 = arith.addi %mul3A_4, %mul3A_88 : i32
    "tpu.region"() ({
      %run_scoped3A = tpu.sem_alloc : memref<!tpu.dma_semaphore, #tpu.memory_space<semaphore_mem>>
      %dma_start3A_95 = arith.constant 0 : i32
      %dma_start3A_96 = tpu.memref_slice %arg9[%add3A_89, %dma_start3A_95] : memref<10000x128xf32, #tpu.memory_space<hbm>> -> memref<312x128xf32, #tpu.memory_space<hbm>>
      %dma_start3A_97 = arith.constant 0 : i32
      %dma_start3A_98 = tpu.memref_slice %arg18[%mul3A_86, %dma_start3A_97] : memref<5000x128xf32, #tpu.memory_space<vmem_shared>> -> memref<312x128xf32, #tpu.memory_space<vmem_shared>>
      tpu.enqueue_dma source(%dma_start3A_98 : memref<312x128xf32, #tpu.memory_space<vmem_shared>>) target(%dma_start3A_96 : memref<312x128xf32, #tpu.memory_space<hbm>>) target_semaphore(%run_scoped3A : memref<!tpu.dma_semaphore, #tpu.memory_space<semaphore_mem>>)
      %dma_wait3A_99 = arith.constant 0 : i32
      %dma_wait3A_100 = tpu.memref_slice %arg9[%add3A_89, %dma_wait3A_99] : memref<10000x128xf32, #tpu.memory_space<hbm>> -> memref<312x128xf32, #tpu.memory_space<hbm>>
      %dma_wait3A_101 = arith.constant 0 : i32
      %dma_wait3A_102 = tpu.memref_slice %arg18[%mul3A_86, %dma_wait3A_101] : memref<5000x128xf32, #tpu.memory_space<vmem_shared>> -> memref<312x128xf32, #tpu.memory_space<vmem_shared>>
      tpu.wait_dma2 semaphore(%run_scoped3A : memref<!tpu.dma_semaphore, #tpu.memory_space<semaphore_mem>>) src(%dma_wait3A_102 : memref<312x128xf32, #tpu.memory_space<vmem_shared>>) dst(%dma_wait3A_100 : memref<312x128xf32, #tpu.memory_space<hbm>>)
      tpu.yield
    }) : () -> ()
    %eq3A_90 = arith.constant 15 : i32
    %eq3A_91 = arith.cmpi eq, %arg1, %eq3A_90 : i32
    %convert_element_type3A_92 = arith.extui %eq3A_91 : i1 to i32
    %cond3A_93 = arith.constant 0 : i32
    %cond3A_94 = arith.cmpi ne, %convert_element_type3A_92, %cond3A_93 : i32
    scf.if %cond3A_94 {
      %add3A_95 = arith.constant 4992 : i32
      %add3A_96 = arith.addi %mul3A_4, %add3A_95 : i32
      "tpu.region"() ({
        %run_scoped3A = tpu.sem_alloc : memref<!tpu.dma_semaphore, #tpu.memory_space<semaphore_mem>>
        %dma_start3A_97 = arith.constant 0 : i32
        %dma_start3A_98 = tpu.memref_slice %arg9[%add3A_96, %dma_start3A_97] : memref<10000x128xf32, #tpu.memory_space<hbm>> -> memref<8x128xf32, #tpu.memory_space<hbm>>
        %dma_start3A_99 = arith.constant 4992 : i32
        %dma_start3A_100 = arith.constant 0 : i32
        %dma_start3A_101 = tpu.memref_slice %arg18[%dma_start3A_99, %dma_start3A_100] : memref<5000x128xf32, #tpu.memory_space<vmem_shared>> -> memref<8x128xf32, #tpu.memory_space<vmem_shared>>
        tpu.enqueue_dma source(%dma_start3A_101 : memref<8x128xf32, #tpu.memory_space<vmem_shared>>) target(%dma_start3A_98 : memref<8x128xf32, #tpu.memory_space<hbm>>) target_semaphore(%run_scoped3A : memref<!tpu.dma_semaphore, #tpu.memory_space<semaphore_mem>>)
        %dma_wait3A_102 = arith.constant 0 : i32
        %dma_wait3A_103 = tpu.memref_slice %arg9[%add3A_96, %dma_wait3A_102] : memref<10000x128xf32, #tpu.memory_space<hbm>> -> memref<8x128xf32, #tpu.memory_space<hbm>>
        %dma_wait3A_104 = arith.constant 4992 : i32
        %dma_wait3A_105 = arith.constant 0 : i32
        %dma_wait3A_106 = tpu.memref_slice %arg18[%dma_wait3A_104, %dma_wait3A_105] : memref<5000x128xf32, #tpu.memory_space<vmem_shared>> -> memref<8x128xf32, #tpu.memory_space<vmem_shared>>
        tpu.wait_dma2 semaphore(%run_scoped3A : memref<!tpu.dma_semaphore, #tpu.memory_space<semaphore_mem>>) src(%dma_wait3A_106 : memref<8x128xf32, #tpu.memory_space<vmem_shared>>) dst(%dma_wait3A_103 : memref<8x128xf32, #tpu.memory_space<hbm>>)
        tpu.yield
      }) : () -> ()
    } else {
    }
    return
  }
}

module attributes {stable_mosaic.version = 14 : i64} {
  func.func @_gates_body(%arg0: i32, %arg1: memref<4000x1xf32, #tpu.memory_space<vmem>>, %arg2: memref<50x384xf32, #tpu.memory_space<vmem>>, %arg3: memref<1x384xf32, #tpu.memory_space<vmem>>, %arg4: memref<3x128x128xf32, #tpu.memory_space<vmem>>, %arg5: memref<3x1x128xf32, #tpu.memory_space<vmem>>, %arg6: memref<4000x128xf32, #tpu.memory_space<vmem>>, %arg7: memref<4000x128xf32, #tpu.memory_space<vmem>>, %arg8: memref<4000x128xf32, #tpu.memory_space<vmem>>) attributes {dimension_semantics = [#tpu.dimension_semantics<arbitrary>], iteration_bounds = array<i64: 80>, scalar_prefetch = 0 : i64, scratch_operands = 0 : i64, tpu.core_type = #tpu.core_type<tc>, window_params = [{transform_indices = @transform_0, window_bounds = array<i64: 4000, 1>}, {pipeline_mode = #tpu.pipeline_mode<synchronous>, transform_indices = @transform_1, window_bounds = array<i64: 50, 384>}, {pipeline_mode = #tpu.pipeline_mode<synchronous>, transform_indices = @transform_2, window_bounds = array<i64: 1, 384>}, {pipeline_mode = #tpu.pipeline_mode<synchronous>, transform_indices = @transform_3, window_bounds = array<i64: 3, 128, 128>}, {pipeline_mode = #tpu.pipeline_mode<synchronous>, transform_indices = @transform_4, window_bounds = array<i64: 3, 1, 128>}, {transform_indices = @transform_5, window_bounds = array<i64: 4000, 128>}, {transform_indices = @transform_6, window_bounds = array<i64: 4000, 128>}, {transform_indices = @transform_7, window_bounds = array<i64: 4000, 128>}]} {
    %get3A = arith.constant 0 : index
    %get3A_0 = arith.constant 0 : index
    %get3A_1 = vector.load %arg1[%get3A, %get3A_0] : memref<4000x1xf32, #tpu.memory_space<vmem>>, vector<4000x1xf32>
    %iota3A = tpu.iota {dimensions = array<i32: 1>} : vector<1x50xi32>
    %convert_element_type3A = arith.sitofp %iota3A : vector<1x50xi32> to vector<1x50xf32>
    %mul3A = arith.constant 1.000000e-01 : f32
    %mul3A_2 = vector.broadcast %mul3A : f32 to vector<1x50xf32>
    %mul3A_3 = arith.mulf %convert_element_type3A, %mul3A_2 : vector<1x50xf32>
    %sub3A = vector.broadcast %get3A_1 : vector<4000x1xf32> to vector<4000x50xf32>
    %sub3A_4 = vector.broadcast %mul3A_3 : vector<1x50xf32> to vector<4000x50xf32>
    %sub3A_5 = arith.subf %sub3A, %sub3A_4 : vector<4000x50xf32>
    %integer_pow3A = arith.mulf %sub3A_5, %sub3A_5 : vector<4000x50xf32>
    %mul3A_6 = arith.constant -5.000000e+01 : f32
    %mul3A_7 = vector.broadcast %mul3A_6 : f32 to vector<4000x50xf32>
    %mul3A_8 = arith.mulf %mul3A_7, %integer_pow3A : vector<4000x50xf32>
    %exp3A = math.exp %mul3A_8 : vector<4000x50xf32>
    %get3A_9 = arith.constant 0 : index
    %get3A_10 = arith.constant 0 : index
    %get3A_11 = vector.load %arg2[%get3A_9, %get3A_10] : memref<50x384xf32, #tpu.memory_space<vmem>>, vector<50x384xf32>
    %dot_general3A = arith.constant dense<0.000000e+00> : vector<4000x384xf32>
    %dot_general3A_12 = tpu.matmul %exp3A, %get3A_11, %dot_general3A {dimension_numbers = #tpu.dot_dimension_numbers<[1], [0], [0], [1], [0, 0, 1, 1], [], []>, transpose_lhs_hint = false} : vector<4000x50xf32>, vector<50x384xf32>, vector<4000x384xf32> -> vector<4000x384xf32>
    %get3A_13 = arith.constant 0 : index
    %get3A_14 = arith.constant 0 : index
    %get3A_15 = vector.load %arg3[%get3A_13, %get3A_14] : memref<1x384xf32, #tpu.memory_space<vmem>>, vector<1x384xf32>
    %add3A = vector.broadcast %get3A_15 : vector<1x384xf32> to vector<4000x384xf32>
    %add3A_16 = arith.addf %dot_general3A_12, %add3A : vector<4000x384xf32>
    %custom_jvp_call3A = arith.constant 0.000000e+00 : f32
    %max3A = vector.broadcast %custom_jvp_call3A : f32 to vector<4000x384xf32>
    %max3A_17 = arith.maximumf %add3A_16, %max3A : vector<4000x384xf32>
    %sub3A_18 = vector.broadcast %custom_jvp_call3A : f32 to vector<4000x384xf32>
    %sub3A_19 = arith.subf %add3A_16, %sub3A_18 : vector<4000x384xf32>
    %ne3A = arith.cmpf one, %sub3A_19, %sub3A_19 : vector<4000x384xf32>
    %add3A_20 = vector.broadcast %custom_jvp_call3A : f32 to vector<4000x384xf32>
    %add3A_21 = arith.addf %add3A_16, %add3A_20 : vector<4000x384xf32>
    %abs3A = math.absf %sub3A_19 : vector<4000x384xf32>
    %neg3A = arith.constant 0.000000e+00 : f32
    %neg3A_22 = vector.broadcast %neg3A : f32 to vector<4000x384xf32>
    %neg3A_23 = arith.subf %neg3A_22, %abs3A : vector<4000x384xf32>
    %exp3A_24 = math.exp %neg3A_23 : vector<4000x384xf32>
    %log1p3A = math.log1p %exp3A_24 : vector<4000x384xf32>
    %add3A_25 = arith.addf %max3A_17, %log1p3A : vector<4000x384xf32>
    %select_n3A = arith.select %ne3A, %add3A_21, %add3A_25 : vector<4000x384xi1>, vector<4000x384xf32>
    %log3A = arith.constant 2.000000e+00 : f32
    %log3A_26 = math.log %log3A : f32
    %sub3A_27 = vector.broadcast %log3A_26 : f32 to vector<4000x384xf32>
    %sub3A_28 = arith.subf %select_n3A, %sub3A_27 : vector<4000x384xf32>
    %slice3A = vector.extract_strided_slice %sub3A_28 {offsets = [0, 0], sizes = [4000, 128], strides = [1, 1]} : vector<4000x384xf32> to vector<4000x128xf32>
    %get3A_29 = arith.constant 0 : index
    %get3A_30 = arith.constant 0 : index
    %get3A_31 = arith.constant 0 : index
    %get3A_32 = vector.load %arg4[%get3A_29, %get3A_30, %get3A_31] : memref<3x128x128xf32, #tpu.memory_space<vmem>>, vector<1x128x128xf32>
    %get3A_33 = vector.shape_cast %get3A_32 : vector<1x128x128xf32> to vector<128x128xf32>
    %dot_general3A_34 = arith.constant dense<0.000000e+00> : vector<4000x128xf32>
    %dot_general3A_35 = tpu.matmul %slice3A, %get3A_33, %dot_general3A_34 {dimension_numbers = #tpu.dot_dimension_numbers<[1], [0], [0], [1], [0, 0, 1, 1], [], []>, transpose_lhs_hint = false} : vector<4000x128xf32>, vector<128x128xf32>, vector<4000x128xf32> -> vector<4000x128xf32>
    %get3A_36 = arith.constant 0 : index
    %get3A_37 = arith.constant 0 : index
    %get3A_38 = arith.constant 0 : index
    %get3A_39 = vector.load %arg5[%get3A_36, %get3A_37, %get3A_38] : memref<3x1x128xf32, #tpu.memory_space<vmem>>, vector<1x1x128xf32>
    %get3A_40 = vector.shape_cast %get3A_39 : vector<1x1x128xf32> to vector<1x128xf32>
    %add3A_41 = vector.broadcast %get3A_40 : vector<1x128xf32> to vector<4000x128xf32>
    %add3A_42 = arith.addf %dot_general3A_35, %add3A_41 : vector<4000x128xf32>
    %swap3A = arith.constant 0 : index
    %swap3A_43 = arith.constant 0 : index
    %swap3A_44 = vector.load %arg6[%swap3A, %swap3A_43] : memref<4000x128xf32, #tpu.memory_space<vmem>>, vector<4000x128xf32>
    tpu.vector_store %arg6[%swap3A, %swap3A_43], %add3A_42 {strides = array<i32>} : memref<4000x128xf32, #tpu.memory_space<vmem>>, vector<4000x128xf32>,
    %slice3A_45 = vector.extract_strided_slice %sub3A_28 {offsets = [0, 128], sizes = [4000, 128], strides = [1, 1]} : vector<4000x384xf32> to vector<4000x128xf32>
    %get3A_46 = arith.constant 1 : index
    %get3A_47 = arith.constant 0 : index
    %get3A_48 = arith.constant 0 : index
    %get3A_49 = vector.load %arg4[%get3A_46, %get3A_47, %get3A_48] : memref<3x128x128xf32, #tpu.memory_space<vmem>>, vector<1x128x128xf32>
    %get3A_50 = vector.shape_cast %get3A_49 : vector<1x128x128xf32> to vector<128x128xf32>
    %dot_general3A_51 = arith.constant dense<0.000000e+00> : vector<4000x128xf32>
    %dot_general3A_52 = tpu.matmul %slice3A_45, %get3A_50, %dot_general3A_51 {dimension_numbers = #tpu.dot_dimension_numbers<[1], [0], [0], [1], [0, 0, 1, 1], [], []>, transpose_lhs_hint = false} : vector<4000x128xf32>, vector<128x128xf32>, vector<4000x128xf32> -> vector<4000x128xf32>
    %get3A_53 = arith.constant 1 : index
    %get3A_54 = arith.constant 0 : index
    %get3A_55 = arith.constant 0 : index
    %get3A_56 = vector.load %arg5[%get3A_53, %get3A_54, %get3A_55] : memref<3x1x128xf32, #tpu.memory_space<vmem>>, vector<1x1x128xf32>
    %get3A_57 = vector.shape_cast %get3A_56 : vector<1x1x128xf32> to vector<1x128xf32>
    %add3A_58 = vector.broadcast %get3A_57 : vector<1x128xf32> to vector<4000x128xf32>
    %add3A_59 = arith.addf %dot_general3A_52, %add3A_58 : vector<4000x128xf32>
    %swap3A_60 = arith.constant 0 : index
    %swap3A_61 = arith.constant 0 : index
    %swap3A_62 = vector.load %arg7[%swap3A_60, %swap3A_61] : memref<4000x128xf32, #tpu.memory_space<vmem>>, vector<4000x128xf32>
    tpu.vector_store %arg7[%swap3A_60, %swap3A_61], %add3A_59 {strides = array<i32>} : memref<4000x128xf32, #tpu.memory_space<vmem>>, vector<4000x128xf32>,
    %slice3A_63 = vector.extract_strided_slice %sub3A_28 {offsets = [0, 256], sizes = [4000, 128], strides = [1, 1]} : vector<4000x384xf32> to vector<4000x128xf32>
    %get3A_64 = arith.constant 2 : index
    %get3A_65 = arith.constant 0 : index
    %get3A_66 = arith.constant 0 : index
    %get3A_67 = vector.load %arg4[%get3A_64, %get3A_65, %get3A_66] : memref<3x128x128xf32, #tpu.memory_space<vmem>>, vector<1x128x128xf32>
    %get3A_68 = vector.shape_cast %get3A_67 : vector<1x128x128xf32> to vector<128x128xf32>
    %dot_general3A_69 = arith.constant dense<0.000000e+00> : vector<4000x128xf32>
    %dot_general3A_70 = tpu.matmul %slice3A_63, %get3A_68, %dot_general3A_69 {dimension_numbers = #tpu.dot_dimension_numbers<[1], [0], [0], [1], [0, 0, 1, 1], [], []>, transpose_lhs_hint = false} : vector<4000x128xf32>, vector<128x128xf32>, vector<4000x128xf32> -> vector<4000x128xf32>
    %get3A_71 = arith.constant 2 : index
    %get3A_72 = arith.constant 0 : index
    %get3A_73 = arith.constant 0 : index
    %get3A_74 = vector.load %arg5[%get3A_71, %get3A_72, %get3A_73] : memref<3x1x128xf32, #tpu.memory_space<vmem>>, vector<1x1x128xf32>
    %get3A_75 = vector.shape_cast %get3A_74 : vector<1x1x128xf32> to vector<1x128xf32>
    %add3A_76 = vector.broadcast %get3A_75 : vector<1x128xf32> to vector<4000x128xf32>
    %add3A_77 = arith.addf %dot_general3A_70, %add3A_76 : vector<4000x128xf32>
    %swap3A_78 = arith.constant 0 : index
    %swap3A_79 = arith.constant 0 : index
    %swap3A_80 = vector.load %arg8[%swap3A_78, %swap3A_79] : memref<4000x128xf32, #tpu.memory_space<vmem>>, vector<4000x128xf32>
    tpu.vector_store %arg8[%swap3A_78, %swap3A_79], %add3A_77 {strides = array<i32>} : memref<4000x128xf32, #tpu.memory_space<vmem>>, vector<4000x128xf32>,
    return
  }
  func.func @transform_0(%arg0: i32) -> (i32, i32) {
    %c0_i32 = arith.constant 0 : i32
    %c0_i32_0 = arith.constant 0 : i32
    return %arg0, %c0_i32 : i32, i32
  }
  func.func @transform_1(%arg0: i32) -> (i32, i32) {
    %c0_i32 = arith.constant 0 : i32
    %c0_i32_0 = arith.constant 0 : i32
    %c0_i32_1 = arith.constant 0 : i32
    return %c0_i32, %c0_i32_0 : i32, i32
  }
  func.func @transform_2(%arg0: i32) -> (i32, i32) {
    %c0_i32 = arith.constant 0 : i32
    %c0_i32_0 = arith.constant 0 : i32
    %c0_i32_1 = arith.constant 0 : i32
    return %c0_i32, %c0_i32_0 : i32, i32
  }
  func.func @transform_3(%arg0: i32) -> (i32, i32, i32) {
    %c0_i32 = arith.constant 0 : i32
    %c0_i32_0 = arith.constant 0 : i32
    %c0_i32_1 = arith.constant 0 : i32
    %c0_i32_2 = arith.constant 0 : i32
    return %c0_i32, %c0_i32_0, %c0_i32_1 : i32, i32, i32
  }
  func.func @transform_4(%arg0: i32) -> (i32, i32, i32) {
    %c0_i32 = arith.constant 0 : i32
    %c0_i32_0 = arith.constant 0 : i32
    %c0_i32_1 = arith.constant 0 : i32
    %c0_i32_2 = arith.constant 0 : i32
    return %c0_i32, %c0_i32_0, %c0_i32_1 : i32, i32, i32
  }
  func.func @transform_5(%arg0: i32) -> (i32, i32) {
    %c0_i32 = arith.constant 0 : i32
    %c0_i32_0 = arith.constant 0 : i32
    return %arg0, %c0_i32 : i32, i32
  }
  func.func @transform_6(%arg0: i32) -> (i32, i32) {
    %c0_i32 = arith.constant 0 : i32
    %c0_i32_0 = arith.constant 0 : i32
    return %arg0, %c0_i32 : i32, i32
  }
  func.func @transform_7(%arg0: i32) -> (i32, i32) {
    %c0_i32 = arith.constant 0 : i32
    %c0_i32_0 = arith.constant 0 : i32
    return %arg0, %c0_i32 : i32, i32
  }
}

module attributes {stable_mosaic.version = 14 : i64} {
  func.func @_emb_body(%arg0: memref<10000x1xi32, #tpu.memory_space<vmem>>, %arg1: memref<119x128xf32, #tpu.memory_space<vmem>>, %arg2: memref<128x128xf32, #tpu.memory_space<vmem>>, %arg3: memref<1x128xf32, #tpu.memory_space<vmem>>, %arg4: memref<128x128xf32, #tpu.memory_space<vmem>>, %arg5: memref<1x128xf32, #tpu.memory_space<vmem>>, %arg6: memref<10000x128xf32, #tpu.memory_space<vmem>>, %arg7: memref<10000x128xf32, #tpu.memory_space<vmem>>) attributes {dimension_semantics = [], scalar_prefetch = 0 : i64, scratch_operands = 0 : i64, tpu.core_type = #tpu.core_type<tc>} {
    %get3A = arith.constant 0 : index
    %get3A_0 = arith.constant 0 : index
    %get3A_1 = vector.load %arg0[%get3A, %get3A_0] : memref<10000x1xi32, #tpu.memory_space<vmem>>, vector<10000x1xi32>
    %iota3A = tpu.iota {dimensions = array<i32: 1>} : vector<10000x119xi32>
    %eq3A = vector.broadcast %get3A_1 : vector<10000x1xi32> to vector<10000x119xi32>
    %eq3A_2 = arith.cmpi eq, %eq3A, %iota3A : vector<10000x119xi32>
    %convert_element_type3A = arith.extui %eq3A_2 : vector<10000x119xi1> to vector<10000x119xi32>
    %convert_element_type3A_3 = arith.sitofp %convert_element_type3A : vector<10000x119xi32> to vector<10000x119xf32>
    %get3A_4 = arith.constant 0 : index
    %get3A_5 = arith.constant 0 : index
    %get3A_6 = vector.load %arg1[%get3A_4, %get3A_5] : memref<119x128xf32, #tpu.memory_space<vmem>>, vector<119x128xf32>
    %dot_general3A = arith.constant dense<0.000000e+00> : vector<10000x128xf32>
    %dot_general3A_7 = tpu.matmul %convert_element_type3A_3, %get3A_6, %dot_general3A {dimension_numbers = #tpu.dot_dimension_numbers<[1], [0], [0], [1], [0, 0, 1, 1], [], []>, transpose_lhs_hint = false} : vector<10000x119xf32>, vector<119x128xf32>, vector<10000x128xf32> -> vector<10000x128xf32>
    %swap3A = arith.constant 0 : index
    %swap3A_8 = arith.constant 0 : index
    %swap3A_9 = vector.load %arg6[%swap3A, %swap3A_8] : memref<10000x128xf32, #tpu.memory_space<vmem>>, vector<10000x128xf32>
    tpu.vector_store %arg6[%swap3A, %swap3A_8], %dot_general3A_7 {strides = array<i32>} : memref<10000x128xf32, #tpu.memory_space<vmem>>, vector<10000x128xf32>,
    %get3A_10 = arith.constant 0 : index
    %get3A_11 = arith.constant 0 : index
    %get3A_12 = vector.load %arg2[%get3A_10, %get3A_11] : memref<128x128xf32, #tpu.memory_space<vmem>>, vector<128x128xf32>
    %dot_general3A_13 = arith.constant dense<0.000000e+00> : vector<10000x128xf32>
    %dot_general3A_14 = tpu.matmul %dot_general3A_7, %get3A_12, %dot_general3A_13 {dimension_numbers = #tpu.dot_dimension_numbers<[1], [0], [0], [1], [0, 0, 1, 1], [], []>, transpose_lhs_hint = false} : vector<10000x128xf32>, vector<128x128xf32>, vector<10000x128xf32> -> vector<10000x128xf32>
    %get3A_15 = arith.constant 0 : index
    %get3A_16 = arith.constant 0 : index
    %get3A_17 = vector.load %arg3[%get3A_15, %get3A_16] : memref<1x128xf32, #tpu.memory_space<vmem>>, vector<1x128xf32>
    %add3A = vector.broadcast %get3A_17 : vector<1x128xf32> to vector<10000x128xf32>
    %add3A_18 = arith.addf %dot_general3A_14, %add3A : vector<10000x128xf32>
    %custom_jvp_call3A = arith.constant 0.000000e+00 : f32
    %max3A = vector.broadcast %custom_jvp_call3A : f32 to vector<10000x128xf32>
    %max3A_19 = arith.maximumf %add3A_18, %max3A : vector<10000x128xf32>
    %sub3A = vector.broadcast %custom_jvp_call3A : f32 to vector<10000x128xf32>
    %sub3A_20 = arith.subf %add3A_18, %sub3A : vector<10000x128xf32>
    %ne3A = arith.cmpf one, %sub3A_20, %sub3A_20 : vector<10000x128xf32>
    %add3A_21 = vector.broadcast %custom_jvp_call3A : f32 to vector<10000x128xf32>
    %add3A_22 = arith.addf %add3A_18, %add3A_21 : vector<10000x128xf32>
    %abs3A = math.absf %sub3A_20 : vector<10000x128xf32>
    %neg3A = arith.constant 0.000000e+00 : f32
    %neg3A_23 = vector.broadcast %neg3A : f32 to vector<10000x128xf32>
    %neg3A_24 = arith.subf %neg3A_23, %abs3A : vector<10000x128xf32>
    %exp3A = math.exp %neg3A_24 : vector<10000x128xf32>
    %log1p3A = math.log1p %exp3A : vector<10000x128xf32>
    %add3A_25 = arith.addf %max3A_19, %log1p3A : vector<10000x128xf32>
    %select_n3A = arith.select %ne3A, %add3A_22, %add3A_25 : vector<10000x128xi1>, vector<10000x128xf32>
    %log3A = arith.constant 2.000000e+00 : f32
    %log3A_26 = math.log %log3A : f32
    %sub3A_27 = vector.broadcast %log3A_26 : f32 to vector<10000x128xf32>
    %sub3A_28 = arith.subf %select_n3A, %sub3A_27 : vector<10000x128xf32>
    %get3A_29 = arith.constant 0 : index
    %get3A_30 = arith.constant 0 : index
    %get3A_31 = vector.load %arg4[%get3A_29, %get3A_30] : memref<128x128xf32, #tpu.memory_space<vmem>>, vector<128x128xf32>
    %dot_general3A_32 = arith.constant dense<0.000000e+00> : vector<10000x128xf32>
    %dot_general3A_33 = tpu.matmul %sub3A_28, %get3A_31, %dot_general3A_32 {dimension_numbers = #tpu.dot_dimension_numbers<[1], [0], [0], [1], [0, 0, 1, 1], [], []>, transpose_lhs_hint = false} : vector<10000x128xf32>, vector<128x128xf32>, vector<10000x128xf32> -> vector<10000x128xf32>
    %get3A_34 = arith.constant 0 : index
    %get3A_35 = arith.constant 0 : index
    %get3A_36 = vector.load %arg5[%get3A_34, %get3A_35] : memref<1x128xf32, #tpu.memory_space<vmem>>, vector<1x128xf32>
    %add3A_37 = vector.broadcast %get3A_36 : vector<1x128xf32> to vector<10000x128xf32>
    %add3A_38 = arith.addf %dot_general3A_33, %add3A_37 : vector<10000x128xf32>
    %swap3A_39 = arith.constant 0 : index
    %swap3A_40 = arith.constant 0 : index
    %swap3A_41 = vector.load %arg7[%swap3A_39, %swap3A_40] : memref<10000x128xf32, #tpu.memory_space<vmem>>, vector<10000x128xf32>
    tpu.vector_store %arg7[%swap3A_39, %swap3A_40], %add3A_38 {strides = array<i32>} : memref<10000x128xf32, #tpu.memory_space<vmem>>, vector<10000x128xf32>,
    return
  }
}

module attributes {stable_mosaic.version = 14 : i64} {
  func.func @_upd_body(%arg0: memref<10000x128xf32, #tpu.memory_space<vmem>>, %arg1: memref<10000x128xf32, #tpu.memory_space<vmem>>, %arg2: memref<128x128xf32, #tpu.memory_space<vmem>>, %arg3: memref<1x128xf32, #tpu.memory_space<vmem>>, %arg4: memref<128x128xf32, #tpu.memory_space<vmem>>, %arg5: memref<1x128xf32, #tpu.memory_space<vmem>>, %arg6: memref<128x128xf32, #tpu.memory_space<vmem>>, %arg7: memref<1x128xf32, #tpu.memory_space<vmem>>, %arg8: memref<128x128xf32, #tpu.memory_space<vmem>>, %arg9: memref<1x128xf32, #tpu.memory_space<vmem>>, %arg10: memref<10000x128xf32, #tpu.memory_space<vmem>>, %arg11: memref<10000x128xf32, #tpu.memory_space<vmem>>) attributes {dimension_semantics = [], scalar_prefetch = 0 : i64, scratch_operands = 0 : i64, tpu.core_type = #tpu.core_type<tc>} {
    %get3A = arith.constant 0 : index
    %get3A_0 = arith.constant 0 : index
    %get3A_1 = vector.load %arg1[%get3A, %get3A_0] : memref<10000x128xf32, #tpu.memory_space<vmem>>, vector<10000x128xf32>
    %get3A_2 = arith.constant 0 : index
    %get3A_3 = arith.constant 0 : index
    %get3A_4 = vector.load %arg2[%get3A_2, %get3A_3] : memref<128x128xf32, #tpu.memory_space<vmem>>, vector<128x128xf32>
    %dot_general3A = arith.constant dense<0.000000e+00> : vector<10000x128xf32>
    %dot_general3A_5 = tpu.matmul %get3A_1, %get3A_4, %dot_general3A {dimension_numbers = #tpu.dot_dimension_numbers<[1], [0], [0], [1], [0, 0, 1, 1], [], []>, transpose_lhs_hint = false} : vector<10000x128xf32>, vector<128x128xf32>, vector<10000x128xf32> -> vector<10000x128xf32>
    %get3A_6 = arith.constant 0 : index
    %get3A_7 = arith.constant 0 : index
    %get3A_8 = vector.load %arg3[%get3A_6, %get3A_7] : memref<1x128xf32, #tpu.memory_space<vmem>>, vector<1x128xf32>
    %add3A = vector.broadcast %get3A_8 : vector<1x128xf32> to vector<10000x128xf32>
    %add3A_9 = arith.addf %dot_general3A_5, %add3A : vector<10000x128xf32>
    %custom_jvp_call3A = arith.constant 0.000000e+00 : f32
    %max3A = vector.broadcast %custom_jvp_call3A : f32 to vector<10000x128xf32>
    %max3A_10 = arith.maximumf %add3A_9, %max3A : vector<10000x128xf32>
    %sub3A = vector.broadcast %custom_jvp_call3A : f32 to vector<10000x128xf32>
    %sub3A_11 = arith.subf %add3A_9, %sub3A : vector<10000x128xf32>
    %ne3A = arith.cmpf one, %sub3A_11, %sub3A_11 : vector<10000x128xf32>
    %add3A_12 = vector.broadcast %custom_jvp_call3A : f32 to vector<10000x128xf32>
    %add3A_13 = arith.addf %add3A_9, %add3A_12 : vector<10000x128xf32>
    %abs3A = math.absf %sub3A_11 : vector<10000x128xf32>
    %neg3A = arith.constant 0.000000e+00 : f32
    %neg3A_14 = vector.broadcast %neg3A : f32 to vector<10000x128xf32>
    %neg3A_15 = arith.subf %neg3A_14, %abs3A : vector<10000x128xf32>
    %exp3A = math.exp %neg3A_15 : vector<10000x128xf32>
    %log1p3A = math.log1p %exp3A : vector<10000x128xf32>
    %add3A_16 = arith.addf %max3A_10, %log1p3A : vector<10000x128xf32>
    %select_n3A = arith.select %ne3A, %add3A_13, %add3A_16 : vector<10000x128xi1>, vector<10000x128xf32>
    %log3A = arith.constant 2.000000e+00 : f32
    %log3A_17 = math.log %log3A : f32
    %sub3A_18 = vector.broadcast %log3A_17 : f32 to vector<10000x128xf32>
    %sub3A_19 = arith.subf %select_n3A, %sub3A_18 : vector<10000x128xf32>
    %get3A_20 = arith.constant 0 : index
    %get3A_21 = arith.constant 0 : index
    %get3A_22 = vector.load %arg0[%get3A_20, %get3A_21] : memref<10000x128xf32, #tpu.memory_space<vmem>>, vector<10000x128xf32>
    %get3A_23 = arith.constant 0 : index
    %get3A_24 = arith.constant 0 : index
    %get3A_25 = vector.load %arg4[%get3A_23, %get3A_24] : memref<128x128xf32, #tpu.memory_space<vmem>>, vector<128x128xf32>
    %dot_general3A_26 = arith.constant dense<0.000000e+00> : vector<10000x128xf32>
    %dot_general3A_27 = tpu.matmul %sub3A_19, %get3A_25, %dot_general3A_26 {dimension_numbers = #tpu.dot_dimension_numbers<[1], [0], [0], [1], [0, 0, 1, 1], [], []>, transpose_lhs_hint = false} : vector<10000x128xf32>, vector<128x128xf32>, vector<10000x128xf32> -> vector<10000x128xf32>
    %add3A_28 = arith.addf %get3A_22, %dot_general3A_27 : vector<10000x128xf32>
    %get3A_29 = arith.constant 0 : index
    %get3A_30 = arith.constant 0 : index
    %get3A_31 = vector.load %arg5[%get3A_29, %get3A_30] : memref<1x128xf32, #tpu.memory_space<vmem>>, vector<1x128xf32>
    %add3A_32 = vector.broadcast %get3A_31 : vector<1x128xf32> to vector<10000x128xf32>
    %add3A_33 = arith.addf %add3A_28, %add3A_32 : vector<10000x128xf32>
    %swap3A = arith.constant 0 : index
    %swap3A_34 = arith.constant 0 : index
    %swap3A_35 = vector.load %arg10[%swap3A, %swap3A_34] : memref<10000x128xf32, #tpu.memory_space<vmem>>, vector<10000x128xf32>
    tpu.vector_store %arg10[%swap3A, %swap3A_34], %add3A_33 {strides = array<i32>} : memref<10000x128xf32, #tpu.memory_space<vmem>>, vector<10000x128xf32>,
    %get3A_36 = arith.constant 0 : index
    %get3A_37 = arith.constant 0 : index
    %get3A_38 = vector.load %arg6[%get3A_36, %get3A_37] : memref<128x128xf32, #tpu.memory_space<vmem>>, vector<128x128xf32>
    %dot_general3A_39 = arith.constant dense<0.000000e+00> : vector<10000x128xf32>
    %dot_general3A_40 = tpu.matmul %add3A_33, %get3A_38, %dot_general3A_39 {dimension_numbers = #tpu.dot_dimension_numbers<[1], [0], [0], [1], [0, 0, 1, 1], [], []>, transpose_lhs_hint = false} : vector<10000x128xf32>, vector<128x128xf32>, vector<10000x128xf32> -> vector<10000x128xf32>
    %get3A_41 = arith.constant 0 : index
    %get3A_42 = arith.constant 0 : index
    %get3A_43 = vector.load %arg7[%get3A_41, %get3A_42] : memref<1x128xf32, #tpu.memory_space<vmem>>, vector<1x128xf32>
    %add3A_44 = vector.broadcast %get3A_43 : vector<1x128xf32> to vector<10000x128xf32>
    %add3A_45 = arith.addf %dot_general3A_40, %add3A_44 : vector<10000x128xf32>
    %custom_jvp_call3A_46 = arith.constant 0.000000e+00 : f32
    %max3A_47 = vector.broadcast %custom_jvp_call3A_46 : f32 to vector<10000x128xf32>
    %max3A_48 = arith.maximumf %add3A_45, %max3A_47 : vector<10000x128xf32>
    %sub3A_49 = vector.broadcast %custom_jvp_call3A_46 : f32 to vector<10000x128xf32>
    %sub3A_50 = arith.subf %add3A_45, %sub3A_49 : vector<10000x128xf32>
    %ne3A_51 = arith.cmpf one, %sub3A_50, %sub3A_50 : vector<10000x128xf32>
    %add3A_52 = vector.broadcast %custom_jvp_call3A_46 : f32 to vector<10000x128xf32>
    %add3A_53 = arith.addf %add3A_45, %add3A_52 : vector<10000x128xf32>
    %abs3A_54 = math.absf %sub3A_50 : vector<10000x128xf32>
    %neg3A_55 = arith.constant 0.000000e+00 : f32
    %neg3A_56 = vector.broadcast %neg3A_55 : f32 to vector<10000x128xf32>
    %neg3A_57 = arith.subf %neg3A_56, %abs3A_54 : vector<10000x128xf32>
    %exp3A_58 = math.exp %neg3A_57 : vector<10000x128xf32>
    %log1p3A_59 = math.log1p %exp3A_58 : vector<10000x128xf32>
    %add3A_60 = arith.addf %max3A_48, %log1p3A_59 : vector<10000x128xf32>
    %select_n3A_61 = arith.select %ne3A_51, %add3A_53, %add3A_60 : vector<10000x128xi1>, vector<10000x128xf32>
    %log3A_62 = arith.constant 2.000000e+00 : f32
    %log3A_63 = math.log %log3A_62 : f32
    %sub3A_64 = vector.broadcast %log3A_63 : f32 to vector<10000x128xf32>
    %sub3A_65 = arith.subf %select_n3A_61, %sub3A_64 : vector<10000x128xf32>
    %get3A_66 = arith.constant 0 : index
    %get3A_67 = arith.constant 0 : index
    %get3A_68 = vector.load %arg8[%get3A_66, %get3A_67] : memref<128x128xf32, #tpu.memory_space<vmem>>, vector<128x128xf32>
    %dot_general3A_69 = arith.constant dense<0.000000e+00> : vector<10000x128xf32>
    %dot_general3A_70 = tpu.matmul %sub3A_65, %get3A_68, %dot_general3A_69 {dimension_numbers = #tpu.dot_dimension_numbers<[1], [0], [0], [1], [0, 0, 1, 1], [], []>, transpose_lhs_hint = false} : vector<10000x128xf32>, vector<128x128xf32>, vector<10000x128xf32> -> vector<10000x128xf32>
    %get3A_71 = arith.constant 0 : index
    %get3A_72 = arith.constant 0 : index
    %get3A_73 = vector.load %arg9[%get3A_71, %get3A_72] : memref<1x128xf32, #tpu.memory_space<vmem>>, vector<1x128xf32>
    %add3A_74 = vector.broadcast %get3A_73 : vector<1x128xf32> to vector<10000x128xf32>
    %add3A_75 = arith.addf %dot_general3A_70, %add3A_74 : vector<10000x128xf32>
    %swap3A_76 = arith.constant 0 : index
    %swap3A_77 = arith.constant 0 : index
    %swap3A_78 = vector.load %arg11[%swap3A_76, %swap3A_77] : memref<10000x128xf32, #tpu.memory_space<vmem>>, vector<10000x128xf32>
    tpu.vector_store %arg11[%swap3A_76, %swap3A_77], %add3A_75 {strides = array<i32>} : memref<10000x128xf32, #tpu.memory_space<vmem>>, vector<10000x128xf32>,
    return
  }
}

module attributes {stable_mosaic.version = 14 : i64} {
  func.func @_final_body(%arg0: memref<10000x128xf32, #tpu.memory_space<vmem>>, %arg1: memref<10000x128xf32, #tpu.memory_space<vmem>>, %arg2: memref<128x128xf32, #tpu.memory_space<vmem>>, %arg3: memref<1x128xf32, #tpu.memory_space<vmem>>, %arg4: memref<128x128xf32, #tpu.memory_space<vmem>>, %arg5: memref<1x128xf32, #tpu.memory_space<vmem>>, %arg6: memref<128x128xf32, #tpu.memory_space<vmem>>, %arg7: memref<1x128xf32, #tpu.memory_space<vmem>>, %arg8: memref<128x1xf32, #tpu.memory_space<vmem>>, %arg9: memref<1x1xf32, #tpu.memory_space<vmem>>, %arg10: memref<1x4xf32, #tpu.memory_space<vmem>>, %arg11: memref<1x4xf32, #tpu.memory_space<vmem>>, %arg12: memref<20x4xf32, #tpu.memory_space<vmem>>) attributes {dimension_semantics = [], scalar_prefetch = 0 : i64, scratch_operands = 0 : i64, tpu.core_type = #tpu.core_type<tc>} {
    %get3A = arith.constant 0 : index
    %get3A_0 = arith.constant 0 : index
    %get3A_1 = vector.load %arg1[%get3A, %get3A_0] : memref<10000x128xf32, #tpu.memory_space<vmem>>, vector<10000x128xf32>
    %get3A_2 = arith.constant 0 : index
    %get3A_3 = arith.constant 0 : index
    %get3A_4 = vector.load %arg2[%get3A_2, %get3A_3] : memref<128x128xf32, #tpu.memory_space<vmem>>, vector<128x128xf32>
    %dot_general3A = arith.constant dense<0.000000e+00> : vector<10000x128xf32>
    %dot_general3A_5 = tpu.matmul %get3A_1, %get3A_4, %dot_general3A {dimension_numbers = #tpu.dot_dimension_numbers<[1], [0], [0], [1], [0, 0, 1, 1], [], []>, transpose_lhs_hint = false} : vector<10000x128xf32>, vector<128x128xf32>, vector<10000x128xf32> -> vector<10000x128xf32>
    %get3A_6 = arith.constant 0 : index
    %get3A_7 = arith.constant 0 : index
    %get3A_8 = vector.load %arg3[%get3A_6, %get3A_7] : memref<1x128xf32, #tpu.memory_space<vmem>>, vector<1x128xf32>
    %add3A = vector.broadcast %get3A_8 : vector<1x128xf32> to vector<10000x128xf32>
    %add3A_9 = arith.addf %dot_general3A_5, %add3A : vector<10000x128xf32>
    %custom_jvp_call3A = arith.constant 0.000000e+00 : f32
    %max3A = vector.broadcast %custom_jvp_call3A : f32 to vector<10000x128xf32>
    %max3A_10 = arith.maximumf %add3A_9, %max3A : vector<10000x128xf32>
    %sub3A = vector.broadcast %custom_jvp_call3A : f32 to vector<10000x128xf32>
    %sub3A_11 = arith.subf %add3A_9, %sub3A : vector<10000x128xf32>
    %ne3A = arith.cmpf one, %sub3A_11, %sub3A_11 : vector<10000x128xf32>
    %add3A_12 = vector.broadcast %custom_jvp_call3A : f32 to vector<10000x128xf32>
    %add3A_13 = arith.addf %add3A_9, %add3A_12 : vector<10000x128xf32>
    %abs3A = math.absf %sub3A_11 : vector<10000x128xf32>
    %neg3A = arith.constant 0.000000e+00 : f32
    %neg3A_14 = vector.broadcast %neg3A : f32 to vector<10000x128xf32>
    %neg3A_15 = arith.subf %neg3A_14, %abs3A : vector<10000x128xf32>
    %exp3A = math.exp %neg3A_15 : vector<10000x128xf32>
    %log1p3A = math.log1p %exp3A : vector<10000x128xf32>
    %add3A_16 = arith.addf %max3A_10, %log1p3A : vector<10000x128xf32>
    %select_n3A = arith.select %ne3A, %add3A_13, %add3A_16 : vector<10000x128xi1>, vector<10000x128xf32>
    %log3A = arith.constant 2.000000e+00 : f32
    %log3A_17 = math.log %log3A : f32
    %sub3A_18 = vector.broadcast %log3A_17 : f32 to vector<10000x128xf32>
    %sub3A_19 = arith.subf %select_n3A, %sub3A_18 : vector<10000x128xf32>
    %get3A_20 = arith.constant 0 : index
    %get3A_21 = arith.constant 0 : index
    %get3A_22 = vector.load %arg0[%get3A_20, %get3A_21] : memref<10000x128xf32, #tpu.memory_space<vmem>>, vector<10000x128xf32>
    %get3A_23 = arith.constant 0 : index
    %get3A_24 = arith.constant 0 : index
    %get3A_25 = vector.load %arg4[%get3A_23, %get3A_24] : memref<128x128xf32, #tpu.memory_space<vmem>>, vector<128x128xf32>
    %dot_general3A_26 = arith.constant dense<0.000000e+00> : vector<10000x128xf32>
    %dot_general3A_27 = tpu.matmul %sub3A_19, %get3A_25, %dot_general3A_26 {dimension_numbers = #tpu.dot_dimension_numbers<[1], [0], [0], [1], [0, 0, 1, 1], [], []>, transpose_lhs_hint = false} : vector<10000x128xf32>, vector<128x128xf32>, vector<10000x128xf32> -> vector<10000x128xf32>
    %add3A_28 = arith.addf %get3A_22, %dot_general3A_27 : vector<10000x128xf32>
    %get3A_29 = arith.constant 0 : index
    %get3A_30 = arith.constant 0 : index
    %get3A_31 = vector.load %arg5[%get3A_29, %get3A_30] : memref<1x128xf32, #tpu.memory_space<vmem>>, vector<1x128xf32>
    %add3A_32 = vector.broadcast %get3A_31 : vector<1x128xf32> to vector<10000x128xf32>
    %add3A_33 = arith.addf %add3A_28, %add3A_32 : vector<10000x128xf32>
    %get3A_34 = arith.constant 0 : index
    %get3A_35 = arith.constant 0 : index
    %get3A_36 = vector.load %arg6[%get3A_34, %get3A_35] : memref<128x128xf32, #tpu.memory_space<vmem>>, vector<128x128xf32>
    %dot_general3A_37 = arith.constant dense<0.000000e+00> : vector<10000x128xf32>
    %dot_general3A_38 = tpu.matmul %add3A_33, %get3A_36, %dot_general3A_37 {dimension_numbers = #tpu.dot_dimension_numbers<[1], [0], [0], [1], [0, 0, 1, 1], [], []>, transpose_lhs_hint = false} : vector<10000x128xf32>, vector<128x128xf32>, vector<10000x128xf32> -> vector<10000x128xf32>
    %get3A_39 = arith.constant 0 : index
    %get3A_40 = arith.constant 0 : index
    %get3A_41 = vector.load %arg7[%get3A_39, %get3A_40] : memref<1x128xf32, #tpu.memory_space<vmem>>, vector<1x128xf32>
    %add3A_42 = vector.broadcast %get3A_41 : vector<1x128xf32> to vector<10000x128xf32>
    %add3A_43 = arith.addf %dot_general3A_38, %add3A_42 : vector<10000x128xf32>
    %custom_jvp_call3A_44 = arith.constant 0.000000e+00 : f32
    %max3A_45 = vector.broadcast %custom_jvp_call3A_44 : f32 to vector<10000x128xf32>
    %max3A_46 = arith.maximumf %add3A_43, %max3A_45 : vector<10000x128xf32>
    %sub3A_47 = vector.broadcast %custom_jvp_call3A_44 : f32 to vector<10000x128xf32>
    %sub3A_48 = arith.subf %add3A_43, %sub3A_47 : vector<10000x128xf32>
    %ne3A_49 = arith.cmpf one, %sub3A_48, %sub3A_48 : vector<10000x128xf32>
    %add3A_50 = vector.broadcast %custom_jvp_call3A_44 : f32 to vector<10000x128xf32>
    %add3A_51 = arith.addf %add3A_43, %add3A_50 : vector<10000x128xf32>
    %abs3A_52 = math.absf %sub3A_48 : vector<10000x128xf32>
    %neg3A_53 = arith.constant 0.000000e+00 : f32
    %neg3A_54 = vector.broadcast %neg3A_53 : f32 to vector<10000x128xf32>
    %neg3A_55 = arith.subf %neg3A_54, %abs3A_52 : vector<10000x128xf32>
    %exp3A_56 = math.exp %neg3A_55 : vector<10000x128xf32>
    %log1p3A_57 = math.log1p %exp3A_56 : vector<10000x128xf32>
    %add3A_58 = arith.addf %max3A_46, %log1p3A_57 : vector<10000x128xf32>
    %select_n3A_59 = arith.select %ne3A_49, %add3A_51, %add3A_58 : vector<10000x128xi1>, vector<10000x128xf32>
    %log3A_60 = arith.constant 2.000000e+00 : f32
    %log3A_61 = math.log %log3A_60 : f32
    %sub3A_62 = vector.broadcast %log3A_61 : f32 to vector<10000x128xf32>
    %sub3A_63 = arith.subf %select_n3A_59, %sub3A_62 : vector<10000x128xf32>
    %get3A_64 = arith.constant 0 : index
    %get3A_65 = arith.constant 0 : index
    %get3A_66 = vector.load %arg8[%get3A_64, %get3A_65] : memref<128x1xf32, #tpu.memory_space<vmem>>, vector<128x1xf32>
    %dot_general3A_67 = arith.constant dense<0.000000e+00> : vector<10000x1xf32>
    %dot_general3A_68 = tpu.matmul %sub3A_63, %get3A_66, %dot_general3A_67 {dimension_numbers = #tpu.dot_dimension_numbers<[1], [0], [0], [1], [0, 0, 1, 1], [], []>, transpose_lhs_hint = false} : vector<10000x128xf32>, vector<128x1xf32>, vector<10000x1xf32> -> vector<10000x1xf32>
    %get3A_69 = arith.constant 0 : index
    %get3A_70 = arith.constant 0 : index
    %get3A_71 = vector.load %arg9[%get3A_69, %get3A_70] : memref<1x1xf32, #tpu.memory_space<vmem>>, vector<1x1xf32>
    %add3A_72 = vector.broadcast %get3A_71 : vector<1x1xf32> to vector<10000x1xf32>
    %add3A_73 = arith.addf %dot_general3A_68, %add3A_72 : vector<10000x1xf32>
    %iota3A = tpu.iota {dimensions = array<i32: 1>} : vector<20x10000xi32>
    %jit3A = arith.constant 500 : i32
    %div3A = vector.broadcast %jit3A : i32 to vector<20x10000xi32>
    %div3A_74 = arith.divsi %iota3A, %div3A : vector<20x10000xi32>
    %sign3A = arith.constant 0 : i32
    %sign3A_75 = vector.broadcast %sign3A : i32 to vector<20x10000xi32>
    %sign3A_76 = arith.cmpi sgt, %iota3A, %sign3A_75 : vector<20x10000xi32>
    %sign3A_77 = arith.extui %sign3A_76 : vector<20x10000xi1> to vector<20x10000xi32>
    %sign3A_78 = arith.constant 0 : i32
    %sign3A_79 = vector.broadcast %sign3A_78 : i32 to vector<20x10000xi32>
    %sign3A_80 = arith.cmpi slt, %iota3A, %sign3A_79 : vector<20x10000xi32>
    %sign3A_81 = arith.extui %sign3A_80 : vector<20x10000xi1> to vector<20x10000xi32>
    %sign3A_82 = arith.subi %sign3A_77, %sign3A_81 : vector<20x10000xi32>
    %sign3A_83 = arith.constant 0 : i32
    %sign3A_84 = arith.cmpi sgt, %jit3A, %sign3A_83 : i32
    %sign3A_85 = arith.extui %sign3A_84 : i1 to i32
    %sign3A_86 = arith.constant 0 : i32
    %sign3A_87 = arith.cmpi slt, %jit3A, %sign3A_86 : i32
    %sign3A_88 = arith.extui %sign3A_87 : i1 to i32
    %sign3A_89 = arith.subi %sign3A_85, %sign3A_88 : i32
    %ne3A_90 = vector.broadcast %sign3A_89 : i32 to vector<20x10000xi32>
    %ne3A_91 = arith.cmpi ne, %sign3A_82, %ne3A_90 : vector<20x10000xi32>
    %rem3A = vector.broadcast %jit3A : i32 to vector<20x10000xi32>
    %rem3A_92 = arith.remsi %iota3A, %rem3A : vector<20x10000xi32>
    %ne3A_93 = arith.constant 0 : i32
    %ne3A_94 = vector.broadcast %ne3A_93 : i32 to vector<20x10000xi32>
    %ne3A_95 = arith.cmpi ne, %rem3A_92, %ne3A_94 : vector<20x10000xi32>
    %and3A = arith.andi %ne3A_91, %ne3A_95 : vector<20x10000xi1>
    %sub3A_96 = arith.constant 1 : i32
    %sub3A_97 = vector.broadcast %sub3A_96 : i32 to vector<20x10000xi32>
    %sub3A_98 = arith.subi %div3A_74, %sub3A_97 : vector<20x10000xi32>
    %select_n3A_99 = arith.select %and3A, %sub3A_98, %div3A_74 : vector<20x10000xi1>, vector<20x10000xi32>
    %iota3A_100 = tpu.iota {dimensions = array<i32: 0>} : vector<20x10000xi32>
    %eq3A = arith.cmpi eq, %select_n3A_99, %iota3A_100 : vector<20x10000xi32>
    %convert_element_type3A = arith.extui %eq3A : vector<20x10000xi1> to vector<20x10000xi32>
    %convert_element_type3A_101 = arith.sitofp %convert_element_type3A : vector<20x10000xi32> to vector<20x10000xf32>
    %dot_general3A_102 = arith.constant dense<0.000000e+00> : vector<20x1xf32>
    %dot_general3A_103 = tpu.matmul %convert_element_type3A_101, %add3A_73, %dot_general3A_102 {dimension_numbers = #tpu.dot_dimension_numbers<[1], [0], [0], [1], [0, 0, 1, 1], [], []>, transpose_lhs_hint = false} : vector<20x10000xf32>, vector<10000x1xf32>, vector<20x1xf32> -> vector<20x1xf32>
    %get3A_104 = arith.constant 0 : index
    %get3A_105 = arith.constant 0 : index
    %get3A_106 = vector.load %arg10[%get3A_104, %get3A_105] : memref<1x4xf32, #tpu.memory_space<vmem>>, vector<1x4xf32>
    %dot_general3A_107 = arith.constant dense<0.000000e+00> : vector<20x4xf32>
    %dot_general3A_108 = tpu.matmul %dot_general3A_103, %get3A_106, %dot_general3A_107 {dimension_numbers = #tpu.dot_dimension_numbers<[1], [0], [0], [1], [0, 0, 1, 1], [], []>, transpose_lhs_hint = false} : vector<20x1xf32>, vector<1x4xf32>, vector<20x4xf32> -> vector<20x4xf32>
    %get3A_109 = arith.constant 0 : index
    %get3A_110 = arith.constant 0 : index
    %get3A_111 = vector.load %arg11[%get3A_109, %get3A_110] : memref<1x4xf32, #tpu.memory_space<vmem>>, vector<1x4xf32>
    %add3A_112 = vector.broadcast %get3A_111 : vector<1x4xf32> to vector<20x4xf32>
    %add3A_113 = arith.addf %dot_general3A_108, %add3A_112 : vector<20x4xf32>
    %slice3A = vector.extract_strided_slice %add3A_113 {offsets = [0, 0], sizes = [20, 1], strides = [1, 1]} : vector<20x4xf32> to vector<20x1xf32>
    %slice3A_114 = vector.extract_strided_slice %add3A_113 {offsets = [0, 1], sizes = [20, 1], strides = [1, 1]} : vector<20x4xf32> to vector<20x1xf32>
    %max3A_115 = arith.constant 0.000000e+00 : f32
    %max3A_116 = vector.broadcast %max3A_115 : f32 to vector<20x1xf32>
    %max3A_117 = arith.maximumf %slice3A_114, %max3A_116 : vector<20x1xf32>
    %abs3A_118 = math.absf %slice3A_114 : vector<20x1xf32>
    %neg3A_119 = arith.constant 0.000000e+00 : f32
    %neg3A_120 = vector.broadcast %neg3A_119 : f32 to vector<20x1xf32>
    %neg3A_121 = arith.subf %neg3A_120, %abs3A_118 : vector<20x1xf32>
    %exp3A_122 = math.exp %neg3A_121 : vector<20x1xf32>
    %log1p3A_123 = math.log1p %exp3A_122 : vector<20x1xf32>
    %add3A_124 = arith.addf %max3A_117, %log1p3A_123 : vector<20x1xf32>
    %slice3A_125 = vector.extract_strided_slice %add3A_113 {offsets = [0, 2], sizes = [20, 1], strides = [1, 1]} : vector<20x4xf32> to vector<20x1xf32>
    %max3A_126 = arith.constant 0.000000e+00 : f32
    %max3A_127 = vector.broadcast %max3A_126 : f32 to vector<20x1xf32>
    %max3A_128 = arith.maximumf %slice3A_125, %max3A_127 : vector<20x1xf32>
    %abs3A_129 = math.absf %slice3A_125 : vector<20x1xf32>
    %neg3A_130 = arith.constant 0.000000e+00 : f32
    %neg3A_131 = vector.broadcast %neg3A_130 : f32 to vector<20x1xf32>
    %neg3A_132 = arith.subf %neg3A_131, %abs3A_129 : vector<20x1xf32>
    %exp3A_133 = math.exp %neg3A_132 : vector<20x1xf32>
    %log1p3A_134 = math.log1p %exp3A_133 : vector<20x1xf32>
    %add3A_135 = arith.addf %max3A_128, %log1p3A_134 : vector<20x1xf32>
    %add3A_136 = arith.constant 1.000000e+00 : f32
    %add3A_137 = vector.broadcast %add3A_136 : f32 to vector<20x1xf32>
    %add3A_138 = arith.addf %add3A_135, %add3A_137 : vector<20x1xf32>
    %slice3A_139 = vector.extract_strided_slice %add3A_113 {offsets = [0, 3], sizes = [20, 1], strides = [1, 1]} : vector<20x4xf32> to vector<20x1xf32>
    %max3A_140 = arith.constant 0.000000e+00 : f32
    %max3A_141 = vector.broadcast %max3A_140 : f32 to vector<20x1xf32>
    %max3A_142 = arith.maximumf %slice3A_139, %max3A_141 : vector<20x1xf32>
    %abs3A_143 = math.absf %slice3A_139 : vector<20x1xf32>
    %neg3A_144 = arith.constant 0.000000e+00 : f32
    %neg3A_145 = vector.broadcast %neg3A_144 : f32 to vector<20x1xf32>
    %neg3A_146 = arith.subf %neg3A_145, %abs3A_143 : vector<20x1xf32>
    %exp3A_147 = math.exp %neg3A_146 : vector<20x1xf32>
    %log1p3A_148 = math.log1p %exp3A_147 : vector<20x1xf32>
    %add3A_149 = arith.addf %max3A_142, %log1p3A_148 : vector<20x1xf32>
    %concatenate3A = tpu.concatenate %slice3A, %add3A_124, %add3A_138, %add3A_149 in 1 : vector<20x1xf32>, vector<20x1xf32>, vector<20x1xf32>, vector<20x1xf32> -> vector<20x4xf32>
    %swap3A = arith.constant 0 : index
    %swap3A_150 = arith.constant 0 : index
    %swap3A_151 = vector.load %arg12[%swap3A, %swap3A_150] : memref<20x4xf32, #tpu.memory_space<vmem>>, vector<20x4xf32>
    tpu.vector_store %arg12[%swap3A, %swap3A_150], %concatenate3A {strides = array<i32>} : memref<20x4xf32, #tpu.memory_space<vmem>>, vector<20x4xf32>,
    return
  }
}

</mosaic_0001>

<sc_bundles>
// kernel: kernel.10.cloned.1.call-start
scs
__scs_entry_jumppad:
0x0: {  	(pc) =	sbr.rel $0x88, $3  }
0x1: {  	(tag) =	ssettag $0x0;
	lr =	simm.s32 $0x1  }
0x2: {  	[smem:$0x3F73] =	sst lr;
	_ =	strace $0xD0000000  }
0x3: {  	_ = 	snop  }
0x4: {  	_ = 	snop  }
0x5: {  	_ = 	snop  }
0x6: {  	_ = 	snop  }
0x7: {  	_ = 	snop  }
__scs_overlays_trampoline_lowered:
0x8: {  	[smem:$0x3F82] =	sst s0  }
0x9: {  	[smem:$0x3F83] =	sst s1  }
0xa: {  	[smem:$0x3F84] =	sst s2  }
0xb: {  	[smem:$0x3F85] =	sst s3  }
0xc: {  	[smem:$0x3F86] =	sst s4  }
0xd: {  	[smem:$0x3F87] =	sst s5  }
0xe: {  	[smem:$0x3F88] =	sst s6  }
0xf: {  	[smem:$0x3F89] =	sst s7  }
0x10: {  	[smem:$0x3F8A] =	sst s8  }
0x11: {  	[smem:$0x3F8B] =	sst s9;
	s0 =	simm.s32 @!p0 $0x0  }
0x12: {  	s1 =	sld [smem:$0x3F71];
	s0 =	simm.s32 @p0 $0x1  }
0x13: {  	[smem:$0x3F8C] =	sst s0;
	s0 =	simm.s32 @!p1 $0x0  }
0x14: {  	s2 =	sld [smem:$0x3F70];
	s0 =	simm.s32 @p1 $0x1  }
0x15: {  	[smem:$0x3F8D] =	sst s0;
	s0 =	simm.s32 @!p2 $0x0  }
0x16: {  	s3 =	sld [smem:$0x3FDB];
	s0 =	simm.s32 @p2 $0x1  }
0x17: {  	s4 =	simm.s32 $0x1BF5;
	[smem:$0x3F8F] =	sst s0  }
0x18: {  	s0 =	sld [smem:$0x3F72];
	_ =	swait.ge [sflag:s4], $0x0  }
0x19: {  	s7 =	sld [smem:$0x3F73]  }
0x1a: {  	s8 =	sadd.s32 $0xFFFFE003, lr  }
0x1b: {  	s9 =	sadd.s32 $0xFFFFFEF7, lr;
	s5 =	simm.s32 $0xFFFFFFFF;
	p2 =	slt.u32 s8, $0xFFFFF086  }
0x1c: {  	p1 =	slt.u32 s9, $0xF7A;
	s5 =	simm.s32 @!p2 $0x0  }
0x1d: {  	s5 =	simm.s32 @p1 $0x1;
	p0 =	seq.s32 s7, s2  }
0x1e: {  	s7 =	smul.u32 @!p0 $0xF7A, s2;
	p2 =	seq.s32 @!p0 s5, $0x0  }
0x1f: {  	s9 =	smul.u32 $0xF7A, s1;
	s8 =	simm.s32 @!p0 $0x1BF5;
	p2 =	por !p2, p0  }
0x20: {  	[sflag:s8] =	ssyncset.s32 @!p0 $0xFFFFF086;
	s6 =	sadd.s32 @!p0 s3, s7;
	s7 =	simm.s32 @!p0 $0x108  }
0x21: {  	s3 =	sadd.s32 s3, s9;
	s6 =	sadd.s32 @!p0 $0x88, s6;
	s7 =	simm.s32 @p2 $0x1082  }
0x22: {  	[simem:s7], [sflag:s8] =	dma.local @!p0 [hbm:s6], $0xF7A  }
0x23: {  	s9 =	sor.u32 $0xD0000000, s2;
	s6 =	simm.s32 $0x108;
	_ =	swait.ge @!p0 [sflag:s8], $0x0  }
0x24: {  	s3 =	sadd.s32 $0x88, s3;
	s6 =	simm.s32 @!p1 $0x1082;
	[sflag:s4] =	ssyncset.s32 $0xFFFFF086  }
0x25: {  	[simem:s6], [sflag:s4] =	dma.local [hbm:s3], $0xF7A  }
0x26: {  	[smem:$0x3F73] =	sst s1;
	(tag) =	ssettag s2;
	_ =	strace s9  }
0x27: {  	s1 =	sld [smem:$0x3F83]  }
0x28: {  	s2 =	sld [smem:$0x3F84]  }
0x29: {  	s4 =	sld [smem:$0x3F86]  }
0x2a: {  	p0 =	seq.s32 s5, $0x0;
	s5 =	sld [smem:$0x3F87]  }
0x2b: {  	s6 =	sld [smem:$0x3F88]  }
0x2c: {  	s7 =	sld [smem:$0x3F89]  }
0x2d: {  	s3 =	simm.s32 $0x108;
	s8 =	sld [smem:$0x3F8A]  }
0x2e: {  	s3 =	simm.s32 @!p0 $0x1082;
	s9 =	sld [smem:$0x3F8B]  }
0x2f: {  	lr =	sadd.s32 s0, s3;
	s0 =	sld [smem:$0x3F82]  }
0x30: {  	s3 =	sld [smem:$0x3F85]  }
0x31: {  	[smem:$0x3F8E] =	sst s10  }
0x32: {  	s10 =	sld [smem:$0x3F8C];
	_ =	sdelay $0x3  }
0x33: {  	p0 =	seq.s32 s10, $0x1;
	s10 =	sld [smem:$0x3F8E];
	_ =	sdelay $0x3  }
0x34: {  	[smem:$0x3F8E] =	sst s10  }
0x35: {  	s10 =	sld [smem:$0x3F8D];
	_ =	sdelay $0x3  }
0x36: {  	p1 =	seq.s32 s10, $0x1;
	s10 =	sld [smem:$0x3F8E];
	_ =	sdelay $0x3  }
0x37: {  	[smem:$0x3F8E] =	sst s10  }
0x38: {  	s10 =	sld [smem:$0x3F8F]  }
0x39: {  	_ = 	snop;
	(pc) =	sbr.ind lr, $3  }
0x3a: {  	_ = 	snop  }
0x3b: {  	_ = 	snop  }
0x3c: {  	p2 =	seq.s32 s10, $0x1;
	s10 =	sld [smem:$0x3F8E]  }
0x3d: {  	_ =	shalt  }
0x3e: {  	_ =	shalt  }
0x3f: {  	_ =	shalt  }
0x40: {  	_ =	shalt  }
0x41: {  	_ =	shalt  }
0x42: {  	_ =	shalt  }
0x43: {  	_ =	shalt  }
0x44: {  	_ =	shalt  }
0x45: {  	_ =	shalt  }
0x46: {  	_ =	shalt  }
0x47: {  	_ =	shalt  }
0x48: {  	_ =	shalt  }
0x49: {  	_ =	shalt  }
0x4a: {  	_ =	shalt  }
0x4b: {  	_ =	shalt  }
0x4c: {  	_ =	shalt  }
0x4d: {  	_ =	shalt  }
0x4e: {  	_ =	shalt  }
0x4f: {  	_ =	shalt  }
0x50: {  	_ =	shalt  }
0x51: {  	_ =	shalt  }
0x52: {  	_ =	shalt  }
0x53: {  	_ =	shalt  }
0x54: {  	_ =	shalt  }
0x55: {  	_ =	shalt  }
0x56: {  	_ =	shalt  }
0x57: {  	_ =	shalt  }
0x58: {  	_ =	shalt  }
0x59: {  	_ =	shalt  }
0x5a: {  	_ =	shalt  }
0x5b: {  	_ =	shalt  }
0x5c: {  	_ =	shalt  }
0x5d: {  	_ =	shalt  }
0x5e: {  	_ =	shalt  }
0x5f: {  	_ =	shalt  }
0x60: {  	_ =	shalt  }
0x61: {  	_ =	shalt  }
0x62: {  	_ =	shalt  }
0x63: {  	_ =	shalt  }
0x64: {  	_ =	shalt  }
0x65: {  	_ =	shalt  }
0x66: {  	_ =	shalt  }
0x67: {  	_ =	shalt  }
0x68: {  	_ =	shalt  }
0x69: {  	_ =	shalt  }
0x6a: {  	_ =	shalt  }
0x6b: {  	_ =	shalt  }
0x6c: {  	_ =	shalt  }
0x6d: {  	_ =	shalt  }
0x6e: {  	_ =	shalt  }
0x6f: {  	_ =	shalt  }
0x70: {  	_ =	shalt  }
0x71: {  	_ =	shalt  }
0x72: {  	_ =	shalt  }
0x73: {  	_ =	shalt  }
0x74: {  	_ =	shalt  }
0x75: {  	_ =	shalt  }
0x76: {  	_ =	shalt  }
0x77: {  	_ =	shalt  }
0x78: {  	_ =	shalt  }
0x79: {  	_ =	shalt  }
0x7a: {  	_ =	shalt  }
0x7b: {  	_ =	shalt  }
0x7c: {  	_ =	shalt  }
0x7d: {  	_ =	shalt  }
0x7e: {  	_ =	shalt  }
0x7f: {  	_ =	shalt  }
0x80: {  	_ =	shalt  }
0x81: {  	_ =	shalt  }
0x82: {  	_ =	shalt  }
0x83: {  	_ =	shalt  }
0x84: {  	_ =	shalt  }
0x85: {  	_ =	shalt  }
0x86: {  	_ =	shalt  }
0x87: {  	_ =	shalt  }
.Lfunc_end0:
.L_simem_size_0:
called_computation_lowered:
.L_overlay_start_0:
0x88: {  	s2 =	sld [smem:$0x3FD9]  }
0x89: {  	s3 =	sld [smem:$0x3FFE];
	_ =	sdelay $0x1  }
0x8a: {  	s1 =	srdreg.scid  }
0x8b: {  	s0 =	sand.u32 $0x1, s1  }
0x8c: {  	s16 =	sshll.u32 s0, $0xA;
	s2 =	sadd.s32 s3, s2  }
0x8d: {  	s2 =	sadd.s32 s2, s16  }
0x8e: {  	[smem:$0x3F9A] =	sst s2  }
0x8f: {  	_ = 	snop  }
0x90: {  	(tm) =	ssettm $0x1  }
0x91: {  	s17 =	sld [smem:$0x3FFB];
	_ =	sdelay $0x3  }
0x92: {  	_ =	strace s17  }
0x93: {  	s2 =	sld [smem:$0x3FFC];
	_ =	sdelay $0x3  }
0x94: {  	_ =	strace s2  }
0x95: {  	s2 =	sld [smem:$0x3FFD];
	_ =	sdelay $0x3  }
0x96: {  	_ =	strace s2  }
0x97: {  	_ =	strace $0x8FFFFFFF  }
0x98: {  	s18 =	sld [smem:$0x3FDB];
	_ =	sdelay $0x1  }
0x99: {  	s19 =	simm.s32 $_scs_section_size  }
0x9a: {  	s4 =	simm.s32 $_size__tile_overlayer_lowered;
	s5 =	simm.s32 $_tile_overlayer_lowered  }
0x9b: {  	s22 =	simm.s32 $0x1BFF;
	s21 =	sshll.u32 s5, $0x1;
	s2 =	sadd.s32 s19, s18  }
0x9c: {  	s6 =	simm.s32 $0x0;
	s20 =	sshll.u32 s4, $0x1;
	s4 =	sadd.s32 s21, s2  }
0x9d: {  	[timem:s6], [sflag:s22] =	dma.local [hbm:s4], s20  }
0x9e: {  	_ =	swait.ge [sflag:s22], s20  }
0x9f: {  	s3 =	ssub.s32 $0x0, s20;
	[sflag:s22] =	ssyncset.done $0x0  }
0xa0: {  	[sflag:s22] =	ssyncadd.s32 s3;
	_ =	sdelay $0x1  }
0xa1: {  	s23 =	simm.s32 $0x1B8B  }
0xa2: {  	_ =	swait.ge [sflag:s23], $0x1  }
0xa3: {  	[sflag:s23] =	ssyncset.done $0x0  }
0xa4: {  	s25 =	simm.s32 $0x1B8E;
	s24 =	sld [smem:$0x3FFE];
	[sflag:s23] =	ssyncadd.s32 $0xFFFFFFFF  }
0xa5: {  	s26 =	simm.s32 $execute0_lowered;
	[smem:$0x3FD2] =	sst s25  }
0xa6: {  	s4 =	sshll.u32 s26, $0x1;
	_ =	strace $0x80000046;
	[dreg:$0x1] =	wrdreg $0xFFFFFFFF  }
0xa7: {  	s28 =	simm.s32 $_size_execute0_lowered;
	s2 =	sadd.s32 s2, s4;
	[dreg:$0x0] =	wrdreg $0x0  }
0xa8: {  	s4 =	sshll.u32 s28, $0x1;
	[dreg:$0x2] =	wrdreg s2  }
0xa9: {  	[dreg:$0x3] =	wrdreg s4  }
0xaa: {  	[dreg:$0x4] =	wrdreg $0xC0  }
0xab: {  	_ =	task [dreg:s6], $0x5FFFF  }
0xac: {  	[dreg:$0x1] =	wrdreg $0xFFFFFFFF  }
0xad: {  	[dreg:$0x0] =	wrdreg $0x60  }
0xae: {  	[dreg:$0x2] =	wrdreg s24  }
0xaf: {  	[dreg:$0x3] =	wrdreg $0x161000  }
0xb0: {  	[dreg:$0x4] =	wrdreg $0x9  }
0xb1: {  	_ =	task.clear_ibuf [dreg:s6], $0x5FFFF;
	_ =	strace $0x90000046  }
0xb2: {  	s29 =	simm.s32 $0x9;
	_ =	strace $0x80000048  }
0xb3: {  	_ =	swait.ge [sflag:s29], $0x1  }
0xb4: {  	[sflag:s29] =	ssyncadd.s32 $0xFFFFFFFF  }
0xb5: {  	_ =	strace $0x90000048  }
0xb6: {  	_ =	sfence  }
0xb7: {  	s30 =	sld [smem:$0x0];
	_ =	sdelay $0x2  }
0xb8: {  	s31 =	sshll.u32 s1, $0xD;
	s1 =	sshrl.u32 s1, $0x2  }
0xb9: {  	s3 =	sand.u32 $0x4000, s31;
	s1 =	sadd.s32 s1, s30  }
0xba: {  	s0 =	sor.u32 s3, s0;
	s1 =	sshll.u32 s1, $0x11  }
0xbb: {  	s0 =	sor.u32 s1, s0  }
0xbc: {  	s0 =	sadd.s32 $0x8F2B, s0  }
0xbd: {  	[sflag:s0] =	ssyncadd.remote.s32 $0x1  }
0xbe: {  	_ =	sfence.sel $0xFFFF  }
0xbf: {  	[dreg:$0x0] =	wrdreg $0xFFFFFFFF;
	(pc) =	sbr.abs _section_cstart, $3  }
0xc0: {  	[dreg:$0x1] =	wrdreg $0xFFFFFFFF  }
0xc1: {  	_ =	task.clear_ibuf [dreg:s6], $0x2FFFF;
	_ =	strace $0x9FFFFFFF  }
0xc2: {  	(tm) =	ssettm $0x7FFFFFFF  }
0xc3: {  	_ =	shalt  }
tec
execute0_lowered:
.L_overlay_start_1:
0x0: {  	(tag) =	ssettag $0x1  }
0x1: {  	s0 =	rddreg [dreg:$0x0]  }
0x2: {  	s1 =	rddreg [dreg:$0x1]  }
0x3: {  	s2 =	srdreg.scid;
	s3 =	simm.s32 $0x0;
	s16 =	stileid.u32  }
0x4: {  	s28 =	simm.s32 $0xD100;
	s29 =	simm.s32 $0x9100;
	s30 =	simm.s32 $0x11100  }
0x5: {  	s31 =	simm.s32 $0x3;
	s2 =	sand.u32 $0x1, s2;
	[smem:$0x7FF] =	sst s3  }
0x6: {  	s4 =	sadd.s32 $0x26400, s0;
	s9 =	sshll.u32 s16, $0x4;
	s24 =	smul.u32 $0x1380, s16  }
0x7: {  	s15 =	sadd.s32 $0x88200, s0;
	s25 =	smul.u32 $0x27000, s16;
	s19 =	sadd.s32 $0x9C000, s1  }
0x8: {  	p0 =	sne.s32 s16, $0xF;
	s5 =	sshll.u32 s2, $0x4;
	_ =	strace $0x80000047  }
0x9: {  	s9 =	sand.u32 $0x70, s9;
	s11 =	ssub.s32 $0x2, s2;
	s14 =	smul.u32 $0x13880, s2  }
0xa: {  	[dreg:$0x9] =	wrdreg s19;
	s2 =	smul.u32 $0x9C400, s2;
	s7 =	sor.u32 s16, s5  }
0xb: {  	s5 =	sadd.s32 $0x508400, s0;
	s12 =	sadd.s32 s24, s0;
	s13 =	sshrl.u32 s11, $0x1  }
0xc: {  	s16 =	simm.s32 $0x5000;
	s6 =	smul.u32 $0x500, s7;
	s8 =	sshll.u32 s7, $0x4  }
0xd: {  	s11 =	ssub.s32 s11, s13;
	s13 =	sshrl.u32 s25, $0x2;
	s18 =	sadd.s32 $0x74800, s12  }
0xe: {  	s24 =	sadd.s32 s24, s14;
	s2 =	sshrl.u32 s2, $0x3;
	s8 =	sand.u32 $0x180, s8  }
0xf: {  	[dreg:$0x8] =	wrdreg s18;
	s25 =	sadd.s32 s15, s24;
	s24 =	simm.s32 $0x5080  }
0x10: {  	s10 =	sadd.s32 s6, s0;
	s23 =	sor.u32 s9, s8;
	s6 =	smul.u32 $0x2710, s7  }
0x11: {  	[dreg:$0xe] =	wrdreg s25;
	s25 =	simm.s32 $0x2;
	s17 =	sadd.s32 $0x12400, s10  }
0x12: {  	s8 =	simm.s32 $0x5;
	s10 =	sadd.s32 $0x1C400, s10;
	[dreg:$0x3] =	wrdreg s17  }
0x13: {  	s9 =	sadd.s32 s23, s0;
	s0 =	sadd.s32 $0x88000, s0;
	[dreg:$0x4] =	wrdreg s10  }
0x14: {  	s26 =	sadd.s32 $0x12000, s9;
	s17 =	smul.u32 $0x138800, s7;
	[dreg:$0xa] =	wrdreg s0  }
0x15: {  	s9 =	sadd.s32 $0x12200, s9;
	s7 =	smul.u32 $0x27100, s7;
	[dreg:$0x5] =	wrdreg s26  }
0x16: {  	[dreg:$0x6] =	wrdreg s9;
	s9 =	sadd.s32 s13, s1;
	s26 =	sadd.s32 s15, s2  }
0x17: {  	s2 =	simm.s32 $0x10;
	[dreg:$0x7] =	wrdreg s9;
	s20 =	sshrl.u32 s17, $0x3  }
0x18: {  	s21 =	sadd.s32 s5, s7;
	s19 =	sadd.s32 $0x13800, s26;
	s26 =	simm.s32 $0x80  }
0x19: {  	s7 =	simm.s32 $0x15900;
	s9 =	simm.s32 $0x0;
	s22 =	sadd.s32 s5, s20  }
0x1a: {  	[dreg:$0xb] =	wrdreg s21;
	s20 =	smax.u32 s11, $0x1;
	s23 =	sadd.s32 $0x800, s22  }
0x1b: {  	s21 =	simm.s32 $0x6;
	s0 =	sadd.s32 $0x27000, s22;
	[dreg:$0xc] =	wrdreg s23  }
0x1c: {  	s22 =	simm.s32 $0x4;
	[dreg:$0xd] =	wrdreg s0;
	s0 =	simm.s32 $0x1  }
.LBB2_1:
0x1d: {  	s10 =	rddreg [dreg:$0x3]  }
0x1e: {  	[tilespmem:s3], [sflag:$0x6] =	stream.linear.gather [hbm4b:s10+s3], $0x2700, $0x38;
	[tilespmem:$0x1FD40] =	vst v63  }
0x1f: {  	_ =	swait.ge [sflag:s21], $0x2700  }
0x20: {  	[sflag:s21] =	ssyncset.done $0x0  }
0x21: {  	s11 =	simm.s32 $0x2800;
	s13 =	rddreg [dreg:$0x4];
	[sflag:s21] =	ssyncadd.s32 $0xFFFFD900  }
0x22: {  	[tilespmem:s11], [sflag:$0x6] =	stream.linear.gather [hbm4b:s13+s3], $0x2700, $0x38;
	[tilespmem:$0x1FD40] =	vst v63  }
0x23: {  	_ =	swait.ge [sflag:s21], $0x2700  }
0x24: {  	[sflag:s21] =	ssyncset.done $0x0  }
0x25: {  	s14 =	rddreg [dreg:$0x5];
	[sflag:s21] =	ssyncadd.s32 $0xFFFFD900  }
0x26: {  	[tilespmem:s16], [sflag:$0x6] =	stream.linear.gather [hbm4b:s14+s3], $0x80, $0x38;
	[tilespmem:$0x1FD40] =	vst v63  }
0x27: {  	_ =	swait.ge [sflag:s21], $0x80  }
0x28: {  	[sflag:s21] =	ssyncset.done $0x0  }
0x29: {  	s16 =	stileid.u32;
	s15 =	rddreg [dreg:$0x6];
	[sflag:s21] =	ssyncadd.s32 $0xFFFFFF80  }
0x2a: {  	[tilespmem:s24], [sflag:$0x6] =	stream.linear.gather [hbm4b:s15+s3], $0x80, $0x38;
	[tilespmem:$0x1FD40] =	vst v63  }
0x2b: {  	s10 =	sshll.u32 s16, $0x6;
	_ =	swait.ge [sflag:s21], $0x80  }
0x2c: {  	s10 =	sor.u32 $0x1C06, s10;
	[sflag:s21] =	ssyncset.done $0x0;
	s17 =	rddreg [dreg:$0x7]  }
0x2d: {  	s12 =	rddreg [dreg:$0x8];
	[sflag:s21] =	ssyncadd.s32 $0xFFFFFF80;
	s11 =	sshrl.u32 s17, $0x3  }
0x2e: {  	[spmem:s11], [sflag:s10] =	dma.local [hbm:s12], $0x1380  }
0x2f: {  	_ =	swait.ge [sflag:s21], $0x1380  }
0x30: {  	[sflag:s21] =	ssyncset.done $0x0;
	s12 =	rddreg [dreg:$0x9]  }
0x31: {  	s13 =	rddreg [dreg:$0xa];
	[sflag:s21] =	ssyncadd.s32 $0xFFFFEC80;
	s12 =	sshrl.u32 @!p0 s12, $0x3  }
0x32: {  	[spmem:s12], [sflag:s10] =	dma.local @!p0 [hbm:s13], $0x80  }
0x33: {  	s13 =	simm.s32 @!p0 $0x6  }
0x34: {  	_ =	swait.ge @!p0 [sflag:s13], $0x80  }
0x35: {  	[sflag:s13] =	ssyncset.done @!p0 $0x0  }
0x36: {  	[sflag:s13] =	ssyncadd.s32 @!p0 $0xFFFFFF80  }
0x37: {  	[bflag:$0x0] =	sbarrier.arrive $0xFFFF  }
0x38: {  	s14 =	simm.s32 $0x5100;
	s18 =	rddreg [dreg:$0xb]  }
0x39: {  	[tilespmem:s14], [sflag:$0x3] =	stream.linear.gather [hbm4b:s18+s3], $0x4000, $0x38;
	[tilespmem:$0x1FD40] =	vst v63  }
0x3a: {  	_ = 	snop  }
0x3b: {  	[tilespmem:s28], [sflag:$0x1] =	stream.indirect.gather [hbm4b:s4+s26], $0x80, s3, s26, $0xb8;
	[tilespmem:$0x1FD40] =	vst v63  }
0x3c: {  	s23 =	rddreg [dreg:$0xc]  }
0x3d: {  	[tilespmem:s29], [sflag:$0x4] =	stream.linear.gather [hbm4b:s23+s3], $0x4000, $0x38;
	[tilespmem:$0x1FD40] =	vst v63  }
0x3e: {  	s13 =	simm.s32 $0x0  }
0x3f: {  	[tilespmem:s30], [sflag:$0x2] =	stream.indirect.gather [hbm4b:s4+s26], $0x80, s26, s26, $0xb8;
	[tilespmem:$0x1FD40] =	vst v63  }
.LBB2_2:
0x40: {  	_ =	swait.ge [sflag:s31], $0x4000  }
0x41: {  	[sflag:s31] =	ssyncset.done $0x0  }
0x42: {  	[sflag:s31] =	ssyncadd.s32 $0xFFFFC000  }
0x43: {  	_ =	swait.ge [sflag:s0], $0x4000  }
0x44: {  	[sflag:s0] =	ssyncset.done $0x0  }
0x45: {  	s16 =	simm.s32 $0x0;
	[sflag:s0] =	ssyncadd.s32 $0xFFFFC000  }
0x46: {  	v7 =	vld [tilespmem:s16+$0x5100]  }
0x47: {  	v11 =	vld [tilespmem:s16+$0x5110]  }
0x48: {  	v5 =	vld [tilespmem:s16+$0x5120]  }
0x49: {  	v4 =	vld [tilespmem:s16+$0x5130]  }
0x4a: {  	v3 =	vld [tilespmem:s16+$0x5140]  }
0x4b: {  	v2 =	vld [tilespmem:s16+$0x5150]  }
0x4c: {  	v1 =	vld [tilespmem:s16+$0x5160]  }
0x4d: {  	v0 =	vld [tilespmem:s16+$0x5170]  }
0x4e: {  	v12 =	vld [tilespmem:s16+$0xD100]  }
0x4f: {  	v13 =	vld [tilespmem:s16+$0xD110]  }
0x50: {  	v10 =	vld [tilespmem:s16+$0xD120]  }
0x51: {  	v9 =	vld [tilespmem:s16+$0xD130]  }
0x52: {  	v8 =	vld [tilespmem:s16+$0xD140]  }
0x53: {  	v6 =	vld [tilespmem:s16+$0xD150];
	v12 =	vmul.f32 v7, v12  }
0x54: {  	s14 =	simm.s32 $0x200;
	v11 =	vmul.f32 v11, v13;
	v7 =	vld [tilespmem:s16+$0xD160]  }
.LBB2_3:
0x55: {  	s15 =	sshra.s32 s14, $0x2;
	p1 =	sne.s32 s14, $0xFE00;
	[tilespmem:s16+$0xD100] =	vst v12;
	v5 =	vmul.f32 v5, v10;
	v10 =	vld [tilespmem:s16+$0xD170]  }
0x56: {  	v12 =	vld [tilespmem:s15+$0x5100];
	[tilespmem:s16+$0xD110] =	vst v11;
	v4 =	vmul.f32 v4, v9  }
0x57: {  	v11 =	vld [tilespmem:s15+$0x5110];
	[tilespmem:s16+$0xD120] =	vst v5;
	v3 =	vmul.f32 v3, v8  }
0x58: {  	v5 =	vld [tilespmem:s15+$0x5120];
	[tilespmem:s16+$0xD130] =	vst v4;
	v2 =	vmul.f32 v2, v6  }
0x59: {  	v4 =	vld [tilespmem:s15+$0x5130];
	[tilespmem:s16+$0xD140] =	vst v3;
	v1 =	vmul.f32 v1, v7  }
0x5a: {  	v3 =	vld [tilespmem:s15+$0x5140];
	[tilespmem:s16+$0xD150] =	vst v2;
	v0 =	vmul.f32 v0, v10  }
0x5b: {  	v2 =	vld [tilespmem:s15+$0x5150];
	[tilespmem:s16+$0xD160] =	vst v1  }
0x5c: {  	v1 =	vld [tilespmem:s15+$0x5160];
	[tilespmem:s16+$0xD170] =	vst v0;
	s16 =	smov.u32 s15  }
0x5d: {  	v0 =	vld [tilespmem:s16+$0x5170]  }
0x5e: {  	v6 =	vld [tilespmem:s16+$0xD100]  }
0x5f: {  	v7 =	vld [tilespmem:s16+$0xD110]  }
.Ltmp0:
0x60: {  	v10 =	vld [tilespmem:s16+$0xD120];
	(pc) =	sbr.rel @p1 .LBB2_3-.Ltmp0, $4  }
0x61: {  	v9 =	vld [tilespmem:s16+$0xD130]  }
0x62: {  	v8 =	vld [tilespmem:s16+$0xD140]  }
0x63: {  	v12 =	vmul.f32 v12, v6;
	v6 =	vld [tilespmem:s16+$0xD150]  }
0x64: {  	s14 =	sadd.s32 $0x200, s14;
	v11 =	vmul.f32 v11, v7;
	v7 =	vld [tilespmem:s16+$0xD160]  }
0x65: {  	[tilespmem:s16+$0xD100] =	vst v12;
	v5 =	vmul.f32 v5, v10;
	v10 =	vld [tilespmem:s16+$0xD170]  }
0x66: {  	[tilespmem:s16+$0xD110] =	vst v11;
	v4 =	vmul.f32 v4, v9  }
0x67: {  	[tilespmem:s16+$0xD120] =	vst v5;
	v3 =	vmul.f32 v3, v8  }
0x68: {  	[tilespmem:s16+$0xD130] =	vst v4;
	v2 =	vmul.f32 v2, v6  }
0x69: {  	[tilespmem:s16+$0xD140] =	vst v3;
	v1 =	vmul.f32 v1, v7  }
0x6a: {  	s14 =	sshll.u32 s13, $0x8;
	[tilespmem:s16+$0xD150] =	vst v2;
	v0 =	vmul.f32 v0, v10  }
0x6b: {  	p1 =	seq.s32 s13, $0x26;
	s15 =	sand.u32 $0x3FFFFF00, s14;
	[tilespmem:s16+$0xD160] =	vst v1  }
0x6c: {  	s23 =	sadd.s32 $0x2800, s15;
	[tilespmem:s16+$0xD170] =	vst v0;
	s16 =	sadd.s32 @!p1 $0x100, s14  }
0x6d: {  	[spmem:s1] =	stream.indirect.scatter.add.f32 [tilespmem:s28], [sflag:$0x6], $0x80, s23, s26, $0xb8;
	[tilespmem:$0x1FD40] =	vst v63  }
0x6e: {  	s17 =	sadd.s32 @!p1 s6, s16;
	_ =	swait.ge [sflag:s21], $0x4000  }
0x6f: {  	s18 =	simm.s32 @!p1 $0x0;
	s17 =	sshll.u32 @!p1 s17, $0x4;
	[sflag:s21] =	ssyncset.done $0x0  }
0x70: {  	s23 =	simm.s32 @!p1 $0x5100;
	s17 =	sadd.s32 @!p1 s5, s17;
	[sflag:s21] =	ssyncadd.s32 $0xFFFFC000  }
0x71: {  	[tilespmem:s23], [sflag:$0x3] =	stream.linear.gather @!p1 [hbm4b:s17+s18], $0x4000, $0x38;
	[tilespmem:$0x1FD40] =	vst v63  }
0x72: {  	s17 =	simm.s32 @!p1 $0x80;
	s18 =	simm.s32 @!p1 $0xD100  }
0x73: {  	[tilespmem:s18], [sflag:$0x1] =	stream.indirect.gather @!p1 [hbm4b:s4+s17], $0x80, s16, s17, $0xb8;
	[tilespmem:$0x1FD40] =	vst v63  }
0x74: {  	_ =	swait.ge [sflag:s22], $0x4000  }
0x75: {  	[sflag:s22] =	ssyncset.done $0x0  }
0x76: {  	[sflag:s22] =	ssyncadd.s32 $0xFFFFC000  }
0x77: {  	_ =	swait.ge [sflag:s25], $0x4000  }
0x78: {  	[sflag:s25] =	ssyncset.done $0x0  }
0x79: {  	s16 =	simm.s32 $0x0;
	[sflag:s25] =	ssyncadd.s32 $0xFFFFC000  }
0x7a: {  	v7 =	vld [tilespmem:s16+$0x9100]  }
0x7b: {  	v11 =	vld [tilespmem:s16+$0x9110]  }
0x7c: {  	v5 =	vld [tilespmem:s16+$0x9120]  }
0x7d: {  	v4 =	vld [tilespmem:s16+$0x9130]  }
0x7e: {  	v3 =	vld [tilespmem:s16+$0x9140]  }
0x7f: {  	v2 =	vld [tilespmem:s16+$0x9150]  }
0x80: {  	v1 =	vld [tilespmem:s16+$0x9160]  }
0x81: {  	v0 =	vld [tilespmem:s16+$0x9170]  }
0x82: {  	v12 =	vld [tilespmem:s16+$0x11100]  }
0x83: {  	v13 =	vld [tilespmem:s16+$0x11110]  }
0x84: {  	v10 =	vld [tilespmem:s16+$0x11120]  }
0x85: {  	v9 =	vld [tilespmem:s16+$0x11130]  }
0x86: {  	v8 =	vld [tilespmem:s16+$0x11140]  }
0x87: {  	v6 =	vld [tilespmem:s16+$0x11150];
	v12 =	vmul.f32 v7, v12  }
0x88: {  	s17 =	simm.s32 $0x200;
	v11 =	vmul.f32 v11, v13;
	v7 =	vld [tilespmem:s16+$0x11160]  }
.LBB2_5:
0x89: {  	s18 =	sshra.s32 s17, $0x2;
	p2 =	sne.s32 s17, $0xFE00;
	[tilespmem:s16+$0x11100] =	vst v12;
	v5 =	vmul.f32 v5, v10;
	v10 =	vld [tilespmem:s16+$0x11170]  }
0x8a: {  	v12 =	vld [tilespmem:s18+$0x9100];
	[tilespmem:s16+$0x11110] =	vst v11;
	v4 =	vmul.f32 v4, v9  }
0x8b: {  	v11 =	vld [tilespmem:s18+$0x9110];
	[tilespmem:s16+$0x11120] =	vst v5;
	v3 =	vmul.f32 v3, v8  }
0x8c: {  	v5 =	vld [tilespmem:s18+$0x9120];
	[tilespmem:s16+$0x11130] =	vst v4;
	v2 =	vmul.f32 v2, v6  }
0x8d: {  	v4 =	vld [tilespmem:s18+$0x9130];
	[tilespmem:s16+$0x11140] =	vst v3;
	v1 =	vmul.f32 v1, v7  }
0x8e: {  	v3 =	vld [tilespmem:s18+$0x9140];
	[tilespmem:s16+$0x11150] =	vst v2;
	v0 =	vmul.f32 v0, v10  }
0x8f: {  	v2 =	vld [tilespmem:s18+$0x9150];
	[tilespmem:s16+$0x11160] =	vst v1  }
0x90: {  	v1 =	vld [tilespmem:s18+$0x9160];
	[tilespmem:s16+$0x11170] =	vst v0;
	s16 =	smov.u32 s18  }
0x91: {  	v0 =	vld [tilespmem:s16+$0x9170]  }
0x92: {  	v6 =	vld [tilespmem:s16+$0x11100]  }
0x93: {  	v7 =	vld [tilespmem:s16+$0x11110]  }
.Ltmp1:
0x94: {  	v10 =	vld [tilespmem:s16+$0x11120];
	(pc) =	sbr.rel @p2 .LBB2_5-.Ltmp1, $4  }
0x95: {  	v9 =	vld [tilespmem:s16+$0x11130]  }
0x96: {  	v8 =	vld [tilespmem:s16+$0x11140]  }
0x97: {  	v12 =	vmul.f32 v12, v6;
	v6 =	vld [tilespmem:s16+$0x11150]  }
0x98: {  	s17 =	sadd.s32 $0x200, s17;
	v11 =	vmul.f32 v11, v7;
	v7 =	vld [tilespmem:s16+$0x11160]  }
0x99: {  	[tilespmem:s16+$0x11100] =	vst v12;
	v5 =	vmul.f32 v5, v10;
	v63 =	vld [tilespmem:s16+$0x11170]  }
0x9a: {  	[tilespmem:s16+$0x11110] =	vst v11;
	v4 =	vmul.f32 v4, v9  }
0x9b: {  	[tilespmem:s16+$0x11120] =	vst v5;
	v3 =	vmul.f32 v3, v8  }
0x9c: {  	[tilespmem:s16+$0x11130] =	vst v4;
	v2 =	vmul.f32 v2, v6  }
0x9d: {  	[tilespmem:s16+$0x11140] =	vst v3;
	v1 =	vmul.f32 v1, v7  }
0x9e: {  	[tilespmem:s16+$0x11150] =	vst v2;
	v0 =	vmul.f32 v0, v63  }
0x9f: {  	[tilespmem:s16+$0x11160] =	vst v1  }
.Ltmp2:
0xa0: {  	s15 =	sadd.s32 $0x2880, s15;
	[tilespmem:s16+$0x11170] =	vst v0;
	(pc) =	sbr.rel @p1 .LBB2_8-.Ltmp2, $4  }
0xa1: {  	[spmem:s1] =	stream.indirect.scatter.add.f32 [tilespmem:s30], [sflag:$0x6], $0x80, s15, s26, $0xb8;
	[tilespmem:$0x1FD40] =	vst v63  }
0xa2: {  	_ =	swait.ge [sflag:s21], $0x4000  }
0xa3: {  	[sflag:s21] =	ssyncset.done $0x0  }
0xa4: {  	[sflag:s21] =	ssyncadd.s32 $0xFFFFC000  }
0xa5: {  	s14 =	sadd.s32 $0x180, s14  }
0xa6: {  	s15 =	sadd.s32 s6, s14  }
.Ltmp3:
0xa7: {  	s15 =	sshll.u32 s15, $0x4;
	(pc) =	sbr.rel .LBB2_2-.Ltmp3, $4  }
0xa8: {  	s15 =	sadd.s32 s5, s15  }
0xa9: {  	[tilespmem:s29], [sflag:$0x4] =	stream.linear.gather [hbm4b:s15+s3], $0x4000, $0x38;
	[tilespmem:$0x1FD40] =	vst v63  }
0xaa: {  	s13 =	sadd.s32 $0x1, s13  }
0xab: {  	[tilespmem:s30], [sflag:$0x2] =	stream.indirect.gather [hbm4b:s4+s26], $0x80, s14, s26, $0xb8;
	[tilespmem:$0x1FD40] =	vst v63  }
.LBB2_8:
0xac: {  	s13 =	simm.s32 $0x0;
	s14 =	rddreg [dreg:$0xd];
	s15 =	simm.s32 $0x15100  }
0xad: {  	[tilespmem:s15], [sflag:$0x6] =	stream.linear.gather [hbm4b:s14+s13], $0x800, $0x38;
	[tilespmem:$0x1FD40] =	vst v63  }
0xae: {  	_ =	swait.ge [sflag:s21], $0x800  }
0xaf: {  	[sflag:s21] =	ssyncset.done $0x0  }
0xb0: {  	s16 =	simm.s32 $0x5000;
	[sflag:s21] =	ssyncadd.s32 $0xFFFFF800  }
0xb1: {  	[tilespmem:s7], [sflag:$0x5] =	stream.indirect.gather [hbm4b:s4+s2], $0x80, s16, s2, $0xb8;
	[tilespmem:$0x1FD40] =	vst v63  }
0xb2: {  	_ =	swait.ge [sflag:s8], $0x800  }
0xb3: {  	[sflag:s8] =	ssyncset.done $0x0  }
0xb4: {  	s13 =	simm.s32 $0x0;
	[sflag:s8] =	ssyncadd.s32 $0xFFFFF800  }
0xb5: {  	v7 =	vld [tilespmem:s13+$0x15100]  }
0xb6: {  	v11 =	vld [tilespmem:s13+$0x15110]  }
0xb7: {  	v5 =	vld [tilespmem:s13+$0x15120]  }
0xb8: {  	v4 =	vld [tilespmem:s13+$0x15130]  }
0xb9: {  	v3 =	vld [tilespmem:s13+$0x15140]  }
0xba: {  	v2 =	vld [tilespmem:s13+$0x15150]  }
0xbb: {  	v1 =	vld [tilespmem:s13+$0x15160]  }
0xbc: {  	v0 =	vld [tilespmem:s13+$0x15170]  }
0xbd: {  	v12 =	vld [tilespmem:s13+$0x15900]  }
0xbe: {  	v13 =	vld [tilespmem:s13+$0x15910]  }
0xbf: {  	v10 =	vld [tilespmem:s13+$0x15920]  }
0xc0: {  	v9 =	vld [tilespmem:s13+$0x15930]  }
0xc1: {  	v8 =	vld [tilespmem:s13+$0x15940]  }
0xc2: {  	v6 =	vld [tilespmem:s13+$0x15950];
	v12 =	vmul.f32 v7, v12  }
0xc3: {  	s14 =	simm.s32 $0x200;
	v11 =	vmul.f32 v11, v13;
	v7 =	vld [tilespmem:s13+$0x15960]  }
.LBB2_9:
0xc4: {  	s15 =	sshra.s32 s14, $0x2;
	p1 =	sne.s32 s14, $0x1E00;
	[tilespmem:s13+$0x15900] =	vst v12;
	v5 =	vmul.f32 v5, v10;
	v10 =	vld [tilespmem:s13+$0x15970]  }
0xc5: {  	v12 =	vld [tilespmem:s15+$0x15100];
	[tilespmem:s13+$0x15910] =	vst v11;
	v4 =	vmul.f32 v4, v9  }
0xc6: {  	v11 =	vld [tilespmem:s15+$0x15110];
	[tilespmem:s13+$0x15920] =	vst v5;
	v3 =	vmul.f32 v3, v8  }
0xc7: {  	v5 =	vld [tilespmem:s15+$0x15120];
	[tilespmem:s13+$0x15930] =	vst v4;
	v2 =	vmul.f32 v2, v6  }
0xc8: {  	v4 =	vld [tilespmem:s15+$0x15130];
	[tilespmem:s13+$0x15940] =	vst v3;
	v1 =	vmul.f32 v1, v7  }
0xc9: {  	v3 =	vld [tilespmem:s15+$0x15140];
	[tilespmem:s13+$0x15950] =	vst v2;
	v0 =	vmul.f32 v0, v10  }
0xca: {  	v2 =	vld [tilespmem:s15+$0x15150];
	[tilespmem:s13+$0x15960] =	vst v1  }
0xcb: {  	v1 =	vld [tilespmem:s15+$0x15160];
	[tilespmem:s13+$0x15970] =	vst v0;
	s13 =	smov.u32 s15  }
0xcc: {  	v0 =	vld [tilespmem:s13+$0x15170]  }
0xcd: {  	v6 =	vld [tilespmem:s13+$0x15900]  }
0xce: {  	v7 =	vld [tilespmem:s13+$0x15910]  }
.Ltmp4:
0xcf: {  	v10 =	vld [tilespmem:s13+$0x15920];
	(pc) =	sbr.rel @p1 .LBB2_9-.Ltmp4, $4  }
0xd0: {  	v9 =	vld [tilespmem:s13+$0x15930]  }
0xd1: {  	v8 =	vld [tilespmem:s13+$0x15940]  }
0xd2: {  	v12 =	vmul.f32 v12, v6;
	v6 =	vld [tilespmem:s13+$0x15950]  }
0xd3: {  	s14 =	sadd.s32 $0x200, s14;
	v11 =	vmul.f32 v11, v7;
	v7 =	vld [tilespmem:s13+$0x15960]  }
0xd4: {  	[tilespmem:s13+$0x15900] =	vst v12;
	v5 =	vmul.f32 v5, v10;
	v63 =	vld [tilespmem:s13+$0x15970]  }
0xd5: {  	[tilespmem:s13+$0x15910] =	vst v11;
	v4 =	vmul.f32 v4, v9  }
0xd6: {  	[tilespmem:s13+$0x15920] =	vst v5;
	v3 =	vmul.f32 v3, v8  }
0xd7: {  	[tilespmem:s13+$0x15930] =	vst v4;
	v2 =	vmul.f32 v2, v6  }
0xd8: {  	[tilespmem:s13+$0x15940] =	vst v3;
	v1 =	vmul.f32 v1, v7  }
0xd9: {  	[tilespmem:s13+$0x15950] =	vst v2;
	v0 =	vmul.f32 v0, v63  }
0xda: {  	[tilespmem:s13+$0x15960] =	vst v1  }
0xdb: {  	[tilespmem:s13+$0x15970] =	vst v0  }
0xdc: {  	[spmem:s1] =	stream.indirect.scatter.add.f32 [tilespmem:s7], [sflag:$0x6], $0x80, s24, s2, $0xb8;
	[tilespmem:$0x1FD40] =	vst v63  }
0xdd: {  	_ =	swait.ge [sflag:s21], $0x800  }
0xde: {  	[sflag:s21] =	ssyncset.done $0x0  }
0xdf: {  	[sflag:s21] =	ssyncadd.s32 $0xFFFFF800  }
0xe0: {  	[bflag:$0x0] =	sbarrier.arrive $0xFFFF  }
0xe1: {  	s23 =	rddreg [dreg:$0xe]  }
0xe2: {  	[hbm:s23], [sflag:s10] =	dma.local [spmem:s11], $0x1380  }
0xe3: {  	_ =	swait.ge [sflag:s21], $0x1380  }
0xe4: {  	s9 =	sadd.s32 $0x1, s9;
	[sflag:s21] =	ssyncset.done $0x0  }
0xe5: {  	p1 =	sne.s32 s9, s20;
	[sflag:s21] =	ssyncadd.s32 $0xFFFFEC80  }
0xe6: {  	[hbm:s19], [sflag:s10] =	dma.local @!p0 [spmem:s12], $0x80  }
.Ltmp5:
0xe7: {  	_ = 	snop;
	(pc) =	sbr.rel @p1 .LBB2_1-.Ltmp5, $4  }
0xe8: {  	s10 =	simm.s32 @!p0 $0x6  }
0xe9: {  	_ =	swait.ge @!p0 [sflag:s10], $0x80  }
0xea: {  	[sflag:s10] =	ssyncset.done @!p0 $0x0  }
0xeb: {  	[sflag:s10] =	ssyncadd.s32 @!p0 $0xFFFFFF80  }
0xec: {  	_ =	sfence.sel $0x180000  }
0xed: {  	[bflag:$0x0] =	sbarrier.arrive $0xFFFF  }
0xee: {  	_ =	strace $0x90000047  }
0xef: {  	s0 =	stileid.u32;
	[bflag:$0x2] =	sbarrier.arrive $0xFFFF  }
0xf0: {  	p0 =	sne.s32 s0, $0x0;
	s0 =	rddreg [dreg:$0x2]  }
0xf1: {  	s0 =	sadd.s32 @!p0 $0x100000, s0  }
0xf2: {  	[sflag:s0] =	ssyncadd.tile.s32 @!p0 $0x1;
	_ =	shalt  }
.Lfunc_end2:
_tile_overlayer_lowered:
.L_overlay_start_2:
0xf3: {  	(tag) =	ssettag $0x2  }
0xf4: {  	s0 =	rddreg [dreg:$0x0];
	s2 =	stileid.u32  }
0xf5: {  	s1 =	rddreg [dreg:$0x1];
	p0 =	sne.s32 s2, $0x0  }
0xf6: {  	s3 =	rddreg [dreg:$0x2];
	[bflag:$0x3] =	sbarrier.arrive $0xFFFF;
	s2 =	simm.s32 @!p0 $0x1C06  }
0xf7: {  	[timem:s3], [sflag:s2] =	dma.local @!p0 [hbm:s0], s1  }
0xf8: {  	s0 =	simm.s32 @!p0 $0x6  }
0xf9: {  	_ =	swait.ge @!p0 [sflag:s0], s1  }
0xfa: {  	s1 =	ssub.s32 @!p0 $0x0, s1;
	[sflag:s0] =	ssyncset.done @!p0 $0x0  }
0xfb: {  	[sflag:s0] =	ssyncadd.s32 @!p0 s1  }
0xfc: {  	[bflag:$0x3] =	sbarrier.arrive $0xFFFF  }
0xfd: {  	_ =	shalt  }

// kernel: kernel.13.cloned.1.call-start
scs
__scs_entry_jumppad:
0x0: {  	(pc) =	sbr.rel $0x88, $3  }
0x1: {  	(tag) =	ssettag $0x0;
	lr =	simm.s32 $0x1  }
0x2: {  	[smem:$0x3F73] =	sst lr;
	_ =	strace $0xD0000000  }
0x3: {  	_ = 	snop  }
0x4: {  	_ = 	snop  }
0x5: {  	_ = 	snop  }
0x6: {  	_ = 	snop  }
0x7: {  	_ = 	snop  }
__scs_overlays_trampoline_lowered:
0x8: {  	[smem:$0x3F82] =	sst s0  }
0x9: {  	[smem:$0x3F83] =	sst s1  }
0xa: {  	[smem:$0x3F84] =	sst s2  }
0xb: {  	[smem:$0x3F85] =	sst s3  }
0xc: {  	[smem:$0x3F86] =	sst s4  }
0xd: {  	[smem:$0x3F87] =	sst s5  }
0xe: {  	[smem:$0x3F88] =	sst s6  }
0xf: {  	[smem:$0x3F89] =	sst s7  }
0x10: {  	[smem:$0x3F8A] =	sst s8  }
0x11: {  	[smem:$0x3F8B] =	sst s9;
	s0 =	simm.s32 @!p0 $0x0  }
0x12: {  	s1 =	sld [smem:$0x3F71];
	s0 =	simm.s32 @p0 $0x1  }
0x13: {  	[smem:$0x3F8C] =	sst s0;
	s0 =	simm.s32 @!p1 $0x0  }
0x14: {  	s2 =	sld [smem:$0x3F70];
	s0 =	simm.s32 @p1 $0x1  }
0x15: {  	[smem:$0x3F8D] =	sst s0;
	s0 =	simm.s32 @!p2 $0x0  }
0x16: {  	s3 =	sld [smem:$0x3FDB];
	s0 =	simm.s32 @p2 $0x1  }
0x17: {  	s4 =	simm.s32 $0x1BF5;
	[smem:$0x3F8F] =	sst s0  }
0x18: {  	s0 =	sld [smem:$0x3F72];
	_ =	swait.ge [sflag:s4], $0x0  }
0x19: {  	s7 =	sld [smem:$0x3F73]  }
0x1a: {  	s8 =	sadd.s32 $0xFFFFE003, lr  }
0x1b: {  	s9 =	sadd.s32 $0xFFFFFEF7, lr;
	s5 =	simm.s32 $0xFFFFFFFF;
	p2 =	slt.u32 s8, $0xFFFFF086  }
0x1c: {  	p1 =	slt.u32 s9, $0xF7A;
	s5 =	simm.s32 @!p2 $0x0  }
0x1d: {  	s5 =	simm.s32 @p1 $0x1;
	p0 =	seq.s32 s7, s2  }
0x1e: {  	s7 =	smul.u32 @!p0 $0xF7A, s2;
	p2 =	seq.s32 @!p0 s5, $0x0  }
0x1f: {  	s9 =	smul.u32 $0xF7A, s1;
	s8 =	simm.s32 @!p0 $0x1BF5;
	p2 =	por !p2, p0  }
0x20: {  	[sflag:s8] =	ssyncset.s32 @!p0 $0xFFFFF086;
	s6 =	sadd.s32 @!p0 s3, s7;
	s7 =	simm.s32 @!p0 $0x108  }
0x21: {  	s3 =	sadd.s32 s3, s9;
	s6 =	sadd.s32 @!p0 $0x88, s6;
	s7 =	simm.s32 @p2 $0x1082  }
0x22: {  	[simem:s7], [sflag:s8] =	dma.local @!p0 [hbm:s6], $0xF7A  }
0x23: {  	s9 =	sor.u32 $0xD0000000, s2;
	s6 =	simm.s32 $0x108;
	_ =	swait.ge @!p0 [sflag:s8], $0x0  }
0x24: {  	s3 =	sadd.s32 $0x88, s3;
	s6 =	simm.s32 @!p1 $0x1082;
	[sflag:s4] =	ssyncset.s32 $0xFFFFF086  }
0x25: {  	[simem:s6], [sflag:s4] =	dma.local [hbm:s3], $0xF7A  }
0x26: {  	[smem:$0x3F73] =	sst s1;
	(tag) =	ssettag s2;
	_ =	strace s9  }
0x27: {  	s1 =	sld [smem:$0x3F83]  }
0x28: {  	s2 =	sld [smem:$0x3F84]  }
0x29: {  	s4 =	sld [smem:$0x3F86]  }
0x2a: {  	p0 =	seq.s32 s5, $0x0;
	s5 =	sld [smem:$0x3F87]  }
0x2b: {  	s6 =	sld [smem:$0x3F88]  }
0x2c: {  	s7 =	sld [smem:$0x3F89]  }
0x2d: {  	s3 =	simm.s32 $0x108;
	s8 =	sld [smem:$0x3F8A]  }
0x2e: {  	s3 =	simm.s32 @!p0 $0x1082;
	s9 =	sld [smem:$0x3F8B]  }
0x2f: {  	lr =	sadd.s32 s0, s3;
	s0 =	sld [smem:$0x3F82]  }
0x30: {  	s3 =	sld [smem:$0x3F85]  }
0x31: {  	[smem:$0x3F8E] =	sst s10  }
0x32: {  	s10 =	sld [smem:$0x3F8C];
	_ =	sdelay $0x3  }
0x33: {  	p0 =	seq.s32 s10, $0x1;
	s10 =	sld [smem:$0x3F8E];
	_ =	sdelay $0x3  }
0x34: {  	[smem:$0x3F8E] =	sst s10  }
0x35: {  	s10 =	sld [smem:$0x3F8D];
	_ =	sdelay $0x3  }
0x36: {  	p1 =	seq.s32 s10, $0x1;
	s10 =	sld [smem:$0x3F8E];
	_ =	sdelay $0x3  }
0x37: {  	[smem:$0x3F8E] =	sst s10  }
0x38: {  	s10 =	sld [smem:$0x3F8F]  }
0x39: {  	_ = 	snop;
	(pc) =	sbr.ind lr, $3  }
0x3a: {  	_ = 	snop  }
0x3b: {  	_ = 	snop  }
0x3c: {  	p2 =	seq.s32 s10, $0x1;
	s10 =	sld [smem:$0x3F8E]  }
0x3d: {  	_ =	shalt  }
0x3e: {  	_ =	shalt  }
0x3f: {  	_ =	shalt  }
0x40: {  	_ =	shalt  }
0x41: {  	_ =	shalt  }
0x42: {  	_ =	shalt  }
0x43: {  	_ =	shalt  }
0x44: {  	_ =	shalt  }
0x45: {  	_ =	shalt  }
0x46: {  	_ =	shalt  }
0x47: {  	_ =	shalt  }
0x48: {  	_ =	shalt  }
0x49: {  	_ =	shalt  }
0x4a: {  	_ =	shalt  }
0x4b: {  	_ =	shalt  }
0x4c: {  	_ =	shalt  }
0x4d: {  	_ =	shalt  }
0x4e: {  	_ =	shalt  }
0x4f: {  	_ =	shalt  }
0x50: {  	_ =	shalt  }
0x51: {  	_ =	shalt  }
0x52: {  	_ =	shalt  }
0x53: {  	_ =	shalt  }
0x54: {  	_ =	shalt  }
0x55: {  	_ =	shalt  }
0x56: {  	_ =	shalt  }
0x57: {  	_ =	shalt  }
0x58: {  	_ =	shalt  }
0x59: {  	_ =	shalt  }
0x5a: {  	_ =	shalt  }
0x5b: {  	_ =	shalt  }
0x5c: {  	_ =	shalt  }
0x5d: {  	_ =	shalt  }
0x5e: {  	_ =	shalt  }
0x5f: {  	_ =	shalt  }
0x60: {  	_ =	shalt  }
0x61: {  	_ =	shalt  }
0x62: {  	_ =	shalt  }
0x63: {  	_ =	shalt  }
0x64: {  	_ =	shalt  }
0x65: {  	_ =	shalt  }
0x66: {  	_ =	shalt  }
0x67: {  	_ =	shalt  }
0x68: {  	_ =	shalt  }
0x69: {  	_ =	shalt  }
0x6a: {  	_ =	shalt  }
0x6b: {  	_ =	shalt  }
0x6c: {  	_ =	shalt  }
0x6d: {  	_ =	shalt  }
0x6e: {  	_ =	shalt  }
0x6f: {  	_ =	shalt  }
0x70: {  	_ =	shalt  }
0x71: {  	_ =	shalt  }
0x72: {  	_ =	shalt  }
0x73: {  	_ =	shalt  }
0x74: {  	_ =	shalt  }
0x75: {  	_ =	shalt  }
0x76: {  	_ =	shalt  }
0x77: {  	_ =	shalt  }
0x78: {  	_ =	shalt  }
0x79: {  	_ =	shalt  }
0x7a: {  	_ =	shalt  }
0x7b: {  	_ =	shalt  }
0x7c: {  	_ =	shalt  }
0x7d: {  	_ =	shalt  }
0x7e: {  	_ =	shalt  }
0x7f: {  	_ =	shalt  }
0x80: {  	_ =	shalt  }
0x81: {  	_ =	shalt  }
0x82: {  	_ =	shalt  }
0x83: {  	_ =	shalt  }
0x84: {  	_ =	shalt  }
0x85: {  	_ =	shalt  }
0x86: {  	_ =	shalt  }
0x87: {  	_ =	shalt  }
.Lfunc_end0:
.L_simem_size_0:
called_computation.1_lowered:
.L_overlay_start_0:
0x88: {  	s2 =	sld [smem:$0x3FD9]  }
0x89: {  	s3 =	sld [smem:$0x3FFE];
	_ =	sdelay $0x1  }
0x8a: {  	s1 =	srdreg.scid  }
0x8b: {  	s0 =	sand.u32 $0x1, s1  }
0x8c: {  	s16 =	sshll.u32 s0, $0xA;
	s2 =	sadd.s32 s3, s2  }
0x8d: {  	s2 =	sadd.s32 s2, s16  }
0x8e: {  	[smem:$0x3F9A] =	sst s2  }
0x8f: {  	_ = 	snop  }
0x90: {  	(tm) =	ssettm $0x1  }
0x91: {  	s17 =	sld [smem:$0x3FFB];
	_ =	sdelay $0x3  }
0x92: {  	_ =	strace s17  }
0x93: {  	s2 =	sld [smem:$0x3FFC];
	_ =	sdelay $0x3  }
0x94: {  	_ =	strace s2  }
0x95: {  	s2 =	sld [smem:$0x3FFD];
	_ =	sdelay $0x3  }
0x96: {  	_ =	strace s2  }
0x97: {  	_ =	strace $0x8FFFFFFF  }
0x98: {  	s18 =	sld [smem:$0x3FDB];
	_ =	sdelay $0x1  }
0x99: {  	s19 =	simm.s32 $_scs_section_size  }
0x9a: {  	s4 =	simm.s32 $_size__tile_overlayer_lowered;
	s5 =	simm.s32 $_tile_overlayer_lowered  }
0x9b: {  	s22 =	simm.s32 $0x1BFF;
	s21 =	sshll.u32 s5, $0x1;
	s2 =	sadd.s32 s19, s18  }
0x9c: {  	s6 =	simm.s32 $0x0;
	s20 =	sshll.u32 s4, $0x1;
	s4 =	sadd.s32 s21, s2  }
0x9d: {  	[timem:s6], [sflag:s22] =	dma.local [hbm:s4], s20  }
0x9e: {  	_ =	swait.ge [sflag:s22], s20  }
0x9f: {  	s3 =	ssub.s32 $0x0, s20;
	[sflag:s22] =	ssyncset.done $0x0  }
0xa0: {  	[sflag:s22] =	ssyncadd.s32 s3;
	_ =	sdelay $0x1  }
0xa1: {  	s23 =	simm.s32 $0x1B8B  }
0xa2: {  	_ =	swait.ge [sflag:s23], $0x1  }
0xa3: {  	[sflag:s23] =	ssyncset.done $0x0  }
0xa4: {  	s25 =	simm.s32 $0x1B8E;
	s24 =	sld [smem:$0x3FFE];
	[sflag:s23] =	ssyncadd.s32 $0xFFFFFFFF  }
0xa5: {  	s26 =	simm.s32 $execute0_lowered;
	[smem:$0x3FD2] =	sst s25  }
0xa6: {  	s4 =	sshll.u32 s26, $0x1;
	_ =	strace $0x80000049;
	[dreg:$0x1] =	wrdreg $0xFFFFFFFF  }
0xa7: {  	s28 =	simm.s32 $_size_execute0_lowered;
	s2 =	sadd.s32 s2, s4;
	[dreg:$0x0] =	wrdreg $0x0  }
0xa8: {  	s4 =	sshll.u32 s28, $0x1;
	[dreg:$0x2] =	wrdreg s2  }
0xa9: {  	[dreg:$0x3] =	wrdreg s4  }
0xaa: {  	[dreg:$0x4] =	wrdreg $0xC0  }
0xab: {  	_ =	task [dreg:s6], $0x5FFFF  }
0xac: {  	[dreg:$0x1] =	wrdreg $0xFFFFFFFF  }
0xad: {  	[dreg:$0x0] =	wrdreg $0x60  }
0xae: {  	[dreg:$0x2] =	wrdreg s24  }
0xaf: {  	[dreg:$0x3] =	wrdreg $0x161000  }
0xb0: {  	[dreg:$0x4] =	wrdreg $0x9  }
0xb1: {  	_ =	task.clear_ibuf [dreg:s6], $0x5FFFF;
	_ =	strace $0x90000049  }
0xb2: {  	s29 =	simm.s32 $0x9;
	_ =	strace $0x8000004B  }
0xb3: {  	_ =	swait.ge [sflag:s29], $0x1  }
0xb4: {  	[sflag:s29] =	ssyncadd.s32 $0xFFFFFFFF  }
0xb5: {  	_ =	strace $0x9000004B  }
0xb6: {  	_ =	sfence  }
0xb7: {  	s30 =	sld [smem:$0x0];
	_ =	sdelay $0x2  }
0xb8: {  	s31 =	sshll.u32 s1, $0xD;
	s1 =	sshrl.u32 s1, $0x2  }
0xb9: {  	s3 =	sand.u32 $0x4000, s31;
	s1 =	sadd.s32 s1, s30  }
0xba: {  	s0 =	sor.u32 s3, s0;
	s1 =	sshll.u32 s1, $0x11  }
0xbb: {  	s0 =	sor.u32 s1, s0  }
0xbc: {  	s0 =	sadd.s32 $0x8F2B, s0  }
0xbd: {  	[sflag:s0] =	ssyncadd.remote.s32 $0x1  }
0xbe: {  	_ =	sfence.sel $0xFFFF  }
0xbf: {  	[dreg:$0x0] =	wrdreg $0xFFFFFFFF;
	(pc) =	sbr.abs _section_cstart, $3  }
0xc0: {  	[dreg:$0x1] =	wrdreg $0xFFFFFFFF  }
0xc1: {  	_ =	task.clear_ibuf [dreg:s6], $0x2FFFF;
	_ =	strace $0x9FFFFFFF  }
0xc2: {  	(tm) =	ssettm $0x7FFFFFFF  }
0xc3: {  	_ =	shalt  }
tec
execute0_lowered:
.L_overlay_start_1:
0x0: {  	(tag) =	ssettag $0x1  }
0x1: {  	s0 =	rddreg [dreg:$0x0]  }
0x2: {  	s1 =	rddreg [dreg:$0x1]  }
0x3: {  	s2 =	srdreg.scid;
	s3 =	simm.s32 $0x0;
	s16 =	stileid.u32  }
0x4: {  	s28 =	simm.s32 $0xD100;
	s29 =	simm.s32 $0x9100;
	s30 =	simm.s32 $0x11100  }
0x5: {  	s31 =	simm.s32 $0x3;
	s2 =	sand.u32 $0x1, s2;
	[smem:$0x7FF] =	sst s3  }
0x6: {  	s4 =	sadd.s32 $0x26400, s0;
	s9 =	sshll.u32 s16, $0x4;
	s24 =	smul.u32 $0x1380, s16  }
0x7: {  	s15 =	sadd.s32 $0x88200, s0;
	s25 =	smul.u32 $0x27000, s16;
	s19 =	sadd.s32 $0x9C000, s1  }
0x8: {  	p0 =	sne.s32 s16, $0xF;
	s5 =	sshll.u32 s2, $0x4;
	_ =	strace $0x8000004A  }
0x9: {  	s9 =	sand.u32 $0x70, s9;
	s11 =	ssub.s32 $0x2, s2;
	s14 =	smul.u32 $0x13880, s2  }
0xa: {  	[dreg:$0x9] =	wrdreg s19;
	s2 =	smul.u32 $0x9C400, s2;
	s7 =	sor.u32 s16, s5  }
0xb: {  	s5 =	sadd.s32 $0x9EA400, s0;
	s12 =	sadd.s32 s24, s0;
	s13 =	sshrl.u32 s11, $0x1  }
0xc: {  	s16 =	simm.s32 $0x5000;
	s6 =	smul.u32 $0x500, s7;
	s8 =	sshll.u32 s7, $0x4  }
0xd: {  	s11 =	ssub.s32 s11, s13;
	s13 =	sshrl.u32 s25, $0x2;
	s18 =	sadd.s32 $0x74800, s12  }
0xe: {  	s24 =	sadd.s32 s24, s14;
	s2 =	sshrl.u32 s2, $0x3;
	s8 =	sand.u32 $0x180, s8  }
0xf: {  	[dreg:$0x8] =	wrdreg s18;
	s25 =	sadd.s32 s15, s24;
	s24 =	simm.s32 $0x5080  }
0x10: {  	s10 =	sadd.s32 s6, s0;
	s23 =	sor.u32 s9, s8;
	s6 =	smul.u32 $0x2710, s7  }
0x11: {  	[dreg:$0xe] =	wrdreg s25;
	s25 =	simm.s32 $0x2;
	s17 =	sadd.s32 $0x12400, s10  }
0x12: {  	s8 =	simm.s32 $0x5;
	s10 =	sadd.s32 $0x1C400, s10;
	[dreg:$0x3] =	wrdreg s17  }
0x13: {  	s9 =	sadd.s32 s23, s0;
	s0 =	sadd.s32 $0x88000, s0;
	[dreg:$0x4] =	wrdreg s10  }
0x14: {  	s26 =	sadd.s32 $0x12000, s9;
	s17 =	smul.u32 $0x138800, s7;
	[dreg:$0xa] =	wrdreg s0  }
0x15: {  	s9 =	sadd.s32 $0x12200, s9;
	s7 =	smul.u32 $0x27100, s7;
	[dreg:$0x5] =	wrdreg s26  }
0x16: {  	[dreg:$0x6] =	wrdreg s9;
	s9 =	sadd.s32 s13, s1;
	s26 =	sadd.s32 s15, s2  }
0x17: {  	s2 =	simm.s32 $0x10;
	[dreg:$0x7] =	wrdreg s9;
	s20 =	sshrl.u32 s17, $0x3  }
0x18: {  	s21 =	sadd.s32 s5, s7;
	s19 =	sadd.s32 $0x13800, s26;
	s26 =	simm.s32 $0x80  }
0x19: {  	s7 =	simm.s32 $0x15900;
	s9 =	simm.s32 $0x0;
	s22 =	sadd.s32 s5, s20  }
0x1a: {  	[dreg:$0xb] =	wrdreg s21;
	s20 =	smax.u32 s11, $0x1;
	s23 =	sadd.s32 $0x800, s22  }
0x1b: {  	s21 =	simm.s32 $0x6;
	s0 =	sadd.s32 $0x27000, s22;
	[dreg:$0xc] =	wrdreg s23  }
0x1c: {  	s22 =	simm.s32 $0x4;
	[dreg:$0xd] =	wrdreg s0;
	s0 =	simm.s32 $0x1  }
.LBB2_1:
0x1d: {  	s10 =	rddreg [dreg:$0x3]  }
0x1e: {  	[tilespmem:s3], [sflag:$0x6] =	stream.linear.gather [hbm4b:s10+s3], $0x2700, $0x38;
	[tilespmem:$0x1FD40] =	vst v63  }
0x1f: {  	_ =	swait.ge [sflag:s21], $0x2700  }
0x20: {  	[sflag:s21] =	ssyncset.done $0x0  }
0x21: {  	s11 =	simm.s32 $0x2800;
	s13 =	rddreg [dreg:$0x4];
	[sflag:s21] =	ssyncadd.s32 $0xFFFFD900  }
0x22: {  	[tilespmem:s11], [sflag:$0x6] =	stream.linear.gather [hbm4b:s13+s3], $0x2700, $0x38;
	[tilespmem:$0x1FD40] =	vst v63  }
0x23: {  	_ =	swait.ge [sflag:s21], $0x2700  }
0x24: {  	[sflag:s21] =	ssyncset.done $0x0  }
0x25: {  	s14 =	rddreg [dreg:$0x5];
	[sflag:s21] =	ssyncadd.s32 $0xFFFFD900  }
0x26: {  	[tilespmem:s16], [sflag:$0x6] =	stream.linear.gather [hbm4b:s14+s3], $0x80, $0x38;
	[tilespmem:$0x1FD40] =	vst v63  }
0x27: {  	_ =	swait.ge [sflag:s21], $0x80  }
0x28: {  	[sflag:s21] =	ssyncset.done $0x0  }
0x29: {  	s16 =	stileid.u32;
	s15 =	rddreg [dreg:$0x6];
	[sflag:s21] =	ssyncadd.s32 $0xFFFFFF80  }
0x2a: {  	[tilespmem:s24], [sflag:$0x6] =	stream.linear.gather [hbm4b:s15+s3], $0x80, $0x38;
	[tilespmem:$0x1FD40] =	vst v63  }
0x2b: {  	s10 =	sshll.u32 s16, $0x6;
	_ =	swait.ge [sflag:s21], $0x80  }
0x2c: {  	s10 =	sor.u32 $0x1C06, s10;
	[sflag:s21] =	ssyncset.done $0x0;
	s17 =	rddreg [dreg:$0x7]  }
0x2d: {  	s12 =	rddreg [dreg:$0x8];
	[sflag:s21] =	ssyncadd.s32 $0xFFFFFF80;
	s11 =	sshrl.u32 s17, $0x3  }
0x2e: {  	[spmem:s11], [sflag:s10] =	dma.local [hbm:s12], $0x1380  }
0x2f: {  	_ =	swait.ge [sflag:s21], $0x1380  }
0x30: {  	[sflag:s21] =	ssyncset.done $0x0;
	s12 =	rddreg [dreg:$0x9]  }
0x31: {  	s13 =	rddreg [dreg:$0xa];
	[sflag:s21] =	ssyncadd.s32 $0xFFFFEC80;
	s12 =	sshrl.u32 @!p0 s12, $0x3  }
0x32: {  	[spmem:s12], [sflag:s10] =	dma.local @!p0 [hbm:s13], $0x80  }
0x33: {  	s13 =	simm.s32 @!p0 $0x6  }
0x34: {  	_ =	swait.ge @!p0 [sflag:s13], $0x80  }
0x35: {  	[sflag:s13] =	ssyncset.done @!p0 $0x0  }
0x36: {  	[sflag:s13] =	ssyncadd.s32 @!p0 $0xFFFFFF80  }
0x37: {  	[bflag:$0x0] =	sbarrier.arrive $0xFFFF  }
0x38: {  	s14 =	simm.s32 $0x5100;
	s18 =	rddreg [dreg:$0xb]  }
0x39: {  	[tilespmem:s14], [sflag:$0x3] =	stream.linear.gather [hbm4b:s18+s3], $0x4000, $0x38;
	[tilespmem:$0x1FD40] =	vst v63  }
0x3a: {  	_ = 	snop  }
0x3b: {  	[tilespmem:s28], [sflag:$0x1] =	stream.indirect.gather [hbm4b:s4+s26], $0x80, s3, s26, $0xb8;
	[tilespmem:$0x1FD40] =	vst v63  }
0x3c: {  	s23 =	rddreg [dreg:$0xc]  }
0x3d: {  	[tilespmem:s29], [sflag:$0x4] =	stream.linear.gather [hbm4b:s23+s3], $0x4000, $0x38;
	[tilespmem:$0x1FD40] =	vst v63  }
0x3e: {  	s13 =	simm.s32 $0x0  }
0x3f: {  	[tilespmem:s30], [sflag:$0x2] =	stream.indirect.gather [hbm4b:s4+s26], $0x80, s26, s26, $0xb8;
	[tilespmem:$0x1FD40] =	vst v63  }
.LBB2_2:
0x40: {  	_ =	swait.ge [sflag:s31], $0x4000  }
0x41: {  	[sflag:s31] =	ssyncset.done $0x0  }
0x42: {  	[sflag:s31] =	ssyncadd.s32 $0xFFFFC000  }
0x43: {  	_ =	swait.ge [sflag:s0], $0x4000  }
0x44: {  	[sflag:s0] =	ssyncset.done $0x0  }
0x45: {  	s16 =	simm.s32 $0x0;
	[sflag:s0] =	ssyncadd.s32 $0xFFFFC000  }
0x46: {  	v7 =	vld [tilespmem:s16+$0x5100]  }
0x47: {  	v11 =	vld [tilespmem:s16+$0x5110]  }
0x48: {  	v5 =	vld [tilespmem:s16+$0x5120]  }
0x49: {  	v4 =	vld [tilespmem:s16+$0x5130]  }
0x4a: {  	v3 =	vld [tilespmem:s16+$0x5140]  }
0x4b: {  	v2 =	vld [tilespmem:s16+$0x5150]  }
0x4c: {  	v1 =	vld [tilespmem:s16+$0x5160]  }
0x4d: {  	v0 =	vld [tilespmem:s16+$0x5170]  }
0x4e: {  	v12 =	vld [tilespmem:s16+$0xD100]  }
0x4f: {  	v13 =	vld [tilespmem:s16+$0xD110]  }
0x50: {  	v10 =	vld [tilespmem:s16+$0xD120]  }
0x51: {  	v9 =	vld [tilespmem:s16+$0xD130]  }
0x52: {  	v8 =	vld [tilespmem:s16+$0xD140]  }
0x53: {  	v6 =	vld [tilespmem:s16+$0xD150];
	v12 =	vmul.f32 v7, v12  }
0x54: {  	s14 =	simm.s32 $0x200;
	v11 =	vmul.f32 v11, v13;
	v7 =	vld [tilespmem:s16+$0xD160]  }
.LBB2_3:
0x55: {  	s15 =	sshra.s32 s14, $0x2;
	p1 =	sne.s32 s14, $0xFE00;
	[tilespmem:s16+$0xD100] =	vst v12;
	v5 =	vmul.f32 v5, v10;
	v10 =	vld [tilespmem:s16+$0xD170]  }
0x56: {  	v12 =	vld [tilespmem:s15+$0x5100];
	[tilespmem:s16+$0xD110] =	vst v11;
	v4 =	vmul.f32 v4, v9  }
0x57: {  	v11 =	vld [tilespmem:s15+$0x5110];
	[tilespmem:s16+$0xD120] =	vst v5;
	v3 =	vmul.f32 v3, v8  }
0x58: {  	v5 =	vld [tilespmem:s15+$0x5120];
	[tilespmem:s16+$0xD130] =	vst v4;
	v2 =	vmul.f32 v2, v6  }
0x59: {  	v4 =	vld [tilespmem:s15+$0x5130];
	[tilespmem:s16+$0xD140] =	vst v3;
	v1 =	vmul.f32 v1, v7  }
0x5a: {  	v3 =	vld [tilespmem:s15+$0x5140];
	[tilespmem:s16+$0xD150] =	vst v2;
	v0 =	vmul.f32 v0, v10  }
0x5b: {  	v2 =	vld [tilespmem:s15+$0x5150];
	[tilespmem:s16+$0xD160] =	vst v1  }
0x5c: {  	v1 =	vld [tilespmem:s15+$0x5160];
	[tilespmem:s16+$0xD170] =	vst v0;
	s16 =	smov.u32 s15  }
0x5d: {  	v0 =	vld [tilespmem:s16+$0x5170]  }
0x5e: {  	v6 =	vld [tilespmem:s16+$0xD100]  }
0x5f: {  	v7 =	vld [tilespmem:s16+$0xD110]  }
.Ltmp0:
0x60: {  	v10 =	vld [tilespmem:s16+$0xD120];
	(pc) =	sbr.rel @p1 .LBB2_3-.Ltmp0, $4  }
0x61: {  	v9 =	vld [tilespmem:s16+$0xD130]  }
0x62: {  	v8 =	vld [tilespmem:s16+$0xD140]  }
0x63: {  	v12 =	vmul.f32 v12, v6;
	v6 =	vld [tilespmem:s16+$0xD150]  }
0x64: {  	s14 =	sadd.s32 $0x200, s14;
	v11 =	vmul.f32 v11, v7;
	v7 =	vld [tilespmem:s16+$0xD160]  }
0x65: {  	[tilespmem:s16+$0xD100] =	vst v12;
	v5 =	vmul.f32 v5, v10;
	v10 =	vld [tilespmem:s16+$0xD170]  }
0x66: {  	[tilespmem:s16+$0xD110] =	vst v11;
	v4 =	vmul.f32 v4, v9  }
0x67: {  	[tilespmem:s16+$0xD120] =	vst v5;
	v3 =	vmul.f32 v3, v8  }
0x68: {  	[tilespmem:s16+$0xD130] =	vst v4;
	v2 =	vmul.f32 v2, v6  }
0x69: {  	[tilespmem:s16+$0xD140] =	vst v3;
	v1 =	vmul.f32 v1, v7  }
0x6a: {  	s14 =	sshll.u32 s13, $0x8;
	[tilespmem:s16+$0xD150] =	vst v2;
	v0 =	vmul.f32 v0, v10  }
0x6b: {  	p1 =	seq.s32 s13, $0x26;
	s15 =	sand.u32 $0x3FFFFF00, s14;
	[tilespmem:s16+$0xD160] =	vst v1  }
0x6c: {  	s23 =	sadd.s32 $0x2800, s15;
	[tilespmem:s16+$0xD170] =	vst v0;
	s16 =	sadd.s32 @!p1 $0x100, s14  }
0x6d: {  	[spmem:s1] =	stream.indirect.scatter.add.f32 [tilespmem:s28], [sflag:$0x6], $0x80, s23, s26, $0xb8;
	[tilespmem:$0x1FD40] =	vst v63  }
0x6e: {  	s17 =	sadd.s32 @!p1 s6, s16;
	_ =	swait.ge [sflag:s21], $0x4000  }
0x6f: {  	s18 =	simm.s32 @!p1 $0x0;
	s17 =	sshll.u32 @!p1 s17, $0x4;
	[sflag:s21] =	ssyncset.done $0x0  }
0x70: {  	s23 =	simm.s32 @!p1 $0x5100;
	s17 =	sadd.s32 @!p1 s5, s17;
	[sflag:s21] =	ssyncadd.s32 $0xFFFFC000  }
0x71: {  	[tilespmem:s23], [sflag:$0x3] =	stream.linear.gather @!p1 [hbm4b:s17+s18], $0x4000, $0x38;
	[tilespmem:$0x1FD40] =	vst v63  }
0x72: {  	s17 =	simm.s32 @!p1 $0x80;
	s18 =	simm.s32 @!p1 $0xD100  }
0x73: {  	[tilespmem:s18], [sflag:$0x1] =	stream.indirect.gather @!p1 [hbm4b:s4+s17], $0x80, s16, s17, $0xb8;
	[tilespmem:$0x1FD40] =	vst v63  }
0x74: {  	_ =	swait.ge [sflag:s22], $0x4000  }
0x75: {  	[sflag:s22] =	ssyncset.done $0x0  }
0x76: {  	[sflag:s22] =	ssyncadd.s32 $0xFFFFC000  }
0x77: {  	_ =	swait.ge [sflag:s25], $0x4000  }
0x78: {  	[sflag:s25] =	ssyncset.done $0x0  }
0x79: {  	s16 =	simm.s32 $0x0;
	[sflag:s25] =	ssyncadd.s32 $0xFFFFC000  }
0x7a: {  	v7 =	vld [tilespmem:s16+$0x9100]  }
0x7b: {  	v11 =	vld [tilespmem:s16+$0x9110]  }
0x7c: {  	v5 =	vld [tilespmem:s16+$0x9120]  }
0x7d: {  	v4 =	vld [tilespmem:s16+$0x9130]  }
0x7e: {  	v3 =	vld [tilespmem:s16+$0x9140]  }
0x7f: {  	v2 =	vld [tilespmem:s16+$0x9150]  }
0x80: {  	v1 =	vld [tilespmem:s16+$0x9160]  }
0x81: {  	v0 =	vld [tilespmem:s16+$0x9170]  }
0x82: {  	v12 =	vld [tilespmem:s16+$0x11100]  }
0x83: {  	v13 =	vld [tilespmem:s16+$0x11110]  }
0x84: {  	v10 =	vld [tilespmem:s16+$0x11120]  }
0x85: {  	v9 =	vld [tilespmem:s16+$0x11130]  }
0x86: {  	v8 =	vld [tilespmem:s16+$0x11140]  }
0x87: {  	v6 =	vld [tilespmem:s16+$0x11150];
	v12 =	vmul.f32 v7, v12  }
0x88: {  	s17 =	simm.s32 $0x200;
	v11 =	vmul.f32 v11, v13;
	v7 =	vld [tilespmem:s16+$0x11160]  }
.LBB2_5:
0x89: {  	s18 =	sshra.s32 s17, $0x2;
	p2 =	sne.s32 s17, $0xFE00;
	[tilespmem:s16+$0x11100] =	vst v12;
	v5 =	vmul.f32 v5, v10;
	v10 =	vld [tilespmem:s16+$0x11170]  }
0x8a: {  	v12 =	vld [tilespmem:s18+$0x9100];
	[tilespmem:s16+$0x11110] =	vst v11;
	v4 =	vmul.f32 v4, v9  }
0x8b: {  	v11 =	vld [tilespmem:s18+$0x9110];
	[tilespmem:s16+$0x11120] =	vst v5;
	v3 =	vmul.f32 v3, v8  }
0x8c: {  	v5 =	vld [tilespmem:s18+$0x9120];
	[tilespmem:s16+$0x11130] =	vst v4;
	v2 =	vmul.f32 v2, v6  }
0x8d: {  	v4 =	vld [tilespmem:s18+$0x9130];
	[tilespmem:s16+$0x11140] =	vst v3;
	v1 =	vmul.f32 v1, v7  }
0x8e: {  	v3 =	vld [tilespmem:s18+$0x9140];
	[tilespmem:s16+$0x11150] =	vst v2;
	v0 =	vmul.f32 v0, v10  }
0x8f: {  	v2 =	vld [tilespmem:s18+$0x9150];
	[tilespmem:s16+$0x11160] =	vst v1  }
0x90: {  	v1 =	vld [tilespmem:s18+$0x9160];
	[tilespmem:s16+$0x11170] =	vst v0;
	s16 =	smov.u32 s18  }
0x91: {  	v0 =	vld [tilespmem:s16+$0x9170]  }
0x92: {  	v6 =	vld [tilespmem:s16+$0x11100]  }
0x93: {  	v7 =	vld [tilespmem:s16+$0x11110]  }
.Ltmp1:
0x94: {  	v10 =	vld [tilespmem:s16+$0x11120];
	(pc) =	sbr.rel @p2 .LBB2_5-.Ltmp1, $4  }
0x95: {  	v9 =	vld [tilespmem:s16+$0x11130]  }
0x96: {  	v8 =	vld [tilespmem:s16+$0x11140]  }
0x97: {  	v12 =	vmul.f32 v12, v6;
	v6 =	vld [tilespmem:s16+$0x11150]  }
0x98: {  	s17 =	sadd.s32 $0x200, s17;
	v11 =	vmul.f32 v11, v7;
	v7 =	vld [tilespmem:s16+$0x11160]  }
0x99: {  	[tilespmem:s16+$0x11100] =	vst v12;
	v5 =	vmul.f32 v5, v10;
	v63 =	vld [tilespmem:s16+$0x11170]  }
0x9a: {  	[tilespmem:s16+$0x11110] =	vst v11;
	v4 =	vmul.f32 v4, v9  }
0x9b: {  	[tilespmem:s16+$0x11120] =	vst v5;
	v3 =	vmul.f32 v3, v8  }
0x9c: {  	[tilespmem:s16+$0x11130] =	vst v4;
	v2 =	vmul.f32 v2, v6  }
0x9d: {  	[tilespmem:s16+$0x11140] =	vst v3;
	v1 =	vmul.f32 v1, v7  }
0x9e: {  	[tilespmem:s16+$0x11150] =	vst v2;
	v0 =	vmul.f32 v0, v63  }
0x9f: {  	[tilespmem:s16+$0x11160] =	vst v1  }
.Ltmp2:
0xa0: {  	s15 =	sadd.s32 $0x2880, s15;
	[tilespmem:s16+$0x11170] =	vst v0;
	(pc) =	sbr.rel @p1 .LBB2_8-.Ltmp2, $4  }
0xa1: {  	[spmem:s1] =	stream.indirect.scatter.add.f32 [tilespmem:s30], [sflag:$0x6], $0x80, s15, s26, $0xb8;
	[tilespmem:$0x1FD40] =	vst v63  }
0xa2: {  	_ =	swait.ge [sflag:s21], $0x4000  }
0xa3: {  	[sflag:s21] =	ssyncset.done $0x0  }
0xa4: {  	[sflag:s21] =	ssyncadd.s32 $0xFFFFC000  }
0xa5: {  	s14 =	sadd.s32 $0x180, s14  }
0xa6: {  	s15 =	sadd.s32 s6, s14  }
.Ltmp3:
0xa7: {  	s15 =	sshll.u32 s15, $0x4;
	(pc) =	sbr.rel .LBB2_2-.Ltmp3, $4  }
0xa8: {  	s15 =	sadd.s32 s5, s15  }
0xa9: {  	[tilespmem:s29], [sflag:$0x4] =	stream.linear.gather [hbm4b:s15+s3], $0x4000, $0x38;
	[tilespmem:$0x1FD40] =	vst v63  }
0xaa: {  	s13 =	sadd.s32 $0x1, s13  }
0xab: {  	[tilespmem:s30], [sflag:$0x2] =	stream.indirect.gather [hbm4b:s4+s26], $0x80, s14, s26, $0xb8;
	[tilespmem:$0x1FD40] =	vst v63  }
.LBB2_8:
0xac: {  	s13 =	simm.s32 $0x0;
	s14 =	rddreg [dreg:$0xd];
	s15 =	simm.s32 $0x15100  }
0xad: {  	[tilespmem:s15], [sflag:$0x6] =	stream.linear.gather [hbm4b:s14+s13], $0x800, $0x38;
	[tilespmem:$0x1FD40] =	vst v63  }
0xae: {  	_ =	swait.ge [sflag:s21], $0x800  }
0xaf: {  	[sflag:s21] =	ssyncset.done $0x0  }
0xb0: {  	s16 =	simm.s32 $0x5000;
	[sflag:s21] =	ssyncadd.s32 $0xFFFFF800  }
0xb1: {  	[tilespmem:s7], [sflag:$0x5] =	stream.indirect.gather [hbm4b:s4+s2], $0x80, s16, s2, $0xb8;
	[tilespmem:$0x1FD40] =	vst v63  }
0xb2: {  	_ =	swait.ge [sflag:s8], $0x800  }
0xb3: {  	[sflag:s8] =	ssyncset.done $0x0  }
0xb4: {  	s13 =	simm.s32 $0x0;
	[sflag:s8] =	ssyncadd.s32 $0xFFFFF800  }
0xb5: {  	v7 =	vld [tilespmem:s13+$0x15100]  }
0xb6: {  	v11 =	vld [tilespmem:s13+$0x15110]  }
0xb7: {  	v5 =	vld [tilespmem:s13+$0x15120]  }
0xb8: {  	v4 =	vld [tilespmem:s13+$0x15130]  }
0xb9: {  	v3 =	vld [tilespmem:s13+$0x15140]  }
0xba: {  	v2 =	vld [tilespmem:s13+$0x15150]  }
0xbb: {  	v1 =	vld [tilespmem:s13+$0x15160]  }
0xbc: {  	v0 =	vld [tilespmem:s13+$0x15170]  }
0xbd: {  	v12 =	vld [tilespmem:s13+$0x15900]  }
0xbe: {  	v13 =	vld [tilespmem:s13+$0x15910]  }
0xbf: {  	v10 =	vld [tilespmem:s13+$0x15920]  }
0xc0: {  	v9 =	vld [tilespmem:s13+$0x15930]  }
0xc1: {  	v8 =	vld [tilespmem:s13+$0x15940]  }
0xc2: {  	v6 =	vld [tilespmem:s13+$0x15950];
	v12 =	vmul.f32 v7, v12  }
0xc3: {  	s14 =	simm.s32 $0x200;
	v11 =	vmul.f32 v11, v13;
	v7 =	vld [tilespmem:s13+$0x15960]  }
.LBB2_9:
0xc4: {  	s15 =	sshra.s32 s14, $0x2;
	p1 =	sne.s32 s14, $0x1E00;
	[tilespmem:s13+$0x15900] =	vst v12;
	v5 =	vmul.f32 v5, v10;
	v10 =	vld [tilespmem:s13+$0x15970]  }
0xc5: {  	v12 =	vld [tilespmem:s15+$0x15100];
	[tilespmem:s13+$0x15910] =	vst v11;
	v4 =	vmul.f32 v4, v9  }
0xc6: {  	v11 =	vld [tilespmem:s15+$0x15110];
	[tilespmem:s13+$0x15920] =	vst v5;
	v3 =	vmul.f32 v3, v8  }
0xc7: {  	v5 =	vld [tilespmem:s15+$0x15120];
	[tilespmem:s13+$0x15930] =	vst v4;
	v2 =	vmul.f32 v2, v6  }
0xc8: {  	v4 =	vld [tilespmem:s15+$0x15130];
	[tilespmem:s13+$0x15940] =	vst v3;
	v1 =	vmul.f32 v1, v7  }
0xc9: {  	v3 =	vld [tilespmem:s15+$0x15140];
	[tilespmem:s13+$0x15950] =	vst v2;
	v0 =	vmul.f32 v0, v10  }
0xca: {  	v2 =	vld [tilespmem:s15+$0x15150];
	[tilespmem:s13+$0x15960] =	vst v1  }
0xcb: {  	v1 =	vld [tilespmem:s15+$0x15160];
	[tilespmem:s13+$0x15970] =	vst v0;
	s13 =	smov.u32 s15  }
0xcc: {  	v0 =	vld [tilespmem:s13+$0x15170]  }
0xcd: {  	v6 =	vld [tilespmem:s13+$0x15900]  }
0xce: {  	v7 =	vld [tilespmem:s13+$0x15910]  }
.Ltmp4:
0xcf: {  	v10 =	vld [tilespmem:s13+$0x15920];
	(pc) =	sbr.rel @p1 .LBB2_9-.Ltmp4, $4  }
0xd0: {  	v9 =	vld [tilespmem:s13+$0x15930]  }
0xd1: {  	v8 =	vld [tilespmem:s13+$0x15940]  }
0xd2: {  	v12 =	vmul.f32 v12, v6;
	v6 =	vld [tilespmem:s13+$0x15950]  }
0xd3: {  	s14 =	sadd.s32 $0x200, s14;
	v11 =	vmul.f32 v11, v7;
	v7 =	vld [tilespmem:s13+$0x15960]  }
0xd4: {  	[tilespmem:s13+$0x15900] =	vst v12;
	v5 =	vmul.f32 v5, v10;
	v63 =	vld [tilespmem:s13+$0x15970]  }
0xd5: {  	[tilespmem:s13+$0x15910] =	vst v11;
	v4 =	vmul.f32 v4, v9  }
0xd6: {  	[tilespmem:s13+$0x15920] =	vst v5;
	v3 =	vmul.f32 v3, v8  }
0xd7: {  	[tilespmem:s13+$0x15930] =	vst v4;
	v2 =	vmul.f32 v2, v6  }
0xd8: {  	[tilespmem:s13+$0x15940] =	vst v3;
	v1 =	vmul.f32 v1, v7  }
0xd9: {  	[tilespmem:s13+$0x15950] =	vst v2;
	v0 =	vmul.f32 v0, v63  }
0xda: {  	[tilespmem:s13+$0x15960] =	vst v1  }
0xdb: {  	[tilespmem:s13+$0x15970] =	vst v0  }
0xdc: {  	[spmem:s1] =	stream.indirect.scatter.add.f32 [tilespmem:s7], [sflag:$0x6], $0x80, s24, s2, $0xb8;
	[tilespmem:$0x1FD40] =	vst v63  }
0xdd: {  	_ =	swait.ge [sflag:s21], $0x800  }
0xde: {  	[sflag:s21] =	ssyncset.done $0x0  }
0xdf: {  	[sflag:s21] =	ssyncadd.s32 $0xFFFFF800  }
0xe0: {  	[bflag:$0x0] =	sbarrier.arrive $0xFFFF  }
0xe1: {  	s23 =	rddreg [dreg:$0xe]  }
0xe2: {  	[hbm:s23], [sflag:s10] =	dma.local [spmem:s11], $0x1380  }
0xe3: {  	_ =	swait.ge [sflag:s21], $0x1380  }
0xe4: {  	s9 =	sadd.s32 $0x1, s9;
	[sflag:s21] =	ssyncset.done $0x0  }
0xe5: {  	p1 =	sne.s32 s9, s20;
	[sflag:s21] =	ssyncadd.s32 $0xFFFFEC80  }
0xe6: {  	[hbm:s19], [sflag:s10] =	dma.local @!p0 [spmem:s12], $0x80  }
.Ltmp5:
0xe7: {  	_ = 	snop;
	(pc) =	sbr.rel @p1 .LBB2_1-.Ltmp5, $4  }
0xe8: {  	s10 =	simm.s32 @!p0 $0x6  }
0xe9: {  	_ =	swait.ge @!p0 [sflag:s10], $0x80  }
0xea: {  	[sflag:s10] =	ssyncset.done @!p0 $0x0  }
0xeb: {  	[sflag:s10] =	ssyncadd.s32 @!p0 $0xFFFFFF80  }
0xec: {  	_ =	sfence.sel $0x180000  }
0xed: {  	[bflag:$0x0] =	sbarrier.arrive $0xFFFF  }
0xee: {  	_ =	strace $0x9000004A  }
0xef: {  	s0 =	stileid.u32;
	[bflag:$0x2] =	sbarrier.arrive $0xFFFF  }
0xf0: {  	p0 =	sne.s32 s0, $0x0;
	s0 =	rddreg [dreg:$0x2]  }
0xf1: {  	s0 =	sadd.s32 @!p0 $0x100000, s0  }
0xf2: {  	[sflag:s0] =	ssyncadd.tile.s32 @!p0 $0x1;
	_ =	shalt  }
.Lfunc_end2:
_tile_overlayer_lowered:
.L_overlay_start_2:
0xf3: {  	(tag) =	ssettag $0x2  }
0xf4: {  	s0 =	rddreg [dreg:$0x0];
	s2 =	stileid.u32  }
0xf5: {  	s1 =	rddreg [dreg:$0x1];
	p0 =	sne.s32 s2, $0x0  }
0xf6: {  	s3 =	rddreg [dreg:$0x2];
	[bflag:$0x3] =	sbarrier.arrive $0xFFFF;
	s2 =	simm.s32 @!p0 $0x1C06  }
0xf7: {  	[timem:s3], [sflag:s2] =	dma.local @!p0 [hbm:s0], s1  }
0xf8: {  	s0 =	simm.s32 @!p0 $0x6  }
0xf9: {  	_ =	swait.ge @!p0 [sflag:s0], s1  }
0xfa: {  	s1 =	ssub.s32 @!p0 $0x0, s1;
	[sflag:s0] =	ssyncset.done @!p0 $0x0  }
0xfb: {  	[sflag:s0] =	ssyncadd.s32 @!p0 s1  }
0xfc: {  	[bflag:$0x3] =	sbarrier.arrive $0xFFFF  }
0xfd: {  	_ =	shalt  }

// kernel: kernel.16.cloned.1.call-start
scs
__scs_entry_jumppad:
0x0: {  	(pc) =	sbr.rel $0x88, $3  }
0x1: {  	(tag) =	ssettag $0x0;
	lr =	simm.s32 $0x1  }
0x2: {  	[smem:$0x3F73] =	sst lr;
	_ =	strace $0xD0000000  }
0x3: {  	_ = 	snop  }
0x4: {  	_ = 	snop  }
0x5: {  	_ = 	snop  }
0x6: {  	_ = 	snop  }
0x7: {  	_ = 	snop  }
__scs_overlays_trampoline_lowered:
0x8: {  	[smem:$0x3F82] =	sst s0  }
0x9: {  	[smem:$0x3F83] =	sst s1  }
0xa: {  	[smem:$0x3F84] =	sst s2  }
0xb: {  	[smem:$0x3F85] =	sst s3  }
0xc: {  	[smem:$0x3F86] =	sst s4  }
0xd: {  	[smem:$0x3F87] =	sst s5  }
0xe: {  	[smem:$0x3F88] =	sst s6  }
0xf: {  	[smem:$0x3F89] =	sst s7  }
0x10: {  	[smem:$0x3F8A] =	sst s8  }
0x11: {  	[smem:$0x3F8B] =	sst s9;
	s0 =	simm.s32 @!p0 $0x0  }
0x12: {  	s1 =	sld [smem:$0x3F71];
	s0 =	simm.s32 @p0 $0x1  }
0x13: {  	[smem:$0x3F8C] =	sst s0;
	s0 =	simm.s32 @!p1 $0x0  }
0x14: {  	s2 =	sld [smem:$0x3F70];
	s0 =	simm.s32 @p1 $0x1  }
0x15: {  	[smem:$0x3F8D] =	sst s0;
	s0 =	simm.s32 @!p2 $0x0  }
0x16: {  	s3 =	sld [smem:$0x3FDB];
	s0 =	simm.s32 @p2 $0x1  }
0x17: {  	s4 =	simm.s32 $0x1BF5;
	[smem:$0x3F8F] =	sst s0  }
0x18: {  	s0 =	sld [smem:$0x3F72];
	_ =	swait.ge [sflag:s4], $0x0  }
0x19: {  	s7 =	sld [smem:$0x3F73]  }
0x1a: {  	s8 =	sadd.s32 $0xFFFFE003, lr  }
0x1b: {  	s9 =	sadd.s32 $0xFFFFFEF7, lr;
	s5 =	simm.s32 $0xFFFFFFFF;
	p2 =	slt.u32 s8, $0xFFFFF086  }
0x1c: {  	p1 =	slt.u32 s9, $0xF7A;
	s5 =	simm.s32 @!p2 $0x0  }
0x1d: {  	s5 =	simm.s32 @p1 $0x1;
	p0 =	seq.s32 s7, s2  }
0x1e: {  	s7 =	smul.u32 @!p0 $0xF7A, s2;
	p2 =	seq.s32 @!p0 s5, $0x0  }
0x1f: {  	s9 =	smul.u32 $0xF7A, s1;
	s8 =	simm.s32 @!p0 $0x1BF5;
	p2 =	por !p2, p0  }
0x20: {  	[sflag:s8] =	ssyncset.s32 @!p0 $0xFFFFF086;
	s6 =	sadd.s32 @!p0 s3, s7;
	s7 =	simm.s32 @!p0 $0x108  }
0x21: {  	s3 =	sadd.s32 s3, s9;
	s6 =	sadd.s32 @!p0 $0x88, s6;
	s7 =	simm.s32 @p2 $0x1082  }
0x22: {  	[simem:s7], [sflag:s8] =	dma.local @!p0 [hbm:s6], $0xF7A  }
0x23: {  	s9 =	sor.u32 $0xD0000000, s2;
	s6 =	simm.s32 $0x108;
	_ =	swait.ge @!p0 [sflag:s8], $0x0  }
0x24: {  	s3 =	sadd.s32 $0x88, s3;
	s6 =	simm.s32 @!p1 $0x1082;
	[sflag:s4] =	ssyncset.s32 $0xFFFFF086  }
0x25: {  	[simem:s6], [sflag:s4] =	dma.local [hbm:s3], $0xF7A  }
0x26: {  	[smem:$0x3F73] =	sst s1;
	(tag) =	ssettag s2;
	_ =	strace s9  }
0x27: {  	s1 =	sld [smem:$0x3F83]  }
0x28: {  	s2 =	sld [smem:$0x3F84]  }
0x29: {  	s4 =	sld [smem:$0x3F86]  }
0x2a: {  	p0 =	seq.s32 s5, $0x0;
	s5 =	sld [smem:$0x3F87]  }
0x2b: {  	s6 =	sld [smem:$0x3F88]  }
0x2c: {  	s7 =	sld [smem:$0x3F89]  }
0x2d: {  	s3 =	simm.s32 $0x108;
	s8 =	sld [smem:$0x3F8A]  }
0x2e: {  	s3 =	simm.s32 @!p0 $0x1082;
	s9 =	sld [smem:$0x3F8B]  }
0x2f: {  	lr =	sadd.s32 s0, s3;
	s0 =	sld [smem:$0x3F82]  }
0x30: {  	s3 =	sld [smem:$0x3F85]  }
0x31: {  	[smem:$0x3F8E] =	sst s10  }
0x32: {  	s10 =	sld [smem:$0x3F8C];
	_ =	sdelay $0x3  }
0x33: {  	p0 =	seq.s32 s10, $0x1;
	s10 =	sld [smem:$0x3F8E];
	_ =	sdelay $0x3  }
0x34: {  	[smem:$0x3F8E] =	sst s10  }
0x35: {  	s10 =	sld [smem:$0x3F8D];
	_ =	sdelay $0x3  }
0x36: {  	p1 =	seq.s32 s10, $0x1;
	s10 =	sld [smem:$0x3F8E];
	_ =	sdelay $0x3  }
0x37: {  	[smem:$0x3F8E] =	sst s10  }
0x38: {  	s10 =	sld [smem:$0x3F8F]  }
0x39: {  	_ = 	snop;
	(pc) =	sbr.ind lr, $3  }
0x3a: {  	_ = 	snop  }
0x3b: {  	_ = 	snop  }
0x3c: {  	p2 =	seq.s32 s10, $0x1;
	s10 =	sld [smem:$0x3F8E]  }
0x3d: {  	_ =	shalt  }
0x3e: {  	_ =	shalt  }
0x3f: {  	_ =	shalt  }
0x40: {  	_ =	shalt  }
0x41: {  	_ =	shalt  }
0x42: {  	_ =	shalt  }
0x43: {  	_ =	shalt  }
0x44: {  	_ =	shalt  }
0x45: {  	_ =	shalt  }
0x46: {  	_ =	shalt  }
0x47: {  	_ =	shalt  }
0x48: {  	_ =	shalt  }
0x49: {  	_ =	shalt  }
0x4a: {  	_ =	shalt  }
0x4b: {  	_ =	shalt  }
0x4c: {  	_ =	shalt  }
0x4d: {  	_ =	shalt  }
0x4e: {  	_ =	shalt  }
0x4f: {  	_ =	shalt  }
0x50: {  	_ =	shalt  }
0x51: {  	_ =	shalt  }
0x52: {  	_ =	shalt  }
0x53: {  	_ =	shalt  }
0x54: {  	_ =	shalt  }
0x55: {  	_ =	shalt  }
0x56: {  	_ =	shalt  }
0x57: {  	_ =	shalt  }
0x58: {  	_ =	shalt  }
0x59: {  	_ =	shalt  }
0x5a: {  	_ =	shalt  }
0x5b: {  	_ =	shalt  }
0x5c: {  	_ =	shalt  }
0x5d: {  	_ =	shalt  }
0x5e: {  	_ =	shalt  }
0x5f: {  	_ =	shalt  }
0x60: {  	_ =	shalt  }
0x61: {  	_ =	shalt  }
0x62: {  	_ =	shalt  }
0x63: {  	_ =	shalt  }
0x64: {  	_ =	shalt  }
0x65: {  	_ =	shalt  }
0x66: {  	_ =	shalt  }
0x67: {  	_ =	shalt  }
0x68: {  	_ =	shalt  }
0x69: {  	_ =	shalt  }
0x6a: {  	_ =	shalt  }
0x6b: {  	_ =	shalt  }
0x6c: {  	_ =	shalt  }
0x6d: {  	_ =	shalt  }
0x6e: {  	_ =	shalt  }
0x6f: {  	_ =	shalt  }
0x70: {  	_ =	shalt  }
0x71: {  	_ =	shalt  }
0x72: {  	_ =	shalt  }
0x73: {  	_ =	shalt  }
0x74: {  	_ =	shalt  }
0x75: {  	_ =	shalt  }
0x76: {  	_ =	shalt  }
0x77: {  	_ =	shalt  }
0x78: {  	_ =	shalt  }
0x79: {  	_ =	shalt  }
0x7a: {  	_ =	shalt  }
0x7b: {  	_ =	shalt  }
0x7c: {  	_ =	shalt  }
0x7d: {  	_ =	shalt  }
0x7e: {  	_ =	shalt  }
0x7f: {  	_ =	shalt  }
0x80: {  	_ =	shalt  }
0x81: {  	_ =	shalt  }
0x82: {  	_ =	shalt  }
0x83: {  	_ =	shalt  }
0x84: {  	_ =	shalt  }
0x85: {  	_ =	shalt  }
0x86: {  	_ =	shalt  }
0x87: {  	_ =	shalt  }
.Lfunc_end0:
.L_simem_size_0:
called_computation.2_lowered:
.L_overlay_start_0:
0x88: {  	s2 =	sld [smem:$0x3FD9]  }
0x89: {  	s3 =	sld [smem:$0x3FFE];
	_ =	sdelay $0x1  }
0x8a: {  	s1 =	srdreg.scid  }
0x8b: {  	s0 =	sand.u32 $0x1, s1  }
0x8c: {  	s16 =	sshll.u32 s0, $0xA;
	s2 =	sadd.s32 s3, s2  }
0x8d: {  	s2 =	sadd.s32 s2, s16  }
0x8e: {  	[smem:$0x3F9A] =	sst s2  }
0x8f: {  	_ = 	snop  }
0x90: {  	(tm) =	ssettm $0x1  }
0x91: {  	s17 =	sld [smem:$0x3FFB];
	_ =	sdelay $0x3  }
0x92: {  	_ =	strace s17  }
0x93: {  	s2 =	sld [smem:$0x3FFC];
	_ =	sdelay $0x3  }
0x94: {  	_ =	strace s2  }
0x95: {  	s2 =	sld [smem:$0x3FFD];
	_ =	sdelay $0x3  }
0x96: {  	_ =	strace s2  }
0x97: {  	_ =	strace $0x8FFFFFFF  }
0x98: {  	s18 =	sld [smem:$0x3FDB];
	_ =	sdelay $0x1  }
0x99: {  	s19 =	simm.s32 $_scs_section_size  }
0x9a: {  	s4 =	simm.s32 $_size__tile_overlayer_lowered;
	s5 =	simm.s32 $_tile_overlayer_lowered  }
0x9b: {  	s22 =	simm.s32 $0x1BFF;
	s21 =	sshll.u32 s5, $0x1;
	s2 =	sadd.s32 s19, s18  }
0x9c: {  	s6 =	simm.s32 $0x0;
	s20 =	sshll.u32 s4, $0x1;
	s4 =	sadd.s32 s21, s2  }
0x9d: {  	[timem:s6], [sflag:s22] =	dma.local [hbm:s4], s20  }
0x9e: {  	_ =	swait.ge [sflag:s22], s20  }
0x9f: {  	s3 =	ssub.s32 $0x0, s20;
	[sflag:s22] =	ssyncset.done $0x0  }
0xa0: {  	[sflag:s22] =	ssyncadd.s32 s3;
	_ =	sdelay $0x1  }
0xa1: {  	s23 =	simm.s32 $0x1B8B  }
0xa2: {  	_ =	swait.ge [sflag:s23], $0x1  }
0xa3: {  	[sflag:s23] =	ssyncset.done $0x0  }
0xa4: {  	s25 =	simm.s32 $0x1B8E;
	s24 =	sld [smem:$0x3FFE];
	[sflag:s23] =	ssyncadd.s32 $0xFFFFFFFF  }
0xa5: {  	s26 =	simm.s32 $execute0_lowered;
	[smem:$0x3FD2] =	sst s25  }
0xa6: {  	s4 =	sshll.u32 s26, $0x1;
	_ =	strace $0x8000004C;
	[dreg:$0x1] =	wrdreg $0xFFFFFFFF  }
0xa7: {  	s28 =	simm.s32 $_size_execute0_lowered;
	s2 =	sadd.s32 s2, s4;
	[dreg:$0x0] =	wrdreg $0x0  }
0xa8: {  	s4 =	sshll.u32 s28, $0x1;
	[dreg:$0x2] =	wrdreg s2  }
0xa9: {  	[dreg:$0x3] =	wrdreg s4  }
0xaa: {  	[dreg:$0x4] =	wrdreg $0xC0  }
0xab: {  	_ =	task [dreg:s6], $0x5FFFF  }
0xac: {  	[dreg:$0x1] =	wrdreg $0xFFFFFFFF  }
0xad: {  	[dreg:$0x0] =	wrdreg $0x60  }
0xae: {  	[dreg:$0x2] =	wrdreg s24  }
0xaf: {  	[dreg:$0x3] =	wrdreg $0x161000  }
0xb0: {  	[dreg:$0x4] =	wrdreg $0x9  }
0xb1: {  	_ =	task.clear_ibuf [dreg:s6], $0x5FFFF;
	_ =	strace $0x9000004C  }
0xb2: {  	s29 =	simm.s32 $0x9;
	_ =	strace $0x8000004E  }
0xb3: {  	_ =	swait.ge [sflag:s29], $0x1  }
0xb4: {  	[sflag:s29] =	ssyncadd.s32 $0xFFFFFFFF  }
0xb5: {  	_ =	strace $0x9000004E  }
0xb6: {  	_ =	sfence  }
0xb7: {  	s30 =	sld [smem:$0x0];
	_ =	sdelay $0x2  }
0xb8: {  	s31 =	sshll.u32 s1, $0xD;
	s1 =	sshrl.u32 s1, $0x2  }
0xb9: {  	s3 =	sand.u32 $0x4000, s31;
	s1 =	sadd.s32 s1, s30  }
0xba: {  	s0 =	sor.u32 s3, s0;
	s1 =	sshll.u32 s1, $0x11  }
0xbb: {  	s0 =	sor.u32 s1, s0  }
0xbc: {  	s0 =	sadd.s32 $0x8F2B, s0  }
0xbd: {  	[sflag:s0] =	ssyncadd.remote.s32 $0x1  }
0xbe: {  	_ =	sfence.sel $0xFFFF  }
0xbf: {  	[dreg:$0x0] =	wrdreg $0xFFFFFFFF;
	(pc) =	sbr.abs _section_cstart, $3  }
0xc0: {  	[dreg:$0x1] =	wrdreg $0xFFFFFFFF  }
0xc1: {  	_ =	task.clear_ibuf [dreg:s6], $0x2FFFF;
	_ =	strace $0x9FFFFFFF  }
0xc2: {  	(tm) =	ssettm $0x7FFFFFFF  }
0xc3: {  	_ =	shalt  }
tec
execute0_lowered:
.L_overlay_start_1:
0x0: {  	(tag) =	ssettag $0x1  }
0x1: {  	s0 =	rddreg [dreg:$0x0]  }
0x2: {  	s1 =	rddreg [dreg:$0x1]  }
0x3: {  	s2 =	srdreg.scid;
	s3 =	simm.s32 $0x0;
	s16 =	stileid.u32  }
0x4: {  	s28 =	simm.s32 $0xD100;
	s29 =	simm.s32 $0x9100;
	s30 =	simm.s32 $0x11100  }
0x5: {  	s31 =	simm.s32 $0x3;
	s2 =	sand.u32 $0x1, s2;
	[smem:$0x7FF] =	sst s3  }
0x6: {  	s4 =	sadd.s32 $0x26400, s0;
	s9 =	sshll.u32 s16, $0x4;
	s24 =	smul.u32 $0x1380, s16  }
0x7: {  	s15 =	sadd.s32 $0x88200, s0;
	s25 =	smul.u32 $0x27000, s16;
	s19 =	sadd.s32 $0x9C000, s1  }
0x8: {  	p0 =	sne.s32 s16, $0xF;
	s5 =	sshll.u32 s2, $0x4;
	_ =	strace $0x8000004D  }
0x9: {  	s9 =	sand.u32 $0x70, s9;
	s11 =	ssub.s32 $0x2, s2;
	s14 =	smul.u32 $0x13880, s2  }
0xa: {  	[dreg:$0x9] =	wrdreg s19;
	s2 =	smul.u32 $0x9C400, s2;
	s7 =	sor.u32 s16, s5  }
0xb: {  	s5 =	sadd.s32 $0xECC400, s0;
	s12 =	sadd.s32 s24, s0;
	s13 =	sshrl.u32 s11, $0x1  }
0xc: {  	s16 =	simm.s32 $0x5000;
	s6 =	smul.u32 $0x500, s7;
	s8 =	sshll.u32 s7, $0x4  }
0xd: {  	s11 =	ssub.s32 s11, s13;
	s13 =	sshrl.u32 s25, $0x2;
	s18 =	sadd.s32 $0x74800, s12  }
0xe: {  	s24 =	sadd.s32 s24, s14;
	s2 =	sshrl.u32 s2, $0x3;
	s8 =	sand.u32 $0x180, s8  }
0xf: {  	[dreg:$0x8] =	wrdreg s18;
	s25 =	sadd.s32 s15, s24;
	s24 =	simm.s32 $0x5080  }
0x10: {  	s10 =	sadd.s32 s6, s0;
	s23 =	sor.u32 s9, s8;
	s6 =	smul.u32 $0x2710, s7  }
0x11: {  	[dreg:$0xe] =	wrdreg s25;
	s25 =	simm.s32 $0x2;
	s17 =	sadd.s32 $0x12400, s10  }
0x12: {  	s8 =	simm.s32 $0x5;
	s10 =	sadd.s32 $0x1C400, s10;
	[dreg:$0x3] =	wrdreg s17  }
0x13: {  	s9 =	sadd.s32 s23, s0;
	s0 =	sadd.s32 $0x88000, s0;
	[dreg:$0x4] =	wrdreg s10  }
0x14: {  	s26 =	sadd.s32 $0x12000, s9;
	s17 =	smul.u32 $0x138800, s7;
	[dreg:$0xa] =	wrdreg s0  }
0x15: {  	s9 =	sadd.s32 $0x12200, s9;
	s7 =	smul.u32 $0x27100, s7;
	[dreg:$0x5] =	wrdreg s26  }
0x16: {  	[dreg:$0x6] =	wrdreg s9;
	s9 =	sadd.s32 s13, s1;
	s26 =	sadd.s32 s15, s2  }
0x17: {  	s2 =	simm.s32 $0x10;
	[dreg:$0x7] =	wrdreg s9;
	s20 =	sshrl.u32 s17, $0x3  }
0x18: {  	s21 =	sadd.s32 s5, s7;
	s19 =	sadd.s32 $0x13800, s26;
	s26 =	simm.s32 $0x80  }
0x19: {  	s7 =	simm.s32 $0x15900;
	s9 =	simm.s32 $0x0;
	s22 =	sadd.s32 s5, s20  }
0x1a: {  	[dreg:$0xb] =	wrdreg s21;
	s20 =	smax.u32 s11, $0x1;
	s23 =	sadd.s32 $0x800, s22  }
0x1b: {  	s21 =	simm.s32 $0x6;
	s0 =	sadd.s32 $0x27000, s22;
	[dreg:$0xc] =	wrdreg s23  }
0x1c: {  	s22 =	simm.s32 $0x4;
	[dreg:$0xd] =	wrdreg s0;
	s0 =	simm.s32 $0x1  }
.LBB2_1:
0x1d: {  	s10 =	rddreg [dreg:$0x3]  }
0x1e: {  	[tilespmem:s3], [sflag:$0x6] =	stream.linear.gather [hbm4b:s10+s3], $0x2700, $0x38;
	[tilespmem:$0x1FD40] =	vst v63  }
0x1f: {  	_ =	swait.ge [sflag:s21], $0x2700  }
0x20: {  	[sflag:s21] =	ssyncset.done $0x0  }
0x21: {  	s11 =	simm.s32 $0x2800;
	s13 =	rddreg [dreg:$0x4];
	[sflag:s21] =	ssyncadd.s32 $0xFFFFD900  }
0x22: {  	[tilespmem:s11], [sflag:$0x6] =	stream.linear.gather [hbm4b:s13+s3], $0x2700, $0x38;
	[tilespmem:$0x1FD40] =	vst v63  }
0x23: {  	_ =	swait.ge [sflag:s21], $0x2700  }
0x24: {  	[sflag:s21] =	ssyncset.done $0x0  }
0x25: {  	s14 =	rddreg [dreg:$0x5];
	[sflag:s21] =	ssyncadd.s32 $0xFFFFD900  }
0x26: {  	[tilespmem:s16], [sflag:$0x6] =	stream.linear.gather [hbm4b:s14+s3], $0x80, $0x38;
	[tilespmem:$0x1FD40] =	vst v63  }
0x27: {  	_ =	swait.ge [sflag:s21], $0x80  }
0x28: {  	[sflag:s21] =	ssyncset.done $0x0  }
0x29: {  	s16 =	stileid.u32;
	s15 =	rddreg [dreg:$0x6];
	[sflag:s21] =	ssyncadd.s32 $0xFFFFFF80  }
0x2a: {  	[tilespmem:s24], [sflag:$0x6] =	stream.linear.gather [hbm4b:s15+s3], $0x80, $0x38;
	[tilespmem:$0x1FD40] =	vst v63  }
0x2b: {  	s10 =	sshll.u32 s16, $0x6;
	_ =	swait.ge [sflag:s21], $0x80  }
0x2c: {  	s10 =	sor.u32 $0x1C06, s10;
	[sflag:s21] =	ssyncset.done $0x0;
	s17 =	rddreg [dreg:$0x7]  }
0x2d: {  	s12 =	rddreg [dreg:$0x8];
	[sflag:s21] =	ssyncadd.s32 $0xFFFFFF80;
	s11 =	sshrl.u32 s17, $0x3  }
0x2e: {  	[spmem:s11], [sflag:s10] =	dma.local [hbm:s12], $0x1380  }
0x2f: {  	_ =	swait.ge [sflag:s21], $0x1380  }
0x30: {  	[sflag:s21] =	ssyncset.done $0x0;
	s12 =	rddreg [dreg:$0x9]  }
0x31: {  	s13 =	rddreg [dreg:$0xa];
	[sflag:s21] =	ssyncadd.s32 $0xFFFFEC80;
	s12 =	sshrl.u32 @!p0 s12, $0x3  }
0x32: {  	[spmem:s12], [sflag:s10] =	dma.local @!p0 [hbm:s13], $0x80  }
0x33: {  	s13 =	simm.s32 @!p0 $0x6  }
0x34: {  	_ =	swait.ge @!p0 [sflag:s13], $0x80  }
0x35: {  	[sflag:s13] =	ssyncset.done @!p0 $0x0  }
0x36: {  	[sflag:s13] =	ssyncadd.s32 @!p0 $0xFFFFFF80  }
0x37: {  	[bflag:$0x0] =	sbarrier.arrive $0xFFFF  }
0x38: {  	s14 =	simm.s32 $0x5100;
	s18 =	rddreg [dreg:$0xb]  }
0x39: {  	[tilespmem:s14], [sflag:$0x3] =	stream.linear.gather [hbm4b:s18+s3], $0x4000, $0x38;
	[tilespmem:$0x1FD40] =	vst v63  }
0x3a: {  	_ = 	snop  }
0x3b: {  	[tilespmem:s28], [sflag:$0x1] =	stream.indirect.gather [hbm4b:s4+s26], $0x80, s3, s26, $0xb8;
	[tilespmem:$0x1FD40] =	vst v63  }
0x3c: {  	s23 =	rddreg [dreg:$0xc]  }
0x3d: {  	[tilespmem:s29], [sflag:$0x4] =	stream.linear.gather [hbm4b:s23+s3], $0x4000, $0x38;
	[tilespmem:$0x1FD40] =	vst v63  }
0x3e: {  	s13 =	simm.s32 $0x0  }
0x3f: {  	[tilespmem:s30], [sflag:$0x2] =	stream.indirect.gather [hbm4b:s4+s26], $0x80, s26, s26, $0xb8;
	[tilespmem:$0x1FD40] =	vst v63  }
.LBB2_2:
0x40: {  	_ =	swait.ge [sflag:s31], $0x4000  }
0x41: {  	[sflag:s31] =	ssyncset.done $0x0  }
0x42: {  	[sflag:s31] =	ssyncadd.s32 $0xFFFFC000  }
0x43: {  	_ =	swait.ge [sflag:s0], $0x4000  }
0x44: {  	[sflag:s0] =	ssyncset.done $0x0  }
0x45: {  	s16 =	simm.s32 $0x0;
	[sflag:s0] =	ssyncadd.s32 $0xFFFFC000  }
0x46: {  	v7 =	vld [tilespmem:s16+$0x5100]  }
0x47: {  	v11 =	vld [tilespmem:s16+$0x5110]  }
0x48: {  	v5 =	vld [tilespmem:s16+$0x5120]  }
0x49: {  	v4 =	vld [tilespmem:s16+$0x5130]  }
0x4a: {  	v3 =	vld [tilespmem:s16+$0x5140]  }
0x4b: {  	v2 =	vld [tilespmem:s16+$0x5150]  }
0x4c: {  	v1 =	vld [tilespmem:s16+$0x5160]  }
0x4d: {  	v0 =	vld [tilespmem:s16+$0x5170]  }
0x4e: {  	v12 =	vld [tilespmem:s16+$0xD100]  }
0x4f: {  	v13 =	vld [tilespmem:s16+$0xD110]  }
0x50: {  	v10 =	vld [tilespmem:s16+$0xD120]  }
0x51: {  	v9 =	vld [tilespmem:s16+$0xD130]  }
0x52: {  	v8 =	vld [tilespmem:s16+$0xD140]  }
0x53: {  	v6 =	vld [tilespmem:s16+$0xD150];
	v12 =	vmul.f32 v7, v12  }
0x54: {  	s14 =	simm.s32 $0x200;
	v11 =	vmul.f32 v11, v13;
	v7 =	vld [tilespmem:s16+$0xD160]  }
.LBB2_3:
0x55: {  	s15 =	sshra.s32 s14, $0x2;
	p1 =	sne.s32 s14, $0xFE00;
	[tilespmem:s16+$0xD100] =	vst v12;
	v5 =	vmul.f32 v5, v10;
	v10 =	vld [tilespmem:s16+$0xD170]  }
0x56: {  	v12 =	vld [tilespmem:s15+$0x5100];
	[tilespmem:s16+$0xD110] =	vst v11;
	v4 =	vmul.f32 v4, v9  }
0x57: {  	v11 =	vld [tilespmem:s15+$0x5110];
	[tilespmem:s16+$0xD120] =	vst v5;
	v3 =	vmul.f32 v3, v8  }
0x58: {  	v5 =	vld [tilespmem:s15+$0x5120];
	[tilespmem:s16+$0xD130] =	vst v4;
	v2 =	vmul.f32 v2, v6  }
0x59: {  	v4 =	vld [tilespmem:s15+$0x5130];
	[tilespmem:s16+$0xD140] =	vst v3;
	v1 =	vmul.f32 v1, v7  }
0x5a: {  	v3 =	vld [tilespmem:s15+$0x5140];
	[tilespmem:s16+$0xD150] =	vst v2;
	v0 =	vmul.f32 v0, v10  }
0x5b: {  	v2 =	vld [tilespmem:s15+$0x5150];
	[tilespmem:s16+$0xD160] =	vst v1  }
0x5c: {  	v1 =	vld [tilespmem:s15+$0x5160];
	[tilespmem:s16+$0xD170] =	vst v0;
	s16 =	smov.u32 s15  }
0x5d: {  	v0 =	vld [tilespmem:s16+$0x5170]  }
0x5e: {  	v6 =	vld [tilespmem:s16+$0xD100]  }
0x5f: {  	v7 =	vld [tilespmem:s16+$0xD110]  }
.Ltmp0:
0x60: {  	v10 =	vld [tilespmem:s16+$0xD120];
	(pc) =	sbr.rel @p1 .LBB2_3-.Ltmp0, $4  }
0x61: {  	v9 =	vld [tilespmem:s16+$0xD130]  }
0x62: {  	v8 =	vld [tilespmem:s16+$0xD140]  }
0x63: {  	v12 =	vmul.f32 v12, v6;
	v6 =	vld [tilespmem:s16+$0xD150]  }
0x64: {  	s14 =	sadd.s32 $0x200, s14;
	v11 =	vmul.f32 v11, v7;
	v7 =	vld [tilespmem:s16+$0xD160]  }
0x65: {  	[tilespmem:s16+$0xD100] =	vst v12;
	v5 =	vmul.f32 v5, v10;
	v10 =	vld [tilespmem:s16+$0xD170]  }
0x66: {  	[tilespmem:s16+$0xD110] =	vst v11;
	v4 =	vmul.f32 v4, v9  }
0x67: {  	[tilespmem:s16+$0xD120] =	vst v5;
	v3 =	vmul.f32 v3, v8  }
0x68: {  	[tilespmem:s16+$0xD130] =	vst v4;
	v2 =	vmul.f32 v2, v6  }
0x69: {  	[tilespmem:s16+$0xD140] =	vst v3;
	v1 =	vmul.f32 v1, v7  }
0x6a: {  	s14 =	sshll.u32 s13, $0x8;
	[tilespmem:s16+$0xD150] =	vst v2;
	v0 =	vmul.f32 v0, v10  }
0x6b: {  	p1 =	seq.s32 s13, $0x26;
	s15 =	sand.u32 $0x3FFFFF00, s14;
	[tilespmem:s16+$0xD160] =	vst v1  }
0x6c: {  	s23 =	sadd.s32 $0x2800, s15;
	[tilespmem:s16+$0xD170] =	vst v0;
	s16 =	sadd.s32 @!p1 $0x100, s14  }
0x6d: {  	[spmem:s1] =	stream.indirect.scatter.add.f32 [tilespmem:s28], [sflag:$0x6], $0x80, s23, s26, $0xb8;
	[tilespmem:$0x1FD40] =	vst v63  }
0x6e: {  	s17 =	sadd.s32 @!p1 s6, s16;
	_ =	swait.ge [sflag:s21], $0x4000  }
0x6f: {  	s18 =	simm.s32 @!p1 $0x0;
	s17 =	sshll.u32 @!p1 s17, $0x4;
	[sflag:s21] =	ssyncset.done $0x0  }
0x70: {  	s23 =	simm.s32 @!p1 $0x5100;
	s17 =	sadd.s32 @!p1 s5, s17;
	[sflag:s21] =	ssyncadd.s32 $0xFFFFC000  }
0x71: {  	[tilespmem:s23], [sflag:$0x3] =	stream.linear.gather @!p1 [hbm4b:s17+s18], $0x4000, $0x38;
	[tilespmem:$0x1FD40] =	vst v63  }
0x72: {  	s17 =	simm.s32 @!p1 $0x80;
	s18 =	simm.s32 @!p1 $0xD100  }
0x73: {  	[tilespmem:s18], [sflag:$0x1] =	stream.indirect.gather @!p1 [hbm4b:s4+s17], $0x80, s16, s17, $0xb8;
	[tilespmem:$0x1FD40] =	vst v63  }
0x74: {  	_ =	swait.ge [sflag:s22], $0x4000  }
0x75: {  	[sflag:s22] =	ssyncset.done $0x0  }
0x76: {  	[sflag:s22] =	ssyncadd.s32 $0xFFFFC000  }
0x77: {  	_ =	swait.ge [sflag:s25], $0x4000  }
0x78: {  	[sflag:s25] =	ssyncset.done $0x0  }
0x79: {  	s16 =	simm.s32 $0x0;
	[sflag:s25] =	ssyncadd.s32 $0xFFFFC000  }
0x7a: {  	v7 =	vld [tilespmem:s16+$0x9100]  }
0x7b: {  	v11 =	vld [tilespmem:s16+$0x9110]  }
0x7c: {  	v5 =	vld [tilespmem:s16+$0x9120]  }
0x7d: {  	v4 =	vld [tilespmem:s16+$0x9130]  }
0x7e: {  	v3 =	vld [tilespmem:s16+$0x9140]  }
0x7f: {  	v2 =	vld [tilespmem:s16+$0x9150]  }
0x80: {  	v1 =	vld [tilespmem:s16+$0x9160]  }
0x81: {  	v0 =	vld [tilespmem:s16+$0x9170]  }
0x82: {  	v12 =	vld [tilespmem:s16+$0x11100]  }
0x83: {  	v13 =	vld [tilespmem:s16+$0x11110]  }
0x84: {  	v10 =	vld [tilespmem:s16+$0x11120]  }
0x85: {  	v9 =	vld [tilespmem:s16+$0x11130]  }
0x86: {  	v8 =	vld [tilespmem:s16+$0x11140]  }
0x87: {  	v6 =	vld [tilespmem:s16+$0x11150];
	v12 =	vmul.f32 v7, v12  }
0x88: {  	s17 =	simm.s32 $0x200;
	v11 =	vmul.f32 v11, v13;
	v7 =	vld [tilespmem:s16+$0x11160]  }
.LBB2_5:
0x89: {  	s18 =	sshra.s32 s17, $0x2;
	p2 =	sne.s32 s17, $0xFE00;
	[tilespmem:s16+$0x11100] =	vst v12;
	v5 =	vmul.f32 v5, v10;
	v10 =	vld [tilespmem:s16+$0x11170]  }
0x8a: {  	v12 =	vld [tilespmem:s18+$0x9100];
	[tilespmem:s16+$0x11110] =	vst v11;
	v4 =	vmul.f32 v4, v9  }
0x8b: {  	v11 =	vld [tilespmem:s18+$0x9110];
	[tilespmem:s16+$0x11120] =	vst v5;
	v3 =	vmul.f32 v3, v8  }
0x8c: {  	v5 =	vld [tilespmem:s18+$0x9120];
	[tilespmem:s16+$0x11130] =	vst v4;
	v2 =	vmul.f32 v2, v6  }
0x8d: {  	v4 =	vld [tilespmem:s18+$0x9130];
	[tilespmem:s16+$0x11140] =	vst v3;
	v1 =	vmul.f32 v1, v7  }
0x8e: {  	v3 =	vld [tilespmem:s18+$0x9140];
	[tilespmem:s16+$0x11150] =	vst v2;
	v0 =	vmul.f32 v0, v10  }
0x8f: {  	v2 =	vld [tilespmem:s18+$0x9150];
	[tilespmem:s16+$0x11160] =	vst v1  }
0x90: {  	v1 =	vld [tilespmem:s18+$0x9160];
	[tilespmem:s16+$0x11170] =	vst v0;
	s16 =	smov.u32 s18  }
0x91: {  	v0 =	vld [tilespmem:s16+$0x9170]  }
0x92: {  	v6 =	vld [tilespmem:s16+$0x11100]  }
0x93: {  	v7 =	vld [tilespmem:s16+$0x11110]  }
.Ltmp1:
0x94: {  	v10 =	vld [tilespmem:s16+$0x11120];
	(pc) =	sbr.rel @p2 .LBB2_5-.Ltmp1, $4  }
0x95: {  	v9 =	vld [tilespmem:s16+$0x11130]  }
0x96: {  	v8 =	vld [tilespmem:s16+$0x11140]  }
0x97: {  	v12 =	vmul.f32 v12, v6;
	v6 =	vld [tilespmem:s16+$0x11150]  }
0x98: {  	s17 =	sadd.s32 $0x200, s17;
	v11 =	vmul.f32 v11, v7;
	v7 =	vld [tilespmem:s16+$0x11160]  }
0x99: {  	[tilespmem:s16+$0x11100] =	vst v12;
	v5 =	vmul.f32 v5, v10;
	v63 =	vld [tilespmem:s16+$0x11170]  }
0x9a: {  	[tilespmem:s16+$0x11110] =	vst v11;
	v4 =	vmul.f32 v4, v9  }
0x9b: {  	[tilespmem:s16+$0x11120] =	vst v5;
	v3 =	vmul.f32 v3, v8  }
0x9c: {  	[tilespmem:s16+$0x11130] =	vst v4;
	v2 =	vmul.f32 v2, v6  }
0x9d: {  	[tilespmem:s16+$0x11140] =	vst v3;
	v1 =	vmul.f32 v1, v7  }
0x9e: {  	[tilespmem:s16+$0x11150] =	vst v2;
	v0 =	vmul.f32 v0, v63  }
0x9f: {  	[tilespmem:s16+$0x11160] =	vst v1  }
.Ltmp2:
0xa0: {  	s15 =	sadd.s32 $0x2880, s15;
	[tilespmem:s16+$0x11170] =	vst v0;
	(pc) =	sbr.rel @p1 .LBB2_8-.Ltmp2, $4  }
0xa1: {  	[spmem:s1] =	stream.indirect.scatter.add.f32 [tilespmem:s30], [sflag:$0x6], $0x80, s15, s26, $0xb8;
	[tilespmem:$0x1FD40] =	vst v63  }
0xa2: {  	_ =	swait.ge [sflag:s21], $0x4000  }
0xa3: {  	[sflag:s21] =	ssyncset.done $0x0  }
0xa4: {  	[sflag:s21] =	ssyncadd.s32 $0xFFFFC000  }
0xa5: {  	s14 =	sadd.s32 $0x180, s14  }
0xa6: {  	s15 =	sadd.s32 s6, s14  }
.Ltmp3:
0xa7: {  	s15 =	sshll.u32 s15, $0x4;
	(pc) =	sbr.rel .LBB2_2-.Ltmp3, $4  }
0xa8: {  	s15 =	sadd.s32 s5, s15  }
0xa9: {  	[tilespmem:s29], [sflag:$0x4] =	stream.linear.gather [hbm4b:s15+s3], $0x4000, $0x38;
	[tilespmem:$0x1FD40] =	vst v63  }
0xaa: {  	s13 =	sadd.s32 $0x1, s13  }
0xab: {  	[tilespmem:s30], [sflag:$0x2] =	stream.indirect.gather [hbm4b:s4+s26], $0x80, s14, s26, $0xb8;
	[tilespmem:$0x1FD40] =	vst v63  }
.LBB2_8:
0xac: {  	s13 =	simm.s32 $0x0;
	s14 =	rddreg [dreg:$0xd];
	s15 =	simm.s32 $0x15100  }
0xad: {  	[tilespmem:s15], [sflag:$0x6] =	stream.linear.gather [hbm4b:s14+s13], $0x800, $0x38;
	[tilespmem:$0x1FD40] =	vst v63  }
0xae: {  	_ =	swait.ge [sflag:s21], $0x800  }
0xaf: {  	[sflag:s21] =	ssyncset.done $0x0  }
0xb0: {  	s16 =	simm.s32 $0x5000;
	[sflag:s21] =	ssyncadd.s32 $0xFFFFF800  }
0xb1: {  	[tilespmem:s7], [sflag:$0x5] =	stream.indirect.gather [hbm4b:s4+s2], $0x80, s16, s2, $0xb8;
	[tilespmem:$0x1FD40] =	vst v63  }
0xb2: {  	_ =	swait.ge [sflag:s8], $0x800  }
0xb3: {  	[sflag:s8] =	ssyncset.done $0x0  }
0xb4: {  	s13 =	simm.s32 $0x0;
	[sflag:s8] =	ssyncadd.s32 $0xFFFFF800  }
0xb5: {  	v7 =	vld [tilespmem:s13+$0x15100]  }
0xb6: {  	v11 =	vld [tilespmem:s13+$0x15110]  }
0xb7: {  	v5 =	vld [tilespmem:s13+$0x15120]  }
0xb8: {  	v4 =	vld [tilespmem:s13+$0x15130]  }
0xb9: {  	v3 =	vld [tilespmem:s13+$0x15140]  }
0xba: {  	v2 =	vld [tilespmem:s13+$0x15150]  }
0xbb: {  	v1 =	vld [tilespmem:s13+$0x15160]  }
0xbc: {  	v0 =	vld [tilespmem:s13+$0x15170]  }
0xbd: {  	v12 =	vld [tilespmem:s13+$0x15900]  }
0xbe: {  	v13 =	vld [tilespmem:s13+$0x15910]  }
0xbf: {  	v10 =	vld [tilespmem:s13+$0x15920]  }
0xc0: {  	v9 =	vld [tilespmem:s13+$0x15930]  }
0xc1: {  	v8 =	vld [tilespmem:s13+$0x15940]  }
0xc2: {  	v6 =	vld [tilespmem:s13+$0x15950];
	v12 =	vmul.f32 v7, v12  }
0xc3: {  	s14 =	simm.s32 $0x200;
	v11 =	vmul.f32 v11, v13;
	v7 =	vld [tilespmem:s13+$0x15960]  }
.LBB2_9:
0xc4: {  	s15 =	sshra.s32 s14, $0x2;
	p1 =	sne.s32 s14, $0x1E00;
	[tilespmem:s13+$0x15900] =	vst v12;
	v5 =	vmul.f32 v5, v10;
	v10 =	vld [tilespmem:s13+$0x15970]  }
0xc5: {  	v12 =	vld [tilespmem:s15+$0x15100];
	[tilespmem:s13+$0x15910] =	vst v11;
	v4 =	vmul.f32 v4, v9  }
0xc6: {  	v11 =	vld [tilespmem:s15+$0x15110];
	[tilespmem:s13+$0x15920] =	vst v5;
	v3 =	vmul.f32 v3, v8  }
0xc7: {  	v5 =	vld [tilespmem:s15+$0x15120];
	[tilespmem:s13+$0x15930] =	vst v4;
	v2 =	vmul.f32 v2, v6  }
0xc8: {  	v4 =	vld [tilespmem:s15+$0x15130];
	[tilespmem:s13+$0x15940] =	vst v3;
	v1 =	vmul.f32 v1, v7  }
0xc9: {  	v3 =	vld [tilespmem:s15+$0x15140];
	[tilespmem:s13+$0x15950] =	vst v2;
	v0 =	vmul.f32 v0, v10  }
0xca: {  	v2 =	vld [tilespmem:s15+$0x15150];
	[tilespmem:s13+$0x15960] =	vst v1  }
0xcb: {  	v1 =	vld [tilespmem:s15+$0x15160];
	[tilespmem:s13+$0x15970] =	vst v0;
	s13 =	smov.u32 s15  }
0xcc: {  	v0 =	vld [tilespmem:s13+$0x15170]  }
0xcd: {  	v6 =	vld [tilespmem:s13+$0x15900]  }
0xce: {  	v7 =	vld [tilespmem:s13+$0x15910]  }
.Ltmp4:
0xcf: {  	v10 =	vld [tilespmem:s13+$0x15920];
	(pc) =	sbr.rel @p1 .LBB2_9-.Ltmp4, $4  }
0xd0: {  	v9 =	vld [tilespmem:s13+$0x15930]  }
0xd1: {  	v8 =	vld [tilespmem:s13+$0x15940]  }
0xd2: {  	v12 =	vmul.f32 v12, v6;
	v6 =	vld [tilespmem:s13+$0x15950]  }
0xd3: {  	s14 =	sadd.s32 $0x200, s14;
	v11 =	vmul.f32 v11, v7;
	v7 =	vld [tilespmem:s13+$0x15960]  }
0xd4: {  	[tilespmem:s13+$0x15900] =	vst v12;
	v5 =	vmul.f32 v5, v10;
	v63 =	vld [tilespmem:s13+$0x15970]  }
0xd5: {  	[tilespmem:s13+$0x15910] =	vst v11;
	v4 =	vmul.f32 v4, v9  }
0xd6: {  	[tilespmem:s13+$0x15920] =	vst v5;
	v3 =	vmul.f32 v3, v8  }
0xd7: {  	[tilespmem:s13+$0x15930] =	vst v4;
	v2 =	vmul.f32 v2, v6  }
0xd8: {  	[tilespmem:s13+$0x15940] =	vst v3;
	v1 =	vmul.f32 v1, v7  }
0xd9: {  	[tilespmem:s13+$0x15950] =	vst v2;
	v0 =	vmul.f32 v0, v63  }
0xda: {  	[tilespmem:s13+$0x15960] =	vst v1  }
0xdb: {  	[tilespmem:s13+$0x15970] =	vst v0  }
0xdc: {  	[spmem:s1] =	stream.indirect.scatter.add.f32 [tilespmem:s7], [sflag:$0x6], $0x80, s24, s2, $0xb8;
	[tilespmem:$0x1FD40] =	vst v63  }
0xdd: {  	_ =	swait.ge [sflag:s21], $0x800  }
0xde: {  	[sflag:s21] =	ssyncset.done $0x0  }
0xdf: {  	[sflag:s21] =	ssyncadd.s32 $0xFFFFF800  }
0xe0: {  	[bflag:$0x0] =	sbarrier.arrive $0xFFFF  }
0xe1: {  	s23 =	rddreg [dreg:$0xe]  }
0xe2: {  	[hbm:s23], [sflag:s10] =	dma.local [spmem:s11], $0x1380  }
0xe3: {  	_ =	swait.ge [sflag:s21], $0x1380  }
0xe4: {  	s9 =	sadd.s32 $0x1, s9;
	[sflag:s21] =	ssyncset.done $0x0  }
0xe5: {  	p1 =	sne.s32 s9, s20;
	[sflag:s21] =	ssyncadd.s32 $0xFFFFEC80  }
0xe6: {  	[hbm:s19], [sflag:s10] =	dma.local @!p0 [spmem:s12], $0x80  }
.Ltmp5:
0xe7: {  	_ = 	snop;
	(pc) =	sbr.rel @p1 .LBB2_1-.Ltmp5, $4  }
0xe8: {  	s10 =	simm.s32 @!p0 $0x6  }
0xe9: {  	_ =	swait.ge @!p0 [sflag:s10], $0x80  }
0xea: {  	[sflag:s10] =	ssyncset.done @!p0 $0x0  }
0xeb: {  	[sflag:s10] =	ssyncadd.s32 @!p0 $0xFFFFFF80  }
0xec: {  	_ =	sfence.sel $0x180000  }
0xed: {  	[bflag:$0x0] =	sbarrier.arrive $0xFFFF  }
0xee: {  	_ =	strace $0x9000004D  }
0xef: {  	s0 =	stileid.u32;
	[bflag:$0x2] =	sbarrier.arrive $0xFFFF  }
0xf0: {  	p0 =	sne.s32 s0, $0x0;
	s0 =	rddreg [dreg:$0x2]  }
0xf1: {  	s0 =	sadd.s32 @!p0 $0x100000, s0  }
0xf2: {  	[sflag:s0] =	ssyncadd.tile.s32 @!p0 $0x1;
	_ =	shalt  }
.Lfunc_end2:
_tile_overlayer_lowered:
.L_overlay_start_2:
0xf3: {  	(tag) =	ssettag $0x2  }
0xf4: {  	s0 =	rddreg [dreg:$0x0];
	s2 =	stileid.u32  }
0xf5: {  	s1 =	rddreg [dreg:$0x1];
	p0 =	sne.s32 s2, $0x0  }
0xf6: {  	s3 =	rddreg [dreg:$0x2];
	[bflag:$0x3] =	sbarrier.arrive $0xFFFF;
	s2 =	simm.s32 @!p0 $0x1C06  }
0xf7: {  	[timem:s3], [sflag:s2] =	dma.local @!p0 [hbm:s0], s1  }
0xf8: {  	s0 =	simm.s32 @!p0 $0x6  }
0xf9: {  	_ =	swait.ge @!p0 [sflag:s0], s1  }
0xfa: {  	s1 =	ssub.s32 @!p0 $0x0, s1;
	[sflag:s0] =	ssyncset.done @!p0 $0x0  }
0xfb: {  	[sflag:s0] =	ssyncadd.s32 @!p0 s1  }
0xfc: {  	[bflag:$0x3] =	sbarrier.arrive $0xFFFF  }
0xfd: {  	_ =	shalt  }

</sc_bundles>
